<compile_context>
chip_gen: v7x
topology: tpu7x:2x2x1
jax: 0.10.2.dev20260603
libtpu: 0.0.44.dev20260713+nightly
codegen_flags: <defaults>
</compile_context>

<pallas_src>
import functools

import jax
import jax.numpy as jnp
from jax import lax
from jax.experimental import pallas as pl
from jax.experimental.pallas import tpu as pltpu
from jax.experimental.pallas import tpu_sc as plsc

F32 = jnp.float32



def _make_seg_sum(N, E, D_HALF, with_deg, K=128, NS=16, GRP=8):
    NCH = E // K
    assert NCH * K == E
    NCH_PAD = ((NCH + 7) // 8) * 8
    NK_HI, NK_LO = 80, 72
    N_HI = 12
    TAIL = NCH - N_HI * NK_HI - (NS - N_HI) * NK_LO
    assert 0 <= TAIL <= 2 and NK_HI % GRP == 0 and NK_LO % GRP == 0
    TAIL_BASE = NCH - TAIL
    assert TAIL_BASE % 8 == 0

    ROWS_PT = ((N // NS) // 8 + 1) * 8
    ROWS_LAST = N - ROWS_PT * (NS - 1)
    assert ROWS_LAST > 0 and ROWS_LAST % 8 == 0
    NZ_FULL, ZR_REM = divmod(ROWS_PT, K)
    NZ_LAST, ZR_REM_L = divmod(ROWS_LAST, K)
    assert ZR_REM % 8 == 0 and ZR_REM_L % 8 == 0

    mesh = plsc.VectorSubcoreMesh(core_axis_name="c", subcore_axis_name="s")

    out_type = [jax.ShapeDtypeStruct((2 * N, D_HALF), F32)]
    if with_deg:
        out_type.append(jax.ShapeDtypeStruct((N,), F32))

    @functools.partial(
        pl.kernel,
        out_type=out_type,
        mesh=mesh,
        scratch_types=[
            pltpu.VMEM_SHARED((N, D_HALF), F32),
            pltpu.VMEM_SHARED((N,), F32),
            pltpu.VMEM((2, GRP, K), jnp.int32),
            pltpu.VMEM((2, GRP, K), jnp.int32),
            pltpu.VMEM((2, K), jnp.int32),
            pltpu.VMEM((2, K), jnp.int32),
            pltpu.VMEM((2, K, D_HALF), F32),
            pltpu.VMEM((K,), F32),
            pltpu.VMEM((640,), F32),
            pltpu.SemaphoreType.DMA,
            pltpu.SemaphoreType.DMA,
            pltpu.SemaphoreType.DMA,
        ],
    )
    def seg_sum(zt, srct, dst2d, *refs):
        if with_deg:
            (outc, deg_out, acc_sh, deg_sh, sidx_v, didx_v, tsidx_v,
             tdidx_v, rows_v, ones_v, zflat_v, gsem0, gsem1, dsem) = refs
        else:
            (outc, acc_sh, deg_sh, sidx_v, didx_v, tsidx_v,
             tdidx_v, rows_v, ones_v, zflat_v, gsem0, gsem1, dsem) = refs
        gsems = (gsem0, gsem1)
        cid = lax.axis_index("c")
        sid = lax.axis_index("s")
        sbase = cid * NCH_PAD

        zeros16 = jnp.zeros((16,), F32)
        ones16 = jnp.ones((16,), F32)
        lanes = D_HALF // 16

        def _zrows(i, carry):
            rows_v[0, i // lanes, pl.ds((i % lanes) * 16, 16)] = zeros16
            return carry
        lax.fori_loop(0, K * lanes, _zrows, 0)

        if with_deg:
            def _zflat(i, carry):
                zflat_v[pl.ds(i * 16, 16)] = zeros16
                return carry
            lax.fori_loop(0, 640 // 16, _zflat, 0)

            def _ones(i, carry):
                ones_v[pl.ds(i * 16, 16)] = ones16
                return carry
            lax.fori_loop(0, K // 16, _ones, 0)

        nk = jnp.where(sid < N_HI, NK_HI, NK_LO)
        cbase = jnp.where(sid < N_HI, sid * NK_HI,
                          N_HI * NK_HI + (sid - N_HI) * NK_LO)

        @pl.when(sid < TAIL)
        def _():
            pltpu.sync_copy(srct.at[pl.ds(sbase + TAIL_BASE, TAIL)], tsidx_v)
            pltpu.sync_copy(dst2d.at[pl.ds(TAIL_BASE, TAIL)], tdidx_v)

        rbase = sid * ROWS_PT

        def _zacc(j, carry):
            pltpu.sync_copy(rows_v.at[0], acc_sh.at[pl.ds(rbase + j * K, K)])
            return carry

        @pl.when(sid < NS - 1)
        def _():
            lax.fori_loop(0, NZ_FULL, _zacc, 0)
            pltpu.sync_copy(rows_v.at[0].at[pl.ds(0, ZR_REM)],
                            acc_sh.at[pl.ds(rbase + NZ_FULL * K, ZR_REM)])

        @pl.when(sid == NS - 1)
        def _():
            lax.fori_loop(0, NZ_LAST, _zacc, 0)
            pltpu.sync_copy(rows_v.at[0].at[pl.ds(0, ZR_REM_L)],
                            acc_sh.at[pl.ds(rbase + NZ_LAST * K, ZR_REM_L)])

        if with_deg:
            @pl.when(cid == 0)
            def _():
                @pl.when(sid < NS - 1)
                def _():
                    pltpu.sync_copy(zflat_v.at[pl.ds(0, ROWS_PT)],
                                    deg_sh.at[pl.ds(rbase, ROWS_PT)])

                @pl.when(sid == NS - 1)
                def _():
                    pltpu.sync_copy(zflat_v.at[pl.ds(0, ROWS_LAST)],
                                    deg_sh.at[pl.ds(rbase, ROWS_LAST)])

        plsc.subcore_barrier()

        def _refill(g):
            p = lax.rem(g, 2)
            row0 = cbase + g * GRP
            pltpu.sync_copy(srct.at[pl.ds(sbase + row0, GRP)], sidx_v.at[p])
            pltpu.sync_copy(dst2d.at[pl.ds(row0, GRP)], didx_v.at[p])

        def _src_row(g, j):
            return sidx_v.at[lax.rem(g, 2), j]

        def _dst_row(g, j):
            return didx_v.at[lax.rem(g, 2), j]

        ng = nk // GRP
        _refill(jnp.int32(0))

        def _group(g, carry):
            gds = [None] * GRP
            dds = [None] * GRP
            gds[0] = pltpu.async_copy(zt.at[_src_row(g, 0)], rows_v.at[0],
                                      gsems[0])
            @pl.when(g + 1 < ng)
            def _():
                _refill(g + 1)
            for j in range(GRP):
                if j < GRP - 1:
                    gds[j + 1] = pltpu.async_copy(
                        zt.at[_src_row(g, j + 1)], rows_v.at[(j + 1) % 2],
                        gsems[(j + 1) % 2])
                gds[j].wait()
                pltpu.sync_copy(rows_v.at[j % 2],
                                acc_sh.at[_dst_row(g, j)], add=True)
                if with_deg:
                    dref = deg_sh.at[_dst_row(g, j)]
                    box = {}

                    @pl.when(cid == 0)
                    def _(j=j, dref=dref, box=box):
                        if j > 0:
                            dds[j - 1]["d"].wait()
                        box["d"] = pltpu.async_copy(ones_v, dref, dsem,
                                                    add=True)
                    dds[j] = box
            if with_deg:
                @pl.when(cid == 0)
                def _():
                    dds[GRP - 1]["d"].wait()
            return carry
        lax.fori_loop(0, ng, _group, 0, unroll=False)

        @pl.when(sid < TAIL)
        def _():
            pltpu.async_copy(zt.at[tsidx_v.at[sid]], rows_v.at[0],
                             gsems[0]).wait()
            pltpu.sync_copy(rows_v.at[0], acc_sh.at[tdidx_v.at[sid]],
                            add=True)
            if with_deg:
                @pl.when(cid == 0)
                def _():
                    pltpu.sync_copy(ones_v, deg_sh.at[tdidx_v.at[sid]],
                                    add=True)

        plsc.subcore_barrier()

        obase = cid * N + rbase

        @pl.when(sid < NS - 1)
        def _():
            pltpu.sync_copy(acc_sh.at[pl.ds(rbase, ROWS_PT)],
                            outc.at[pl.ds(obase, ROWS_PT)])

        @pl.when(sid == NS - 1)
        def _():
            pltpu.sync_copy(acc_sh.at[pl.ds(rbase, ROWS_LAST)],
                            outc.at[pl.ds(obase, ROWS_LAST)])

        if with_deg:
            @pl.when((cid == 0) & (sid < NS - 1))
            def _():
                pltpu.sync_copy(deg_sh.at[pl.ds(rbase, ROWS_PT)],
                                zflat_v.at[pl.ds(0, ROWS_PT)])
                pltpu.sync_copy(zflat_v.at[pl.ds(0, ROWS_PT)],
                                deg_out.at[pl.ds(rbase, ROWS_PT)])

            @pl.when((cid == 0) & (sid == NS - 1))
            def _():
                pltpu.sync_copy(deg_sh.at[pl.ds(rbase, ROWS_LAST)],
                                zflat_v.at[pl.ds(0, ROWS_LAST)])
                pltpu.sync_copy(zflat_v.at[pl.ds(0, ROWS_LAST)],
                                deg_out.at[pl.ds(rbase, ROWS_LAST)])

    return seg_sum



def _mm_body(h_ref, w_ref, z_ref):
    z_ref[...] = jnp.dot(h_ref[...], w_ref[...], preferred_element_type=F32)


def _mmb_body(h_ref, w_ref, b_ref, r_ref):
    r_ref[...] = jnp.dot(h_ref[...], w_ref[...],
                         preferred_element_type=F32) + b_ref[...]


def _comb_mm_body(s0_ref, s1_ref, deg_ref, r_ref, wl_ref, z_ref, h_ref):
    invd = 1.0 / jnp.maximum(deg_ref[...], 1.0)
    h = jnp.concatenate([s0_ref[...], s1_ref[...]], axis=1) * invd + r_ref[...]
    h = jnp.maximum(h, 0.0)
    z_ref[...] = jnp.dot(h, wl_ref[...], preferred_element_type=F32)
    half = z_ref.shape[1]
    c = pl.program_id(1)
    h_ref[...] = jnp.where(c == 0, h[:, :half], h[:, half:])


def _final_body(s0_ref, s1_ref, deg_ref, r_ref, wfc_ref, bfc_ref, out_ref):
    invd = 1.0 / jnp.maximum(deg_ref[...], 1.0)
    h = jnp.concatenate([s0_ref[...], s1_ref[...]], axis=1) * invd + r_ref[...]
    logits = jnp.dot(h, wfc_ref[...], preferred_element_type=F32) + bfc_ref[...]
    m = jnp.max(logits, axis=-1, keepdims=True)
    lse = jnp.log(jnp.sum(jnp.exp(logits - m), axis=-1, keepdims=True))
    out_ref[...] = logits - m - lse



def kernel(x, edge_index, W_l0, W_r0, b0, W_l1, W_r1, b1, W_fc, b_fc):
    N, D = x.shape
    E = edge_index.shape[1]
    H = W_l0.shape[1]
    C = W_fc.shape[1]
    HALF = H // 2
    BN = 2000
    nblk = N // BN
    NCH = E // 128
    NCH_PAD = ((NCH + 7) // 8) * 8
    assert nblk * BN == N and NCH * 128 == E

    src2d = edge_index[0].reshape(NCH, 128)
    dst2d = edge_index[1].reshape(NCH, 128)
    pad = ((0, NCH_PAD - NCH), (0, 0))
    srct = jnp.concatenate(
        [jnp.pad(src2d, pad), jnp.pad(src2d + N, pad)], axis=0)

    seg_sum_deg = _make_seg_sum(N, E, HALF, with_deg=True)
    seg_sum = _make_seg_sum(N, E, HALF, with_deg=False)

    def dense_spec(two_d=False):
        return pl.BlockSpec((BN, D), (lambda i, c: (i, 0)) if two_d else
                            (lambda i: (i, 0)))

    h_spec = pl.BlockSpec((BN, D), lambda i, c: (i, 0))
    wl_spec = pl.BlockSpec((D, HALF), lambda i, c: (0, c))
    b_spec = pl.BlockSpec((1, HALF), lambda i, c: (0, c))
    z_spec = pl.BlockSpec((BN, HALF), lambda i, c: (c * nblk + i, 0))
    r_spec = pl.BlockSpec((BN, HALF), lambda i, c: (i, c))
    s0_spec = pl.BlockSpec((BN, HALF), lambda i, c: (i, 0))
    s1_spec = pl.BlockSpec((BN, HALF), lambda i, c: (nblk + i, 0))
    deg_spec = pl.BlockSpec((BN, 1), lambda i, c: (i, 0))

    z0 = pl.pallas_call(
        _mm_body,
        grid=(nblk, 2),
        in_specs=[h_spec, wl_spec],
        out_specs=z_spec,
        out_shape=jax.ShapeDtypeStruct((2 * N, HALF), F32),
    )(x, W_l0)

    r0 = pl.pallas_call(
        _mmb_body,
        grid=(nblk, 2),
        in_specs=[h_spec, wl_spec, b_spec],
        out_specs=r_spec,
        out_shape=jax.ShapeDtypeStruct((N, H), F32),
    )(x, W_r0, b0.reshape(1, H))

    s0, deg = seg_sum_deg(z0, srct, dst2d)
    deg2d = deg.reshape(N, 1)

    z1, h1 = pl.pallas_call(
        _comb_mm_body,
        grid=(nblk, 2),
        in_specs=[s0_spec, s1_spec, deg_spec, h_spec, wl_spec],
        out_specs=[z_spec, r_spec],
        out_shape=[
            jax.ShapeDtypeStruct((2 * N, HALF), F32),
            jax.ShapeDtypeStruct((N, H), F32),
        ],
    )(s0, s0, deg2d, r0, W_l1)

    r1 = pl.pallas_call(
        _mmb_body,
        grid=(nblk, 2),
        in_specs=[h_spec, wl_spec, b_spec],
        out_specs=r_spec,
        out_shape=jax.ShapeDtypeStruct((N, H), F32),
    )(h1, W_r1, b1.reshape(1, H))

    s1 = seg_sum(z1, srct, dst2d)[0]

    out = pl.pallas_call(
        _final_body,
        grid=(nblk,),
        in_specs=[pl.BlockSpec((BN, HALF), lambda i: (i, 0)),
                  pl.BlockSpec((BN, HALF), lambda i: (nblk + i, 0)),
                  pl.BlockSpec((BN, 1), lambda i: (i, 0)),
                  dense_spec(),
                  pl.BlockSpec((H, C), lambda i: (0, 0)),
                  pl.BlockSpec((1, C), lambda i: (0, 0))],
        out_specs=pl.BlockSpec((BN, C), lambda i: (i, 0)),
        out_shape=jax.ShapeDtypeStruct((N, C), F32),
    )(s1, s1, deg2d, r1, W_fc, b_fc.reshape(1, C))

    return out

# --- scband reference (transcript-rebuilt; emitter-appended) ---
"""Pipeline reference for scband-sage-net-13288628814285 (READ-ONLY COPY).

The authoritative reference and input builder live on the scoring server;
editing this copy changes nothing except your own understanding.
"""

import jax, jax.numpy as jnp
import numpy as np

N = 10000
E = 160000
D = 256
H = 256
C = 64


def setup_inputs(seed: int = 0) -> dict:
    key = jax.random.key(seed)
    ks = jax.random.split(key, 12)
    s = 0.05
    x = jax.random.normal(ks[0], (N, D), dtype=jnp.float32)
    edge_index = jax.random.randint(ks[1], (2, E), 0, N, dtype=jnp.int32)
    W_l0 = jax.random.normal(ks[2], (D, H), dtype=jnp.float32) * s
    W_r0 = jax.random.normal(ks[3], (D, H), dtype=jnp.float32) * s
    b0 = jnp.zeros((H,), dtype=jnp.float32)
    W_l1 = jax.random.normal(ks[4], (H, H), dtype=jnp.float32) * s
    W_r1 = jax.random.normal(ks[5], (H, H), dtype=jnp.float32) * s
    b1 = jnp.zeros((H,), dtype=jnp.float32)
    W_fc = jax.random.normal(ks[6], (H, C), dtype=jnp.float32) * s
    b_fc = jnp.zeros((C,), dtype=jnp.float32)
    return {"x": x, "edge_index": edge_index, "W_l0": W_l0, "W_r0": W_r0, "b0": b0,
            "W_l1": W_l1, "W_r1": W_r1, "b1": b1, "W_fc": W_fc, "b_fc": b_fc}


def reference(x, edge_index, W_l0, W_r0, b0, W_l1, W_r1, b1, W_fc, b_fc):
    # Two-layer GraphSAGE (mean aggregation), matching PyG SAGEConv:
    # out = lin_l(mean_{j in N(i)} x_j) + lin_r(x_i)
    src = edge_index[0]
    dst = edge_index[1]

    def sage_conv(h, Wl, Wr, b):
        msgs = h[src]                                  # gather source features [E, d]
        agg = jax.ops.segment_sum(msgs, dst, num_segments=N)
        deg = jax.ops.segment_sum(jnp.ones((E,), dtype=h.dtype), dst, num_segments=N)
        agg = agg / jnp.clip(deg, 1.0)[:, None]        # mean aggregation
        return agg @ Wl + h @ Wr + b

    h = jax.nn.relu(sage_conv(x, W_l0, W_r0, b0))
    # dropout p=0.5 is identity in eval mode
    h = sage_conv(h, W_l1, W_r1, b1)
    out = h @ W_fc + b_fc
    return jax.nn.log_softmax(out, axis=-1)

if __name__ == "__main__":
    import jax
    _d = setup_inputs()
    print(jax.jit(kernel)(*tuple(_d.values())))

</pallas_src>

<mosaic_0001>
#map = affine_map<(d0, d1) -> (0, 0)>
#map1 = affine_map<(d0, d1) -> (0)>
module attributes {stable_mosaic.version = 14 : i64} {
  func.func @seg_sum(%arg0: i32, %arg1: i32, %arg2: memref<20000x128xf32, #tpu.memory_space<hbm>>, %arg3: memref<2512x128xi32, #tpu.memory_space<hbm>>, %arg4: memref<1250x128xi32, #tpu.memory_space<hbm>>, %arg5: memref<20000x128xf32, #tpu.memory_space<hbm>>, %arg6: memref<10000xf32, #tpu.memory_space<hbm>>, %arg7: memref<10000x128xf32, #tpu.memory_space<vmem_shared>>, %arg8: memref<10000xf32, #tpu.memory_space<vmem_shared>>, %arg9: memref<2x8x128xi32, #tpu.memory_space<vmem>>, %arg10: memref<2x8x128xi32, #tpu.memory_space<vmem>>, %arg11: memref<2x128xi32, #tpu.memory_space<vmem>>, %arg12: memref<2x128xi32, #tpu.memory_space<vmem>>, %arg13: memref<2x128x128xf32, #tpu.memory_space<vmem>>, %arg14: memref<128xf32, #tpu.memory_space<vmem>>, %arg15: memref<640xf32, #tpu.memory_space<vmem>>, %arg16: memref<!tpu.dma_semaphore, #tpu.memory_space<semaphore_mem>>, %arg17: memref<!tpu.dma_semaphore, #tpu.memory_space<semaphore_mem>>, %arg18: memref<!tpu.dma_semaphore, #tpu.memory_space<semaphore_mem>>) attributes {dimension_semantics = [#tpu.dimension_semantics<core_parallel>, #tpu.dimension_semantics<subcore_parallel>], iteration_bounds = array<i64: 2, 16>, scalar_prefetch = 0 : i64, scratch_operands = 12 : i64, tpu.core_type = #tpu.core_type<sc_vector_subcore>, window_params = [{transform_indices = #map}, {transform_indices = #map}, {transform_indices = #map}, {transform_indices = #map}, {transform_indices = #map1}]} {
    %mul3A = arith.constant 1256 : i32
    %mul3A_0 = arith.muli %arg0, %mul3A : i32
    %broadcast_in_dim3A = arith.constant 0.000000e+00 : f32
    %broadcast_in_dim3A_1 = vector.broadcast %broadcast_in_dim3A : f32 to vector<16xf32>
    %broadcast_in_dim3A_2 = arith.constant 1.000000e+00 : f32
    %broadcast_in_dim3A_3 = vector.broadcast %broadcast_in_dim3A_2 : f32 to vector<16xf32>
    %scan3A = arith.constant 0 : i32
    %scan3A_4 = arith.constant 0 : i32
    %scan3A_5 = arith.constant 1024 : i32
    %scan3A_6 = arith.addi %scan3A_4, %scan3A_5 : i32
    %scan3A_7 = arith.constant 1 : i32
    scf.for %scan3A_122 = %scan3A_4 to %scan3A_6 step %scan3A_7  : i32 {
      %jit3A_123 = arith.constant 8 : i32
      %div3A_124 = arith.divsi %scan3A_122, %jit3A_123 : i32
      %sign3A_125 = arith.constant 0 : i32
      %sign3A_126 = arith.cmpi sgt, %scan3A_122, %sign3A_125 : i32
      %sign3A_127 = arith.extui %sign3A_126 : i1 to i32
      %sign3A_128 = arith.constant 0 : i32
      %sign3A_129 = arith.cmpi slt, %scan3A_122, %sign3A_128 : i32
      %sign3A_130 = arith.extui %sign3A_129 : i1 to i32
      %sign3A_131 = arith.subi %sign3A_127, %sign3A_130 : i32
      %sign3A_132 = arith.constant 0 : i32
      %sign3A_133 = arith.cmpi sgt, %jit3A_123, %sign3A_132 : i32
      %sign3A_134 = arith.extui %sign3A_133 : i1 to i32
      %sign3A_135 = arith.constant 0 : i32
      %sign3A_136 = arith.cmpi slt, %jit3A_123, %sign3A_135 : i32
      %sign3A_137 = arith.extui %sign3A_136 : i1 to i32
      %sign3A_138 = arith.subi %sign3A_134, %sign3A_137 : i32
      %ne3A_139 = arith.cmpi ne, %sign3A_131, %sign3A_138 : i32
      %rem3A_140 = arith.remsi %scan3A_122, %jit3A_123 : i32
      %ne3A_141 = arith.constant 0 : i32
      %ne3A_142 = arith.cmpi ne, %rem3A_140, %ne3A_141 : i32
      %and3A_143 = arith.andi %ne3A_139, %ne3A_142 : i1
      %sub3A_144 = arith.constant 1 : i32
      %sub3A_145 = arith.subi %div3A_124, %sub3A_144 : i32
      %select_n3A_146 = arith.select %and3A_143, %sub3A_145, %div3A_124 : i32
      %jit3A_147 = arith.constant 8 : i32
      %eq3A_148 = arith.constant 0 : i32
      %eq3A_149 = arith.cmpi eq, %jit3A_147, %eq3A_148 : i32
      %jit3A_150 = arith.constant 1 : i32
      %select_n3A_151 = arith.select %eq3A_149, %jit3A_150, %jit3A_147 : i32
      %rem3A_152 = arith.remsi %scan3A_122, %select_n3A_151 : i32
      %ne3A_153 = arith.constant 0 : i32
      %ne3A_154 = arith.cmpi ne, %rem3A_152, %ne3A_153 : i32
      %lt3A_155 = arith.constant 0 : i32
      %lt3A_156 = arith.cmpi slt, %rem3A_152, %lt3A_155 : i32
      %lt3A_157 = arith.constant 0 : i32
      %lt3A_158 = arith.cmpi slt, %select_n3A_151, %lt3A_157 : i32
      %ne3A_159 = arith.xori %lt3A_156, %lt3A_158 : i1
      %and3A_160 = arith.andi %ne3A_159, %ne3A_154 : i1
      %add3A_161 = arith.addi %rem3A_152, %select_n3A_151 : i32
      %select_n3A_162 = arith.select %and3A_160, %add3A_161, %rem3A_152 : i32
      %mul3A_163 = arith.constant 16 : i32
      %mul3A_164 = arith.muli %select_n3A_162, %mul3A_163 : i32
      %swap3A = arith.constant 0 : i32
      %swap3A_165 = arith.index_cast %swap3A : i32 to index
      %swap3A_166 = arith.index_cast %select_n3A_146 : i32 to index
      %swap3A_167 = arith.index_cast %mul3A_164 : i32 to index
      %swap3A_168 = tpu.vector_load %arg13[%swap3A_165, %swap3A_166, %swap3A_167] {strides = array<i32>} : memref<2x128x128xf32, #tpu.memory_space<vmem>>, vector<1x1x16xf32>,
      %swap3A_169 = vector.shape_cast %swap3A_168 : vector<1x1x16xf32> to vector<16xf32>
      %swap3A_170 = vector.shape_cast %broadcast_in_dim3A_1 : vector<16xf32> to vector<1x1x16xf32>
      tpu.vector_store %arg13[%swap3A_165, %swap3A_166, %swap3A_167], %swap3A_170 {strides = array<i32>} : memref<2x128x128xf32, #tpu.memory_space<vmem>>, vector<1x1x16xf32>,
    }
    %scan3A_8 = arith.constant 1024 : i32
    %scan3A_9 = arith.constant 0 : i32
    %scan3A_10 = arith.constant 0 : i32
    %scan3A_11 = arith.constant 40 : i32
    %scan3A_12 = arith.addi %scan3A_10, %scan3A_11 : i32
    %scan3A_13 = arith.constant 1 : i32
    scf.for %scan3A_122 = %scan3A_10 to %scan3A_12 step %scan3A_13  : i32 {
      %mul3A_123 = arith.constant 16 : i32
      %mul3A_124 = arith.muli %scan3A_122, %mul3A_123 : i32
      %swap3A = arith.index_cast %mul3A_124 : i32 to index
      %swap3A_125 = tpu.vector_load %arg15[%swap3A] {strides = array<i32>} : memref<640xf32, #tpu.memory_space<vmem>>, vector<16xf32>,
      %swap3A_126 = vector.shape_cast %swap3A_125 : vector<16xf32> to vector<16xf32>
      %swap3A_127 = vector.shape_cast %broadcast_in_dim3A_1 : vector<16xf32> to vector<16xf32>
      tpu.vector_store %arg15[%swap3A], %swap3A_127 {strides = array<i32>} : memref<640xf32, #tpu.memory_space<vmem>>, vector<16xf32>,
    }
    %scan3A_14 = arith.constant 40 : i32
    %scan3A_15 = arith.constant 0 : i32
    %scan3A_16 = arith.constant 0 : i32
    %scan3A_17 = arith.constant 8 : i32
    %scan3A_18 = arith.addi %scan3A_16, %scan3A_17 : i32
    %scan3A_19 = arith.constant 1 : i32
    scf.for %scan3A_122 = %scan3A_16 to %scan3A_18 step %scan3A_19  : i32 {
      %mul3A_123 = arith.constant 16 : i32
      %mul3A_124 = arith.muli %scan3A_122, %mul3A_123 : i32
      %swap3A = arith.index_cast %mul3A_124 : i32 to index
      %swap3A_125 = tpu.vector_load %arg14[%swap3A] {strides = array<i32>} : memref<128xf32, #tpu.memory_space<vmem>>, vector<16xf32>,
      %swap3A_126 = vector.shape_cast %swap3A_125 : vector<16xf32> to vector<16xf32>
      %swap3A_127 = vector.shape_cast %broadcast_in_dim3A_3 : vector<16xf32> to vector<16xf32>
      tpu.vector_store %arg14[%swap3A], %swap3A_127 {strides = array<i32>} : memref<128xf32, #tpu.memory_space<vmem>>, vector<16xf32>,
    }
    %scan3A_20 = arith.constant 8 : i32
    %lt3A = arith.constant 12 : i32
    %lt3A_21 = arith.cmpi slt, %arg1, %lt3A : i32
    %jit3A = arith.constant 80 : i32
    %jit3A_22 = arith.constant 72 : i32
    %select_n3A = arith.select %lt3A_21, %jit3A, %jit3A_22 : i32
    %lt3A_23 = arith.constant 12 : i32
    %lt3A_24 = arith.cmpi slt, %arg1, %lt3A_23 : i32
    %mul3A_25 = arith.constant 80 : i32
    %mul3A_26 = arith.muli %arg1, %mul3A_25 : i32
    %sub3A = arith.constant 12 : i32
    %sub3A_27 = arith.subi %arg1, %sub3A : i32
    %mul3A_28 = arith.constant 72 : i32
    %mul3A_29 = arith.muli %sub3A_27, %mul3A_28 : i32
    %add3A = arith.constant 960 : i32
    %add3A_30 = arith.addi %add3A, %mul3A_29 : i32
    %select_n3A_31 = arith.select %lt3A_24, %mul3A_26, %add3A_30 : i32
    %lt3A_32 = arith.constant 2 : i32
    %lt3A_33 = arith.cmpi slt, %arg1, %lt3A_32 : i32
    %convert_element_type3A = arith.extui %lt3A_33 : i1 to i32
    %cond3A = arith.constant 0 : i32
    %cond3A_34 = arith.cmpi ne, %convert_element_type3A, %cond3A : i32
    scf.if %cond3A_34 {
      %add3A_122 = arith.constant 1248 : i32
      %add3A_123 = arith.addi %mul3A_0, %add3A_122 : i32
      "tpu.region"() ({
        %run_scoped3A = tpu.sem_alloc : memref<!tpu.dma_semaphore, #tpu.memory_space<semaphore_mem>>
        %dma_start3A = arith.constant 0 : i32
        %dma_start3A_124 = tpu.memref_slice %arg3[%add3A_123, %dma_start3A] : memref<2512x128xi32, #tpu.memory_space<hbm>> -> memref<2x128xi32, #tpu.memory_space<hbm>>
        %dma_start3A_125 = arith.constant 0 : i32
        %dma_start3A_126 = tpu.memref_slice %arg3[%add3A_123, %dma_start3A_125] : memref<2512x128xi32, #tpu.memory_space<hbm>> -> memref<2x128xi32, #tpu.memory_space<hbm>>
        tpu.enqueue_dma source(%dma_start3A_126 : memref<2x128xi32, #tpu.memory_space<hbm>>) target(%arg11 : memref<2x128xi32, #tpu.memory_space<vmem>>) target_semaphore(%run_scoped3A : memref<!tpu.dma_semaphore, #tpu.memory_space<semaphore_mem>>)
        %dma_wait3A = arith.constant 0 : i32
        %dma_wait3A_127 = tpu.memref_slice %arg3[%add3A_123, %dma_wait3A] : memref<2512x128xi32, #tpu.memory_space<hbm>> -> memref<2x128xi32, #tpu.memory_space<hbm>>
        %dma_wait3A_128 = arith.constant 0 : i32
        %dma_wait3A_129 = tpu.memref_slice %arg3[%add3A_123, %dma_wait3A_128] : memref<2512x128xi32, #tpu.memory_space<hbm>> -> memref<2x128xi32, #tpu.memory_space<hbm>>
        tpu.wait_dma2 semaphore(%run_scoped3A : memref<!tpu.dma_semaphore, #tpu.memory_space<semaphore_mem>>) src(%dma_wait3A_129 : memref<2x128xi32, #tpu.memory_space<hbm>>) dst(%arg11 : memref<2x128xi32, #tpu.memory_space<vmem>>)
        tpu.yield
      }) : () -> ()
      "tpu.region"() ({
        %run_scoped3A = tpu.sem_alloc : memref<!tpu.dma_semaphore, #tpu.memory_space<semaphore_mem>>
        %dma_start3A = arith.constant 1248 : i32
        %dma_start3A_124 = arith.constant 0 : i32
        %dma_start3A_125 = tpu.memref_slice %arg4[%dma_start3A, %dma_start3A_124] : memref<1250x128xi32, #tpu.memory_space<hbm>> -> memref<2x128xi32, #tpu.memory_space<hbm>>
        %dma_start3A_126 = arith.constant 1248 : i32
        %dma_start3A_127 = arith.constant 0 : i32
        %dma_start3A_128 = tpu.memref_slice %arg4[%dma_start3A_126, %dma_start3A_127] : memref<1250x128xi32, #tpu.memory_space<hbm>> -> memref<2x128xi32, #tpu.memory_space<hbm>>
        tpu.enqueue_dma source(%dma_start3A_128 : memref<2x128xi32, #tpu.memory_space<hbm>>) target(%arg12 : memref<2x128xi32, #tpu.memory_space<vmem>>) target_semaphore(%run_scoped3A : memref<!tpu.dma_semaphore, #tpu.memory_space<semaphore_mem>>)
        %dma_wait3A = arith.constant 1248 : i32
        %dma_wait3A_129 = arith.constant 0 : i32
        %dma_wait3A_130 = tpu.memref_slice %arg4[%dma_wait3A, %dma_wait3A_129] : memref<1250x128xi32, #tpu.memory_space<hbm>> -> memref<2x128xi32, #tpu.memory_space<hbm>>
        %dma_wait3A_131 = arith.constant 1248 : i32
        %dma_wait3A_132 = arith.constant 0 : i32
        %dma_wait3A_133 = tpu.memref_slice %arg4[%dma_wait3A_131, %dma_wait3A_132] : memref<1250x128xi32, #tpu.memory_space<hbm>> -> memref<2x128xi32, #tpu.memory_space<hbm>>
        tpu.wait_dma2 semaphore(%run_scoped3A : memref<!tpu.dma_semaphore, #tpu.memory_space<semaphore_mem>>) src(%dma_wait3A_133 : memref<2x128xi32, #tpu.memory_space<hbm>>) dst(%arg12 : memref<2x128xi32, #tpu.memory_space<vmem>>)
        tpu.yield
      }) : () -> ()
    } else {
    }
    %mul3A_35 = arith.constant 632 : i32
    %mul3A_36 = arith.muli %arg1, %mul3A_35 : i32
    %lt3A_37 = arith.constant 15 : i32
    %lt3A_38 = arith.cmpi slt, %arg1, %lt3A_37 : i32
    %convert_element_type3A_39 = arith.extui %lt3A_38 : i1 to i32
    %cond3A_40 = arith.constant 0 : i32
    %cond3A_41 = arith.cmpi ne, %convert_element_type3A_39, %cond3A_40 : i32
    scf.if %cond3A_41 {
      %scan3A_122 = arith.constant 0 : i32
      %scan3A_123 = arith.constant 0 : i32
      %scan3A_124 = arith.constant 4 : i32
      %scan3A_125 = arith.addi %scan3A_123, %scan3A_124 : i32
      %scan3A_126 = arith.constant 1 : i32
      scf.for %scan3A_130 = %scan3A_123 to %scan3A_125 step %scan3A_126  : i32 {
        %mul3A_131 = arith.constant 128 : i32
        %mul3A_132 = arith.muli %scan3A_130, %mul3A_131 : i32
        %add3A_133 = arith.addi %mul3A_36, %mul3A_132 : i32
        %run_scoped3A_134 = arith.constant 0 : i32
        "tpu.region"() ({
          %run_scoped3A_135 = tpu.sem_alloc : memref<!tpu.dma_semaphore, #tpu.memory_space<semaphore_mem>>
          %dma_start3A = arith.constant 0 : i32
          %dma_start3A_136 = arith.constant 0 : i32
          %dma_start3A_137 = tpu.memref_slice %arg13[%run_scoped3A_134, %dma_start3A, %dma_start3A_136] : memref<2x128x128xf32, #tpu.memory_space<vmem>> -> memref<1x128x128xf32, #tpu.memory_space<vmem>>
          %dma_start3A_138 = tpu.memref_squeeze %dma_start3A_137 : memref<1x128x128xf32, #tpu.memory_space<vmem>> -> memref<128x128xf32, #tpu.memory_space<vmem>>
          %dma_start3A_139 = arith.constant 0 : i32
          %dma_start3A_140 = tpu.memref_slice %arg7[%add3A_133, %dma_start3A_139] : memref<10000x128xf32, #tpu.memory_space<vmem_shared>> -> memref<128x128xf32, #tpu.memory_space<vmem_shared>>
          %dma_start3A_141 = arith.constant 0 : i32
          %dma_start3A_142 = tpu.memref_slice %arg7[%add3A_133, %dma_start3A_141] : memref<10000x128xf32, #tpu.memory_space<vmem_shared>> -> memref<128x128xf32, #tpu.memory_space<vmem_shared>>
          %dma_start3A_143 = arith.constant 0 : i32
          %dma_start3A_144 = arith.constant 0 : i32
          %dma_start3A_145 = tpu.memref_slice %arg13[%run_scoped3A_134, %dma_start3A_143, %dma_start3A_144] : memref<2x128x128xf32, #tpu.memory_space<vmem>> -> memref<1x128x128xf32, #tpu.memory_space<vmem>>
          %dma_start3A_146 = tpu.memref_squeeze %dma_start3A_145 : memref<1x128x128xf32, #tpu.memory_space<vmem>> -> memref<128x128xf32, #tpu.memory_space<vmem>>
          tpu.enqueue_dma source(%dma_start3A_146 : memref<128x128xf32, #tpu.memory_space<vmem>>) target(%dma_start3A_142 : memref<128x128xf32, #tpu.memory_space<vmem_shared>>) target_semaphore(%run_scoped3A_135 : memref<!tpu.dma_semaphore, #tpu.memory_space<semaphore_mem>>)
          %dma_wait3A = arith.constant 0 : i32
          %dma_wait3A_147 = arith.constant 0 : i32
          %dma_wait3A_148 = tpu.memref_slice %arg13[%run_scoped3A_134, %dma_wait3A, %dma_wait3A_147] : memref<2x128x128xf32, #tpu.memory_space<vmem>> -> memref<1x128x128xf32, #tpu.memory_space<vmem>>
          %dma_wait3A_149 = tpu.memref_squeeze %dma_wait3A_148 : memref<1x128x128xf32, #tpu.memory_space<vmem>> -> memref<128x128xf32, #tpu.memory_space<vmem>>
          %dma_wait3A_150 = arith.constant 0 : i32
          %dma_wait3A_151 = tpu.memref_slice %arg7[%add3A_133, %dma_wait3A_150] : memref<10000x128xf32, #tpu.memory_space<vmem_shared>> -> memref<128x128xf32, #tpu.memory_space<vmem_shared>>
          %dma_wait3A_152 = arith.constant 0 : i32
          %dma_wait3A_153 = tpu.memref_slice %arg7[%add3A_133, %dma_wait3A_152] : memref<10000x128xf32, #tpu.memory_space<vmem_shared>> -> memref<128x128xf32, #tpu.memory_space<vmem_shared>>
          %dma_wait3A_154 = arith.constant 0 : i32
          %dma_wait3A_155 = arith.constant 0 : i32
          %dma_wait3A_156 = tpu.memref_slice %arg13[%run_scoped3A_134, %dma_wait3A_154, %dma_wait3A_155] : memref<2x128x128xf32, #tpu.memory_space<vmem>> -> memref<1x128x128xf32, #tpu.memory_space<vmem>>
          %dma_wait3A_157 = tpu.memref_squeeze %dma_wait3A_156 : memref<1x128x128xf32, #tpu.memory_space<vmem>> -> memref<128x128xf32, #tpu.memory_space<vmem>>
          tpu.wait_dma2 semaphore(%run_scoped3A_135 : memref<!tpu.dma_semaphore, #tpu.memory_space<semaphore_mem>>) src(%dma_wait3A_157 : memref<128x128xf32, #tpu.memory_space<vmem>>) dst(%dma_wait3A_153 : memref<128x128xf32, #tpu.memory_space<vmem_shared>>)
          tpu.yield
        }) : () -> ()
      }
      %scan3A_127 = arith.constant 4 : i32
      %add3A_128 = arith.constant 512 : i32
      %add3A_129 = arith.addi %mul3A_36, %add3A_128 : i32
      %run_scoped3A = arith.constant 0 : i32
      "tpu.region"() ({
        %run_scoped3A_130 = tpu.sem_alloc : memref<!tpu.dma_semaphore, #tpu.memory_space<semaphore_mem>>
        %dma_start3A = arith.constant 0 : i32
        %dma_start3A_131 = arith.constant 0 : i32
        %dma_start3A_132 = tpu.memref_slice %arg13[%run_scoped3A, %dma_start3A, %dma_start3A_131] : memref<2x128x128xf32, #tpu.memory_space<vmem>> -> memref<1x128x128xf32, #tpu.memory_space<vmem>>
        %dma_start3A_133 = tpu.memref_squeeze %dma_start3A_132 : memref<1x128x128xf32, #tpu.memory_space<vmem>> -> memref<128x128xf32, #tpu.memory_space<vmem>>
        %dma_start3A_134 = arith.constant 0 : i32
        %dma_start3A_135 = arith.constant 0 : i32
        %dma_start3A_136 = tpu.memref_slice %dma_start3A_133[%dma_start3A_134, %dma_start3A_135] : memref<128x128xf32, #tpu.memory_space<vmem>> -> memref<120x128xf32, #tpu.memory_space<vmem>>
        %dma_start3A_137 = arith.constant 0 : i32
        %dma_start3A_138 = tpu.memref_slice %arg7[%add3A_129, %dma_start3A_137] : memref<10000x128xf32, #tpu.memory_space<vmem_shared>> -> memref<120x128xf32, #tpu.memory_space<vmem_shared>>
        %dma_start3A_139 = arith.constant 0 : i32
        %dma_start3A_140 = tpu.memref_slice %arg7[%add3A_129, %dma_start3A_139] : memref<10000x128xf32, #tpu.memory_space<vmem_shared>> -> memref<120x128xf32, #tpu.memory_space<vmem_shared>>
        %dma_start3A_141 = arith.constant 0 : i32
        %dma_start3A_142 = arith.constant 0 : i32
        %dma_start3A_143 = tpu.memref_slice %arg13[%run_scoped3A, %dma_start3A_141, %dma_start3A_142] : memref<2x128x128xf32, #tpu.memory_space<vmem>> -> memref<1x128x128xf32, #tpu.memory_space<vmem>>
        %dma_start3A_144 = tpu.memref_squeeze %dma_start3A_143 : memref<1x128x128xf32, #tpu.memory_space<vmem>> -> memref<128x128xf32, #tpu.memory_space<vmem>>
        %dma_start3A_145 = arith.constant 0 : i32
        %dma_start3A_146 = arith.constant 0 : i32
        %dma_start3A_147 = tpu.memref_slice %dma_start3A_144[%dma_start3A_145, %dma_start3A_146] : memref<128x128xf32, #tpu.memory_space<vmem>> -> memref<120x128xf32, #tpu.memory_space<vmem>>
        tpu.enqueue_dma source(%dma_start3A_147 : memref<120x128xf32, #tpu.memory_space<vmem>>) target(%dma_start3A_140 : memref<120x128xf32, #tpu.memory_space<vmem_shared>>) target_semaphore(%run_scoped3A_130 : memref<!tpu.dma_semaphore, #tpu.memory_space<semaphore_mem>>)
        %dma_wait3A = arith.constant 0 : i32
        %dma_wait3A_148 = arith.constant 0 : i32
        %dma_wait3A_149 = tpu.memref_slice %arg13[%run_scoped3A, %dma_wait3A, %dma_wait3A_148] : memref<2x128x128xf32, #tpu.memory_space<vmem>> -> memref<1x128x128xf32, #tpu.memory_space<vmem>>
        %dma_wait3A_150 = tpu.memref_squeeze %dma_wait3A_149 : memref<1x128x128xf32, #tpu.memory_space<vmem>> -> memref<128x128xf32, #tpu.memory_space<vmem>>
        %dma_wait3A_151 = arith.constant 0 : i32
        %dma_wait3A_152 = arith.constant 0 : i32
        %dma_wait3A_153 = tpu.memref_slice %dma_wait3A_150[%dma_wait3A_151, %dma_wait3A_152] : memref<128x128xf32, #tpu.memory_space<vmem>> -> memref<120x128xf32, #tpu.memory_space<vmem>>
        %dma_wait3A_154 = arith.constant 0 : i32
        %dma_wait3A_155 = tpu.memref_slice %arg7[%add3A_129, %dma_wait3A_154] : memref<10000x128xf32, #tpu.memory_space<vmem_shared>> -> memref<120x128xf32, #tpu.memory_space<vmem_shared>>
        %dma_wait3A_156 = arith.constant 0 : i32
        %dma_wait3A_157 = tpu.memref_slice %arg7[%add3A_129, %dma_wait3A_156] : memref<10000x128xf32, #tpu.memory_space<vmem_shared>> -> memref<120x128xf32, #tpu.memory_space<vmem_shared>>
        %dma_wait3A_158 = arith.constant 0 : i32
        %dma_wait3A_159 = arith.constant 0 : i32
        %dma_wait3A_160 = tpu.memref_slice %arg13[%run_scoped3A, %dma_wait3A_158, %dma_wait3A_159] : memref<2x128x128xf32, #tpu.memory_space<vmem>> -> memref<1x128x128xf32, #tpu.memory_space<vmem>>
        %dma_wait3A_161 = tpu.memref_squeeze %dma_wait3A_160 : memref<1x128x128xf32, #tpu.memory_space<vmem>> -> memref<128x128xf32, #tpu.memory_space<vmem>>
        %dma_wait3A_162 = arith.constant 0 : i32
        %dma_wait3A_163 = arith.constant 0 : i32
        %dma_wait3A_164 = tpu.memref_slice %dma_wait3A_161[%dma_wait3A_162, %dma_wait3A_163] : memref<128x128xf32, #tpu.memory_space<vmem>> -> memref<120x128xf32, #tpu.memory_space<vmem>>
        tpu.wait_dma2 semaphore(%run_scoped3A_130 : memref<!tpu.dma_semaphore, #tpu.memory_space<semaphore_mem>>) src(%dma_wait3A_164 : memref<120x128xf32, #tpu.memory_space<vmem>>) dst(%dma_wait3A_157 : memref<120x128xf32, #tpu.memory_space<vmem_shared>>)
        tpu.yield
      }) : () -> ()
    } else {
    }
    %eq3A = arith.constant 15 : i32
    %eq3A_42 = arith.cmpi eq, %arg1, %eq3A : i32
    %convert_element_type3A_43 = arith.extui %eq3A_42 : i1 to i32
    %cond3A_44 = arith.constant 0 : i32
    %cond3A_45 = arith.cmpi ne, %convert_element_type3A_43, %cond3A_44 : i32
    scf.if %cond3A_45 {
      %scan3A_122 = arith.constant 0 : i32
      %scan3A_123 = arith.constant 0 : i32
      %scan3A_124 = arith.constant 4 : i32
      %scan3A_125 = arith.addi %scan3A_123, %scan3A_124 : i32
      %scan3A_126 = arith.constant 1 : i32
      scf.for %scan3A_130 = %scan3A_123 to %scan3A_125 step %scan3A_126  : i32 {
        %mul3A_131 = arith.constant 128 : i32
        %mul3A_132 = arith.muli %scan3A_130, %mul3A_131 : i32
        %add3A_133 = arith.addi %mul3A_36, %mul3A_132 : i32
        %run_scoped3A_134 = arith.constant 0 : i32
        "tpu.region"() ({
          %run_scoped3A_135 = tpu.sem_alloc : memref<!tpu.dma_semaphore, #tpu.memory_space<semaphore_mem>>
          %dma_start3A = arith.constant 0 : i32
          %dma_start3A_136 = arith.constant 0 : i32
          %dma_start3A_137 = tpu.memref_slice %arg13[%run_scoped3A_134, %dma_start3A, %dma_start3A_136] : memref<2x128x128xf32, #tpu.memory_space<vmem>> -> memref<1x128x128xf32, #tpu.memory_space<vmem>>
          %dma_start3A_138 = tpu.memref_squeeze %dma_start3A_137 : memref<1x128x128xf32, #tpu.memory_space<vmem>> -> memref<128x128xf32, #tpu.memory_space<vmem>>
          %dma_start3A_139 = arith.constant 0 : i32
          %dma_start3A_140 = tpu.memref_slice %arg7[%add3A_133, %dma_start3A_139] : memref<10000x128xf32, #tpu.memory_space<vmem_shared>> -> memref<128x128xf32, #tpu.memory_space<vmem_shared>>
          %dma_start3A_141 = arith.constant 0 : i32
          %dma_start3A_142 = tpu.memref_slice %arg7[%add3A_133, %dma_start3A_141] : memref<10000x128xf32, #tpu.memory_space<vmem_shared>> -> memref<128x128xf32, #tpu.memory_space<vmem_shared>>
          %dma_start3A_143 = arith.constant 0 : i32
          %dma_start3A_144 = arith.constant 0 : i32
          %dma_start3A_145 = tpu.memref_slice %arg13[%run_scoped3A_134, %dma_start3A_143, %dma_start3A_144] : memref<2x128x128xf32, #tpu.memory_space<vmem>> -> memref<1x128x128xf32, #tpu.memory_space<vmem>>
          %dma_start3A_146 = tpu.memref_squeeze %dma_start3A_145 : memref<1x128x128xf32, #tpu.memory_space<vmem>> -> memref<128x128xf32, #tpu.memory_space<vmem>>
          tpu.enqueue_dma source(%dma_start3A_146 : memref<128x128xf32, #tpu.memory_space<vmem>>) target(%dma_start3A_142 : memref<128x128xf32, #tpu.memory_space<vmem_shared>>) target_semaphore(%run_scoped3A_135 : memref<!tpu.dma_semaphore, #tpu.memory_space<semaphore_mem>>)
          %dma_wait3A = arith.constant 0 : i32
          %dma_wait3A_147 = arith.constant 0 : i32
          %dma_wait3A_148 = tpu.memref_slice %arg13[%run_scoped3A_134, %dma_wait3A, %dma_wait3A_147] : memref<2x128x128xf32, #tpu.memory_space<vmem>> -> memref<1x128x128xf32, #tpu.memory_space<vmem>>
          %dma_wait3A_149 = tpu.memref_squeeze %dma_wait3A_148 : memref<1x128x128xf32, #tpu.memory_space<vmem>> -> memref<128x128xf32, #tpu.memory_space<vmem>>
          %dma_wait3A_150 = arith.constant 0 : i32
          %dma_wait3A_151 = tpu.memref_slice %arg7[%add3A_133, %dma_wait3A_150] : memref<10000x128xf32, #tpu.memory_space<vmem_shared>> -> memref<128x128xf32, #tpu.memory_space<vmem_shared>>
          %dma_wait3A_152 = arith.constant 0 : i32
          %dma_wait3A_153 = tpu.memref_slice %arg7[%add3A_133, %dma_wait3A_152] : memref<10000x128xf32, #tpu.memory_space<vmem_shared>> -> memref<128x128xf32, #tpu.memory_space<vmem_shared>>
          %dma_wait3A_154 = arith.constant 0 : i32
          %dma_wait3A_155 = arith.constant 0 : i32
          %dma_wait3A_156 = tpu.memref_slice %arg13[%run_scoped3A_134, %dma_wait3A_154, %dma_wait3A_155] : memref<2x128x128xf32, #tpu.memory_space<vmem>> -> memref<1x128x128xf32, #tpu.memory_space<vmem>>
          %dma_wait3A_157 = tpu.memref_squeeze %dma_wait3A_156 : memref<1x128x128xf32, #tpu.memory_space<vmem>> -> memref<128x128xf32, #tpu.memory_space<vmem>>
          tpu.wait_dma2 semaphore(%run_scoped3A_135 : memref<!tpu.dma_semaphore, #tpu.memory_space<semaphore_mem>>) src(%dma_wait3A_157 : memref<128x128xf32, #tpu.memory_space<vmem>>) dst(%dma_wait3A_153 : memref<128x128xf32, #tpu.memory_space<vmem_shared>>)
          tpu.yield
        }) : () -> ()
      }
      %scan3A_127 = arith.constant 4 : i32
      %add3A_128 = arith.constant 512 : i32
      %add3A_129 = arith.addi %mul3A_36, %add3A_128 : i32
      %run_scoped3A = arith.constant 0 : i32
      "tpu.region"() ({
        %run_scoped3A_130 = tpu.sem_alloc : memref<!tpu.dma_semaphore, #tpu.memory_space<semaphore_mem>>
        %dma_start3A = arith.constant 0 : i32
        %dma_start3A_131 = arith.constant 0 : i32
        %dma_start3A_132 = tpu.memref_slice %arg13[%run_scoped3A, %dma_start3A, %dma_start3A_131] : memref<2x128x128xf32, #tpu.memory_space<vmem>> -> memref<1x128x128xf32, #tpu.memory_space<vmem>>
        %dma_start3A_133 = tpu.memref_squeeze %dma_start3A_132 : memref<1x128x128xf32, #tpu.memory_space<vmem>> -> memref<128x128xf32, #tpu.memory_space<vmem>>
        %dma_start3A_134 = arith.constant 0 : i32
        %dma_start3A_135 = arith.constant 0 : i32
        %dma_start3A_136 = tpu.memref_slice %dma_start3A_133[%dma_start3A_134, %dma_start3A_135] : memref<128x128xf32, #tpu.memory_space<vmem>> -> memref<8x128xf32, #tpu.memory_space<vmem>>
        %dma_start3A_137 = arith.constant 0 : i32
        %dma_start3A_138 = tpu.memref_slice %arg7[%add3A_129, %dma_start3A_137] : memref<10000x128xf32, #tpu.memory_space<vmem_shared>> -> memref<8x128xf32, #tpu.memory_space<vmem_shared>>
        %dma_start3A_139 = arith.constant 0 : i32
        %dma_start3A_140 = tpu.memref_slice %arg7[%add3A_129, %dma_start3A_139] : memref<10000x128xf32, #tpu.memory_space<vmem_shared>> -> memref<8x128xf32, #tpu.memory_space<vmem_shared>>
        %dma_start3A_141 = arith.constant 0 : i32
        %dma_start3A_142 = arith.constant 0 : i32
        %dma_start3A_143 = tpu.memref_slice %arg13[%run_scoped3A, %dma_start3A_141, %dma_start3A_142] : memref<2x128x128xf32, #tpu.memory_space<vmem>> -> memref<1x128x128xf32, #tpu.memory_space<vmem>>
        %dma_start3A_144 = tpu.memref_squeeze %dma_start3A_143 : memref<1x128x128xf32, #tpu.memory_space<vmem>> -> memref<128x128xf32, #tpu.memory_space<vmem>>
        %dma_start3A_145 = arith.constant 0 : i32
        %dma_start3A_146 = arith.constant 0 : i32
        %dma_start3A_147 = tpu.memref_slice %dma_start3A_144[%dma_start3A_145, %dma_start3A_146] : memref<128x128xf32, #tpu.memory_space<vmem>> -> memref<8x128xf32, #tpu.memory_space<vmem>>
        tpu.enqueue_dma source(%dma_start3A_147 : memref<8x128xf32, #tpu.memory_space<vmem>>) target(%dma_start3A_140 : memref<8x128xf32, #tpu.memory_space<vmem_shared>>) target_semaphore(%run_scoped3A_130 : memref<!tpu.dma_semaphore, #tpu.memory_space<semaphore_mem>>)
        %dma_wait3A = arith.constant 0 : i32
        %dma_wait3A_148 = arith.constant 0 : i32
        %dma_wait3A_149 = tpu.memref_slice %arg13[%run_scoped3A, %dma_wait3A, %dma_wait3A_148] : memref<2x128x128xf32, #tpu.memory_space<vmem>> -> memref<1x128x128xf32, #tpu.memory_space<vmem>>
        %dma_wait3A_150 = tpu.memref_squeeze %dma_wait3A_149 : memref<1x128x128xf32, #tpu.memory_space<vmem>> -> memref<128x128xf32, #tpu.memory_space<vmem>>
        %dma_wait3A_151 = arith.constant 0 : i32
        %dma_wait3A_152 = arith.constant 0 : i32
        %dma_wait3A_153 = tpu.memref_slice %dma_wait3A_150[%dma_wait3A_151, %dma_wait3A_152] : memref<128x128xf32, #tpu.memory_space<vmem>> -> memref<8x128xf32, #tpu.memory_space<vmem>>
        %dma_wait3A_154 = arith.constant 0 : i32
        %dma_wait3A_155 = tpu.memref_slice %arg7[%add3A_129, %dma_wait3A_154] : memref<10000x128xf32, #tpu.memory_space<vmem_shared>> -> memref<8x128xf32, #tpu.memory_space<vmem_shared>>
        %dma_wait3A_156 = arith.constant 0 : i32
        %dma_wait3A_157 = tpu.memref_slice %arg7[%add3A_129, %dma_wait3A_156] : memref<10000x128xf32, #tpu.memory_space<vmem_shared>> -> memref<8x128xf32, #tpu.memory_space<vmem_shared>>
        %dma_wait3A_158 = arith.constant 0 : i32
        %dma_wait3A_159 = arith.constant 0 : i32
        %dma_wait3A_160 = tpu.memref_slice %arg13[%run_scoped3A, %dma_wait3A_158, %dma_wait3A_159] : memref<2x128x128xf32, #tpu.memory_space<vmem>> -> memref<1x128x128xf32, #tpu.memory_space<vmem>>
        %dma_wait3A_161 = tpu.memref_squeeze %dma_wait3A_160 : memref<1x128x128xf32, #tpu.memory_space<vmem>> -> memref<128x128xf32, #tpu.memory_space<vmem>>
        %dma_wait3A_162 = arith.constant 0 : i32
        %dma_wait3A_163 = arith.constant 0 : i32
        %dma_wait3A_164 = tpu.memref_slice %dma_wait3A_161[%dma_wait3A_162, %dma_wait3A_163] : memref<128x128xf32, #tpu.memory_space<vmem>> -> memref<8x128xf32, #tpu.memory_space<vmem>>
        tpu.wait_dma2 semaphore(%run_scoped3A_130 : memref<!tpu.dma_semaphore, #tpu.memory_space<semaphore_mem>>) src(%dma_wait3A_164 : memref<8x128xf32, #tpu.memory_space<vmem>>) dst(%dma_wait3A_157 : memref<8x128xf32, #tpu.memory_space<vmem_shared>>)
        tpu.yield
      }) : () -> ()
    } else {
    }
    %eq3A_46 = arith.constant 0 : i32
    %eq3A_47 = arith.cmpi eq, %arg0, %eq3A_46 : i32
    %convert_element_type3A_48 = arith.extui %eq3A_47 : i1 to i32
    %cond3A_49 = arith.constant 0 : i32
    %cond3A_50 = arith.cmpi ne, %convert_element_type3A_48, %cond3A_49 : i32
    scf.if %cond3A_50 {
      %lt3A_122 = arith.constant 15 : i32
      %lt3A_123 = arith.cmpi slt, %arg1, %lt3A_122 : i32
      %convert_element_type3A_124 = arith.extui %lt3A_123 : i1 to i32
      %cond3A_125 = arith.constant 0 : i32
      %cond3A_126 = arith.cmpi ne, %convert_element_type3A_124, %cond3A_125 : i32
      scf.if %cond3A_126 {
        "tpu.region"() ({
          %run_scoped3A = tpu.sem_alloc : memref<!tpu.dma_semaphore, #tpu.memory_space<semaphore_mem>>
          %dma_start3A = arith.constant 0 : i32
          %dma_start3A_132 = tpu.memref_slice %arg15[%dma_start3A] : memref<640xf32, #tpu.memory_space<vmem>> -> memref<632xf32, #tpu.memory_space<vmem>>
          %dma_start3A_133 = tpu.memref_slice %arg8[%mul3A_36] : memref<10000xf32, #tpu.memory_space<vmem_shared>> -> memref<632xf32, #tpu.memory_space<vmem_shared>>
          %dma_start3A_134 = tpu.memref_slice %arg8[%mul3A_36] : memref<10000xf32, #tpu.memory_space<vmem_shared>> -> memref<632xf32, #tpu.memory_space<vmem_shared>>
          %dma_start3A_135 = arith.constant 0 : i32
          %dma_start3A_136 = tpu.memref_slice %arg15[%dma_start3A_135] : memref<640xf32, #tpu.memory_space<vmem>> -> memref<632xf32, #tpu.memory_space<vmem>>
          tpu.enqueue_dma source(%dma_start3A_136 : memref<632xf32, #tpu.memory_space<vmem>>) target(%dma_start3A_134 : memref<632xf32, #tpu.memory_space<vmem_shared>>) target_semaphore(%run_scoped3A : memref<!tpu.dma_semaphore, #tpu.memory_space<semaphore_mem>>)
          %dma_wait3A = arith.constant 0 : i32
          %dma_wait3A_137 = tpu.memref_slice %arg15[%dma_wait3A] : memref<640xf32, #tpu.memory_space<vmem>> -> memref<632xf32, #tpu.memory_space<vmem>>
          %dma_wait3A_138 = tpu.memref_slice %arg8[%mul3A_36] : memref<10000xf32, #tpu.memory_space<vmem_shared>> -> memref<632xf32, #tpu.memory_space<vmem_shared>>
          %dma_wait3A_139 = tpu.memref_slice %arg8[%mul3A_36] : memref<10000xf32, #tpu.memory_space<vmem_shared>> -> memref<632xf32, #tpu.memory_space<vmem_shared>>
          %dma_wait3A_140 = arith.constant 0 : i32
          %dma_wait3A_141 = tpu.memref_slice %arg15[%dma_wait3A_140] : memref<640xf32, #tpu.memory_space<vmem>> -> memref<632xf32, #tpu.memory_space<vmem>>
          tpu.wait_dma2 semaphore(%run_scoped3A : memref<!tpu.dma_semaphore, #tpu.memory_space<semaphore_mem>>) src(%dma_wait3A_141 : memref<632xf32, #tpu.memory_space<vmem>>) dst(%dma_wait3A_139 : memref<632xf32, #tpu.memory_space<vmem_shared>>)
          tpu.yield
        }) : () -> ()
      } else {
      }
      %eq3A_127 = arith.constant 15 : i32
      %eq3A_128 = arith.cmpi eq, %arg1, %eq3A_127 : i32
      %convert_element_type3A_129 = arith.extui %eq3A_128 : i1 to i32
      %cond3A_130 = arith.constant 0 : i32
      %cond3A_131 = arith.cmpi ne, %convert_element_type3A_129, %cond3A_130 : i32
      scf.if %cond3A_131 {
        "tpu.region"() ({
          %run_scoped3A = tpu.sem_alloc : memref<!tpu.dma_semaphore, #tpu.memory_space<semaphore_mem>>
          %dma_start3A = arith.constant 0 : i32
          %dma_start3A_132 = tpu.memref_slice %arg15[%dma_start3A] : memref<640xf32, #tpu.memory_space<vmem>> -> memref<520xf32, #tpu.memory_space<vmem>>
          %dma_start3A_133 = tpu.memref_slice %arg8[%mul3A_36] : memref<10000xf32, #tpu.memory_space<vmem_shared>> -> memref<520xf32, #tpu.memory_space<vmem_shared>>
          %dma_start3A_134 = tpu.memref_slice %arg8[%mul3A_36] : memref<10000xf32, #tpu.memory_space<vmem_shared>> -> memref<520xf32, #tpu.memory_space<vmem_shared>>
          %dma_start3A_135 = arith.constant 0 : i32
          %dma_start3A_136 = tpu.memref_slice %arg15[%dma_start3A_135] : memref<640xf32, #tpu.memory_space<vmem>> -> memref<520xf32, #tpu.memory_space<vmem>>
          tpu.enqueue_dma source(%dma_start3A_136 : memref<520xf32, #tpu.memory_space<vmem>>) target(%dma_start3A_134 : memref<520xf32, #tpu.memory_space<vmem_shared>>) target_semaphore(%run_scoped3A : memref<!tpu.dma_semaphore, #tpu.memory_space<semaphore_mem>>)
          %dma_wait3A = arith.constant 0 : i32
          %dma_wait3A_137 = tpu.memref_slice %arg15[%dma_wait3A] : memref<640xf32, #tpu.memory_space<vmem>> -> memref<520xf32, #tpu.memory_space<vmem>>
          %dma_wait3A_138 = tpu.memref_slice %arg8[%mul3A_36] : memref<10000xf32, #tpu.memory_space<vmem_shared>> -> memref<520xf32, #tpu.memory_space<vmem_shared>>
          %dma_wait3A_139 = tpu.memref_slice %arg8[%mul3A_36] : memref<10000xf32, #tpu.memory_space<vmem_shared>> -> memref<520xf32, #tpu.memory_space<vmem_shared>>
          %dma_wait3A_140 = arith.constant 0 : i32
          %dma_wait3A_141 = tpu.memref_slice %arg15[%dma_wait3A_140] : memref<640xf32, #tpu.memory_space<vmem>> -> memref<520xf32, #tpu.memory_space<vmem>>
          tpu.wait_dma2 semaphore(%run_scoped3A : memref<!tpu.dma_semaphore, #tpu.memory_space<semaphore_mem>>) src(%dma_wait3A_141 : memref<520xf32, #tpu.memory_space<vmem>>) dst(%dma_wait3A_139 : memref<520xf32, #tpu.memory_space<vmem_shared>>)
          tpu.yield
        }) : () -> ()
      } else {
      }
    } else {
    }
    %barrier3A = arith.constant 0 : index
    tpu.barrier barrier_id(%barrier3A)
    %jit3A_51 = arith.constant 8 : i32
    %div3A = arith.divsi %select_n3A, %jit3A_51 : i32
    %sign3A = arith.constant 0 : i32
    %sign3A_52 = arith.cmpi sgt, %select_n3A, %sign3A : i32
    %sign3A_53 = arith.extui %sign3A_52 : i1 to i32
    %sign3A_54 = arith.constant 0 : i32
    %sign3A_55 = arith.cmpi slt, %select_n3A, %sign3A_54 : i32
    %sign3A_56 = arith.extui %sign3A_55 : i1 to i32
    %sign3A_57 = arith.subi %sign3A_53, %sign3A_56 : i32
    %sign3A_58 = arith.constant 0 : i32
    %sign3A_59 = arith.cmpi sgt, %jit3A_51, %sign3A_58 : i32
    %sign3A_60 = arith.extui %sign3A_59 : i1 to i32
    %sign3A_61 = arith.constant 0 : i32
    %sign3A_62 = arith.cmpi slt, %jit3A_51, %sign3A_61 : i32
    %sign3A_63 = arith.extui %sign3A_62 : i1 to i32
    %sign3A_64 = arith.subi %sign3A_60, %sign3A_63 : i32
    %ne3A = arith.cmpi ne, %sign3A_57, %sign3A_64 : i32
    %rem3A = arith.remsi %select_n3A, %jit3A_51 : i32
    %ne3A_65 = arith.constant 0 : i32
    %ne3A_66 = arith.cmpi ne, %rem3A, %ne3A_65 : i32
    %and3A = arith.andi %ne3A, %ne3A_66 : i1
    %sub3A_67 = arith.constant 1 : i32
    %sub3A_68 = arith.subi %div3A, %sub3A_67 : i32
    %select_n3A_69 = arith.select %and3A, %sub3A_68, %div3A : i32
    %rem3A_70 = arith.constant 0 : i32
    %rem3A_71 = arith.constant 2 : i32
    %rem3A_72 = arith.remsi %rem3A_70, %rem3A_71 : i32
    %mul3A_73 = arith.constant 0 : i32
    %mul3A_74 = arith.constant 8 : i32
    %mul3A_75 = arith.muli %mul3A_73, %mul3A_74 : i32
    %add3A_76 = arith.addi %select_n3A_31, %mul3A_75 : i32
    %add3A_77 = arith.addi %mul3A_0, %add3A_76 : i32
    "tpu.region"() ({
      %run_scoped3A = tpu.sem_alloc : memref<!tpu.dma_semaphore, #tpu.memory_space<semaphore_mem>>
      %dma_start3A = arith.constant 0 : i32
      %dma_start3A_122 = arith.constant 0 : i32
      %dma_start3A_123 = tpu.memref_slice %arg9[%rem3A_72, %dma_start3A, %dma_start3A_122] : memref<2x8x128xi32, #tpu.memory_space<vmem>> -> memref<1x8x128xi32, #tpu.memory_space<vmem>>
      %dma_start3A_124 = tpu.memref_squeeze %dma_start3A_123 : memref<1x8x128xi32, #tpu.memory_space<vmem>> -> memref<8x128xi32, #tpu.memory_space<vmem>>
      %dma_start3A_125 = arith.constant 0 : i32
      %dma_start3A_126 = tpu.memref_slice %arg3[%add3A_77, %dma_start3A_125] : memref<2512x128xi32, #tpu.memory_space<hbm>> -> memref<8x128xi32, #tpu.memory_space<hbm>>
      %dma_start3A_127 = arith.constant 0 : i32
      %dma_start3A_128 = arith.constant 0 : i32
      %dma_start3A_129 = tpu.memref_slice %arg9[%rem3A_72, %dma_start3A_127, %dma_start3A_128] : memref<2x8x128xi32, #tpu.memory_space<vmem>> -> memref<1x8x128xi32, #tpu.memory_space<vmem>>
      %dma_start3A_130 = tpu.memref_squeeze %dma_start3A_129 : memref<1x8x128xi32, #tpu.memory_space<vmem>> -> memref<8x128xi32, #tpu.memory_space<vmem>>
      %dma_start3A_131 = arith.constant 0 : i32
      %dma_start3A_132 = tpu.memref_slice %arg3[%add3A_77, %dma_start3A_131] : memref<2512x128xi32, #tpu.memory_space<hbm>> -> memref<8x128xi32, #tpu.memory_space<hbm>>
      tpu.enqueue_dma source(%dma_start3A_132 : memref<8x128xi32, #tpu.memory_space<hbm>>) target(%dma_start3A_130 : memref<8x128xi32, #tpu.memory_space<vmem>>) target_semaphore(%run_scoped3A : memref<!tpu.dma_semaphore, #tpu.memory_space<semaphore_mem>>)
      %dma_wait3A = arith.constant 0 : i32
      %dma_wait3A_133 = arith.constant 0 : i32
      %dma_wait3A_134 = tpu.memref_slice %arg9[%rem3A_72, %dma_wait3A, %dma_wait3A_133] : memref<2x8x128xi32, #tpu.memory_space<vmem>> -> memref<1x8x128xi32, #tpu.memory_space<vmem>>
      %dma_wait3A_135 = tpu.memref_squeeze %dma_wait3A_134 : memref<1x8x128xi32, #tpu.memory_space<vmem>> -> memref<8x128xi32, #tpu.memory_space<vmem>>
      %dma_wait3A_136 = arith.constant 0 : i32
      %dma_wait3A_137 = tpu.memref_slice %arg3[%add3A_77, %dma_wait3A_136] : memref<2512x128xi32, #tpu.memory_space<hbm>> -> memref<8x128xi32, #tpu.memory_space<hbm>>
      %dma_wait3A_138 = arith.constant 0 : i32
      %dma_wait3A_139 = arith.constant 0 : i32
      %dma_wait3A_140 = tpu.memref_slice %arg9[%rem3A_72, %dma_wait3A_138, %dma_wait3A_139] : memref<2x8x128xi32, #tpu.memory_space<vmem>> -> memref<1x8x128xi32, #tpu.memory_space<vmem>>
      %dma_wait3A_141 = tpu.memref_squeeze %dma_wait3A_140 : memref<1x8x128xi32, #tpu.memory_space<vmem>> -> memref<8x128xi32, #tpu.memory_space<vmem>>
      %dma_wait3A_142 = arith.constant 0 : i32
      %dma_wait3A_143 = tpu.memref_slice %arg3[%add3A_77, %dma_wait3A_142] : memref<2512x128xi32, #tpu.memory_space<hbm>> -> memref<8x128xi32, #tpu.memory_space<hbm>>
      tpu.wait_dma2 semaphore(%run_scoped3A : memref<!tpu.dma_semaphore, #tpu.memory_space<semaphore_mem>>) src(%dma_wait3A_143 : memref<8x128xi32, #tpu.memory_space<hbm>>) dst(%dma_wait3A_141 : memref<8x128xi32, #tpu.memory_space<vmem>>)
      tpu.yield
    }) : () -> ()
    "tpu.region"() ({
      %run_scoped3A = tpu.sem_alloc : memref<!tpu.dma_semaphore, #tpu.memory_space<semaphore_mem>>
      %dma_start3A = arith.constant 0 : i32
      %dma_start3A_122 = arith.constant 0 : i32
      %dma_start3A_123 = tpu.memref_slice %arg10[%rem3A_72, %dma_start3A, %dma_start3A_122] : memref<2x8x128xi32, #tpu.memory_space<vmem>> -> memref<1x8x128xi32, #tpu.memory_space<vmem>>
      %dma_start3A_124 = tpu.memref_squeeze %dma_start3A_123 : memref<1x8x128xi32, #tpu.memory_space<vmem>> -> memref<8x128xi32, #tpu.memory_space<vmem>>
      %dma_start3A_125 = arith.constant 0 : i32
      %dma_start3A_126 = tpu.memref_slice %arg4[%add3A_76, %dma_start3A_125] : memref<1250x128xi32, #tpu.memory_space<hbm>> -> memref<8x128xi32, #tpu.memory_space<hbm>>
      %dma_start3A_127 = arith.constant 0 : i32
      %dma_start3A_128 = arith.constant 0 : i32
      %dma_start3A_129 = tpu.memref_slice %arg10[%rem3A_72, %dma_start3A_127, %dma_start3A_128] : memref<2x8x128xi32, #tpu.memory_space<vmem>> -> memref<1x8x128xi32, #tpu.memory_space<vmem>>
      %dma_start3A_130 = tpu.memref_squeeze %dma_start3A_129 : memref<1x8x128xi32, #tpu.memory_space<vmem>> -> memref<8x128xi32, #tpu.memory_space<vmem>>
      %dma_start3A_131 = arith.constant 0 : i32
      %dma_start3A_132 = tpu.memref_slice %arg4[%add3A_76, %dma_start3A_131] : memref<1250x128xi32, #tpu.memory_space<hbm>> -> memref<8x128xi32, #tpu.memory_space<hbm>>
      tpu.enqueue_dma source(%dma_start3A_132 : memref<8x128xi32, #tpu.memory_space<hbm>>) target(%dma_start3A_130 : memref<8x128xi32, #tpu.memory_space<vmem>>) target_semaphore(%run_scoped3A : memref<!tpu.dma_semaphore, #tpu.memory_space<semaphore_mem>>)
      %dma_wait3A = arith.constant 0 : i32
      %dma_wait3A_133 = arith.constant 0 : i32
      %dma_wait3A_134 = tpu.memref_slice %arg10[%rem3A_72, %dma_wait3A, %dma_wait3A_133] : memref<2x8x128xi32, #tpu.memory_space<vmem>> -> memref<1x8x128xi32, #tpu.memory_space<vmem>>
      %dma_wait3A_135 = tpu.memref_squeeze %dma_wait3A_134 : memref<1x8x128xi32, #tpu.memory_space<vmem>> -> memref<8x128xi32, #tpu.memory_space<vmem>>
      %dma_wait3A_136 = arith.constant 0 : i32
      %dma_wait3A_137 = tpu.memref_slice %arg4[%add3A_76, %dma_wait3A_136] : memref<1250x128xi32, #tpu.memory_space<hbm>> -> memref<8x128xi32, #tpu.memory_space<hbm>>
      %dma_wait3A_138 = arith.constant 0 : i32
      %dma_wait3A_139 = arith.constant 0 : i32
      %dma_wait3A_140 = tpu.memref_slice %arg10[%rem3A_72, %dma_wait3A_138, %dma_wait3A_139] : memref<2x8x128xi32, #tpu.memory_space<vmem>> -> memref<1x8x128xi32, #tpu.memory_space<vmem>>
      %dma_wait3A_141 = tpu.memref_squeeze %dma_wait3A_140 : memref<1x8x128xi32, #tpu.memory_space<vmem>> -> memref<8x128xi32, #tpu.memory_space<vmem>>
      %dma_wait3A_142 = arith.constant 0 : i32
      %dma_wait3A_143 = tpu.memref_slice %arg4[%add3A_76, %dma_wait3A_142] : memref<1250x128xi32, #tpu.memory_space<hbm>> -> memref<8x128xi32, #tpu.memory_space<hbm>>
      tpu.wait_dma2 semaphore(%run_scoped3A : memref<!tpu.dma_semaphore, #tpu.memory_space<semaphore_mem>>) src(%dma_wait3A_143 : memref<8x128xi32, #tpu.memory_space<hbm>>) dst(%dma_wait3A_141 : memref<8x128xi32, #tpu.memory_space<vmem>>)
      tpu.yield
    }) : () -> ()
    %while3A = arith.constant 0 : i32
    %while3A_78 = arith.constant 0 : i32
    %while3A_79 = arith.subi %select_n3A_69, %while3A_78 : i32
    %while3A_80 = arith.addi %while3A_78, %while3A_79 : i32
    %while3A_81 = arith.constant 1 : i32
    %while3A_82 = arith.divsi %while3A_79, %while3A_81 : i32
    %while3A_83 = arith.muli %while3A_82, %while3A_81 : i32
    %while3A_84 = arith.addi %while3A_78, %while3A_83 : i32
    %while3A_85 = arith.constant 1 : i32
    scf.for %while3A_122 = %while3A_78 to %while3A_84 step %while3A_85  : i32 {
      %rem3A_123 = arith.constant 2 : i32
      %rem3A_124 = arith.remsi %while3A_122, %rem3A_123 : i32
      %dma_start3A = arith.constant 0 : i32
      %dma_start3A_125 = arith.constant 0 : i32
      %dma_start3A_126 = arith.constant 0 : i32
      %dma_start3A_127 = arith.constant 0 : i32
      %dma_start3A_128 = tpu.memref_slice %arg13[%dma_start3A_125, %dma_start3A_126, %dma_start3A_127] : memref<2x128x128xf32, #tpu.memory_space<vmem>> -> memref<1x128x128xf32, #tpu.memory_space<vmem>>
      %dma_start3A_129 = tpu.memref_squeeze %dma_start3A_128 : memref<1x128x128xf32, #tpu.memory_space<vmem>> -> memref<128x128xf32, #tpu.memory_space<vmem>>
      %dma_start3A_130 = arith.constant 0 : i32
      %dma_start3A_131 = tpu.memref_slice %arg9[%rem3A_124, %dma_start3A, %dma_start3A_130] : memref<2x8x128xi32, #tpu.memory_space<vmem>> -> memref<1x1x128xi32, #tpu.memory_space<vmem>>
      %dma_start3A_132 = tpu.memref_squeeze %dma_start3A_131 : memref<1x1x128xi32, #tpu.memory_space<vmem>> -> memref<128xi32, #tpu.memory_space<vmem>>
      %dma_start3A_133 = arith.constant 0 : i32
      %dma_start3A_134 = arith.constant 0 : i32
      %dma_start3A_135 = tpu.memref_slice %arg2[%dma_start3A_133, %dma_start3A_134] : memref<20000x128xf32, #tpu.memory_space<hbm>> -> memref<20000x128xf32, #tpu.memory_space<hbm>>
      tpu.enqueue_indirect_dma source(%dma_start3A_135 : memref<20000x128xf32, #tpu.memory_space<hbm>>) target(%dma_start3A_129 : memref<128x128xf32, #tpu.memory_space<vmem>>) offsets(%dma_start3A_132 : memref<128xi32, #tpu.memory_space<vmem>>) semaphore(%arg16 : memref<!tpu.dma_semaphore, #tpu.memory_space<semaphore_mem>>)
      %add3A_136 = arith.constant 1 : i32
      %add3A_137 = arith.addi %while3A_122, %add3A_136 : i32
      %lt3A_138 = arith.cmpi slt, %add3A_137, %select_n3A_69 : i32
      %convert_element_type3A_139 = arith.extui %lt3A_138 : i1 to i32
      %cond3A_140 = arith.constant 0 : i32
      %cond3A_141 = arith.cmpi ne, %convert_element_type3A_139, %cond3A_140 : i32
      scf.if %cond3A_141 {
        %add3A_443 = arith.constant 1 : i32
        %add3A_444 = arith.addi %while3A_122, %add3A_443 : i32
        %rem3A_445 = arith.constant 2 : i32
        %rem3A_446 = arith.remsi %add3A_444, %rem3A_445 : i32
        %mul3A_447 = arith.constant 8 : i32
        %mul3A_448 = arith.muli %add3A_444, %mul3A_447 : i32
        %add3A_449 = arith.addi %select_n3A_31, %mul3A_448 : i32
        %add3A_450 = arith.addi %mul3A_0, %add3A_449 : i32
        "tpu.region"() ({
          %run_scoped3A_451 = tpu.sem_alloc : memref<!tpu.dma_semaphore, #tpu.memory_space<semaphore_mem>>
          %dma_start3A_452 = arith.constant 0 : i32
          %dma_start3A_453 = arith.constant 0 : i32
          %dma_start3A_454 = tpu.memref_slice %arg9[%rem3A_446, %dma_start3A_452, %dma_start3A_453] : memref<2x8x128xi32, #tpu.memory_space<vmem>> -> memref<1x8x128xi32, #tpu.memory_space<vmem>>
          %dma_start3A_455 = tpu.memref_squeeze %dma_start3A_454 : memref<1x8x128xi32, #tpu.memory_space<vmem>> -> memref<8x128xi32, #tpu.memory_space<vmem>>
          %dma_start3A_456 = arith.constant 0 : i32
          %dma_start3A_457 = tpu.memref_slice %arg3[%add3A_450, %dma_start3A_456] : memref<2512x128xi32, #tpu.memory_space<hbm>> -> memref<8x128xi32, #tpu.memory_space<hbm>>
          %dma_start3A_458 = arith.constant 0 : i32
          %dma_start3A_459 = arith.constant 0 : i32
          %dma_start3A_460 = tpu.memref_slice %arg9[%rem3A_446, %dma_start3A_458, %dma_start3A_459] : memref<2x8x128xi32, #tpu.memory_space<vmem>> -> memref<1x8x128xi32, #tpu.memory_space<vmem>>
          %dma_start3A_461 = tpu.memref_squeeze %dma_start3A_460 : memref<1x8x128xi32, #tpu.memory_space<vmem>> -> memref<8x128xi32, #tpu.memory_space<vmem>>
          %dma_start3A_462 = arith.constant 0 : i32
          %dma_start3A_463 = tpu.memref_slice %arg3[%add3A_450, %dma_start3A_462] : memref<2512x128xi32, #tpu.memory_space<hbm>> -> memref<8x128xi32, #tpu.memory_space<hbm>>
          tpu.enqueue_dma source(%dma_start3A_463 : memref<8x128xi32, #tpu.memory_space<hbm>>) target(%dma_start3A_461 : memref<8x128xi32, #tpu.memory_space<vmem>>) target_semaphore(%run_scoped3A_451 : memref<!tpu.dma_semaphore, #tpu.memory_space<semaphore_mem>>)
          %dma_wait3A_464 = arith.constant 0 : i32
          %dma_wait3A_465 = arith.constant 0 : i32
          %dma_wait3A_466 = tpu.memref_slice %arg9[%rem3A_446, %dma_wait3A_464, %dma_wait3A_465] : memref<2x8x128xi32, #tpu.memory_space<vmem>> -> memref<1x8x128xi32, #tpu.memory_space<vmem>>
          %dma_wait3A_467 = tpu.memref_squeeze %dma_wait3A_466 : memref<1x8x128xi32, #tpu.memory_space<vmem>> -> memref<8x128xi32, #tpu.memory_space<vmem>>
          %dma_wait3A_468 = arith.constant 0 : i32
          %dma_wait3A_469 = tpu.memref_slice %arg3[%add3A_450, %dma_wait3A_468] : memref<2512x128xi32, #tpu.memory_space<hbm>> -> memref<8x128xi32, #tpu.memory_space<hbm>>
          %dma_wait3A_470 = arith.constant 0 : i32
          %dma_wait3A_471 = arith.constant 0 : i32
          %dma_wait3A_472 = tpu.memref_slice %arg9[%rem3A_446, %dma_wait3A_470, %dma_wait3A_471] : memref<2x8x128xi32, #tpu.memory_space<vmem>> -> memref<1x8x128xi32, #tpu.memory_space<vmem>>
          %dma_wait3A_473 = tpu.memref_squeeze %dma_wait3A_472 : memref<1x8x128xi32, #tpu.memory_space<vmem>> -> memref<8x128xi32, #tpu.memory_space<vmem>>
          %dma_wait3A_474 = arith.constant 0 : i32
          %dma_wait3A_475 = tpu.memref_slice %arg3[%add3A_450, %dma_wait3A_474] : memref<2512x128xi32, #tpu.memory_space<hbm>> -> memref<8x128xi32, #tpu.memory_space<hbm>>
          tpu.wait_dma2 semaphore(%run_scoped3A_451 : memref<!tpu.dma_semaphore, #tpu.memory_space<semaphore_mem>>) src(%dma_wait3A_475 : memref<8x128xi32, #tpu.memory_space<hbm>>) dst(%dma_wait3A_473 : memref<8x128xi32, #tpu.memory_space<vmem>>)
          tpu.yield
        }) : () -> ()
        "tpu.region"() ({
          %run_scoped3A_451 = tpu.sem_alloc : memref<!tpu.dma_semaphore, #tpu.memory_space<semaphore_mem>>
          %dma_start3A_452 = arith.constant 0 : i32
          %dma_start3A_453 = arith.constant 0 : i32
          %dma_start3A_454 = tpu.memref_slice %arg10[%rem3A_446, %dma_start3A_452, %dma_start3A_453] : memref<2x8x128xi32, #tpu.memory_space<vmem>> -> memref<1x8x128xi32, #tpu.memory_space<vmem>>
          %dma_start3A_455 = tpu.memref_squeeze %dma_start3A_454 : memref<1x8x128xi32, #tpu.memory_space<vmem>> -> memref<8x128xi32, #tpu.memory_space<vmem>>
          %dma_start3A_456 = arith.constant 0 : i32
          %dma_start3A_457 = tpu.memref_slice %arg4[%add3A_449, %dma_start3A_456] : memref<1250x128xi32, #tpu.memory_space<hbm>> -> memref<8x128xi32, #tpu.memory_space<hbm>>
          %dma_start3A_458 = arith.constant 0 : i32
          %dma_start3A_459 = arith.constant 0 : i32
          %dma_start3A_460 = tpu.memref_slice %arg10[%rem3A_446, %dma_start3A_458, %dma_start3A_459] : memref<2x8x128xi32, #tpu.memory_space<vmem>> -> memref<1x8x128xi32, #tpu.memory_space<vmem>>
          %dma_start3A_461 = tpu.memref_squeeze %dma_start3A_460 : memref<1x8x128xi32, #tpu.memory_space<vmem>> -> memref<8x128xi32, #tpu.memory_space<vmem>>
          %dma_start3A_462 = arith.constant 0 : i32
          %dma_start3A_463 = tpu.memref_slice %arg4[%add3A_449, %dma_start3A_462] : memref<1250x128xi32, #tpu.memory_space<hbm>> -> memref<8x128xi32, #tpu.memory_space<hbm>>
          tpu.enqueue_dma source(%dma_start3A_463 : memref<8x128xi32, #tpu.memory_space<hbm>>) target(%dma_start3A_461 : memref<8x128xi32, #tpu.memory_space<vmem>>) target_semaphore(%run_scoped3A_451 : memref<!tpu.dma_semaphore, #tpu.memory_space<semaphore_mem>>)
          %dma_wait3A_464 = arith.constant 0 : i32
          %dma_wait3A_465 = arith.constant 0 : i32
          %dma_wait3A_466 = tpu.memref_slice %arg10[%rem3A_446, %dma_wait3A_464, %dma_wait3A_465] : memref<2x8x128xi32, #tpu.memory_space<vmem>> -> memref<1x8x128xi32, #tpu.memory_space<vmem>>
          %dma_wait3A_467 = tpu.memref_squeeze %dma_wait3A_466 : memref<1x8x128xi32, #tpu.memory_space<vmem>> -> memref<8x128xi32, #tpu.memory_space<vmem>>
          %dma_wait3A_468 = arith.constant 0 : i32
          %dma_wait3A_469 = tpu.memref_slice %arg4[%add3A_449, %dma_wait3A_468] : memref<1250x128xi32, #tpu.memory_space<hbm>> -> memref<8x128xi32, #tpu.memory_space<hbm>>
          %dma_wait3A_470 = arith.constant 0 : i32
          %dma_wait3A_471 = arith.constant 0 : i32
          %dma_wait3A_472 = tpu.memref_slice %arg10[%rem3A_446, %dma_wait3A_470, %dma_wait3A_471] : memref<2x8x128xi32, #tpu.memory_space<vmem>> -> memref<1x8x128xi32, #tpu.memory_space<vmem>>
          %dma_wait3A_473 = tpu.memref_squeeze %dma_wait3A_472 : memref<1x8x128xi32, #tpu.memory_space<vmem>> -> memref<8x128xi32, #tpu.memory_space<vmem>>
          %dma_wait3A_474 = arith.constant 0 : i32
          %dma_wait3A_475 = tpu.memref_slice %arg4[%add3A_449, %dma_wait3A_474] : memref<1250x128xi32, #tpu.memory_space<hbm>> -> memref<8x128xi32, #tpu.memory_space<hbm>>
          tpu.wait_dma2 semaphore(%run_scoped3A_451 : memref<!tpu.dma_semaphore, #tpu.memory_space<semaphore_mem>>) src(%dma_wait3A_475 : memref<8x128xi32, #tpu.memory_space<hbm>>) dst(%dma_wait3A_473 : memref<8x128xi32, #tpu.memory_space<vmem>>)
          tpu.yield
        }) : () -> ()
      } else {
      }
      %rem3A_142 = arith.constant 2 : i32
      %rem3A_143 = arith.remsi %while3A_122, %rem3A_142 : i32
      %dma_start3A_144 = arith.constant 1 : i32
      %dma_start3A_145 = arith.constant 1 : i32
      %dma_start3A_146 = arith.constant 0 : i32
      %dma_start3A_147 = arith.constant 0 : i32
      %dma_start3A_148 = tpu.memref_slice %arg13[%dma_start3A_145, %dma_start3A_146, %dma_start3A_147] : memref<2x128x128xf32, #tpu.memory_space<vmem>> -> memref<1x128x128xf32, #tpu.memory_space<vmem>>
      %dma_start3A_149 = tpu.memref_squeeze %dma_start3A_148 : memref<1x128x128xf32, #tpu.memory_space<vmem>> -> memref<128x128xf32, #tpu.memory_space<vmem>>
      %dma_start3A_150 = arith.constant 0 : i32
      %dma_start3A_151 = tpu.memref_slice %arg9[%rem3A_143, %dma_start3A_144, %dma_start3A_150] : memref<2x8x128xi32, #tpu.memory_space<vmem>> -> memref<1x1x128xi32, #tpu.memory_space<vmem>>
      %dma_start3A_152 = tpu.memref_squeeze %dma_start3A_151 : memref<1x1x128xi32, #tpu.memory_space<vmem>> -> memref<128xi32, #tpu.memory_space<vmem>>
      %dma_start3A_153 = arith.constant 0 : i32
      %dma_start3A_154 = arith.constant 0 : i32
      %dma_start3A_155 = tpu.memref_slice %arg2[%dma_start3A_153, %dma_start3A_154] : memref<20000x128xf32, #tpu.memory_space<hbm>> -> memref<20000x128xf32, #tpu.memory_space<hbm>>
      tpu.enqueue_indirect_dma source(%dma_start3A_155 : memref<20000x128xf32, #tpu.memory_space<hbm>>) target(%dma_start3A_149 : memref<128x128xf32, #tpu.memory_space<vmem>>) offsets(%dma_start3A_152 : memref<128xi32, #tpu.memory_space<vmem>>) semaphore(%arg17 : memref<!tpu.dma_semaphore, #tpu.memory_space<semaphore_mem>>)
      %dma_wait3A = arith.constant 0 : i32
      %dma_wait3A_156 = arith.constant 0 : i32
      %dma_wait3A_157 = arith.constant 0 : i32
      %dma_wait3A_158 = arith.constant 0 : i32
      %dma_wait3A_159 = tpu.memref_slice %arg13[%dma_wait3A_156, %dma_wait3A_157, %dma_wait3A_158] : memref<2x128x128xf32, #tpu.memory_space<vmem>> -> memref<1x128x128xf32, #tpu.memory_space<vmem>>
      %dma_wait3A_160 = tpu.memref_squeeze %dma_wait3A_159 : memref<1x128x128xf32, #tpu.memory_space<vmem>> -> memref<128x128xf32, #tpu.memory_space<vmem>>
      %dma_wait3A_161 = arith.constant 0 : i32
      %dma_wait3A_162 = tpu.memref_slice %arg9[%rem3A_124, %dma_wait3A, %dma_wait3A_161] : memref<2x8x128xi32, #tpu.memory_space<vmem>> -> memref<1x1x128xi32, #tpu.memory_space<vmem>>
      %dma_wait3A_163 = tpu.memref_squeeze %dma_wait3A_162 : memref<1x1x128xi32, #tpu.memory_space<vmem>> -> memref<128xi32, #tpu.memory_space<vmem>>
      %dma_wait3A_164 = arith.constant 0 : i32
      %dma_wait3A_165 = arith.constant 0 : i32
      %dma_wait3A_166 = tpu.memref_slice %arg2[%dma_wait3A_164, %dma_wait3A_165] : memref<20000x128xf32, #tpu.memory_space<hbm>> -> memref<20000x128xf32, #tpu.memory_space<hbm>>
      tpu.wait_indirect_dma semaphore(%arg16 : memref<!tpu.dma_semaphore, #tpu.memory_space<semaphore_mem>>) src(%dma_wait3A_166 : memref<20000x128xf32, #tpu.memory_space<hbm>>) dst(%dma_wait3A_160 : memref<128x128xf32, #tpu.memory_space<vmem>>)
      %rem3A_167 = arith.constant 2 : i32
      %rem3A_168 = arith.remsi %while3A_122, %rem3A_167 : i32
      %run_scoped3A = arith.constant 0 : i32
      %run_scoped3A_169 = arith.constant 0 : i32
      "tpu.region"() ({
        %run_scoped3A_443 = tpu.sem_alloc : memref<!tpu.dma_semaphore, #tpu.memory_space<semaphore_mem>>
        %dma_start3A_444 = arith.constant 0 : i32
        %dma_start3A_445 = arith.constant 0 : i32
        %dma_start3A_446 = tpu.memref_slice %arg13[%run_scoped3A, %dma_start3A_444, %dma_start3A_445] : memref<2x128x128xf32, #tpu.memory_space<vmem>> -> memref<1x128x128xf32, #tpu.memory_space<vmem>>
        %dma_start3A_447 = tpu.memref_squeeze %dma_start3A_446 : memref<1x128x128xf32, #tpu.memory_space<vmem>> -> memref<128x128xf32, #tpu.memory_space<vmem>>
        %dma_start3A_448 = arith.constant 0 : i32
        %dma_start3A_449 = tpu.memref_slice %arg10[%rem3A_168, %run_scoped3A_169, %dma_start3A_448] : memref<2x8x128xi32, #tpu.memory_space<vmem>> -> memref<1x1x128xi32, #tpu.memory_space<vmem>>
        %dma_start3A_450 = tpu.memref_squeeze %dma_start3A_449 : memref<1x1x128xi32, #tpu.memory_space<vmem>> -> memref<128xi32, #tpu.memory_space<vmem>>
        %dma_start3A_451 = arith.constant 0 : i32
        %dma_start3A_452 = arith.constant 0 : i32
        %dma_start3A_453 = tpu.memref_slice %arg7[%dma_start3A_451, %dma_start3A_452] : memref<10000x128xf32, #tpu.memory_space<vmem_shared>> -> memref<10000x128xf32, #tpu.memory_space<vmem_shared>>
        tpu.enqueue_indirect_dma source(%dma_start3A_447 : memref<128x128xf32, #tpu.memory_space<vmem>>) target(%dma_start3A_453 : memref<10000x128xf32, #tpu.memory_space<vmem_shared>>) offsets(%dma_start3A_450 : memref<128xi32, #tpu.memory_space<vmem>>) semaphore(%run_scoped3A_443 : memref<!tpu.dma_semaphore, #tpu.memory_space<semaphore_mem>>) {add = true}
        %dma_wait3A_454 = arith.constant 0 : i32
        %dma_wait3A_455 = arith.constant 0 : i32
        %dma_wait3A_456 = tpu.memref_slice %arg13[%run_scoped3A, %dma_wait3A_454, %dma_wait3A_455] : memref<2x128x128xf32, #tpu.memory_space<vmem>> -> memref<1x128x128xf32, #tpu.memory_space<vmem>>
        %dma_wait3A_457 = tpu.memref_squeeze %dma_wait3A_456 : memref<1x128x128xf32, #tpu.memory_space<vmem>> -> memref<128x128xf32, #tpu.memory_space<vmem>>
        %dma_wait3A_458 = arith.constant 0 : i32
        %dma_wait3A_459 = tpu.memref_slice %arg10[%rem3A_168, %run_scoped3A_169, %dma_wait3A_458] : memref<2x8x128xi32, #tpu.memory_space<vmem>> -> memref<1x1x128xi32, #tpu.memory_space<vmem>>
        %dma_wait3A_460 = tpu.memref_squeeze %dma_wait3A_459 : memref<1x1x128xi32, #tpu.memory_space<vmem>> -> memref<128xi32, #tpu.memory_space<vmem>>
        %dma_wait3A_461 = arith.constant 0 : i32
        %dma_wait3A_462 = arith.constant 0 : i32
        %dma_wait3A_463 = tpu.memref_slice %arg7[%dma_wait3A_461, %dma_wait3A_462] : memref<10000x128xf32, #tpu.memory_space<vmem_shared>> -> memref<10000x128xf32, #tpu.memory_space<vmem_shared>>
        tpu.wait_indirect_dma semaphore(%run_scoped3A_443 : memref<!tpu.dma_semaphore, #tpu.memory_space<semaphore_mem>>) src(%dma_wait3A_457 : memref<128x128xf32, #tpu.memory_space<vmem>>) dst(%dma_wait3A_463 : memref<10000x128xf32, #tpu.memory_space<vmem_shared>>)
        tpu.yield
      }) : () -> ()
      %rem3A_170 = arith.constant 2 : i32
      %rem3A_171 = arith.remsi %while3A_122, %rem3A_170 : i32
      %eq3A_172 = arith.constant 0 : i32
      %eq3A_173 = arith.cmpi eq, %arg0, %eq3A_172 : i32
      %convert_element_type3A_174 = arith.extui %eq3A_173 : i1 to i32
      %cond3A_175 = arith.constant 0 : i32
      %cond3A_176 = arith.constant 0 : i32
      %cond3A_177 = arith.cmpi ne, %convert_element_type3A_174, %cond3A_176 : i32
      scf.if %cond3A_177 {
        %dma_start3A_443 = arith.constant 0 : i32
        %dma_start3A_444 = tpu.memref_slice %arg10[%rem3A_171, %cond3A_175, %dma_start3A_443] : memref<2x8x128xi32, #tpu.memory_space<vmem>> -> memref<1x1x128xi32, #tpu.memory_space<vmem>>
        %dma_start3A_445 = tpu.memref_squeeze %dma_start3A_444 : memref<1x1x128xi32, #tpu.memory_space<vmem>> -> memref<128xi32, #tpu.memory_space<vmem>>
        %dma_start3A_446 = arith.constant 0 : i32
        %dma_start3A_447 = tpu.memref_slice %arg8[%dma_start3A_446] : memref<10000xf32, #tpu.memory_space<vmem_shared>> -> memref<10000xf32, #tpu.memory_space<vmem_shared>>
        tpu.enqueue_indirect_dma source(%arg14 : memref<128xf32, #tpu.memory_space<vmem>>) target(%dma_start3A_447 : memref<10000xf32, #tpu.memory_space<vmem_shared>>) offsets(%dma_start3A_445 : memref<128xi32, #tpu.memory_space<vmem>>) semaphore(%arg18 : memref<!tpu.dma_semaphore, #tpu.memory_space<semaphore_mem>>) {add = true}
      } else {
      }
      %rem3A_178 = arith.constant 2 : i32
      %rem3A_179 = arith.remsi %while3A_122, %rem3A_178 : i32
      %dma_start3A_180 = arith.constant 2 : i32
      %dma_start3A_181 = arith.constant 0 : i32
      %dma_start3A_182 = arith.constant 0 : i32
      %dma_start3A_183 = arith.constant 0 : i32
      %dma_start3A_184 = tpu.memref_slice %arg13[%dma_start3A_181, %dma_start3A_182, %dma_start3A_183] : memref<2x128x128xf32, #tpu.memory_space<vmem>> -> memref<1x128x128xf32, #tpu.memory_space<vmem>>
      %dma_start3A_185 = tpu.memref_squeeze %dma_start3A_184 : memref<1x128x128xf32, #tpu.memory_space<vmem>> -> memref<128x128xf32, #tpu.memory_space<vmem>>
      %dma_start3A_186 = arith.constant 0 : i32
      %dma_start3A_187 = tpu.memref_slice %arg9[%rem3A_179, %dma_start3A_180, %dma_start3A_186] : memref<2x8x128xi32, #tpu.memory_space<vmem>> -> memref<1x1x128xi32, #tpu.memory_space<vmem>>
      %dma_start3A_188 = tpu.memref_squeeze %dma_start3A_187 : memref<1x1x128xi32, #tpu.memory_space<vmem>> -> memref<128xi32, #tpu.memory_space<vmem>>
      %dma_start3A_189 = arith.constant 0 : i32
      %dma_start3A_190 = arith.constant 0 : i32
      %dma_start3A_191 = tpu.memref_slice %arg2[%dma_start3A_189, %dma_start3A_190] : memref<20000x128xf32, #tpu.memory_space<hbm>> -> memref<20000x128xf32, #tpu.memory_space<hbm>>
      tpu.enqueue_indirect_dma source(%dma_start3A_191 : memref<20000x128xf32, #tpu.memory_space<hbm>>) target(%dma_start3A_185 : memref<128x128xf32, #tpu.memory_space<vmem>>) offsets(%dma_start3A_188 : memref<128xi32, #tpu.memory_space<vmem>>) semaphore(%arg16 : memref<!tpu.dma_semaphore, #tpu.memory_space<semaphore_mem>>)
      %dma_wait3A_192 = arith.constant 1 : i32
      %dma_wait3A_193 = arith.constant 1 : i32
      %dma_wait3A_194 = arith.constant 0 : i32
      %dma_wait3A_195 = arith.constant 0 : i32
      %dma_wait3A_196 = tpu.memref_slice %arg13[%dma_wait3A_193, %dma_wait3A_194, %dma_wait3A_195] : memref<2x128x128xf32, #tpu.memory_space<vmem>> -> memref<1x128x128xf32, #tpu.memory_space<vmem>>
      %dma_wait3A_197 = tpu.memref_squeeze %dma_wait3A_196 : memref<1x128x128xf32, #tpu.memory_space<vmem>> -> memref<128x128xf32, #tpu.memory_space<vmem>>
      %dma_wait3A_198 = arith.constant 0 : i32
      %dma_wait3A_199 = tpu.memref_slice %arg9[%rem3A_143, %dma_wait3A_192, %dma_wait3A_198] : memref<2x8x128xi32, #tpu.memory_space<vmem>> -> memref<1x1x128xi32, #tpu.memory_space<vmem>>
      %dma_wait3A_200 = tpu.memref_squeeze %dma_wait3A_199 : memref<1x1x128xi32, #tpu.memory_space<vmem>> -> memref<128xi32, #tpu.memory_space<vmem>>
      %dma_wait3A_201 = arith.constant 0 : i32
      %dma_wait3A_202 = arith.constant 0 : i32
      %dma_wait3A_203 = tpu.memref_slice %arg2[%dma_wait3A_201, %dma_wait3A_202] : memref<20000x128xf32, #tpu.memory_space<hbm>> -> memref<20000x128xf32, #tpu.memory_space<hbm>>
      tpu.wait_indirect_dma semaphore(%arg17 : memref<!tpu.dma_semaphore, #tpu.memory_space<semaphore_mem>>) src(%dma_wait3A_203 : memref<20000x128xf32, #tpu.memory_space<hbm>>) dst(%dma_wait3A_197 : memref<128x128xf32, #tpu.memory_space<vmem>>)
      %rem3A_204 = arith.constant 2 : i32
      %rem3A_205 = arith.remsi %while3A_122, %rem3A_204 : i32
      %run_scoped3A_206 = arith.constant 1 : i32
      %run_scoped3A_207 = arith.constant 1 : i32
      "tpu.region"() ({
        %run_scoped3A_443 = tpu.sem_alloc : memref<!tpu.dma_semaphore, #tpu.memory_space<semaphore_mem>>
        %dma_start3A_444 = arith.constant 0 : i32
        %dma_start3A_445 = arith.constant 0 : i32
        %dma_start3A_446 = tpu.memref_slice %arg13[%run_scoped3A_206, %dma_start3A_444, %dma_start3A_445] : memref<2x128x128xf32, #tpu.memory_space<vmem>> -> memref<1x128x128xf32, #tpu.memory_space<vmem>>
        %dma_start3A_447 = tpu.memref_squeeze %dma_start3A_446 : memref<1x128x128xf32, #tpu.memory_space<vmem>> -> memref<128x128xf32, #tpu.memory_space<vmem>>
        %dma_start3A_448 = arith.constant 0 : i32
        %dma_start3A_449 = tpu.memref_slice %arg10[%rem3A_205, %run_scoped3A_207, %dma_start3A_448] : memref<2x8x128xi32, #tpu.memory_space<vmem>> -> memref<1x1x128xi32, #tpu.memory_space<vmem>>
        %dma_start3A_450 = tpu.memref_squeeze %dma_start3A_449 : memref<1x1x128xi32, #tpu.memory_space<vmem>> -> memref<128xi32, #tpu.memory_space<vmem>>
        %dma_start3A_451 = arith.constant 0 : i32
        %dma_start3A_452 = arith.constant 0 : i32
        %dma_start3A_453 = tpu.memref_slice %arg7[%dma_start3A_451, %dma_start3A_452] : memref<10000x128xf32, #tpu.memory_space<vmem_shared>> -> memref<10000x128xf32, #tpu.memory_space<vmem_shared>>
        tpu.enqueue_indirect_dma source(%dma_start3A_447 : memref<128x128xf32, #tpu.memory_space<vmem>>) target(%dma_start3A_453 : memref<10000x128xf32, #tpu.memory_space<vmem_shared>>) offsets(%dma_start3A_450 : memref<128xi32, #tpu.memory_space<vmem>>) semaphore(%run_scoped3A_443 : memref<!tpu.dma_semaphore, #tpu.memory_space<semaphore_mem>>) {add = true}
        %dma_wait3A_454 = arith.constant 0 : i32
        %dma_wait3A_455 = arith.constant 0 : i32
        %dma_wait3A_456 = tpu.memref_slice %arg13[%run_scoped3A_206, %dma_wait3A_454, %dma_wait3A_455] : memref<2x128x128xf32, #tpu.memory_space<vmem>> -> memref<1x128x128xf32, #tpu.memory_space<vmem>>
        %dma_wait3A_457 = tpu.memref_squeeze %dma_wait3A_456 : memref<1x128x128xf32, #tpu.memory_space<vmem>> -> memref<128x128xf32, #tpu.memory_space<vmem>>
        %dma_wait3A_458 = arith.constant 0 : i32
        %dma_wait3A_459 = tpu.memref_slice %arg10[%rem3A_205, %run_scoped3A_207, %dma_wait3A_458] : memref<2x8x128xi32, #tpu.memory_space<vmem>> -> memref<1x1x128xi32, #tpu.memory_space<vmem>>
        %dma_wait3A_460 = tpu.memref_squeeze %dma_wait3A_459 : memref<1x1x128xi32, #tpu.memory_space<vmem>> -> memref<128xi32, #tpu.memory_space<vmem>>
        %dma_wait3A_461 = arith.constant 0 : i32
        %dma_wait3A_462 = arith.constant 0 : i32
        %dma_wait3A_463 = tpu.memref_slice %arg7[%dma_wait3A_461, %dma_wait3A_462] : memref<10000x128xf32, #tpu.memory_space<vmem_shared>> -> memref<10000x128xf32, #tpu.memory_space<vmem_shared>>
        tpu.wait_indirect_dma semaphore(%run_scoped3A_443 : memref<!tpu.dma_semaphore, #tpu.memory_space<semaphore_mem>>) src(%dma_wait3A_457 : memref<128x128xf32, #tpu.memory_space<vmem>>) dst(%dma_wait3A_463 : memref<10000x128xf32, #tpu.memory_space<vmem_shared>>)
        tpu.yield
      }) : () -> ()
      %rem3A_208 = arith.constant 2 : i32
      %rem3A_209 = arith.remsi %while3A_122, %rem3A_208 : i32
      %eq3A_210 = arith.constant 0 : i32
      %eq3A_211 = arith.cmpi eq, %arg0, %eq3A_210 : i32
      %convert_element_type3A_212 = arith.extui %eq3A_211 : i1 to i32
      %cond3A_213 = arith.constant 0 : i32
      %cond3A_214 = arith.constant 1 : i32
      %cond3A_215 = arith.constant 0 : i32
      %cond3A_216 = arith.cmpi ne, %convert_element_type3A_212, %cond3A_215 : i32
      scf.if %cond3A_216 {
        %dma_wait3A_443 = arith.constant 0 : i32
        %dma_wait3A_444 = tpu.memref_slice %arg10[%rem3A_171, %cond3A_213, %dma_wait3A_443] : memref<2x8x128xi32, #tpu.memory_space<vmem>> -> memref<1x1x128xi32, #tpu.memory_space<vmem>>
        %dma_wait3A_445 = tpu.memref_squeeze %dma_wait3A_444 : memref<1x1x128xi32, #tpu.memory_space<vmem>> -> memref<128xi32, #tpu.memory_space<vmem>>
        %dma_wait3A_446 = arith.constant 0 : i32
        %dma_wait3A_447 = tpu.memref_slice %arg8[%dma_wait3A_446] : memref<10000xf32, #tpu.memory_space<vmem_shared>> -> memref<10000xf32, #tpu.memory_space<vmem_shared>>
        tpu.wait_indirect_dma semaphore(%arg18 : memref<!tpu.dma_semaphore, #tpu.memory_space<semaphore_mem>>) src(%arg14 : memref<128xf32, #tpu.memory_space<vmem>>) dst(%dma_wait3A_447 : memref<10000xf32, #tpu.memory_space<vmem_shared>>)
        %dma_start3A_448 = arith.constant 0 : i32
        %dma_start3A_449 = tpu.memref_slice %arg10[%rem3A_209, %cond3A_214, %dma_start3A_448] : memref<2x8x128xi32, #tpu.memory_space<vmem>> -> memref<1x1x128xi32, #tpu.memory_space<vmem>>
        %dma_start3A_450 = tpu.memref_squeeze %dma_start3A_449 : memref<1x1x128xi32, #tpu.memory_space<vmem>> -> memref<128xi32, #tpu.memory_space<vmem>>
        %dma_start3A_451 = arith.constant 0 : i32
        %dma_start3A_452 = tpu.memref_slice %arg8[%dma_start3A_451] : memref<10000xf32, #tpu.memory_space<vmem_shared>> -> memref<10000xf32, #tpu.memory_space<vmem_shared>>
        tpu.enqueue_indirect_dma source(%arg14 : memref<128xf32, #tpu.memory_space<vmem>>) target(%dma_start3A_452 : memref<10000xf32, #tpu.memory_space<vmem_shared>>) offsets(%dma_start3A_450 : memref<128xi32, #tpu.memory_space<vmem>>) semaphore(%arg18 : memref<!tpu.dma_semaphore, #tpu.memory_space<semaphore_mem>>) {add = true}
      } else {
      }
      %rem3A_217 = arith.constant 2 : i32
      %rem3A_218 = arith.remsi %while3A_122, %rem3A_217 : i32
      %dma_start3A_219 = arith.constant 3 : i32
      %dma_start3A_220 = arith.constant 1 : i32
      %dma_start3A_221 = arith.constant 0 : i32
      %dma_start3A_222 = arith.constant 0 : i32
      %dma_start3A_223 = tpu.memref_slice %arg13[%dma_start3A_220, %dma_start3A_221, %dma_start3A_222] : memref<2x128x128xf32, #tpu.memory_space<vmem>> -> memref<1x128x128xf32, #tpu.memory_space<vmem>>
      %dma_start3A_224 = tpu.memref_squeeze %dma_start3A_223 : memref<1x128x128xf32, #tpu.memory_space<vmem>> -> memref<128x128xf32, #tpu.memory_space<vmem>>
      %dma_start3A_225 = arith.constant 0 : i32
      %dma_start3A_226 = tpu.memref_slice %arg9[%rem3A_218, %dma_start3A_219, %dma_start3A_225] : memref<2x8x128xi32, #tpu.memory_space<vmem>> -> memref<1x1x128xi32, #tpu.memory_space<vmem>>
      %dma_start3A_227 = tpu.memref_squeeze %dma_start3A_226 : memref<1x1x128xi32, #tpu.memory_space<vmem>> -> memref<128xi32, #tpu.memory_space<vmem>>
      %dma_start3A_228 = arith.constant 0 : i32
      %dma_start3A_229 = arith.constant 0 : i32
      %dma_start3A_230 = tpu.memref_slice %arg2[%dma_start3A_228, %dma_start3A_229] : memref<20000x128xf32, #tpu.memory_space<hbm>> -> memref<20000x128xf32, #tpu.memory_space<hbm>>
      tpu.enqueue_indirect_dma source(%dma_start3A_230 : memref<20000x128xf32, #tpu.memory_space<hbm>>) target(%dma_start3A_224 : memref<128x128xf32, #tpu.memory_space<vmem>>) offsets(%dma_start3A_227 : memref<128xi32, #tpu.memory_space<vmem>>) semaphore(%arg17 : memref<!tpu.dma_semaphore, #tpu.memory_space<semaphore_mem>>)
      %dma_wait3A_231 = arith.constant 2 : i32
      %dma_wait3A_232 = arith.constant 0 : i32
      %dma_wait3A_233 = arith.constant 0 : i32
      %dma_wait3A_234 = arith.constant 0 : i32
      %dma_wait3A_235 = tpu.memref_slice %arg13[%dma_wait3A_232, %dma_wait3A_233, %dma_wait3A_234] : memref<2x128x128xf32, #tpu.memory_space<vmem>> -> memref<1x128x128xf32, #tpu.memory_space<vmem>>
      %dma_wait3A_236 = tpu.memref_squeeze %dma_wait3A_235 : memref<1x128x128xf32, #tpu.memory_space<vmem>> -> memref<128x128xf32, #tpu.memory_space<vmem>>
      %dma_wait3A_237 = arith.constant 0 : i32
      %dma_wait3A_238 = tpu.memref_slice %arg9[%rem3A_179, %dma_wait3A_231, %dma_wait3A_237] : memref<2x8x128xi32, #tpu.memory_space<vmem>> -> memref<1x1x128xi32, #tpu.memory_space<vmem>>
      %dma_wait3A_239 = tpu.memref_squeeze %dma_wait3A_238 : memref<1x1x128xi32, #tpu.memory_space<vmem>> -> memref<128xi32, #tpu.memory_space<vmem>>
      %dma_wait3A_240 = arith.constant 0 : i32
      %dma_wait3A_241 = arith.constant 0 : i32
      %dma_wait3A_242 = tpu.memref_slice %arg2[%dma_wait3A_240, %dma_wait3A_241] : memref<20000x128xf32, #tpu.memory_space<hbm>> -> memref<20000x128xf32, #tpu.memory_space<hbm>>
      tpu.wait_indirect_dma semaphore(%arg16 : memref<!tpu.dma_semaphore, #tpu.memory_space<semaphore_mem>>) src(%dma_wait3A_242 : memref<20000x128xf32, #tpu.memory_space<hbm>>) dst(%dma_wait3A_236 : memref<128x128xf32, #tpu.memory_space<vmem>>)
      %rem3A_243 = arith.constant 2 : i32
      %rem3A_244 = arith.remsi %while3A_122, %rem3A_243 : i32
      %run_scoped3A_245 = arith.constant 0 : i32
      %run_scoped3A_246 = arith.constant 2 : i32
      "tpu.region"() ({
        %run_scoped3A_443 = tpu.sem_alloc : memref<!tpu.dma_semaphore, #tpu.memory_space<semaphore_mem>>
        %dma_start3A_444 = arith.constant 0 : i32
        %dma_start3A_445 = arith.constant 0 : i32
        %dma_start3A_446 = tpu.memref_slice %arg13[%run_scoped3A_245, %dma_start3A_444, %dma_start3A_445] : memref<2x128x128xf32, #tpu.memory_space<vmem>> -> memref<1x128x128xf32, #tpu.memory_space<vmem>>
        %dma_start3A_447 = tpu.memref_squeeze %dma_start3A_446 : memref<1x128x128xf32, #tpu.memory_space<vmem>> -> memref<128x128xf32, #tpu.memory_space<vmem>>
        %dma_start3A_448 = arith.constant 0 : i32
        %dma_start3A_449 = tpu.memref_slice %arg10[%rem3A_244, %run_scoped3A_246, %dma_start3A_448] : memref<2x8x128xi32, #tpu.memory_space<vmem>> -> memref<1x1x128xi32, #tpu.memory_space<vmem>>
        %dma_start3A_450 = tpu.memref_squeeze %dma_start3A_449 : memref<1x1x128xi32, #tpu.memory_space<vmem>> -> memref<128xi32, #tpu.memory_space<vmem>>
        %dma_start3A_451 = arith.constant 0 : i32
        %dma_start3A_452 = arith.constant 0 : i32
        %dma_start3A_453 = tpu.memref_slice %arg7[%dma_start3A_451, %dma_start3A_452] : memref<10000x128xf32, #tpu.memory_space<vmem_shared>> -> memref<10000x128xf32, #tpu.memory_space<vmem_shared>>
        tpu.enqueue_indirect_dma source(%dma_start3A_447 : memref<128x128xf32, #tpu.memory_space<vmem>>) target(%dma_start3A_453 : memref<10000x128xf32, #tpu.memory_space<vmem_shared>>) offsets(%dma_start3A_450 : memref<128xi32, #tpu.memory_space<vmem>>) semaphore(%run_scoped3A_443 : memref<!tpu.dma_semaphore, #tpu.memory_space<semaphore_mem>>) {add = true}
        %dma_wait3A_454 = arith.constant 0 : i32
        %dma_wait3A_455 = arith.constant 0 : i32
        %dma_wait3A_456 = tpu.memref_slice %arg13[%run_scoped3A_245, %dma_wait3A_454, %dma_wait3A_455] : memref<2x128x128xf32, #tpu.memory_space<vmem>> -> memref<1x128x128xf32, #tpu.memory_space<vmem>>
        %dma_wait3A_457 = tpu.memref_squeeze %dma_wait3A_456 : memref<1x128x128xf32, #tpu.memory_space<vmem>> -> memref<128x128xf32, #tpu.memory_space<vmem>>
        %dma_wait3A_458 = arith.constant 0 : i32
        %dma_wait3A_459 = tpu.memref_slice %arg10[%rem3A_244, %run_scoped3A_246, %dma_wait3A_458] : memref<2x8x128xi32, #tpu.memory_space<vmem>> -> memref<1x1x128xi32, #tpu.memory_space<vmem>>
        %dma_wait3A_460 = tpu.memref_squeeze %dma_wait3A_459 : memref<1x1x128xi32, #tpu.memory_space<vmem>> -> memref<128xi32, #tpu.memory_space<vmem>>
        %dma_wait3A_461 = arith.constant 0 : i32
        %dma_wait3A_462 = arith.constant 0 : i32
        %dma_wait3A_463 = tpu.memref_slice %arg7[%dma_wait3A_461, %dma_wait3A_462] : memref<10000x128xf32, #tpu.memory_space<vmem_shared>> -> memref<10000x128xf32, #tpu.memory_space<vmem_shared>>
        tpu.wait_indirect_dma semaphore(%run_scoped3A_443 : memref<!tpu.dma_semaphore, #tpu.memory_space<semaphore_mem>>) src(%dma_wait3A_457 : memref<128x128xf32, #tpu.memory_space<vmem>>) dst(%dma_wait3A_463 : memref<10000x128xf32, #tpu.memory_space<vmem_shared>>)
        tpu.yield
      }) : () -> ()
      %rem3A_247 = arith.constant 2 : i32
      %rem3A_248 = arith.remsi %while3A_122, %rem3A_247 : i32
      %eq3A_249 = arith.constant 0 : i32
      %eq3A_250 = arith.cmpi eq, %arg0, %eq3A_249 : i32
      %convert_element_type3A_251 = arith.extui %eq3A_250 : i1 to i32
      %cond3A_252 = arith.constant 1 : i32
      %cond3A_253 = arith.constant 2 : i32
      %cond3A_254 = arith.constant 0 : i32
      %cond3A_255 = arith.cmpi ne, %convert_element_type3A_251, %cond3A_254 : i32
      scf.if %cond3A_255 {
        %dma_wait3A_443 = arith.constant 0 : i32
        %dma_wait3A_444 = tpu.memref_slice %arg10[%rem3A_209, %cond3A_252, %dma_wait3A_443] : memref<2x8x128xi32, #tpu.memory_space<vmem>> -> memref<1x1x128xi32, #tpu.memory_space<vmem>>
        %dma_wait3A_445 = tpu.memref_squeeze %dma_wait3A_444 : memref<1x1x128xi32, #tpu.memory_space<vmem>> -> memref<128xi32, #tpu.memory_space<vmem>>
        %dma_wait3A_446 = arith.constant 0 : i32
        %dma_wait3A_447 = tpu.memref_slice %arg8[%dma_wait3A_446] : memref<10000xf32, #tpu.memory_space<vmem_shared>> -> memref<10000xf32, #tpu.memory_space<vmem_shared>>
        tpu.wait_indirect_dma semaphore(%arg18 : memref<!tpu.dma_semaphore, #tpu.memory_space<semaphore_mem>>) src(%arg14 : memref<128xf32, #tpu.memory_space<vmem>>) dst(%dma_wait3A_447 : memref<10000xf32, #tpu.memory_space<vmem_shared>>)
        %dma_start3A_448 = arith.constant 0 : i32
        %dma_start3A_449 = tpu.memref_slice %arg10[%rem3A_248, %cond3A_253, %dma_start3A_448] : memref<2x8x128xi32, #tpu.memory_space<vmem>> -> memref<1x1x128xi32, #tpu.memory_space<vmem>>
        %dma_start3A_450 = tpu.memref_squeeze %dma_start3A_449 : memref<1x1x128xi32, #tpu.memory_space<vmem>> -> memref<128xi32, #tpu.memory_space<vmem>>
        %dma_start3A_451 = arith.constant 0 : i32
        %dma_start3A_452 = tpu.memref_slice %arg8[%dma_start3A_451] : memref<10000xf32, #tpu.memory_space<vmem_shared>> -> memref<10000xf32, #tpu.memory_space<vmem_shared>>
        tpu.enqueue_indirect_dma source(%arg14 : memref<128xf32, #tpu.memory_space<vmem>>) target(%dma_start3A_452 : memref<10000xf32, #tpu.memory_space<vmem_shared>>) offsets(%dma_start3A_450 : memref<128xi32, #tpu.memory_space<vmem>>) semaphore(%arg18 : memref<!tpu.dma_semaphore, #tpu.memory_space<semaphore_mem>>) {add = true}
      } else {
      }
      %rem3A_256 = arith.constant 2 : i32
      %rem3A_257 = arith.remsi %while3A_122, %rem3A_256 : i32
      %dma_start3A_258 = arith.constant 4 : i32
      %dma_start3A_259 = arith.constant 0 : i32
      %dma_start3A_260 = arith.constant 0 : i32
      %dma_start3A_261 = arith.constant 0 : i32
      %dma_start3A_262 = tpu.memref_slice %arg13[%dma_start3A_259, %dma_start3A_260, %dma_start3A_261] : memref<2x128x128xf32, #tpu.memory_space<vmem>> -> memref<1x128x128xf32, #tpu.memory_space<vmem>>
      %dma_start3A_263 = tpu.memref_squeeze %dma_start3A_262 : memref<1x128x128xf32, #tpu.memory_space<vmem>> -> memref<128x128xf32, #tpu.memory_space<vmem>>
      %dma_start3A_264 = arith.constant 0 : i32
      %dma_start3A_265 = tpu.memref_slice %arg9[%rem3A_257, %dma_start3A_258, %dma_start3A_264] : memref<2x8x128xi32, #tpu.memory_space<vmem>> -> memref<1x1x128xi32, #tpu.memory_space<vmem>>
      %dma_start3A_266 = tpu.memref_squeeze %dma_start3A_265 : memref<1x1x128xi32, #tpu.memory_space<vmem>> -> memref<128xi32, #tpu.memory_space<vmem>>
      %dma_start3A_267 = arith.constant 0 : i32
      %dma_start3A_268 = arith.constant 0 : i32
      %dma_start3A_269 = tpu.memref_slice %arg2[%dma_start3A_267, %dma_start3A_268] : memref<20000x128xf32, #tpu.memory_space<hbm>> -> memref<20000x128xf32, #tpu.memory_space<hbm>>
      tpu.enqueue_indirect_dma source(%dma_start3A_269 : memref<20000x128xf32, #tpu.memory_space<hbm>>) target(%dma_start3A_263 : memref<128x128xf32, #tpu.memory_space<vmem>>) offsets(%dma_start3A_266 : memref<128xi32, #tpu.memory_space<vmem>>) semaphore(%arg16 : memref<!tpu.dma_semaphore, #tpu.memory_space<semaphore_mem>>)
      %dma_wait3A_270 = arith.constant 3 : i32
      %dma_wait3A_271 = arith.constant 1 : i32
      %dma_wait3A_272 = arith.constant 0 : i32
      %dma_wait3A_273 = arith.constant 0 : i32
      %dma_wait3A_274 = tpu.memref_slice %arg13[%dma_wait3A_271, %dma_wait3A_272, %dma_wait3A_273] : memref<2x128x128xf32, #tpu.memory_space<vmem>> -> memref<1x128x128xf32, #tpu.memory_space<vmem>>
      %dma_wait3A_275 = tpu.memref_squeeze %dma_wait3A_274 : memref<1x128x128xf32, #tpu.memory_space<vmem>> -> memref<128x128xf32, #tpu.memory_space<vmem>>
      %dma_wait3A_276 = arith.constant 0 : i32
      %dma_wait3A_277 = tpu.memref_slice %arg9[%rem3A_218, %dma_wait3A_270, %dma_wait3A_276] : memref<2x8x128xi32, #tpu.memory_space<vmem>> -> memref<1x1x128xi32, #tpu.memory_space<vmem>>
      %dma_wait3A_278 = tpu.memref_squeeze %dma_wait3A_277 : memref<1x1x128xi32, #tpu.memory_space<vmem>> -> memref<128xi32, #tpu.memory_space<vmem>>
      %dma_wait3A_279 = arith.constant 0 : i32
      %dma_wait3A_280 = arith.constant 0 : i32
      %dma_wait3A_281 = tpu.memref_slice %arg2[%dma_wait3A_279, %dma_wait3A_280] : memref<20000x128xf32, #tpu.memory_space<hbm>> -> memref<20000x128xf32, #tpu.memory_space<hbm>>
      tpu.wait_indirect_dma semaphore(%arg17 : memref<!tpu.dma_semaphore, #tpu.memory_space<semaphore_mem>>) src(%dma_wait3A_281 : memref<20000x128xf32, #tpu.memory_space<hbm>>) dst(%dma_wait3A_275 : memref<128x128xf32, #tpu.memory_space<vmem>>)
      %rem3A_282 = arith.constant 2 : i32
      %rem3A_283 = arith.remsi %while3A_122, %rem3A_282 : i32
      %run_scoped3A_284 = arith.constant 1 : i32
      %run_scoped3A_285 = arith.constant 3 : i32
      "tpu.region"() ({
        %run_scoped3A_443 = tpu.sem_alloc : memref<!tpu.dma_semaphore, #tpu.memory_space<semaphore_mem>>
        %dma_start3A_444 = arith.constant 0 : i32
        %dma_start3A_445 = arith.constant 0 : i32
        %dma_start3A_446 = tpu.memref_slice %arg13[%run_scoped3A_284, %dma_start3A_444, %dma_start3A_445] : memref<2x128x128xf32, #tpu.memory_space<vmem>> -> memref<1x128x128xf32, #tpu.memory_space<vmem>>
        %dma_start3A_447 = tpu.memref_squeeze %dma_start3A_446 : memref<1x128x128xf32, #tpu.memory_space<vmem>> -> memref<128x128xf32, #tpu.memory_space<vmem>>
        %dma_start3A_448 = arith.constant 0 : i32
        %dma_start3A_449 = tpu.memref_slice %arg10[%rem3A_283, %run_scoped3A_285, %dma_start3A_448] : memref<2x8x128xi32, #tpu.memory_space<vmem>> -> memref<1x1x128xi32, #tpu.memory_space<vmem>>
        %dma_start3A_450 = tpu.memref_squeeze %dma_start3A_449 : memref<1x1x128xi32, #tpu.memory_space<vmem>> -> memref<128xi32, #tpu.memory_space<vmem>>
        %dma_start3A_451 = arith.constant 0 : i32
        %dma_start3A_452 = arith.constant 0 : i32
        %dma_start3A_453 = tpu.memref_slice %arg7[%dma_start3A_451, %dma_start3A_452] : memref<10000x128xf32, #tpu.memory_space<vmem_shared>> -> memref<10000x128xf32, #tpu.memory_space<vmem_shared>>
        tpu.enqueue_indirect_dma source(%dma_start3A_447 : memref<128x128xf32, #tpu.memory_space<vmem>>) target(%dma_start3A_453 : memref<10000x128xf32, #tpu.memory_space<vmem_shared>>) offsets(%dma_start3A_450 : memref<128xi32, #tpu.memory_space<vmem>>) semaphore(%run_scoped3A_443 : memref<!tpu.dma_semaphore, #tpu.memory_space<semaphore_mem>>) {add = true}
        %dma_wait3A_454 = arith.constant 0 : i32
        %dma_wait3A_455 = arith.constant 0 : i32
        %dma_wait3A_456 = tpu.memref_slice %arg13[%run_scoped3A_284, %dma_wait3A_454, %dma_wait3A_455] : memref<2x128x128xf32, #tpu.memory_space<vmem>> -> memref<1x128x128xf32, #tpu.memory_space<vmem>>
        %dma_wait3A_457 = tpu.memref_squeeze %dma_wait3A_456 : memref<1x128x128xf32, #tpu.memory_space<vmem>> -> memref<128x128xf32, #tpu.memory_space<vmem>>
        %dma_wait3A_458 = arith.constant 0 : i32
        %dma_wait3A_459 = tpu.memref_slice %arg10[%rem3A_283, %run_scoped3A_285, %dma_wait3A_458] : memref<2x8x128xi32, #tpu.memory_space<vmem>> -> memref<1x1x128xi32, #tpu.memory_space<vmem>>
        %dma_wait3A_460 = tpu.memref_squeeze %dma_wait3A_459 : memref<1x1x128xi32, #tpu.memory_space<vmem>> -> memref<128xi32, #tpu.memory_space<vmem>>
        %dma_wait3A_461 = arith.constant 0 : i32
        %dma_wait3A_462 = arith.constant 0 : i32
        %dma_wait3A_463 = tpu.memref_slice %arg7[%dma_wait3A_461, %dma_wait3A_462] : memref<10000x128xf32, #tpu.memory_space<vmem_shared>> -> memref<10000x128xf32, #tpu.memory_space<vmem_shared>>
        tpu.wait_indirect_dma semaphore(%run_scoped3A_443 : memref<!tpu.dma_semaphore, #tpu.memory_space<semaphore_mem>>) src(%dma_wait3A_457 : memref<128x128xf32, #tpu.memory_space<vmem>>) dst(%dma_wait3A_463 : memref<10000x128xf32, #tpu.memory_space<vmem_shared>>)
        tpu.yield
      }) : () -> ()
      %rem3A_286 = arith.constant 2 : i32
      %rem3A_287 = arith.remsi %while3A_122, %rem3A_286 : i32
      %eq3A_288 = arith.constant 0 : i32
      %eq3A_289 = arith.cmpi eq, %arg0, %eq3A_288 : i32
      %convert_element_type3A_290 = arith.extui %eq3A_289 : i1 to i32
      %cond3A_291 = arith.constant 2 : i32
      %cond3A_292 = arith.constant 3 : i32
      %cond3A_293 = arith.constant 0 : i32
      %cond3A_294 = arith.cmpi ne, %convert_element_type3A_290, %cond3A_293 : i32
      scf.if %cond3A_294 {
        %dma_wait3A_443 = arith.constant 0 : i32
        %dma_wait3A_444 = tpu.memref_slice %arg10[%rem3A_248, %cond3A_291, %dma_wait3A_443] : memref<2x8x128xi32, #tpu.memory_space<vmem>> -> memref<1x1x128xi32, #tpu.memory_space<vmem>>
        %dma_wait3A_445 = tpu.memref_squeeze %dma_wait3A_444 : memref<1x1x128xi32, #tpu.memory_space<vmem>> -> memref<128xi32, #tpu.memory_space<vmem>>
        %dma_wait3A_446 = arith.constant 0 : i32
        %dma_wait3A_447 = tpu.memref_slice %arg8[%dma_wait3A_446] : memref<10000xf32, #tpu.memory_space<vmem_shared>> -> memref<10000xf32, #tpu.memory_space<vmem_shared>>
        tpu.wait_indirect_dma semaphore(%arg18 : memref<!tpu.dma_semaphore, #tpu.memory_space<semaphore_mem>>) src(%arg14 : memref<128xf32, #tpu.memory_space<vmem>>) dst(%dma_wait3A_447 : memref<10000xf32, #tpu.memory_space<vmem_shared>>)
        %dma_start3A_448 = arith.constant 0 : i32
        %dma_start3A_449 = tpu.memref_slice %arg10[%rem3A_287, %cond3A_292, %dma_start3A_448] : memref<2x8x128xi32, #tpu.memory_space<vmem>> -> memref<1x1x128xi32, #tpu.memory_space<vmem>>
        %dma_start3A_450 = tpu.memref_squeeze %dma_start3A_449 : memref<1x1x128xi32, #tpu.memory_space<vmem>> -> memref<128xi32, #tpu.memory_space<vmem>>
        %dma_start3A_451 = arith.constant 0 : i32
        %dma_start3A_452 = tpu.memref_slice %arg8[%dma_start3A_451] : memref<10000xf32, #tpu.memory_space<vmem_shared>> -> memref<10000xf32, #tpu.memory_space<vmem_shared>>
        tpu.enqueue_indirect_dma source(%arg14 : memref<128xf32, #tpu.memory_space<vmem>>) target(%dma_start3A_452 : memref<10000xf32, #tpu.memory_space<vmem_shared>>) offsets(%dma_start3A_450 : memref<128xi32, #tpu.memory_space<vmem>>) semaphore(%arg18 : memref<!tpu.dma_semaphore, #tpu.memory_space<semaphore_mem>>) {add = true}
      } else {
      }
      %rem3A_295 = arith.constant 2 : i32
      %rem3A_296 = arith.remsi %while3A_122, %rem3A_295 : i32
      %dma_start3A_297 = arith.constant 5 : i32
      %dma_start3A_298 = arith.constant 1 : i32
      %dma_start3A_299 = arith.constant 0 : i32
      %dma_start3A_300 = arith.constant 0 : i32
      %dma_start3A_301 = tpu.memref_slice %arg13[%dma_start3A_298, %dma_start3A_299, %dma_start3A_300] : memref<2x128x128xf32, #tpu.memory_space<vmem>> -> memref<1x128x128xf32, #tpu.memory_space<vmem>>
      %dma_start3A_302 = tpu.memref_squeeze %dma_start3A_301 : memref<1x128x128xf32, #tpu.memory_space<vmem>> -> memref<128x128xf32, #tpu.memory_space<vmem>>
      %dma_start3A_303 = arith.constant 0 : i32
      %dma_start3A_304 = tpu.memref_slice %arg9[%rem3A_296, %dma_start3A_297, %dma_start3A_303] : memref<2x8x128xi32, #tpu.memory_space<vmem>> -> memref<1x1x128xi32, #tpu.memory_space<vmem>>
      %dma_start3A_305 = tpu.memref_squeeze %dma_start3A_304 : memref<1x1x128xi32, #tpu.memory_space<vmem>> -> memref<128xi32, #tpu.memory_space<vmem>>
      %dma_start3A_306 = arith.constant 0 : i32
      %dma_start3A_307 = arith.constant 0 : i32
      %dma_start3A_308 = tpu.memref_slice %arg2[%dma_start3A_306, %dma_start3A_307] : memref<20000x128xf32, #tpu.memory_space<hbm>> -> memref<20000x128xf32, #tpu.memory_space<hbm>>
      tpu.enqueue_indirect_dma source(%dma_start3A_308 : memref<20000x128xf32, #tpu.memory_space<hbm>>) target(%dma_start3A_302 : memref<128x128xf32, #tpu.memory_space<vmem>>) offsets(%dma_start3A_305 : memref<128xi32, #tpu.memory_space<vmem>>) semaphore(%arg17 : memref<!tpu.dma_semaphore, #tpu.memory_space<semaphore_mem>>)
      %dma_wait3A_309 = arith.constant 4 : i32
      %dma_wait3A_310 = arith.constant 0 : i32
      %dma_wait3A_311 = arith.constant 0 : i32
      %dma_wait3A_312 = arith.constant 0 : i32
      %dma_wait3A_313 = tpu.memref_slice %arg13[%dma_wait3A_310, %dma_wait3A_311, %dma_wait3A_312] : memref<2x128x128xf32, #tpu.memory_space<vmem>> -> memref<1x128x128xf32, #tpu.memory_space<vmem>>
      %dma_wait3A_314 = tpu.memref_squeeze %dma_wait3A_313 : memref<1x128x128xf32, #tpu.memory_space<vmem>> -> memref<128x128xf32, #tpu.memory_space<vmem>>
      %dma_wait3A_315 = arith.constant 0 : i32
      %dma_wait3A_316 = tpu.memref_slice %arg9[%rem3A_257, %dma_wait3A_309, %dma_wait3A_315] : memref<2x8x128xi32, #tpu.memory_space<vmem>> -> memref<1x1x128xi32, #tpu.memory_space<vmem>>
      %dma_wait3A_317 = tpu.memref_squeeze %dma_wait3A_316 : memref<1x1x128xi32, #tpu.memory_space<vmem>> -> memref<128xi32, #tpu.memory_space<vmem>>
      %dma_wait3A_318 = arith.constant 0 : i32
      %dma_wait3A_319 = arith.constant 0 : i32
      %dma_wait3A_320 = tpu.memref_slice %arg2[%dma_wait3A_318, %dma_wait3A_319] : memref<20000x128xf32, #tpu.memory_space<hbm>> -> memref<20000x128xf32, #tpu.memory_space<hbm>>
      tpu.wait_indirect_dma semaphore(%arg16 : memref<!tpu.dma_semaphore, #tpu.memory_space<semaphore_mem>>) src(%dma_wait3A_320 : memref<20000x128xf32, #tpu.memory_space<hbm>>) dst(%dma_wait3A_314 : memref<128x128xf32, #tpu.memory_space<vmem>>)
      %rem3A_321 = arith.constant 2 : i32
      %rem3A_322 = arith.remsi %while3A_122, %rem3A_321 : i32
      %run_scoped3A_323 = arith.constant 0 : i32
      %run_scoped3A_324 = arith.constant 4 : i32
      "tpu.region"() ({
        %run_scoped3A_443 = tpu.sem_alloc : memref<!tpu.dma_semaphore, #tpu.memory_space<semaphore_mem>>
        %dma_start3A_444 = arith.constant 0 : i32
        %dma_start3A_445 = arith.constant 0 : i32
        %dma_start3A_446 = tpu.memref_slice %arg13[%run_scoped3A_323, %dma_start3A_444, %dma_start3A_445] : memref<2x128x128xf32, #tpu.memory_space<vmem>> -> memref<1x128x128xf32, #tpu.memory_space<vmem>>
        %dma_start3A_447 = tpu.memref_squeeze %dma_start3A_446 : memref<1x128x128xf32, #tpu.memory_space<vmem>> -> memref<128x128xf32, #tpu.memory_space<vmem>>
        %dma_start3A_448 = arith.constant 0 : i32
        %dma_start3A_449 = tpu.memref_slice %arg10[%rem3A_322, %run_scoped3A_324, %dma_start3A_448] : memref<2x8x128xi32, #tpu.memory_space<vmem>> -> memref<1x1x128xi32, #tpu.memory_space<vmem>>
        %dma_start3A_450 = tpu.memref_squeeze %dma_start3A_449 : memref<1x1x128xi32, #tpu.memory_space<vmem>> -> memref<128xi32, #tpu.memory_space<vmem>>
        %dma_start3A_451 = arith.constant 0 : i32
        %dma_start3A_452 = arith.constant 0 : i32
        %dma_start3A_453 = tpu.memref_slice %arg7[%dma_start3A_451, %dma_start3A_452] : memref<10000x128xf32, #tpu.memory_space<vmem_shared>> -> memref<10000x128xf32, #tpu.memory_space<vmem_shared>>
        tpu.enqueue_indirect_dma source(%dma_start3A_447 : memref<128x128xf32, #tpu.memory_space<vmem>>) target(%dma_start3A_453 : memref<10000x128xf32, #tpu.memory_space<vmem_shared>>) offsets(%dma_start3A_450 : memref<128xi32, #tpu.memory_space<vmem>>) semaphore(%run_scoped3A_443 : memref<!tpu.dma_semaphore, #tpu.memory_space<semaphore_mem>>) {add = true}
        %dma_wait3A_454 = arith.constant 0 : i32
        %dma_wait3A_455 = arith.constant 0 : i32
        %dma_wait3A_456 = tpu.memref_slice %arg13[%run_scoped3A_323, %dma_wait3A_454, %dma_wait3A_455] : memref<2x128x128xf32, #tpu.memory_space<vmem>> -> memref<1x128x128xf32, #tpu.memory_space<vmem>>
        %dma_wait3A_457 = tpu.memref_squeeze %dma_wait3A_456 : memref<1x128x128xf32, #tpu.memory_space<vmem>> -> memref<128x128xf32, #tpu.memory_space<vmem>>
        %dma_wait3A_458 = arith.constant 0 : i32
        %dma_wait3A_459 = tpu.memref_slice %arg10[%rem3A_322, %run_scoped3A_324, %dma_wait3A_458] : memref<2x8x128xi32, #tpu.memory_space<vmem>> -> memref<1x1x128xi32, #tpu.memory_space<vmem>>
        %dma_wait3A_460 = tpu.memref_squeeze %dma_wait3A_459 : memref<1x1x128xi32, #tpu.memory_space<vmem>> -> memref<128xi32, #tpu.memory_space<vmem>>
        %dma_wait3A_461 = arith.constant 0 : i32
        %dma_wait3A_462 = arith.constant 0 : i32
        %dma_wait3A_463 = tpu.memref_slice %arg7[%dma_wait3A_461, %dma_wait3A_462] : memref<10000x128xf32, #tpu.memory_space<vmem_shared>> -> memref<10000x128xf32, #tpu.memory_space<vmem_shared>>
        tpu.wait_indirect_dma semaphore(%run_scoped3A_443 : memref<!tpu.dma_semaphore, #tpu.memory_space<semaphore_mem>>) src(%dma_wait3A_457 : memref<128x128xf32, #tpu.memory_space<vmem>>) dst(%dma_wait3A_463 : memref<10000x128xf32, #tpu.memory_space<vmem_shared>>)
        tpu.yield
      }) : () -> ()
      %rem3A_325 = arith.constant 2 : i32
      %rem3A_326 = arith.remsi %while3A_122, %rem3A_325 : i32
      %eq3A_327 = arith.constant 0 : i32
      %eq3A_328 = arith.cmpi eq, %arg0, %eq3A_327 : i32
      %convert_element_type3A_329 = arith.extui %eq3A_328 : i1 to i32
      %cond3A_330 = arith.constant 3 : i32
      %cond3A_331 = arith.constant 4 : i32
      %cond3A_332 = arith.constant 0 : i32
      %cond3A_333 = arith.cmpi ne, %convert_element_type3A_329, %cond3A_332 : i32
      scf.if %cond3A_333 {
        %dma_wait3A_443 = arith.constant 0 : i32
        %dma_wait3A_444 = tpu.memref_slice %arg10[%rem3A_287, %cond3A_330, %dma_wait3A_443] : memref<2x8x128xi32, #tpu.memory_space<vmem>> -> memref<1x1x128xi32, #tpu.memory_space<vmem>>
        %dma_wait3A_445 = tpu.memref_squeeze %dma_wait3A_444 : memref<1x1x128xi32, #tpu.memory_space<vmem>> -> memref<128xi32, #tpu.memory_space<vmem>>
        %dma_wait3A_446 = arith.constant 0 : i32
        %dma_wait3A_447 = tpu.memref_slice %arg8[%dma_wait3A_446] : memref<10000xf32, #tpu.memory_space<vmem_shared>> -> memref<10000xf32, #tpu.memory_space<vmem_shared>>
        tpu.wait_indirect_dma semaphore(%arg18 : memref<!tpu.dma_semaphore, #tpu.memory_space<semaphore_mem>>) src(%arg14 : memref<128xf32, #tpu.memory_space<vmem>>) dst(%dma_wait3A_447 : memref<10000xf32, #tpu.memory_space<vmem_shared>>)
        %dma_start3A_448 = arith.constant 0 : i32
        %dma_start3A_449 = tpu.memref_slice %arg10[%rem3A_326, %cond3A_331, %dma_start3A_448] : memref<2x8x128xi32, #tpu.memory_space<vmem>> -> memref<1x1x128xi32, #tpu.memory_space<vmem>>
        %dma_start3A_450 = tpu.memref_squeeze %dma_start3A_449 : memref<1x1x128xi32, #tpu.memory_space<vmem>> -> memref<128xi32, #tpu.memory_space<vmem>>
        %dma_start3A_451 = arith.constant 0 : i32
        %dma_start3A_452 = tpu.memref_slice %arg8[%dma_start3A_451] : memref<10000xf32, #tpu.memory_space<vmem_shared>> -> memref<10000xf32, #tpu.memory_space<vmem_shared>>
        tpu.enqueue_indirect_dma source(%arg14 : memref<128xf32, #tpu.memory_space<vmem>>) target(%dma_start3A_452 : memref<10000xf32, #tpu.memory_space<vmem_shared>>) offsets(%dma_start3A_450 : memref<128xi32, #tpu.memory_space<vmem>>) semaphore(%arg18 : memref<!tpu.dma_semaphore, #tpu.memory_space<semaphore_mem>>) {add = true}
      } else {
      }
      %rem3A_334 = arith.constant 2 : i32
      %rem3A_335 = arith.remsi %while3A_122, %rem3A_334 : i32
      %dma_start3A_336 = arith.constant 6 : i32
      %dma_start3A_337 = arith.constant 0 : i32
      %dma_start3A_338 = arith.constant 0 : i32
      %dma_start3A_339 = arith.constant 0 : i32
      %dma_start3A_340 = tpu.memref_slice %arg13[%dma_start3A_337, %dma_start3A_338, %dma_start3A_339] : memref<2x128x128xf32, #tpu.memory_space<vmem>> -> memref<1x128x128xf32, #tpu.memory_space<vmem>>
      %dma_start3A_341 = tpu.memref_squeeze %dma_start3A_340 : memref<1x128x128xf32, #tpu.memory_space<vmem>> -> memref<128x128xf32, #tpu.memory_space<vmem>>
      %dma_start3A_342 = arith.constant 0 : i32
      %dma_start3A_343 = tpu.memref_slice %arg9[%rem3A_335, %dma_start3A_336, %dma_start3A_342] : memref<2x8x128xi32, #tpu.memory_space<vmem>> -> memref<1x1x128xi32, #tpu.memory_space<vmem>>
      %dma_start3A_344 = tpu.memref_squeeze %dma_start3A_343 : memref<1x1x128xi32, #tpu.memory_space<vmem>> -> memref<128xi32, #tpu.memory_space<vmem>>
      %dma_start3A_345 = arith.constant 0 : i32
      %dma_start3A_346 = arith.constant 0 : i32
      %dma_start3A_347 = tpu.memref_slice %arg2[%dma_start3A_345, %dma_start3A_346] : memref<20000x128xf32, #tpu.memory_space<hbm>> -> memref<20000x128xf32, #tpu.memory_space<hbm>>
      tpu.enqueue_indirect_dma source(%dma_start3A_347 : memref<20000x128xf32, #tpu.memory_space<hbm>>) target(%dma_start3A_341 : memref<128x128xf32, #tpu.memory_space<vmem>>) offsets(%dma_start3A_344 : memref<128xi32, #tpu.memory_space<vmem>>) semaphore(%arg16 : memref<!tpu.dma_semaphore, #tpu.memory_space<semaphore_mem>>)
      %dma_wait3A_348 = arith.constant 5 : i32
      %dma_wait3A_349 = arith.constant 1 : i32
      %dma_wait3A_350 = arith.constant 0 : i32
      %dma_wait3A_351 = arith.constant 0 : i32
      %dma_wait3A_352 = tpu.memref_slice %arg13[%dma_wait3A_349, %dma_wait3A_350, %dma_wait3A_351] : memref<2x128x128xf32, #tpu.memory_space<vmem>> -> memref<1x128x128xf32, #tpu.memory_space<vmem>>
      %dma_wait3A_353 = tpu.memref_squeeze %dma_wait3A_352 : memref<1x128x128xf32, #tpu.memory_space<vmem>> -> memref<128x128xf32, #tpu.memory_space<vmem>>
      %dma_wait3A_354 = arith.constant 0 : i32
      %dma_wait3A_355 = tpu.memref_slice %arg9[%rem3A_296, %dma_wait3A_348, %dma_wait3A_354] : memref<2x8x128xi32, #tpu.memory_space<vmem>> -> memref<1x1x128xi32, #tpu.memory_space<vmem>>
      %dma_wait3A_356 = tpu.memref_squeeze %dma_wait3A_355 : memref<1x1x128xi32, #tpu.memory_space<vmem>> -> memref<128xi32, #tpu.memory_space<vmem>>
      %dma_wait3A_357 = arith.constant 0 : i32
      %dma_wait3A_358 = arith.constant 0 : i32
      %dma_wait3A_359 = tpu.memref_slice %arg2[%dma_wait3A_357, %dma_wait3A_358] : memref<20000x128xf32, #tpu.memory_space<hbm>> -> memref<20000x128xf32, #tpu.memory_space<hbm>>
      tpu.wait_indirect_dma semaphore(%arg17 : memref<!tpu.dma_semaphore, #tpu.memory_space<semaphore_mem>>) src(%dma_wait3A_359 : memref<20000x128xf32, #tpu.memory_space<hbm>>) dst(%dma_wait3A_353 : memref<128x128xf32, #tpu.memory_space<vmem>>)
      %rem3A_360 = arith.constant 2 : i32
      %rem3A_361 = arith.remsi %while3A_122, %rem3A_360 : i32
      %run_scoped3A_362 = arith.constant 1 : i32
      %run_scoped3A_363 = arith.constant 5 : i32
      "tpu.region"() ({
        %run_scoped3A_443 = tpu.sem_alloc : memref<!tpu.dma_semaphore, #tpu.memory_space<semaphore_mem>>
        %dma_start3A_444 = arith.constant 0 : i32
        %dma_start3A_445 = arith.constant 0 : i32
        %dma_start3A_446 = tpu.memref_slice %arg13[%run_scoped3A_362, %dma_start3A_444, %dma_start3A_445] : memref<2x128x128xf32, #tpu.memory_space<vmem>> -> memref<1x128x128xf32, #tpu.memory_space<vmem>>
        %dma_start3A_447 = tpu.memref_squeeze %dma_start3A_446 : memref<1x128x128xf32, #tpu.memory_space<vmem>> -> memref<128x128xf32, #tpu.memory_space<vmem>>
        %dma_start3A_448 = arith.constant 0 : i32
        %dma_start3A_449 = tpu.memref_slice %arg10[%rem3A_361, %run_scoped3A_363, %dma_start3A_448] : memref<2x8x128xi32, #tpu.memory_space<vmem>> -> memref<1x1x128xi32, #tpu.memory_space<vmem>>
        %dma_start3A_450 = tpu.memref_squeeze %dma_start3A_449 : memref<1x1x128xi32, #tpu.memory_space<vmem>> -> memref<128xi32, #tpu.memory_space<vmem>>
        %dma_start3A_451 = arith.constant 0 : i32
        %dma_start3A_452 = arith.constant 0 : i32
        %dma_start3A_453 = tpu.memref_slice %arg7[%dma_start3A_451, %dma_start3A_452] : memref<10000x128xf32, #tpu.memory_space<vmem_shared>> -> memref<10000x128xf32, #tpu.memory_space<vmem_shared>>
        tpu.enqueue_indirect_dma source(%dma_start3A_447 : memref<128x128xf32, #tpu.memory_space<vmem>>) target(%dma_start3A_453 : memref<10000x128xf32, #tpu.memory_space<vmem_shared>>) offsets(%dma_start3A_450 : memref<128xi32, #tpu.memory_space<vmem>>) semaphore(%run_scoped3A_443 : memref<!tpu.dma_semaphore, #tpu.memory_space<semaphore_mem>>) {add = true}
        %dma_wait3A_454 = arith.constant 0 : i32
        %dma_wait3A_455 = arith.constant 0 : i32
        %dma_wait3A_456 = tpu.memref_slice %arg13[%run_scoped3A_362, %dma_wait3A_454, %dma_wait3A_455] : memref<2x128x128xf32, #tpu.memory_space<vmem>> -> memref<1x128x128xf32, #tpu.memory_space<vmem>>
        %dma_wait3A_457 = tpu.memref_squeeze %dma_wait3A_456 : memref<1x128x128xf32, #tpu.memory_space<vmem>> -> memref<128x128xf32, #tpu.memory_space<vmem>>
        %dma_wait3A_458 = arith.constant 0 : i32
        %dma_wait3A_459 = tpu.memref_slice %arg10[%rem3A_361, %run_scoped3A_363, %dma_wait3A_458] : memref<2x8x128xi32, #tpu.memory_space<vmem>> -> memref<1x1x128xi32, #tpu.memory_space<vmem>>
        %dma_wait3A_460 = tpu.memref_squeeze %dma_wait3A_459 : memref<1x1x128xi32, #tpu.memory_space<vmem>> -> memref<128xi32, #tpu.memory_space<vmem>>
        %dma_wait3A_461 = arith.constant 0 : i32
        %dma_wait3A_462 = arith.constant 0 : i32
        %dma_wait3A_463 = tpu.memref_slice %arg7[%dma_wait3A_461, %dma_wait3A_462] : memref<10000x128xf32, #tpu.memory_space<vmem_shared>> -> memref<10000x128xf32, #tpu.memory_space<vmem_shared>>
        tpu.wait_indirect_dma semaphore(%run_scoped3A_443 : memref<!tpu.dma_semaphore, #tpu.memory_space<semaphore_mem>>) src(%dma_wait3A_457 : memref<128x128xf32, #tpu.memory_space<vmem>>) dst(%dma_wait3A_463 : memref<10000x128xf32, #tpu.memory_space<vmem_shared>>)
        tpu.yield
      }) : () -> ()
      %rem3A_364 = arith.constant 2 : i32
      %rem3A_365 = arith.remsi %while3A_122, %rem3A_364 : i32
      %eq3A_366 = arith.constant 0 : i32
      %eq3A_367 = arith.cmpi eq, %arg0, %eq3A_366 : i32
      %convert_element_type3A_368 = arith.extui %eq3A_367 : i1 to i32
      %cond3A_369 = arith.constant 4 : i32
      %cond3A_370 = arith.constant 5 : i32
      %cond3A_371 = arith.constant 0 : i32
      %cond3A_372 = arith.cmpi ne, %convert_element_type3A_368, %cond3A_371 : i32
      scf.if %cond3A_372 {
        %dma_wait3A_443 = arith.constant 0 : i32
        %dma_wait3A_444 = tpu.memref_slice %arg10[%rem3A_326, %cond3A_369, %dma_wait3A_443] : memref<2x8x128xi32, #tpu.memory_space<vmem>> -> memref<1x1x128xi32, #tpu.memory_space<vmem>>
        %dma_wait3A_445 = tpu.memref_squeeze %dma_wait3A_444 : memref<1x1x128xi32, #tpu.memory_space<vmem>> -> memref<128xi32, #tpu.memory_space<vmem>>
        %dma_wait3A_446 = arith.constant 0 : i32
        %dma_wait3A_447 = tpu.memref_slice %arg8[%dma_wait3A_446] : memref<10000xf32, #tpu.memory_space<vmem_shared>> -> memref<10000xf32, #tpu.memory_space<vmem_shared>>
        tpu.wait_indirect_dma semaphore(%arg18 : memref<!tpu.dma_semaphore, #tpu.memory_space<semaphore_mem>>) src(%arg14 : memref<128xf32, #tpu.memory_space<vmem>>) dst(%dma_wait3A_447 : memref<10000xf32, #tpu.memory_space<vmem_shared>>)
        %dma_start3A_448 = arith.constant 0 : i32
        %dma_start3A_449 = tpu.memref_slice %arg10[%rem3A_365, %cond3A_370, %dma_start3A_448] : memref<2x8x128xi32, #tpu.memory_space<vmem>> -> memref<1x1x128xi32, #tpu.memory_space<vmem>>
        %dma_start3A_450 = tpu.memref_squeeze %dma_start3A_449 : memref<1x1x128xi32, #tpu.memory_space<vmem>> -> memref<128xi32, #tpu.memory_space<vmem>>
        %dma_start3A_451 = arith.constant 0 : i32
        %dma_start3A_452 = tpu.memref_slice %arg8[%dma_start3A_451] : memref<10000xf32, #tpu.memory_space<vmem_shared>> -> memref<10000xf32, #tpu.memory_space<vmem_shared>>
        tpu.enqueue_indirect_dma source(%arg14 : memref<128xf32, #tpu.memory_space<vmem>>) target(%dma_start3A_452 : memref<10000xf32, #tpu.memory_space<vmem_shared>>) offsets(%dma_start3A_450 : memref<128xi32, #tpu.memory_space<vmem>>) semaphore(%arg18 : memref<!tpu.dma_semaphore, #tpu.memory_space<semaphore_mem>>) {add = true}
      } else {
      }
      %rem3A_373 = arith.constant 2 : i32
      %rem3A_374 = arith.remsi %while3A_122, %rem3A_373 : i32
      %dma_start3A_375 = arith.constant 7 : i32
      %dma_start3A_376 = arith.constant 1 : i32
      %dma_start3A_377 = arith.constant 0 : i32
      %dma_start3A_378 = arith.constant 0 : i32
      %dma_start3A_379 = tpu.memref_slice %arg13[%dma_start3A_376, %dma_start3A_377, %dma_start3A_378] : memref<2x128x128xf32, #tpu.memory_space<vmem>> -> memref<1x128x128xf32, #tpu.memory_space<vmem>>
      %dma_start3A_380 = tpu.memref_squeeze %dma_start3A_379 : memref<1x128x128xf32, #tpu.memory_space<vmem>> -> memref<128x128xf32, #tpu.memory_space<vmem>>
      %dma_start3A_381 = arith.constant 0 : i32
      %dma_start3A_382 = tpu.memref_slice %arg9[%rem3A_374, %dma_start3A_375, %dma_start3A_381] : memref<2x8x128xi32, #tpu.memory_space<vmem>> -> memref<1x1x128xi32, #tpu.memory_space<vmem>>
      %dma_start3A_383 = tpu.memref_squeeze %dma_start3A_382 : memref<1x1x128xi32, #tpu.memory_space<vmem>> -> memref<128xi32, #tpu.memory_space<vmem>>
      %dma_start3A_384 = arith.constant 0 : i32
      %dma_start3A_385 = arith.constant 0 : i32
      %dma_start3A_386 = tpu.memref_slice %arg2[%dma_start3A_384, %dma_start3A_385] : memref<20000x128xf32, #tpu.memory_space<hbm>> -> memref<20000x128xf32, #tpu.memory_space<hbm>>
      tpu.enqueue_indirect_dma source(%dma_start3A_386 : memref<20000x128xf32, #tpu.memory_space<hbm>>) target(%dma_start3A_380 : memref<128x128xf32, #tpu.memory_space<vmem>>) offsets(%dma_start3A_383 : memref<128xi32, #tpu.memory_space<vmem>>) semaphore(%arg17 : memref<!tpu.dma_semaphore, #tpu.memory_space<semaphore_mem>>)
      %dma_wait3A_387 = arith.constant 6 : i32
      %dma_wait3A_388 = arith.constant 0 : i32
      %dma_wait3A_389 = arith.constant 0 : i32
      %dma_wait3A_390 = arith.constant 0 : i32
      %dma_wait3A_391 = tpu.memref_slice %arg13[%dma_wait3A_388, %dma_wait3A_389, %dma_wait3A_390] : memref<2x128x128xf32, #tpu.memory_space<vmem>> -> memref<1x128x128xf32, #tpu.memory_space<vmem>>
      %dma_wait3A_392 = tpu.memref_squeeze %dma_wait3A_391 : memref<1x128x128xf32, #tpu.memory_space<vmem>> -> memref<128x128xf32, #tpu.memory_space<vmem>>
      %dma_wait3A_393 = arith.constant 0 : i32
      %dma_wait3A_394 = tpu.memref_slice %arg9[%rem3A_335, %dma_wait3A_387, %dma_wait3A_393] : memref<2x8x128xi32, #tpu.memory_space<vmem>> -> memref<1x1x128xi32, #tpu.memory_space<vmem>>
      %dma_wait3A_395 = tpu.memref_squeeze %dma_wait3A_394 : memref<1x1x128xi32, #tpu.memory_space<vmem>> -> memref<128xi32, #tpu.memory_space<vmem>>
      %dma_wait3A_396 = arith.constant 0 : i32
      %dma_wait3A_397 = arith.constant 0 : i32
      %dma_wait3A_398 = tpu.memref_slice %arg2[%dma_wait3A_396, %dma_wait3A_397] : memref<20000x128xf32, #tpu.memory_space<hbm>> -> memref<20000x128xf32, #tpu.memory_space<hbm>>
      tpu.wait_indirect_dma semaphore(%arg16 : memref<!tpu.dma_semaphore, #tpu.memory_space<semaphore_mem>>) src(%dma_wait3A_398 : memref<20000x128xf32, #tpu.memory_space<hbm>>) dst(%dma_wait3A_392 : memref<128x128xf32, #tpu.memory_space<vmem>>)
      %rem3A_399 = arith.constant 2 : i32
      %rem3A_400 = arith.remsi %while3A_122, %rem3A_399 : i32
      %run_scoped3A_401 = arith.constant 0 : i32
      %run_scoped3A_402 = arith.constant 6 : i32
      "tpu.region"() ({
        %run_scoped3A_443 = tpu.sem_alloc : memref<!tpu.dma_semaphore, #tpu.memory_space<semaphore_mem>>
        %dma_start3A_444 = arith.constant 0 : i32
        %dma_start3A_445 = arith.constant 0 : i32
        %dma_start3A_446 = tpu.memref_slice %arg13[%run_scoped3A_401, %dma_start3A_444, %dma_start3A_445] : memref<2x128x128xf32, #tpu.memory_space<vmem>> -> memref<1x128x128xf32, #tpu.memory_space<vmem>>
        %dma_start3A_447 = tpu.memref_squeeze %dma_start3A_446 : memref<1x128x128xf32, #tpu.memory_space<vmem>> -> memref<128x128xf32, #tpu.memory_space<vmem>>
        %dma_start3A_448 = arith.constant 0 : i32
        %dma_start3A_449 = tpu.memref_slice %arg10[%rem3A_400, %run_scoped3A_402, %dma_start3A_448] : memref<2x8x128xi32, #tpu.memory_space<vmem>> -> memref<1x1x128xi32, #tpu.memory_space<vmem>>
        %dma_start3A_450 = tpu.memref_squeeze %dma_start3A_449 : memref<1x1x128xi32, #tpu.memory_space<vmem>> -> memref<128xi32, #tpu.memory_space<vmem>>
        %dma_start3A_451 = arith.constant 0 : i32
        %dma_start3A_452 = arith.constant 0 : i32
        %dma_start3A_453 = tpu.memref_slice %arg7[%dma_start3A_451, %dma_start3A_452] : memref<10000x128xf32, #tpu.memory_space<vmem_shared>> -> memref<10000x128xf32, #tpu.memory_space<vmem_shared>>
        tpu.enqueue_indirect_dma source(%dma_start3A_447 : memref<128x128xf32, #tpu.memory_space<vmem>>) target(%dma_start3A_453 : memref<10000x128xf32, #tpu.memory_space<vmem_shared>>) offsets(%dma_start3A_450 : memref<128xi32, #tpu.memory_space<vmem>>) semaphore(%run_scoped3A_443 : memref<!tpu.dma_semaphore, #tpu.memory_space<semaphore_mem>>) {add = true}
        %dma_wait3A_454 = arith.constant 0 : i32
        %dma_wait3A_455 = arith.constant 0 : i32
        %dma_wait3A_456 = tpu.memref_slice %arg13[%run_scoped3A_401, %dma_wait3A_454, %dma_wait3A_455] : memref<2x128x128xf32, #tpu.memory_space<vmem>> -> memref<1x128x128xf32, #tpu.memory_space<vmem>>
        %dma_wait3A_457 = tpu.memref_squeeze %dma_wait3A_456 : memref<1x128x128xf32, #tpu.memory_space<vmem>> -> memref<128x128xf32, #tpu.memory_space<vmem>>
        %dma_wait3A_458 = arith.constant 0 : i32
        %dma_wait3A_459 = tpu.memref_slice %arg10[%rem3A_400, %run_scoped3A_402, %dma_wait3A_458] : memref<2x8x128xi32, #tpu.memory_space<vmem>> -> memref<1x1x128xi32, #tpu.memory_space<vmem>>
        %dma_wait3A_460 = tpu.memref_squeeze %dma_wait3A_459 : memref<1x1x128xi32, #tpu.memory_space<vmem>> -> memref<128xi32, #tpu.memory_space<vmem>>
        %dma_wait3A_461 = arith.constant 0 : i32
        %dma_wait3A_462 = arith.constant 0 : i32
        %dma_wait3A_463 = tpu.memref_slice %arg7[%dma_wait3A_461, %dma_wait3A_462] : memref<10000x128xf32, #tpu.memory_space<vmem_shared>> -> memref<10000x128xf32, #tpu.memory_space<vmem_shared>>
        tpu.wait_indirect_dma semaphore(%run_scoped3A_443 : memref<!tpu.dma_semaphore, #tpu.memory_space<semaphore_mem>>) src(%dma_wait3A_457 : memref<128x128xf32, #tpu.memory_space<vmem>>) dst(%dma_wait3A_463 : memref<10000x128xf32, #tpu.memory_space<vmem_shared>>)
        tpu.yield
      }) : () -> ()
      %rem3A_403 = arith.constant 2 : i32
      %rem3A_404 = arith.remsi %while3A_122, %rem3A_403 : i32
      %eq3A_405 = arith.constant 0 : i32
      %eq3A_406 = arith.cmpi eq, %arg0, %eq3A_405 : i32
      %convert_element_type3A_407 = arith.extui %eq3A_406 : i1 to i32
      %cond3A_408 = arith.constant 5 : i32
      %cond3A_409 = arith.constant 6 : i32
      %cond3A_410 = arith.constant 0 : i32
      %cond3A_411 = arith.cmpi ne, %convert_element_type3A_407, %cond3A_410 : i32
      scf.if %cond3A_411 {
        %dma_wait3A_443 = arith.constant 0 : i32
        %dma_wait3A_444 = tpu.memref_slice %arg10[%rem3A_365, %cond3A_408, %dma_wait3A_443] : memref<2x8x128xi32, #tpu.memory_space<vmem>> -> memref<1x1x128xi32, #tpu.memory_space<vmem>>
        %dma_wait3A_445 = tpu.memref_squeeze %dma_wait3A_444 : memref<1x1x128xi32, #tpu.memory_space<vmem>> -> memref<128xi32, #tpu.memory_space<vmem>>
        %dma_wait3A_446 = arith.constant 0 : i32
        %dma_wait3A_447 = tpu.memref_slice %arg8[%dma_wait3A_446] : memref<10000xf32, #tpu.memory_space<vmem_shared>> -> memref<10000xf32, #tpu.memory_space<vmem_shared>>
        tpu.wait_indirect_dma semaphore(%arg18 : memref<!tpu.dma_semaphore, #tpu.memory_space<semaphore_mem>>) src(%arg14 : memref<128xf32, #tpu.memory_space<vmem>>) dst(%dma_wait3A_447 : memref<10000xf32, #tpu.memory_space<vmem_shared>>)
        %dma_start3A_448 = arith.constant 0 : i32
        %dma_start3A_449 = tpu.memref_slice %arg10[%rem3A_404, %cond3A_409, %dma_start3A_448] : memref<2x8x128xi32, #tpu.memory_space<vmem>> -> memref<1x1x128xi32, #tpu.memory_space<vmem>>
        %dma_start3A_450 = tpu.memref_squeeze %dma_start3A_449 : memref<1x1x128xi32, #tpu.memory_space<vmem>> -> memref<128xi32, #tpu.memory_space<vmem>>
        %dma_start3A_451 = arith.constant 0 : i32
        %dma_start3A_452 = tpu.memref_slice %arg8[%dma_start3A_451] : memref<10000xf32, #tpu.memory_space<vmem_shared>> -> memref<10000xf32, #tpu.memory_space<vmem_shared>>
        tpu.enqueue_indirect_dma source(%arg14 : memref<128xf32, #tpu.memory_space<vmem>>) target(%dma_start3A_452 : memref<10000xf32, #tpu.memory_space<vmem_shared>>) offsets(%dma_start3A_450 : memref<128xi32, #tpu.memory_space<vmem>>) semaphore(%arg18 : memref<!tpu.dma_semaphore, #tpu.memory_space<semaphore_mem>>) {add = true}
      } else {
      }
      %dma_wait3A_412 = arith.constant 7 : i32
      %dma_wait3A_413 = arith.constant 1 : i32
      %dma_wait3A_414 = arith.constant 0 : i32
      %dma_wait3A_415 = arith.constant 0 : i32
      %dma_wait3A_416 = tpu.memref_slice %arg13[%dma_wait3A_413, %dma_wait3A_414, %dma_wait3A_415] : memref<2x128x128xf32, #tpu.memory_space<vmem>> -> memref<1x128x128xf32, #tpu.memory_space<vmem>>
      %dma_wait3A_417 = tpu.memref_squeeze %dma_wait3A_416 : memref<1x128x128xf32, #tpu.memory_space<vmem>> -> memref<128x128xf32, #tpu.memory_space<vmem>>
      %dma_wait3A_418 = arith.constant 0 : i32
      %dma_wait3A_419 = tpu.memref_slice %arg9[%rem3A_374, %dma_wait3A_412, %dma_wait3A_418] : memref<2x8x128xi32, #tpu.memory_space<vmem>> -> memref<1x1x128xi32, #tpu.memory_space<vmem>>
      %dma_wait3A_420 = tpu.memref_squeeze %dma_wait3A_419 : memref<1x1x128xi32, #tpu.memory_space<vmem>> -> memref<128xi32, #tpu.memory_space<vmem>>
      %dma_wait3A_421 = arith.constant 0 : i32
      %dma_wait3A_422 = arith.constant 0 : i32
      %dma_wait3A_423 = tpu.memref_slice %arg2[%dma_wait3A_421, %dma_wait3A_422] : memref<20000x128xf32, #tpu.memory_space<hbm>> -> memref<20000x128xf32, #tpu.memory_space<hbm>>
      tpu.wait_indirect_dma semaphore(%arg17 : memref<!tpu.dma_semaphore, #tpu.memory_space<semaphore_mem>>) src(%dma_wait3A_423 : memref<20000x128xf32, #tpu.memory_space<hbm>>) dst(%dma_wait3A_417 : memref<128x128xf32, #tpu.memory_space<vmem>>)
      %rem3A_424 = arith.constant 2 : i32
      %rem3A_425 = arith.remsi %while3A_122, %rem3A_424 : i32
      %run_scoped3A_426 = arith.constant 1 : i32
      %run_scoped3A_427 = arith.constant 7 : i32
      "tpu.region"() ({
        %run_scoped3A_443 = tpu.sem_alloc : memref<!tpu.dma_semaphore, #tpu.memory_space<semaphore_mem>>
        %dma_start3A_444 = arith.constant 0 : i32
        %dma_start3A_445 = arith.constant 0 : i32
        %dma_start3A_446 = tpu.memref_slice %arg13[%run_scoped3A_426, %dma_start3A_444, %dma_start3A_445] : memref<2x128x128xf32, #tpu.memory_space<vmem>> -> memref<1x128x128xf32, #tpu.memory_space<vmem>>
        %dma_start3A_447 = tpu.memref_squeeze %dma_start3A_446 : memref<1x128x128xf32, #tpu.memory_space<vmem>> -> memref<128x128xf32, #tpu.memory_space<vmem>>
        %dma_start3A_448 = arith.constant 0 : i32
        %dma_start3A_449 = tpu.memref_slice %arg10[%rem3A_425, %run_scoped3A_427, %dma_start3A_448] : memref<2x8x128xi32, #tpu.memory_space<vmem>> -> memref<1x1x128xi32, #tpu.memory_space<vmem>>
        %dma_start3A_450 = tpu.memref_squeeze %dma_start3A_449 : memref<1x1x128xi32, #tpu.memory_space<vmem>> -> memref<128xi32, #tpu.memory_space<vmem>>
        %dma_start3A_451 = arith.constant 0 : i32
        %dma_start3A_452 = arith.constant 0 : i32
        %dma_start3A_453 = tpu.memref_slice %arg7[%dma_start3A_451, %dma_start3A_452] : memref<10000x128xf32, #tpu.memory_space<vmem_shared>> -> memref<10000x128xf32, #tpu.memory_space<vmem_shared>>
        tpu.enqueue_indirect_dma source(%dma_start3A_447 : memref<128x128xf32, #tpu.memory_space<vmem>>) target(%dma_start3A_453 : memref<10000x128xf32, #tpu.memory_space<vmem_shared>>) offsets(%dma_start3A_450 : memref<128xi32, #tpu.memory_space<vmem>>) semaphore(%run_scoped3A_443 : memref<!tpu.dma_semaphore, #tpu.memory_space<semaphore_mem>>) {add = true}
        %dma_wait3A_454 = arith.constant 0 : i32
        %dma_wait3A_455 = arith.constant 0 : i32
        %dma_wait3A_456 = tpu.memref_slice %arg13[%run_scoped3A_426, %dma_wait3A_454, %dma_wait3A_455] : memref<2x128x128xf32, #tpu.memory_space<vmem>> -> memref<1x128x128xf32, #tpu.memory_space<vmem>>
        %dma_wait3A_457 = tpu.memref_squeeze %dma_wait3A_456 : memref<1x128x128xf32, #tpu.memory_space<vmem>> -> memref<128x128xf32, #tpu.memory_space<vmem>>
        %dma_wait3A_458 = arith.constant 0 : i32
        %dma_wait3A_459 = tpu.memref_slice %arg10[%rem3A_425, %run_scoped3A_427, %dma_wait3A_458] : memref<2x8x128xi32, #tpu.memory_space<vmem>> -> memref<1x1x128xi32, #tpu.memory_space<vmem>>
        %dma_wait3A_460 = tpu.memref_squeeze %dma_wait3A_459 : memref<1x1x128xi32, #tpu.memory_space<vmem>> -> memref<128xi32, #tpu.memory_space<vmem>>
        %dma_wait3A_461 = arith.constant 0 : i32
        %dma_wait3A_462 = arith.constant 0 : i32
        %dma_wait3A_463 = tpu.memref_slice %arg7[%dma_wait3A_461, %dma_wait3A_462] : memref<10000x128xf32, #tpu.memory_space<vmem_shared>> -> memref<10000x128xf32, #tpu.memory_space<vmem_shared>>
        tpu.wait_indirect_dma semaphore(%run_scoped3A_443 : memref<!tpu.dma_semaphore, #tpu.memory_space<semaphore_mem>>) src(%dma_wait3A_457 : memref<128x128xf32, #tpu.memory_space<vmem>>) dst(%dma_wait3A_463 : memref<10000x128xf32, #tpu.memory_space<vmem_shared>>)
        tpu.yield
      }) : () -> ()
      %rem3A_428 = arith.constant 2 : i32
      %rem3A_429 = arith.remsi %while3A_122, %rem3A_428 : i32
      %eq3A_430 = arith.constant 0 : i32
      %eq3A_431 = arith.cmpi eq, %arg0, %eq3A_430 : i32
      %convert_element_type3A_432 = arith.extui %eq3A_431 : i1 to i32
      %cond3A_433 = arith.constant 6 : i32
      %cond3A_434 = arith.constant 7 : i32
      %cond3A_435 = arith.constant 0 : i32
      %cond3A_436 = arith.cmpi ne, %convert_element_type3A_432, %cond3A_435 : i32
      scf.if %cond3A_436 {
        %dma_wait3A_443 = arith.constant 0 : i32
        %dma_wait3A_444 = tpu.memref_slice %arg10[%rem3A_404, %cond3A_433, %dma_wait3A_443] : memref<2x8x128xi32, #tpu.memory_space<vmem>> -> memref<1x1x128xi32, #tpu.memory_space<vmem>>
        %dma_wait3A_445 = tpu.memref_squeeze %dma_wait3A_444 : memref<1x1x128xi32, #tpu.memory_space<vmem>> -> memref<128xi32, #tpu.memory_space<vmem>>
        %dma_wait3A_446 = arith.constant 0 : i32
        %dma_wait3A_447 = tpu.memref_slice %arg8[%dma_wait3A_446] : memref<10000xf32, #tpu.memory_space<vmem_shared>> -> memref<10000xf32, #tpu.memory_space<vmem_shared>>
        tpu.wait_indirect_dma semaphore(%arg18 : memref<!tpu.dma_semaphore, #tpu.memory_space<semaphore_mem>>) src(%arg14 : memref<128xf32, #tpu.memory_space<vmem>>) dst(%dma_wait3A_447 : memref<10000xf32, #tpu.memory_space<vmem_shared>>)
        %dma_start3A_448 = arith.constant 0 : i32
        %dma_start3A_449 = tpu.memref_slice %arg10[%rem3A_429, %cond3A_434, %dma_start3A_448] : memref<2x8x128xi32, #tpu.memory_space<vmem>> -> memref<1x1x128xi32, #tpu.memory_space<vmem>>
        %dma_start3A_450 = tpu.memref_squeeze %dma_start3A_449 : memref<1x1x128xi32, #tpu.memory_space<vmem>> -> memref<128xi32, #tpu.memory_space<vmem>>
        %dma_start3A_451 = arith.constant 0 : i32
        %dma_start3A_452 = tpu.memref_slice %arg8[%dma_start3A_451] : memref<10000xf32, #tpu.memory_space<vmem_shared>> -> memref<10000xf32, #tpu.memory_space<vmem_shared>>
        tpu.enqueue_indirect_dma source(%arg14 : memref<128xf32, #tpu.memory_space<vmem>>) target(%dma_start3A_452 : memref<10000xf32, #tpu.memory_space<vmem_shared>>) offsets(%dma_start3A_450 : memref<128xi32, #tpu.memory_space<vmem>>) semaphore(%arg18 : memref<!tpu.dma_semaphore, #tpu.memory_space<semaphore_mem>>) {add = true}
      } else {
      }
      %eq3A_437 = arith.constant 0 : i32
      %eq3A_438 = arith.cmpi eq, %arg0, %eq3A_437 : i32
      %convert_element_type3A_439 = arith.extui %eq3A_438 : i1 to i32
      %cond3A_440 = arith.constant 7 : i32
      %cond3A_441 = arith.constant 0 : i32
      %cond3A_442 = arith.cmpi ne, %convert_element_type3A_439, %cond3A_441 : i32
      scf.if %cond3A_442 {
        %dma_wait3A_443 = arith.constant 0 : i32
        %dma_wait3A_444 = tpu.memref_slice %arg10[%rem3A_429, %cond3A_440, %dma_wait3A_443] : memref<2x8x128xi32, #tpu.memory_space<vmem>> -> memref<1x1x128xi32, #tpu.memory_space<vmem>>
        %dma_wait3A_445 = tpu.memref_squeeze %dma_wait3A_444 : memref<1x1x128xi32, #tpu.memory_space<vmem>> -> memref<128xi32, #tpu.memory_space<vmem>>
        %dma_wait3A_446 = arith.constant 0 : i32
        %dma_wait3A_447 = tpu.memref_slice %arg8[%dma_wait3A_446] : memref<10000xf32, #tpu.memory_space<vmem_shared>> -> memref<10000xf32, #tpu.memory_space<vmem_shared>>
        tpu.wait_indirect_dma semaphore(%arg18 : memref<!tpu.dma_semaphore, #tpu.memory_space<semaphore_mem>>) src(%arg14 : memref<128xf32, #tpu.memory_space<vmem>>) dst(%dma_wait3A_447 : memref<10000xf32, #tpu.memory_space<vmem_shared>>)
      } else {
      }
    }
    %while3A_86 = arith.constant 1 : i32
    scf.for %while3A_122 = %while3A_84 to %while3A_80 step %while3A_86  : i32 {
      %rem3A_123 = arith.constant 2 : i32
      %rem3A_124 = arith.remsi %while3A_122, %rem3A_123 : i32
      %dma_start3A = arith.constant 0 : i32
      %dma_start3A_125 = arith.constant 0 : i32
      %dma_start3A_126 = arith.constant 0 : i32
      %dma_start3A_127 = arith.constant 0 : i32
      %dma_start3A_128 = tpu.memref_slice %arg13[%dma_start3A_125, %dma_start3A_126, %dma_start3A_127] : memref<2x128x128xf32, #tpu.memory_space<vmem>> -> memref<1x128x128xf32, #tpu.memory_space<vmem>>
      %dma_start3A_129 = tpu.memref_squeeze %dma_start3A_128 : memref<1x128x128xf32, #tpu.memory_space<vmem>> -> memref<128x128xf32, #tpu.memory_space<vmem>>
      %dma_start3A_130 = arith.constant 0 : i32
      %dma_start3A_131 = tpu.memref_slice %arg9[%rem3A_124, %dma_start3A, %dma_start3A_130] : memref<2x8x128xi32, #tpu.memory_space<vmem>> -> memref<1x1x128xi32, #tpu.memory_space<vmem>>
      %dma_start3A_132 = tpu.memref_squeeze %dma_start3A_131 : memref<1x1x128xi32, #tpu.memory_space<vmem>> -> memref<128xi32, #tpu.memory_space<vmem>>
      %dma_start3A_133 = arith.constant 0 : i32
      %dma_start3A_134 = arith.constant 0 : i32
      %dma_start3A_135 = tpu.memref_slice %arg2[%dma_start3A_133, %dma_start3A_134] : memref<20000x128xf32, #tpu.memory_space<hbm>> -> memref<20000x128xf32, #tpu.memory_space<hbm>>
      tpu.enqueue_indirect_dma source(%dma_start3A_135 : memref<20000x128xf32, #tpu.memory_space<hbm>>) target(%dma_start3A_129 : memref<128x128xf32, #tpu.memory_space<vmem>>) offsets(%dma_start3A_132 : memref<128xi32, #tpu.memory_space<vmem>>) semaphore(%arg16 : memref<!tpu.dma_semaphore, #tpu.memory_space<semaphore_mem>>)
      %add3A_136 = arith.constant 1 : i32
      %add3A_137 = arith.addi %while3A_122, %add3A_136 : i32
      %lt3A_138 = arith.cmpi slt, %add3A_137, %select_n3A_69 : i32
      %convert_element_type3A_139 = arith.extui %lt3A_138 : i1 to i32
      %cond3A_140 = arith.constant 0 : i32
      %cond3A_141 = arith.cmpi ne, %convert_element_type3A_139, %cond3A_140 : i32
      scf.if %cond3A_141 {
        %add3A_443 = arith.constant 1 : i32
        %add3A_444 = arith.addi %while3A_122, %add3A_443 : i32
        %rem3A_445 = arith.constant 2 : i32
        %rem3A_446 = arith.remsi %add3A_444, %rem3A_445 : i32
        %mul3A_447 = arith.constant 8 : i32
        %mul3A_448 = arith.muli %add3A_444, %mul3A_447 : i32
        %add3A_449 = arith.addi %select_n3A_31, %mul3A_448 : i32
        %add3A_450 = arith.addi %mul3A_0, %add3A_449 : i32
        "tpu.region"() ({
          %run_scoped3A_451 = tpu.sem_alloc : memref<!tpu.dma_semaphore, #tpu.memory_space<semaphore_mem>>
          %dma_start3A_452 = arith.constant 0 : i32
          %dma_start3A_453 = arith.constant 0 : i32
          %dma_start3A_454 = tpu.memref_slice %arg9[%rem3A_446, %dma_start3A_452, %dma_start3A_453] : memref<2x8x128xi32, #tpu.memory_space<vmem>> -> memref<1x8x128xi32, #tpu.memory_space<vmem>>
          %dma_start3A_455 = tpu.memref_squeeze %dma_start3A_454 : memref<1x8x128xi32, #tpu.memory_space<vmem>> -> memref<8x128xi32, #tpu.memory_space<vmem>>
          %dma_start3A_456 = arith.constant 0 : i32
          %dma_start3A_457 = tpu.memref_slice %arg3[%add3A_450, %dma_start3A_456] : memref<2512x128xi32, #tpu.memory_space<hbm>> -> memref<8x128xi32, #tpu.memory_space<hbm>>
          %dma_start3A_458 = arith.constant 0 : i32
          %dma_start3A_459 = arith.constant 0 : i32
          %dma_start3A_460 = tpu.memref_slice %arg9[%rem3A_446, %dma_start3A_458, %dma_start3A_459] : memref<2x8x128xi32, #tpu.memory_space<vmem>> -> memref<1x8x128xi32, #tpu.memory_space<vmem>>
          %dma_start3A_461 = tpu.memref_squeeze %dma_start3A_460 : memref<1x8x128xi32, #tpu.memory_space<vmem>> -> memref<8x128xi32, #tpu.memory_space<vmem>>
          %dma_start3A_462 = arith.constant 0 : i32
          %dma_start3A_463 = tpu.memref_slice %arg3[%add3A_450, %dma_start3A_462] : memref<2512x128xi32, #tpu.memory_space<hbm>> -> memref<8x128xi32, #tpu.memory_space<hbm>>
          tpu.enqueue_dma source(%dma_start3A_463 : memref<8x128xi32, #tpu.memory_space<hbm>>) target(%dma_start3A_461 : memref<8x128xi32, #tpu.memory_space<vmem>>) target_semaphore(%run_scoped3A_451 : memref<!tpu.dma_semaphore, #tpu.memory_space<semaphore_mem>>)
          %dma_wait3A_464 = arith.constant 0 : i32
          %dma_wait3A_465 = arith.constant 0 : i32
          %dma_wait3A_466 = tpu.memref_slice %arg9[%rem3A_446, %dma_wait3A_464, %dma_wait3A_465] : memref<2x8x128xi32, #tpu.memory_space<vmem>> -> memref<1x8x128xi32, #tpu.memory_space<vmem>>
          %dma_wait3A_467 = tpu.memref_squeeze %dma_wait3A_466 : memref<1x8x128xi32, #tpu.memory_space<vmem>> -> memref<8x128xi32, #tpu.memory_space<vmem>>
          %dma_wait3A_468 = arith.constant 0 : i32
          %dma_wait3A_469 = tpu.memref_slice %arg3[%add3A_450, %dma_wait3A_468] : memref<2512x128xi32, #tpu.memory_space<hbm>> -> memref<8x128xi32, #tpu.memory_space<hbm>>
          %dma_wait3A_470 = arith.constant 0 : i32
          %dma_wait3A_471 = arith.constant 0 : i32
          %dma_wait3A_472 = tpu.memref_slice %arg9[%rem3A_446, %dma_wait3A_470, %dma_wait3A_471] : memref<2x8x128xi32, #tpu.memory_space<vmem>> -> memref<1x8x128xi32, #tpu.memory_space<vmem>>
          %dma_wait3A_473 = tpu.memref_squeeze %dma_wait3A_472 : memref<1x8x128xi32, #tpu.memory_space<vmem>> -> memref<8x128xi32, #tpu.memory_space<vmem>>
          %dma_wait3A_474 = arith.constant 0 : i32
          %dma_wait3A_475 = tpu.memref_slice %arg3[%add3A_450, %dma_wait3A_474] : memref<2512x128xi32, #tpu.memory_space<hbm>> -> memref<8x128xi32, #tpu.memory_space<hbm>>
          tpu.wait_dma2 semaphore(%run_scoped3A_451 : memref<!tpu.dma_semaphore, #tpu.memory_space<semaphore_mem>>) src(%dma_wait3A_475 : memref<8x128xi32, #tpu.memory_space<hbm>>) dst(%dma_wait3A_473 : memref<8x128xi32, #tpu.memory_space<vmem>>)
          tpu.yield
        }) : () -> ()
        "tpu.region"() ({
          %run_scoped3A_451 = tpu.sem_alloc : memref<!tpu.dma_semaphore, #tpu.memory_space<semaphore_mem>>
          %dma_start3A_452 = arith.constant 0 : i32
          %dma_start3A_453 = arith.constant 0 : i32
          %dma_start3A_454 = tpu.memref_slice %arg10[%rem3A_446, %dma_start3A_452, %dma_start3A_453] : memref<2x8x128xi32, #tpu.memory_space<vmem>> -> memref<1x8x128xi32, #tpu.memory_space<vmem>>
          %dma_start3A_455 = tpu.memref_squeeze %dma_start3A_454 : memref<1x8x128xi32, #tpu.memory_space<vmem>> -> memref<8x128xi32, #tpu.memory_space<vmem>>
          %dma_start3A_456 = arith.constant 0 : i32
          %dma_start3A_457 = tpu.memref_slice %arg4[%add3A_449, %dma_start3A_456] : memref<1250x128xi32, #tpu.memory_space<hbm>> -> memref<8x128xi32, #tpu.memory_space<hbm>>
          %dma_start3A_458 = arith.constant 0 : i32
          %dma_start3A_459 = arith.constant 0 : i32
          %dma_start3A_460 = tpu.memref_slice %arg10[%rem3A_446, %dma_start3A_458, %dma_start3A_459] : memref<2x8x128xi32, #tpu.memory_space<vmem>> -> memref<1x8x128xi32, #tpu.memory_space<vmem>>
          %dma_start3A_461 = tpu.memref_squeeze %dma_start3A_460 : memref<1x8x128xi32, #tpu.memory_space<vmem>> -> memref<8x128xi32, #tpu.memory_space<vmem>>
          %dma_start3A_462 = arith.constant 0 : i32
          %dma_start3A_463 = tpu.memref_slice %arg4[%add3A_449, %dma_start3A_462] : memref<1250x128xi32, #tpu.memory_space<hbm>> -> memref<8x128xi32, #tpu.memory_space<hbm>>
          tpu.enqueue_dma source(%dma_start3A_463 : memref<8x128xi32, #tpu.memory_space<hbm>>) target(%dma_start3A_461 : memref<8x128xi32, #tpu.memory_space<vmem>>) target_semaphore(%run_scoped3A_451 : memref<!tpu.dma_semaphore, #tpu.memory_space<semaphore_mem>>)
          %dma_wait3A_464 = arith.constant 0 : i32
          %dma_wait3A_465 = arith.constant 0 : i32
          %dma_wait3A_466 = tpu.memref_slice %arg10[%rem3A_446, %dma_wait3A_464, %dma_wait3A_465] : memref<2x8x128xi32, #tpu.memory_space<vmem>> -> memref<1x8x128xi32, #tpu.memory_space<vmem>>
          %dma_wait3A_467 = tpu.memref_squeeze %dma_wait3A_466 : memref<1x8x128xi32, #tpu.memory_space<vmem>> -> memref<8x128xi32, #tpu.memory_space<vmem>>
          %dma_wait3A_468 = arith.constant 0 : i32
          %dma_wait3A_469 = tpu.memref_slice %arg4[%add3A_449, %dma_wait3A_468] : memref<1250x128xi32, #tpu.memory_space<hbm>> -> memref<8x128xi32, #tpu.memory_space<hbm>>
          %dma_wait3A_470 = arith.constant 0 : i32
          %dma_wait3A_471 = arith.constant 0 : i32
          %dma_wait3A_472 = tpu.memref_slice %arg10[%rem3A_446, %dma_wait3A_470, %dma_wait3A_471] : memref<2x8x128xi32, #tpu.memory_space<vmem>> -> memref<1x8x128xi32, #tpu.memory_space<vmem>>
          %dma_wait3A_473 = tpu.memref_squeeze %dma_wait3A_472 : memref<1x8x128xi32, #tpu.memory_space<vmem>> -> memref<8x128xi32, #tpu.memory_space<vmem>>
          %dma_wait3A_474 = arith.constant 0 : i32
          %dma_wait3A_475 = tpu.memref_slice %arg4[%add3A_449, %dma_wait3A_474] : memref<1250x128xi32, #tpu.memory_space<hbm>> -> memref<8x128xi32, #tpu.memory_space<hbm>>
          tpu.wait_dma2 semaphore(%run_scoped3A_451 : memref<!tpu.dma_semaphore, #tpu.memory_space<semaphore_mem>>) src(%dma_wait3A_475 : memref<8x128xi32, #tpu.memory_space<hbm>>) dst(%dma_wait3A_473 : memref<8x128xi32, #tpu.memory_space<vmem>>)
          tpu.yield
        }) : () -> ()
      } else {
      }
      %rem3A_142 = arith.constant 2 : i32
      %rem3A_143 = arith.remsi %while3A_122, %rem3A_142 : i32
      %dma_start3A_144 = arith.constant 1 : i32
      %dma_start3A_145 = arith.constant 1 : i32
      %dma_start3A_146 = arith.constant 0 : i32
      %dma_start3A_147 = arith.constant 0 : i32
      %dma_start3A_148 = tpu.memref_slice %arg13[%dma_start3A_145, %dma_start3A_146, %dma_start3A_147] : memref<2x128x128xf32, #tpu.memory_space<vmem>> -> memref<1x128x128xf32, #tpu.memory_space<vmem>>
      %dma_start3A_149 = tpu.memref_squeeze %dma_start3A_148 : memref<1x128x128xf32, #tpu.memory_space<vmem>> -> memref<128x128xf32, #tpu.memory_space<vmem>>
      %dma_start3A_150 = arith.constant 0 : i32
      %dma_start3A_151 = tpu.memref_slice %arg9[%rem3A_143, %dma_start3A_144, %dma_start3A_150] : memref<2x8x128xi32, #tpu.memory_space<vmem>> -> memref<1x1x128xi32, #tpu.memory_space<vmem>>
      %dma_start3A_152 = tpu.memref_squeeze %dma_start3A_151 : memref<1x1x128xi32, #tpu.memory_space<vmem>> -> memref<128xi32, #tpu.memory_space<vmem>>
      %dma_start3A_153 = arith.constant 0 : i32
      %dma_start3A_154 = arith.constant 0 : i32
      %dma_start3A_155 = tpu.memref_slice %arg2[%dma_start3A_153, %dma_start3A_154] : memref<20000x128xf32, #tpu.memory_space<hbm>> -> memref<20000x128xf32, #tpu.memory_space<hbm>>
      tpu.enqueue_indirect_dma source(%dma_start3A_155 : memref<20000x128xf32, #tpu.memory_space<hbm>>) target(%dma_start3A_149 : memref<128x128xf32, #tpu.memory_space<vmem>>) offsets(%dma_start3A_152 : memref<128xi32, #tpu.memory_space<vmem>>) semaphore(%arg17 : memref<!tpu.dma_semaphore, #tpu.memory_space<semaphore_mem>>)
      %dma_wait3A = arith.constant 0 : i32
      %dma_wait3A_156 = arith.constant 0 : i32
      %dma_wait3A_157 = arith.constant 0 : i32
      %dma_wait3A_158 = arith.constant 0 : i32
      %dma_wait3A_159 = tpu.memref_slice %arg13[%dma_wait3A_156, %dma_wait3A_157, %dma_wait3A_158] : memref<2x128x128xf32, #tpu.memory_space<vmem>> -> memref<1x128x128xf32, #tpu.memory_space<vmem>>
      %dma_wait3A_160 = tpu.memref_squeeze %dma_wait3A_159 : memref<1x128x128xf32, #tpu.memory_space<vmem>> -> memref<128x128xf32, #tpu.memory_space<vmem>>
      %dma_wait3A_161 = arith.constant 0 : i32
      %dma_wait3A_162 = tpu.memref_slice %arg9[%rem3A_124, %dma_wait3A, %dma_wait3A_161] : memref<2x8x128xi32, #tpu.memory_space<vmem>> -> memref<1x1x128xi32, #tpu.memory_space<vmem>>
      %dma_wait3A_163 = tpu.memref_squeeze %dma_wait3A_162 : memref<1x1x128xi32, #tpu.memory_space<vmem>> -> memref<128xi32, #tpu.memory_space<vmem>>
      %dma_wait3A_164 = arith.constant 0 : i32
      %dma_wait3A_165 = arith.constant 0 : i32
      %dma_wait3A_166 = tpu.memref_slice %arg2[%dma_wait3A_164, %dma_wait3A_165] : memref<20000x128xf32, #tpu.memory_space<hbm>> -> memref<20000x128xf32, #tpu.memory_space<hbm>>
      tpu.wait_indirect_dma semaphore(%arg16 : memref<!tpu.dma_semaphore, #tpu.memory_space<semaphore_mem>>) src(%dma_wait3A_166 : memref<20000x128xf32, #tpu.memory_space<hbm>>) dst(%dma_wait3A_160 : memref<128x128xf32, #tpu.memory_space<vmem>>)
      %rem3A_167 = arith.constant 2 : i32
      %rem3A_168 = arith.remsi %while3A_122, %rem3A_167 : i32
      %run_scoped3A = arith.constant 0 : i32
      %run_scoped3A_169 = arith.constant 0 : i32
      "tpu.region"() ({
        %run_scoped3A_443 = tpu.sem_alloc : memref<!tpu.dma_semaphore, #tpu.memory_space<semaphore_mem>>
        %dma_start3A_444 = arith.constant 0 : i32
        %dma_start3A_445 = arith.constant 0 : i32
        %dma_start3A_446 = tpu.memref_slice %arg13[%run_scoped3A, %dma_start3A_444, %dma_start3A_445] : memref<2x128x128xf32, #tpu.memory_space<vmem>> -> memref<1x128x128xf32, #tpu.memory_space<vmem>>
        %dma_start3A_447 = tpu.memref_squeeze %dma_start3A_446 : memref<1x128x128xf32, #tpu.memory_space<vmem>> -> memref<128x128xf32, #tpu.memory_space<vmem>>
        %dma_start3A_448 = arith.constant 0 : i32
        %dma_start3A_449 = tpu.memref_slice %arg10[%rem3A_168, %run_scoped3A_169, %dma_start3A_448] : memref<2x8x128xi32, #tpu.memory_space<vmem>> -> memref<1x1x128xi32, #tpu.memory_space<vmem>>
        %dma_start3A_450 = tpu.memref_squeeze %dma_start3A_449 : memref<1x1x128xi32, #tpu.memory_space<vmem>> -> memref<128xi32, #tpu.memory_space<vmem>>
        %dma_start3A_451 = arith.constant 0 : i32
        %dma_start3A_452 = arith.constant 0 : i32
        %dma_start3A_453 = tpu.memref_slice %arg7[%dma_start3A_451, %dma_start3A_452] : memref<10000x128xf32, #tpu.memory_space<vmem_shared>> -> memref<10000x128xf32, #tpu.memory_space<vmem_shared>>
        tpu.enqueue_indirect_dma source(%dma_start3A_447 : memref<128x128xf32, #tpu.memory_space<vmem>>) target(%dma_start3A_453 : memref<10000x128xf32, #tpu.memory_space<vmem_shared>>) offsets(%dma_start3A_450 : memref<128xi32, #tpu.memory_space<vmem>>) semaphore(%run_scoped3A_443 : memref<!tpu.dma_semaphore, #tpu.memory_space<semaphore_mem>>) {add = true}
        %dma_wait3A_454 = arith.constant 0 : i32
        %dma_wait3A_455 = arith.constant 0 : i32
        %dma_wait3A_456 = tpu.memref_slice %arg13[%run_scoped3A, %dma_wait3A_454, %dma_wait3A_455] : memref<2x128x128xf32, #tpu.memory_space<vmem>> -> memref<1x128x128xf32, #tpu.memory_space<vmem>>
        %dma_wait3A_457 = tpu.memref_squeeze %dma_wait3A_456 : memref<1x128x128xf32, #tpu.memory_space<vmem>> -> memref<128x128xf32, #tpu.memory_space<vmem>>
        %dma_wait3A_458 = arith.constant 0 : i32
        %dma_wait3A_459 = tpu.memref_slice %arg10[%rem3A_168, %run_scoped3A_169, %dma_wait3A_458] : memref<2x8x128xi32, #tpu.memory_space<vmem>> -> memref<1x1x128xi32, #tpu.memory_space<vmem>>
        %dma_wait3A_460 = tpu.memref_squeeze %dma_wait3A_459 : memref<1x1x128xi32, #tpu.memory_space<vmem>> -> memref<128xi32, #tpu.memory_space<vmem>>
        %dma_wait3A_461 = arith.constant 0 : i32
        %dma_wait3A_462 = arith.constant 0 : i32
        %dma_wait3A_463 = tpu.memref_slice %arg7[%dma_wait3A_461, %dma_wait3A_462] : memref<10000x128xf32, #tpu.memory_space<vmem_shared>> -> memref<10000x128xf32, #tpu.memory_space<vmem_shared>>
        tpu.wait_indirect_dma semaphore(%run_scoped3A_443 : memref<!tpu.dma_semaphore, #tpu.memory_space<semaphore_mem>>) src(%dma_wait3A_457 : memref<128x128xf32, #tpu.memory_space<vmem>>) dst(%dma_wait3A_463 : memref<10000x128xf32, #tpu.memory_space<vmem_shared>>)
        tpu.yield
      }) : () -> ()
      %rem3A_170 = arith.constant 2 : i32
      %rem3A_171 = arith.remsi %while3A_122, %rem3A_170 : i32
      %eq3A_172 = arith.constant 0 : i32
      %eq3A_173 = arith.cmpi eq, %arg0, %eq3A_172 : i32
      %convert_element_type3A_174 = arith.extui %eq3A_173 : i1 to i32
      %cond3A_175 = arith.constant 0 : i32
      %cond3A_176 = arith.constant 0 : i32
      %cond3A_177 = arith.cmpi ne, %convert_element_type3A_174, %cond3A_176 : i32
      scf.if %cond3A_177 {
        %dma_start3A_443 = arith.constant 0 : i32
        %dma_start3A_444 = tpu.memref_slice %arg10[%rem3A_171, %cond3A_175, %dma_start3A_443] : memref<2x8x128xi32, #tpu.memory_space<vmem>> -> memref<1x1x128xi32, #tpu.memory_space<vmem>>
        %dma_start3A_445 = tpu.memref_squeeze %dma_start3A_444 : memref<1x1x128xi32, #tpu.memory_space<vmem>> -> memref<128xi32, #tpu.memory_space<vmem>>
        %dma_start3A_446 = arith.constant 0 : i32
        %dma_start3A_447 = tpu.memref_slice %arg8[%dma_start3A_446] : memref<10000xf32, #tpu.memory_space<vmem_shared>> -> memref<10000xf32, #tpu.memory_space<vmem_shared>>
        tpu.enqueue_indirect_dma source(%arg14 : memref<128xf32, #tpu.memory_space<vmem>>) target(%dma_start3A_447 : memref<10000xf32, #tpu.memory_space<vmem_shared>>) offsets(%dma_start3A_445 : memref<128xi32, #tpu.memory_space<vmem>>) semaphore(%arg18 : memref<!tpu.dma_semaphore, #tpu.memory_space<semaphore_mem>>) {add = true}
      } else {
      }
      %rem3A_178 = arith.constant 2 : i32
      %rem3A_179 = arith.remsi %while3A_122, %rem3A_178 : i32
      %dma_start3A_180 = arith.constant 2 : i32
      %dma_start3A_181 = arith.constant 0 : i32
      %dma_start3A_182 = arith.constant 0 : i32
      %dma_start3A_183 = arith.constant 0 : i32
      %dma_start3A_184 = tpu.memref_slice %arg13[%dma_start3A_181, %dma_start3A_182, %dma_start3A_183] : memref<2x128x128xf32, #tpu.memory_space<vmem>> -> memref<1x128x128xf32, #tpu.memory_space<vmem>>
      %dma_start3A_185 = tpu.memref_squeeze %dma_start3A_184 : memref<1x128x128xf32, #tpu.memory_space<vmem>> -> memref<128x128xf32, #tpu.memory_space<vmem>>
      %dma_start3A_186 = arith.constant 0 : i32
      %dma_start3A_187 = tpu.memref_slice %arg9[%rem3A_179, %dma_start3A_180, %dma_start3A_186] : memref<2x8x128xi32, #tpu.memory_space<vmem>> -> memref<1x1x128xi32, #tpu.memory_space<vmem>>
      %dma_start3A_188 = tpu.memref_squeeze %dma_start3A_187 : memref<1x1x128xi32, #tpu.memory_space<vmem>> -> memref<128xi32, #tpu.memory_space<vmem>>
      %dma_start3A_189 = arith.constant 0 : i32
      %dma_start3A_190 = arith.constant 0 : i32
      %dma_start3A_191 = tpu.memref_slice %arg2[%dma_start3A_189, %dma_start3A_190] : memref<20000x128xf32, #tpu.memory_space<hbm>> -> memref<20000x128xf32, #tpu.memory_space<hbm>>
      tpu.enqueue_indirect_dma source(%dma_start3A_191 : memref<20000x128xf32, #tpu.memory_space<hbm>>) target(%dma_start3A_185 : memref<128x128xf32, #tpu.memory_space<vmem>>) offsets(%dma_start3A_188 : memref<128xi32, #tpu.memory_space<vmem>>) semaphore(%arg16 : memref<!tpu.dma_semaphore, #tpu.memory_space<semaphore_mem>>)
      %dma_wait3A_192 = arith.constant 1 : i32
      %dma_wait3A_193 = arith.constant 1 : i32
      %dma_wait3A_194 = arith.constant 0 : i32
      %dma_wait3A_195 = arith.constant 0 : i32
      %dma_wait3A_196 = tpu.memref_slice %arg13[%dma_wait3A_193, %dma_wait3A_194, %dma_wait3A_195] : memref<2x128x128xf32, #tpu.memory_space<vmem>> -> memref<1x128x128xf32, #tpu.memory_space<vmem>>
      %dma_wait3A_197 = tpu.memref_squeeze %dma_wait3A_196 : memref<1x128x128xf32, #tpu.memory_space<vmem>> -> memref<128x128xf32, #tpu.memory_space<vmem>>
      %dma_wait3A_198 = arith.constant 0 : i32
      %dma_wait3A_199 = tpu.memref_slice %arg9[%rem3A_143, %dma_wait3A_192, %dma_wait3A_198] : memref<2x8x128xi32, #tpu.memory_space<vmem>> -> memref<1x1x128xi32, #tpu.memory_space<vmem>>
      %dma_wait3A_200 = tpu.memref_squeeze %dma_wait3A_199 : memref<1x1x128xi32, #tpu.memory_space<vmem>> -> memref<128xi32, #tpu.memory_space<vmem>>
      %dma_wait3A_201 = arith.constant 0 : i32
      %dma_wait3A_202 = arith.constant 0 : i32
      %dma_wait3A_203 = tpu.memref_slice %arg2[%dma_wait3A_201, %dma_wait3A_202] : memref<20000x128xf32, #tpu.memory_space<hbm>> -> memref<20000x128xf32, #tpu.memory_space<hbm>>
      tpu.wait_indirect_dma semaphore(%arg17 : memref<!tpu.dma_semaphore, #tpu.memory_space<semaphore_mem>>) src(%dma_wait3A_203 : memref<20000x128xf32, #tpu.memory_space<hbm>>) dst(%dma_wait3A_197 : memref<128x128xf32, #tpu.memory_space<vmem>>)
      %rem3A_204 = arith.constant 2 : i32
      %rem3A_205 = arith.remsi %while3A_122, %rem3A_204 : i32
      %run_scoped3A_206 = arith.constant 1 : i32
      %run_scoped3A_207 = arith.constant 1 : i32
      "tpu.region"() ({
        %run_scoped3A_443 = tpu.sem_alloc : memref<!tpu.dma_semaphore, #tpu.memory_space<semaphore_mem>>
        %dma_start3A_444 = arith.constant 0 : i32
        %dma_start3A_445 = arith.constant 0 : i32
        %dma_start3A_446 = tpu.memref_slice %arg13[%run_scoped3A_206, %dma_start3A_444, %dma_start3A_445] : memref<2x128x128xf32, #tpu.memory_space<vmem>> -> memref<1x128x128xf32, #tpu.memory_space<vmem>>
        %dma_start3A_447 = tpu.memref_squeeze %dma_start3A_446 : memref<1x128x128xf32, #tpu.memory_space<vmem>> -> memref<128x128xf32, #tpu.memory_space<vmem>>
        %dma_start3A_448 = arith.constant 0 : i32
        %dma_start3A_449 = tpu.memref_slice %arg10[%rem3A_205, %run_scoped3A_207, %dma_start3A_448] : memref<2x8x128xi32, #tpu.memory_space<vmem>> -> memref<1x1x128xi32, #tpu.memory_space<vmem>>
        %dma_start3A_450 = tpu.memref_squeeze %dma_start3A_449 : memref<1x1x128xi32, #tpu.memory_space<vmem>> -> memref<128xi32, #tpu.memory_space<vmem>>
        %dma_start3A_451 = arith.constant 0 : i32
        %dma_start3A_452 = arith.constant 0 : i32
        %dma_start3A_453 = tpu.memref_slice %arg7[%dma_start3A_451, %dma_start3A_452] : memref<10000x128xf32, #tpu.memory_space<vmem_shared>> -> memref<10000x128xf32, #tpu.memory_space<vmem_shared>>
        tpu.enqueue_indirect_dma source(%dma_start3A_447 : memref<128x128xf32, #tpu.memory_space<vmem>>) target(%dma_start3A_453 : memref<10000x128xf32, #tpu.memory_space<vmem_shared>>) offsets(%dma_start3A_450 : memref<128xi32, #tpu.memory_space<vmem>>) semaphore(%run_scoped3A_443 : memref<!tpu.dma_semaphore, #tpu.memory_space<semaphore_mem>>) {add = true}
        %dma_wait3A_454 = arith.constant 0 : i32
        %dma_wait3A_455 = arith.constant 0 : i32
        %dma_wait3A_456 = tpu.memref_slice %arg13[%run_scoped3A_206, %dma_wait3A_454, %dma_wait3A_455] : memref<2x128x128xf32, #tpu.memory_space<vmem>> -> memref<1x128x128xf32, #tpu.memory_space<vmem>>
        %dma_wait3A_457 = tpu.memref_squeeze %dma_wait3A_456 : memref<1x128x128xf32, #tpu.memory_space<vmem>> -> memref<128x128xf32, #tpu.memory_space<vmem>>
        %dma_wait3A_458 = arith.constant 0 : i32
        %dma_wait3A_459 = tpu.memref_slice %arg10[%rem3A_205, %run_scoped3A_207, %dma_wait3A_458] : memref<2x8x128xi32, #tpu.memory_space<vmem>> -> memref<1x1x128xi32, #tpu.memory_space<vmem>>
        %dma_wait3A_460 = tpu.memref_squeeze %dma_wait3A_459 : memref<1x1x128xi32, #tpu.memory_space<vmem>> -> memref<128xi32, #tpu.memory_space<vmem>>
        %dma_wait3A_461 = arith.constant 0 : i32
        %dma_wait3A_462 = arith.constant 0 : i32
        %dma_wait3A_463 = tpu.memref_slice %arg7[%dma_wait3A_461, %dma_wait3A_462] : memref<10000x128xf32, #tpu.memory_space<vmem_shared>> -> memref<10000x128xf32, #tpu.memory_space<vmem_shared>>
        tpu.wait_indirect_dma semaphore(%run_scoped3A_443 : memref<!tpu.dma_semaphore, #tpu.memory_space<semaphore_mem>>) src(%dma_wait3A_457 : memref<128x128xf32, #tpu.memory_space<vmem>>) dst(%dma_wait3A_463 : memref<10000x128xf32, #tpu.memory_space<vmem_shared>>)
        tpu.yield
      }) : () -> ()
      %rem3A_208 = arith.constant 2 : i32
      %rem3A_209 = arith.remsi %while3A_122, %rem3A_208 : i32
      %eq3A_210 = arith.constant 0 : i32
      %eq3A_211 = arith.cmpi eq, %arg0, %eq3A_210 : i32
      %convert_element_type3A_212 = arith.extui %eq3A_211 : i1 to i32
      %cond3A_213 = arith.constant 0 : i32
      %cond3A_214 = arith.constant 1 : i32
      %cond3A_215 = arith.constant 0 : i32
      %cond3A_216 = arith.cmpi ne, %convert_element_type3A_212, %cond3A_215 : i32
      scf.if %cond3A_216 {
        %dma_wait3A_443 = arith.constant 0 : i32
        %dma_wait3A_444 = tpu.memref_slice %arg10[%rem3A_171, %cond3A_213, %dma_wait3A_443] : memref<2x8x128xi32, #tpu.memory_space<vmem>> -> memref<1x1x128xi32, #tpu.memory_space<vmem>>
        %dma_wait3A_445 = tpu.memref_squeeze %dma_wait3A_444 : memref<1x1x128xi32, #tpu.memory_space<vmem>> -> memref<128xi32, #tpu.memory_space<vmem>>
        %dma_wait3A_446 = arith.constant 0 : i32
        %dma_wait3A_447 = tpu.memref_slice %arg8[%dma_wait3A_446] : memref<10000xf32, #tpu.memory_space<vmem_shared>> -> memref<10000xf32, #tpu.memory_space<vmem_shared>>
        tpu.wait_indirect_dma semaphore(%arg18 : memref<!tpu.dma_semaphore, #tpu.memory_space<semaphore_mem>>) src(%arg14 : memref<128xf32, #tpu.memory_space<vmem>>) dst(%dma_wait3A_447 : memref<10000xf32, #tpu.memory_space<vmem_shared>>)
        %dma_start3A_448 = arith.constant 0 : i32
        %dma_start3A_449 = tpu.memref_slice %arg10[%rem3A_209, %cond3A_214, %dma_start3A_448] : memref<2x8x128xi32, #tpu.memory_space<vmem>> -> memref<1x1x128xi32, #tpu.memory_space<vmem>>
        %dma_start3A_450 = tpu.memref_squeeze %dma_start3A_449 : memref<1x1x128xi32, #tpu.memory_space<vmem>> -> memref<128xi32, #tpu.memory_space<vmem>>
        %dma_start3A_451 = arith.constant 0 : i32
        %dma_start3A_452 = tpu.memref_slice %arg8[%dma_start3A_451] : memref<10000xf32, #tpu.memory_space<vmem_shared>> -> memref<10000xf32, #tpu.memory_space<vmem_shared>>
        tpu.enqueue_indirect_dma source(%arg14 : memref<128xf32, #tpu.memory_space<vmem>>) target(%dma_start3A_452 : memref<10000xf32, #tpu.memory_space<vmem_shared>>) offsets(%dma_start3A_450 : memref<128xi32, #tpu.memory_space<vmem>>) semaphore(%arg18 : memref<!tpu.dma_semaphore, #tpu.memory_space<semaphore_mem>>) {add = true}
      } else {
      }
      %rem3A_217 = arith.constant 2 : i32
      %rem3A_218 = arith.remsi %while3A_122, %rem3A_217 : i32
      %dma_start3A_219 = arith.constant 3 : i32
      %dma_start3A_220 = arith.constant 1 : i32
      %dma_start3A_221 = arith.constant 0 : i32
      %dma_start3A_222 = arith.constant 0 : i32
      %dma_start3A_223 = tpu.memref_slice %arg13[%dma_start3A_220, %dma_start3A_221, %dma_start3A_222] : memref<2x128x128xf32, #tpu.memory_space<vmem>> -> memref<1x128x128xf32, #tpu.memory_space<vmem>>
      %dma_start3A_224 = tpu.memref_squeeze %dma_start3A_223 : memref<1x128x128xf32, #tpu.memory_space<vmem>> -> memref<128x128xf32, #tpu.memory_space<vmem>>
      %dma_start3A_225 = arith.constant 0 : i32
      %dma_start3A_226 = tpu.memref_slice %arg9[%rem3A_218, %dma_start3A_219, %dma_start3A_225] : memref<2x8x128xi32, #tpu.memory_space<vmem>> -> memref<1x1x128xi32, #tpu.memory_space<vmem>>
      %dma_start3A_227 = tpu.memref_squeeze %dma_start3A_226 : memref<1x1x128xi32, #tpu.memory_space<vmem>> -> memref<128xi32, #tpu.memory_space<vmem>>
      %dma_start3A_228 = arith.constant 0 : i32
      %dma_start3A_229 = arith.constant 0 : i32
      %dma_start3A_230 = tpu.memref_slice %arg2[%dma_start3A_228, %dma_start3A_229] : memref<20000x128xf32, #tpu.memory_space<hbm>> -> memref<20000x128xf32, #tpu.memory_space<hbm>>
      tpu.enqueue_indirect_dma source(%dma_start3A_230 : memref<20000x128xf32, #tpu.memory_space<hbm>>) target(%dma_start3A_224 : memref<128x128xf32, #tpu.memory_space<vmem>>) offsets(%dma_start3A_227 : memref<128xi32, #tpu.memory_space<vmem>>) semaphore(%arg17 : memref<!tpu.dma_semaphore, #tpu.memory_space<semaphore_mem>>)
      %dma_wait3A_231 = arith.constant 2 : i32
      %dma_wait3A_232 = arith.constant 0 : i32
      %dma_wait3A_233 = arith.constant 0 : i32
      %dma_wait3A_234 = arith.constant 0 : i32
      %dma_wait3A_235 = tpu.memref_slice %arg13[%dma_wait3A_232, %dma_wait3A_233, %dma_wait3A_234] : memref<2x128x128xf32, #tpu.memory_space<vmem>> -> memref<1x128x128xf32, #tpu.memory_space<vmem>>
      %dma_wait3A_236 = tpu.memref_squeeze %dma_wait3A_235 : memref<1x128x128xf32, #tpu.memory_space<vmem>> -> memref<128x128xf32, #tpu.memory_space<vmem>>
      %dma_wait3A_237 = arith.constant 0 : i32
      %dma_wait3A_238 = tpu.memref_slice %arg9[%rem3A_179, %dma_wait3A_231, %dma_wait3A_237] : memref<2x8x128xi32, #tpu.memory_space<vmem>> -> memref<1x1x128xi32, #tpu.memory_space<vmem>>
      %dma_wait3A_239 = tpu.memref_squeeze %dma_wait3A_238 : memref<1x1x128xi32, #tpu.memory_space<vmem>> -> memref<128xi32, #tpu.memory_space<vmem>>
      %dma_wait3A_240 = arith.constant 0 : i32
      %dma_wait3A_241 = arith.constant 0 : i32
      %dma_wait3A_242 = tpu.memref_slice %arg2[%dma_wait3A_240, %dma_wait3A_241] : memref<20000x128xf32, #tpu.memory_space<hbm>> -> memref<20000x128xf32, #tpu.memory_space<hbm>>
      tpu.wait_indirect_dma semaphore(%arg16 : memref<!tpu.dma_semaphore, #tpu.memory_space<semaphore_mem>>) src(%dma_wait3A_242 : memref<20000x128xf32, #tpu.memory_space<hbm>>) dst(%dma_wait3A_236 : memref<128x128xf32, #tpu.memory_space<vmem>>)
      %rem3A_243 = arith.constant 2 : i32
      %rem3A_244 = arith.remsi %while3A_122, %rem3A_243 : i32
      %run_scoped3A_245 = arith.constant 0 : i32
      %run_scoped3A_246 = arith.constant 2 : i32
      "tpu.region"() ({
        %run_scoped3A_443 = tpu.sem_alloc : memref<!tpu.dma_semaphore, #tpu.memory_space<semaphore_mem>>
        %dma_start3A_444 = arith.constant 0 : i32
        %dma_start3A_445 = arith.constant 0 : i32
        %dma_start3A_446 = tpu.memref_slice %arg13[%run_scoped3A_245, %dma_start3A_444, %dma_start3A_445] : memref<2x128x128xf32, #tpu.memory_space<vmem>> -> memref<1x128x128xf32, #tpu.memory_space<vmem>>
        %dma_start3A_447 = tpu.memref_squeeze %dma_start3A_446 : memref<1x128x128xf32, #tpu.memory_space<vmem>> -> memref<128x128xf32, #tpu.memory_space<vmem>>
        %dma_start3A_448 = arith.constant 0 : i32
        %dma_start3A_449 = tpu.memref_slice %arg10[%rem3A_244, %run_scoped3A_246, %dma_start3A_448] : memref<2x8x128xi32, #tpu.memory_space<vmem>> -> memref<1x1x128xi32, #tpu.memory_space<vmem>>
        %dma_start3A_450 = tpu.memref_squeeze %dma_start3A_449 : memref<1x1x128xi32, #tpu.memory_space<vmem>> -> memref<128xi32, #tpu.memory_space<vmem>>
        %dma_start3A_451 = arith.constant 0 : i32
        %dma_start3A_452 = arith.constant 0 : i32
        %dma_start3A_453 = tpu.memref_slice %arg7[%dma_start3A_451, %dma_start3A_452] : memref<10000x128xf32, #tpu.memory_space<vmem_shared>> -> memref<10000x128xf32, #tpu.memory_space<vmem_shared>>
        tpu.enqueue_indirect_dma source(%dma_start3A_447 : memref<128x128xf32, #tpu.memory_space<vmem>>) target(%dma_start3A_453 : memref<10000x128xf32, #tpu.memory_space<vmem_shared>>) offsets(%dma_start3A_450 : memref<128xi32, #tpu.memory_space<vmem>>) semaphore(%run_scoped3A_443 : memref<!tpu.dma_semaphore, #tpu.memory_space<semaphore_mem>>) {add = true}
        %dma_wait3A_454 = arith.constant 0 : i32
        %dma_wait3A_455 = arith.constant 0 : i32
        %dma_wait3A_456 = tpu.memref_slice %arg13[%run_scoped3A_245, %dma_wait3A_454, %dma_wait3A_455] : memref<2x128x128xf32, #tpu.memory_space<vmem>> -> memref<1x128x128xf32, #tpu.memory_space<vmem>>
        %dma_wait3A_457 = tpu.memref_squeeze %dma_wait3A_456 : memref<1x128x128xf32, #tpu.memory_space<vmem>> -> memref<128x128xf32, #tpu.memory_space<vmem>>
        %dma_wait3A_458 = arith.constant 0 : i32
        %dma_wait3A_459 = tpu.memref_slice %arg10[%rem3A_244, %run_scoped3A_246, %dma_wait3A_458] : memref<2x8x128xi32, #tpu.memory_space<vmem>> -> memref<1x1x128xi32, #tpu.memory_space<vmem>>
        %dma_wait3A_460 = tpu.memref_squeeze %dma_wait3A_459 : memref<1x1x128xi32, #tpu.memory_space<vmem>> -> memref<128xi32, #tpu.memory_space<vmem>>
        %dma_wait3A_461 = arith.constant 0 : i32
        %dma_wait3A_462 = arith.constant 0 : i32
        %dma_wait3A_463 = tpu.memref_slice %arg7[%dma_wait3A_461, %dma_wait3A_462] : memref<10000x128xf32, #tpu.memory_space<vmem_shared>> -> memref<10000x128xf32, #tpu.memory_space<vmem_shared>>
        tpu.wait_indirect_dma semaphore(%run_scoped3A_443 : memref<!tpu.dma_semaphore, #tpu.memory_space<semaphore_mem>>) src(%dma_wait3A_457 : memref<128x128xf32, #tpu.memory_space<vmem>>) dst(%dma_wait3A_463 : memref<10000x128xf32, #tpu.memory_space<vmem_shared>>)
        tpu.yield
      }) : () -> ()
      %rem3A_247 = arith.constant 2 : i32
      %rem3A_248 = arith.remsi %while3A_122, %rem3A_247 : i32
      %eq3A_249 = arith.constant 0 : i32
      %eq3A_250 = arith.cmpi eq, %arg0, %eq3A_249 : i32
      %convert_element_type3A_251 = arith.extui %eq3A_250 : i1 to i32
      %cond3A_252 = arith.constant 1 : i32
      %cond3A_253 = arith.constant 2 : i32
      %cond3A_254 = arith.constant 0 : i32
      %cond3A_255 = arith.cmpi ne, %convert_element_type3A_251, %cond3A_254 : i32
      scf.if %cond3A_255 {
        %dma_wait3A_443 = arith.constant 0 : i32
        %dma_wait3A_444 = tpu.memref_slice %arg10[%rem3A_209, %cond3A_252, %dma_wait3A_443] : memref<2x8x128xi32, #tpu.memory_space<vmem>> -> memref<1x1x128xi32, #tpu.memory_space<vmem>>
        %dma_wait3A_445 = tpu.memref_squeeze %dma_wait3A_444 : memref<1x1x128xi32, #tpu.memory_space<vmem>> -> memref<128xi32, #tpu.memory_space<vmem>>
        %dma_wait3A_446 = arith.constant 0 : i32
        %dma_wait3A_447 = tpu.memref_slice %arg8[%dma_wait3A_446] : memref<10000xf32, #tpu.memory_space<vmem_shared>> -> memref<10000xf32, #tpu.memory_space<vmem_shared>>
        tpu.wait_indirect_dma semaphore(%arg18 : memref<!tpu.dma_semaphore, #tpu.memory_space<semaphore_mem>>) src(%arg14 : memref<128xf32, #tpu.memory_space<vmem>>) dst(%dma_wait3A_447 : memref<10000xf32, #tpu.memory_space<vmem_shared>>)
        %dma_start3A_448 = arith.constant 0 : i32
        %dma_start3A_449 = tpu.memref_slice %arg10[%rem3A_248, %cond3A_253, %dma_start3A_448] : memref<2x8x128xi32, #tpu.memory_space<vmem>> -> memref<1x1x128xi32, #tpu.memory_space<vmem>>
        %dma_start3A_450 = tpu.memref_squeeze %dma_start3A_449 : memref<1x1x128xi32, #tpu.memory_space<vmem>> -> memref<128xi32, #tpu.memory_space<vmem>>
        %dma_start3A_451 = arith.constant 0 : i32
        %dma_start3A_452 = tpu.memref_slice %arg8[%dma_start3A_451] : memref<10000xf32, #tpu.memory_space<vmem_shared>> -> memref<10000xf32, #tpu.memory_space<vmem_shared>>
        tpu.enqueue_indirect_dma source(%arg14 : memref<128xf32, #tpu.memory_space<vmem>>) target(%dma_start3A_452 : memref<10000xf32, #tpu.memory_space<vmem_shared>>) offsets(%dma_start3A_450 : memref<128xi32, #tpu.memory_space<vmem>>) semaphore(%arg18 : memref<!tpu.dma_semaphore, #tpu.memory_space<semaphore_mem>>) {add = true}
      } else {
      }
      %rem3A_256 = arith.constant 2 : i32
      %rem3A_257 = arith.remsi %while3A_122, %rem3A_256 : i32
      %dma_start3A_258 = arith.constant 4 : i32
      %dma_start3A_259 = arith.constant 0 : i32
      %dma_start3A_260 = arith.constant 0 : i32
      %dma_start3A_261 = arith.constant 0 : i32
      %dma_start3A_262 = tpu.memref_slice %arg13[%dma_start3A_259, %dma_start3A_260, %dma_start3A_261] : memref<2x128x128xf32, #tpu.memory_space<vmem>> -> memref<1x128x128xf32, #tpu.memory_space<vmem>>
      %dma_start3A_263 = tpu.memref_squeeze %dma_start3A_262 : memref<1x128x128xf32, #tpu.memory_space<vmem>> -> memref<128x128xf32, #tpu.memory_space<vmem>>
      %dma_start3A_264 = arith.constant 0 : i32
      %dma_start3A_265 = tpu.memref_slice %arg9[%rem3A_257, %dma_start3A_258, %dma_start3A_264] : memref<2x8x128xi32, #tpu.memory_space<vmem>> -> memref<1x1x128xi32, #tpu.memory_space<vmem>>
      %dma_start3A_266 = tpu.memref_squeeze %dma_start3A_265 : memref<1x1x128xi32, #tpu.memory_space<vmem>> -> memref<128xi32, #tpu.memory_space<vmem>>
      %dma_start3A_267 = arith.constant 0 : i32
      %dma_start3A_268 = arith.constant 0 : i32
      %dma_start3A_269 = tpu.memref_slice %arg2[%dma_start3A_267, %dma_start3A_268] : memref<20000x128xf32, #tpu.memory_space<hbm>> -> memref<20000x128xf32, #tpu.memory_space<hbm>>
      tpu.enqueue_indirect_dma source(%dma_start3A_269 : memref<20000x128xf32, #tpu.memory_space<hbm>>) target(%dma_start3A_263 : memref<128x128xf32, #tpu.memory_space<vmem>>) offsets(%dma_start3A_266 : memref<128xi32, #tpu.memory_space<vmem>>) semaphore(%arg16 : memref<!tpu.dma_semaphore, #tpu.memory_space<semaphore_mem>>)
      %dma_wait3A_270 = arith.constant 3 : i32
      %dma_wait3A_271 = arith.constant 1 : i32
      %dma_wait3A_272 = arith.constant 0 : i32
      %dma_wait3A_273 = arith.constant 0 : i32
      %dma_wait3A_274 = tpu.memref_slice %arg13[%dma_wait3A_271, %dma_wait3A_272, %dma_wait3A_273] : memref<2x128x128xf32, #tpu.memory_space<vmem>> -> memref<1x128x128xf32, #tpu.memory_space<vmem>>
      %dma_wait3A_275 = tpu.memref_squeeze %dma_wait3A_274 : memref<1x128x128xf32, #tpu.memory_space<vmem>> -> memref<128x128xf32, #tpu.memory_space<vmem>>
      %dma_wait3A_276 = arith.constant 0 : i32
      %dma_wait3A_277 = tpu.memref_slice %arg9[%rem3A_218, %dma_wait3A_270, %dma_wait3A_276] : memref<2x8x128xi32, #tpu.memory_space<vmem>> -> memref<1x1x128xi32, #tpu.memory_space<vmem>>
      %dma_wait3A_278 = tpu.memref_squeeze %dma_wait3A_277 : memref<1x1x128xi32, #tpu.memory_space<vmem>> -> memref<128xi32, #tpu.memory_space<vmem>>
      %dma_wait3A_279 = arith.constant 0 : i32
      %dma_wait3A_280 = arith.constant 0 : i32
      %dma_wait3A_281 = tpu.memref_slice %arg2[%dma_wait3A_279, %dma_wait3A_280] : memref<20000x128xf32, #tpu.memory_space<hbm>> -> memref<20000x128xf32, #tpu.memory_space<hbm>>
      tpu.wait_indirect_dma semaphore(%arg17 : memref<!tpu.dma_semaphore, #tpu.memory_space<semaphore_mem>>) src(%dma_wait3A_281 : memref<20000x128xf32, #tpu.memory_space<hbm>>) dst(%dma_wait3A_275 : memref<128x128xf32, #tpu.memory_space<vmem>>)
      %rem3A_282 = arith.constant 2 : i32
      %rem3A_283 = arith.remsi %while3A_122, %rem3A_282 : i32
      %run_scoped3A_284 = arith.constant 1 : i32
      %run_scoped3A_285 = arith.constant 3 : i32
      "tpu.region"() ({
        %run_scoped3A_443 = tpu.sem_alloc : memref<!tpu.dma_semaphore, #tpu.memory_space<semaphore_mem>>
        %dma_start3A_444 = arith.constant 0 : i32
        %dma_start3A_445 = arith.constant 0 : i32
        %dma_start3A_446 = tpu.memref_slice %arg13[%run_scoped3A_284, %dma_start3A_444, %dma_start3A_445] : memref<2x128x128xf32, #tpu.memory_space<vmem>> -> memref<1x128x128xf32, #tpu.memory_space<vmem>>
        %dma_start3A_447 = tpu.memref_squeeze %dma_start3A_446 : memref<1x128x128xf32, #tpu.memory_space<vmem>> -> memref<128x128xf32, #tpu.memory_space<vmem>>
        %dma_start3A_448 = arith.constant 0 : i32
        %dma_start3A_449 = tpu.memref_slice %arg10[%rem3A_283, %run_scoped3A_285, %dma_start3A_448] : memref<2x8x128xi32, #tpu.memory_space<vmem>> -> memref<1x1x128xi32, #tpu.memory_space<vmem>>
        %dma_start3A_450 = tpu.memref_squeeze %dma_start3A_449 : memref<1x1x128xi32, #tpu.memory_space<vmem>> -> memref<128xi32, #tpu.memory_space<vmem>>
        %dma_start3A_451 = arith.constant 0 : i32
        %dma_start3A_452 = arith.constant 0 : i32
        %dma_start3A_453 = tpu.memref_slice %arg7[%dma_start3A_451, %dma_start3A_452] : memref<10000x128xf32, #tpu.memory_space<vmem_shared>> -> memref<10000x128xf32, #tpu.memory_space<vmem_shared>>
        tpu.enqueue_indirect_dma source(%dma_start3A_447 : memref<128x128xf32, #tpu.memory_space<vmem>>) target(%dma_start3A_453 : memref<10000x128xf32, #tpu.memory_space<vmem_shared>>) offsets(%dma_start3A_450 : memref<128xi32, #tpu.memory_space<vmem>>) semaphore(%run_scoped3A_443 : memref<!tpu.dma_semaphore, #tpu.memory_space<semaphore_mem>>) {add = true}
        %dma_wait3A_454 = arith.constant 0 : i32
        %dma_wait3A_455 = arith.constant 0 : i32
        %dma_wait3A_456 = tpu.memref_slice %arg13[%run_scoped3A_284, %dma_wait3A_454, %dma_wait3A_455] : memref<2x128x128xf32, #tpu.memory_space<vmem>> -> memref<1x128x128xf32, #tpu.memory_space<vmem>>
        %dma_wait3A_457 = tpu.memref_squeeze %dma_wait3A_456 : memref<1x128x128xf32, #tpu.memory_space<vmem>> -> memref<128x128xf32, #tpu.memory_space<vmem>>
        %dma_wait3A_458 = arith.constant 0 : i32
        %dma_wait3A_459 = tpu.memref_slice %arg10[%rem3A_283, %run_scoped3A_285, %dma_wait3A_458] : memref<2x8x128xi32, #tpu.memory_space<vmem>> -> memref<1x1x128xi32, #tpu.memory_space<vmem>>
        %dma_wait3A_460 = tpu.memref_squeeze %dma_wait3A_459 : memref<1x1x128xi32, #tpu.memory_space<vmem>> -> memref<128xi32, #tpu.memory_space<vmem>>
        %dma_wait3A_461 = arith.constant 0 : i32
        %dma_wait3A_462 = arith.constant 0 : i32
        %dma_wait3A_463 = tpu.memref_slice %arg7[%dma_wait3A_461, %dma_wait3A_462] : memref<10000x128xf32, #tpu.memory_space<vmem_shared>> -> memref<10000x128xf32, #tpu.memory_space<vmem_shared>>
        tpu.wait_indirect_dma semaphore(%run_scoped3A_443 : memref<!tpu.dma_semaphore, #tpu.memory_space<semaphore_mem>>) src(%dma_wait3A_457 : memref<128x128xf32, #tpu.memory_space<vmem>>) dst(%dma_wait3A_463 : memref<10000x128xf32, #tpu.memory_space<vmem_shared>>)
        tpu.yield
      }) : () -> ()
      %rem3A_286 = arith.constant 2 : i32
      %rem3A_287 = arith.remsi %while3A_122, %rem3A_286 : i32
      %eq3A_288 = arith.constant 0 : i32
      %eq3A_289 = arith.cmpi eq, %arg0, %eq3A_288 : i32
      %convert_element_type3A_290 = arith.extui %eq3A_289 : i1 to i32
      %cond3A_291 = arith.constant 2 : i32
      %cond3A_292 = arith.constant 3 : i32
      %cond3A_293 = arith.constant 0 : i32
      %cond3A_294 = arith.cmpi ne, %convert_element_type3A_290, %cond3A_293 : i32
      scf.if %cond3A_294 {
        %dma_wait3A_443 = arith.constant 0 : i32
        %dma_wait3A_444 = tpu.memref_slice %arg10[%rem3A_248, %cond3A_291, %dma_wait3A_443] : memref<2x8x128xi32, #tpu.memory_space<vmem>> -> memref<1x1x128xi32, #tpu.memory_space<vmem>>
        %dma_wait3A_445 = tpu.memref_squeeze %dma_wait3A_444 : memref<1x1x128xi32, #tpu.memory_space<vmem>> -> memref<128xi32, #tpu.memory_space<vmem>>
        %dma_wait3A_446 = arith.constant 0 : i32
        %dma_wait3A_447 = tpu.memref_slice %arg8[%dma_wait3A_446] : memref<10000xf32, #tpu.memory_space<vmem_shared>> -> memref<10000xf32, #tpu.memory_space<vmem_shared>>
        tpu.wait_indirect_dma semaphore(%arg18 : memref<!tpu.dma_semaphore, #tpu.memory_space<semaphore_mem>>) src(%arg14 : memref<128xf32, #tpu.memory_space<vmem>>) dst(%dma_wait3A_447 : memref<10000xf32, #tpu.memory_space<vmem_shared>>)
        %dma_start3A_448 = arith.constant 0 : i32
        %dma_start3A_449 = tpu.memref_slice %arg10[%rem3A_287, %cond3A_292, %dma_start3A_448] : memref<2x8x128xi32, #tpu.memory_space<vmem>> -> memref<1x1x128xi32, #tpu.memory_space<vmem>>
        %dma_start3A_450 = tpu.memref_squeeze %dma_start3A_449 : memref<1x1x128xi32, #tpu.memory_space<vmem>> -> memref<128xi32, #tpu.memory_space<vmem>>
        %dma_start3A_451 = arith.constant 0 : i32
        %dma_start3A_452 = tpu.memref_slice %arg8[%dma_start3A_451] : memref<10000xf32, #tpu.memory_space<vmem_shared>> -> memref<10000xf32, #tpu.memory_space<vmem_shared>>
        tpu.enqueue_indirect_dma source(%arg14 : memref<128xf32, #tpu.memory_space<vmem>>) target(%dma_start3A_452 : memref<10000xf32, #tpu.memory_space<vmem_shared>>) offsets(%dma_start3A_450 : memref<128xi32, #tpu.memory_space<vmem>>) semaphore(%arg18 : memref<!tpu.dma_semaphore, #tpu.memory_space<semaphore_mem>>) {add = true}
      } else {
      }
      %rem3A_295 = arith.constant 2 : i32
      %rem3A_296 = arith.remsi %while3A_122, %rem3A_295 : i32
      %dma_start3A_297 = arith.constant 5 : i32
      %dma_start3A_298 = arith.constant 1 : i32
      %dma_start3A_299 = arith.constant 0 : i32
      %dma_start3A_300 = arith.constant 0 : i32
      %dma_start3A_301 = tpu.memref_slice %arg13[%dma_start3A_298, %dma_start3A_299, %dma_start3A_300] : memref<2x128x128xf32, #tpu.memory_space<vmem>> -> memref<1x128x128xf32, #tpu.memory_space<vmem>>
      %dma_start3A_302 = tpu.memref_squeeze %dma_start3A_301 : memref<1x128x128xf32, #tpu.memory_space<vmem>> -> memref<128x128xf32, #tpu.memory_space<vmem>>
      %dma_start3A_303 = arith.constant 0 : i32
      %dma_start3A_304 = tpu.memref_slice %arg9[%rem3A_296, %dma_start3A_297, %dma_start3A_303] : memref<2x8x128xi32, #tpu.memory_space<vmem>> -> memref<1x1x128xi32, #tpu.memory_space<vmem>>
      %dma_start3A_305 = tpu.memref_squeeze %dma_start3A_304 : memref<1x1x128xi32, #tpu.memory_space<vmem>> -> memref<128xi32, #tpu.memory_space<vmem>>
      %dma_start3A_306 = arith.constant 0 : i32
      %dma_start3A_307 = arith.constant 0 : i32
      %dma_start3A_308 = tpu.memref_slice %arg2[%dma_start3A_306, %dma_start3A_307] : memref<20000x128xf32, #tpu.memory_space<hbm>> -> memref<20000x128xf32, #tpu.memory_space<hbm>>
      tpu.enqueue_indirect_dma source(%dma_start3A_308 : memref<20000x128xf32, #tpu.memory_space<hbm>>) target(%dma_start3A_302 : memref<128x128xf32, #tpu.memory_space<vmem>>) offsets(%dma_start3A_305 : memref<128xi32, #tpu.memory_space<vmem>>) semaphore(%arg17 : memref<!tpu.dma_semaphore, #tpu.memory_space<semaphore_mem>>)
      %dma_wait3A_309 = arith.constant 4 : i32
      %dma_wait3A_310 = arith.constant 0 : i32
      %dma_wait3A_311 = arith.constant 0 : i32
      %dma_wait3A_312 = arith.constant 0 : i32
      %dma_wait3A_313 = tpu.memref_slice %arg13[%dma_wait3A_310, %dma_wait3A_311, %dma_wait3A_312] : memref<2x128x128xf32, #tpu.memory_space<vmem>> -> memref<1x128x128xf32, #tpu.memory_space<vmem>>
      %dma_wait3A_314 = tpu.memref_squeeze %dma_wait3A_313 : memref<1x128x128xf32, #tpu.memory_space<vmem>> -> memref<128x128xf32, #tpu.memory_space<vmem>>
      %dma_wait3A_315 = arith.constant 0 : i32
      %dma_wait3A_316 = tpu.memref_slice %arg9[%rem3A_257, %dma_wait3A_309, %dma_wait3A_315] : memref<2x8x128xi32, #tpu.memory_space<vmem>> -> memref<1x1x128xi32, #tpu.memory_space<vmem>>
      %dma_wait3A_317 = tpu.memref_squeeze %dma_wait3A_316 : memref<1x1x128xi32, #tpu.memory_space<vmem>> -> memref<128xi32, #tpu.memory_space<vmem>>
      %dma_wait3A_318 = arith.constant 0 : i32
      %dma_wait3A_319 = arith.constant 0 : i32
      %dma_wait3A_320 = tpu.memref_slice %arg2[%dma_wait3A_318, %dma_wait3A_319] : memref<20000x128xf32, #tpu.memory_space<hbm>> -> memref<20000x128xf32, #tpu.memory_space<hbm>>
      tpu.wait_indirect_dma semaphore(%arg16 : memref<!tpu.dma_semaphore, #tpu.memory_space<semaphore_mem>>) src(%dma_wait3A_320 : memref<20000x128xf32, #tpu.memory_space<hbm>>) dst(%dma_wait3A_314 : memref<128x128xf32, #tpu.memory_space<vmem>>)
      %rem3A_321 = arith.constant 2 : i32
      %rem3A_322 = arith.remsi %while3A_122, %rem3A_321 : i32
      %run_scoped3A_323 = arith.constant 0 : i32
      %run_scoped3A_324 = arith.constant 4 : i32
      "tpu.region"() ({
        %run_scoped3A_443 = tpu.sem_alloc : memref<!tpu.dma_semaphore, #tpu.memory_space<semaphore_mem>>
        %dma_start3A_444 = arith.constant 0 : i32
        %dma_start3A_445 = arith.constant 0 : i32
        %dma_start3A_446 = tpu.memref_slice %arg13[%run_scoped3A_323, %dma_start3A_444, %dma_start3A_445] : memref<2x128x128xf32, #tpu.memory_space<vmem>> -> memref<1x128x128xf32, #tpu.memory_space<vmem>>
        %dma_start3A_447 = tpu.memref_squeeze %dma_start3A_446 : memref<1x128x128xf32, #tpu.memory_space<vmem>> -> memref<128x128xf32, #tpu.memory_space<vmem>>
        %dma_start3A_448 = arith.constant 0 : i32
        %dma_start3A_449 = tpu.memref_slice %arg10[%rem3A_322, %run_scoped3A_324, %dma_start3A_448] : memref<2x8x128xi32, #tpu.memory_space<vmem>> -> memref<1x1x128xi32, #tpu.memory_space<vmem>>
        %dma_start3A_450 = tpu.memref_squeeze %dma_start3A_449 : memref<1x1x128xi32, #tpu.memory_space<vmem>> -> memref<128xi32, #tpu.memory_space<vmem>>
        %dma_start3A_451 = arith.constant 0 : i32
        %dma_start3A_452 = arith.constant 0 : i32
        %dma_start3A_453 = tpu.memref_slice %arg7[%dma_start3A_451, %dma_start3A_452] : memref<10000x128xf32, #tpu.memory_space<vmem_shared>> -> memref<10000x128xf32, #tpu.memory_space<vmem_shared>>
        tpu.enqueue_indirect_dma source(%dma_start3A_447 : memref<128x128xf32, #tpu.memory_space<vmem>>) target(%dma_start3A_453 : memref<10000x128xf32, #tpu.memory_space<vmem_shared>>) offsets(%dma_start3A_450 : memref<128xi32, #tpu.memory_space<vmem>>) semaphore(%run_scoped3A_443 : memref<!tpu.dma_semaphore, #tpu.memory_space<semaphore_mem>>) {add = true}
        %dma_wait3A_454 = arith.constant 0 : i32
        %dma_wait3A_455 = arith.constant 0 : i32
        %dma_wait3A_456 = tpu.memref_slice %arg13[%run_scoped3A_323, %dma_wait3A_454, %dma_wait3A_455] : memref<2x128x128xf32, #tpu.memory_space<vmem>> -> memref<1x128x128xf32, #tpu.memory_space<vmem>>
        %dma_wait3A_457 = tpu.memref_squeeze %dma_wait3A_456 : memref<1x128x128xf32, #tpu.memory_space<vmem>> -> memref<128x128xf32, #tpu.memory_space<vmem>>
        %dma_wait3A_458 = arith.constant 0 : i32
        %dma_wait3A_459 = tpu.memref_slice %arg10[%rem3A_322, %run_scoped3A_324, %dma_wait3A_458] : memref<2x8x128xi32, #tpu.memory_space<vmem>> -> memref<1x1x128xi32, #tpu.memory_space<vmem>>
        %dma_wait3A_460 = tpu.memref_squeeze %dma_wait3A_459 : memref<1x1x128xi32, #tpu.memory_space<vmem>> -> memref<128xi32, #tpu.memory_space<vmem>>
        %dma_wait3A_461 = arith.constant 0 : i32
        %dma_wait3A_462 = arith.constant 0 : i32
        %dma_wait3A_463 = tpu.memref_slice %arg7[%dma_wait3A_461, %dma_wait3A_462] : memref<10000x128xf32, #tpu.memory_space<vmem_shared>> -> memref<10000x128xf32, #tpu.memory_space<vmem_shared>>
        tpu.wait_indirect_dma semaphore(%run_scoped3A_443 : memref<!tpu.dma_semaphore, #tpu.memory_space<semaphore_mem>>) src(%dma_wait3A_457 : memref<128x128xf32, #tpu.memory_space<vmem>>) dst(%dma_wait3A_463 : memref<10000x128xf32, #tpu.memory_space<vmem_shared>>)
        tpu.yield
      }) : () -> ()
      %rem3A_325 = arith.constant 2 : i32
      %rem3A_326 = arith.remsi %while3A_122, %rem3A_325 : i32
      %eq3A_327 = arith.constant 0 : i32
      %eq3A_328 = arith.cmpi eq, %arg0, %eq3A_327 : i32
      %convert_element_type3A_329 = arith.extui %eq3A_328 : i1 to i32
      %cond3A_330 = arith.constant 3 : i32
      %cond3A_331 = arith.constant 4 : i32
      %cond3A_332 = arith.constant 0 : i32
      %cond3A_333 = arith.cmpi ne, %convert_element_type3A_329, %cond3A_332 : i32
      scf.if %cond3A_333 {
        %dma_wait3A_443 = arith.constant 0 : i32
        %dma_wait3A_444 = tpu.memref_slice %arg10[%rem3A_287, %cond3A_330, %dma_wait3A_443] : memref<2x8x128xi32, #tpu.memory_space<vmem>> -> memref<1x1x128xi32, #tpu.memory_space<vmem>>
        %dma_wait3A_445 = tpu.memref_squeeze %dma_wait3A_444 : memref<1x1x128xi32, #tpu.memory_space<vmem>> -> memref<128xi32, #tpu.memory_space<vmem>>
        %dma_wait3A_446 = arith.constant 0 : i32
        %dma_wait3A_447 = tpu.memref_slice %arg8[%dma_wait3A_446] : memref<10000xf32, #tpu.memory_space<vmem_shared>> -> memref<10000xf32, #tpu.memory_space<vmem_shared>>
        tpu.wait_indirect_dma semaphore(%arg18 : memref<!tpu.dma_semaphore, #tpu.memory_space<semaphore_mem>>) src(%arg14 : memref<128xf32, #tpu.memory_space<vmem>>) dst(%dma_wait3A_447 : memref<10000xf32, #tpu.memory_space<vmem_shared>>)
        %dma_start3A_448 = arith.constant 0 : i32
        %dma_start3A_449 = tpu.memref_slice %arg10[%rem3A_326, %cond3A_331, %dma_start3A_448] : memref<2x8x128xi32, #tpu.memory_space<vmem>> -> memref<1x1x128xi32, #tpu.memory_space<vmem>>
        %dma_start3A_450 = tpu.memref_squeeze %dma_start3A_449 : memref<1x1x128xi32, #tpu.memory_space<vmem>> -> memref<128xi32, #tpu.memory_space<vmem>>
        %dma_start3A_451 = arith.constant 0 : i32
        %dma_start3A_452 = tpu.memref_slice %arg8[%dma_start3A_451] : memref<10000xf32, #tpu.memory_space<vmem_shared>> -> memref<10000xf32, #tpu.memory_space<vmem_shared>>
        tpu.enqueue_indirect_dma source(%arg14 : memref<128xf32, #tpu.memory_space<vmem>>) target(%dma_start3A_452 : memref<10000xf32, #tpu.memory_space<vmem_shared>>) offsets(%dma_start3A_450 : memref<128xi32, #tpu.memory_space<vmem>>) semaphore(%arg18 : memref<!tpu.dma_semaphore, #tpu.memory_space<semaphore_mem>>) {add = true}
      } else {
      }
      %rem3A_334 = arith.constant 2 : i32
      %rem3A_335 = arith.remsi %while3A_122, %rem3A_334 : i32
      %dma_start3A_336 = arith.constant 6 : i32
      %dma_start3A_337 = arith.constant 0 : i32
      %dma_start3A_338 = arith.constant 0 : i32
      %dma_start3A_339 = arith.constant 0 : i32
      %dma_start3A_340 = tpu.memref_slice %arg13[%dma_start3A_337, %dma_start3A_338, %dma_start3A_339] : memref<2x128x128xf32, #tpu.memory_space<vmem>> -> memref<1x128x128xf32, #tpu.memory_space<vmem>>
      %dma_start3A_341 = tpu.memref_squeeze %dma_start3A_340 : memref<1x128x128xf32, #tpu.memory_space<vmem>> -> memref<128x128xf32, #tpu.memory_space<vmem>>
      %dma_start3A_342 = arith.constant 0 : i32
      %dma_start3A_343 = tpu.memref_slice %arg9[%rem3A_335, %dma_start3A_336, %dma_start3A_342] : memref<2x8x128xi32, #tpu.memory_space<vmem>> -> memref<1x1x128xi32, #tpu.memory_space<vmem>>
      %dma_start3A_344 = tpu.memref_squeeze %dma_start3A_343 : memref<1x1x128xi32, #tpu.memory_space<vmem>> -> memref<128xi32, #tpu.memory_space<vmem>>
      %dma_start3A_345 = arith.constant 0 : i32
      %dma_start3A_346 = arith.constant 0 : i32
      %dma_start3A_347 = tpu.memref_slice %arg2[%dma_start3A_345, %dma_start3A_346] : memref<20000x128xf32, #tpu.memory_space<hbm>> -> memref<20000x128xf32, #tpu.memory_space<hbm>>
      tpu.enqueue_indirect_dma source(%dma_start3A_347 : memref<20000x128xf32, #tpu.memory_space<hbm>>) target(%dma_start3A_341 : memref<128x128xf32, #tpu.memory_space<vmem>>) offsets(%dma_start3A_344 : memref<128xi32, #tpu.memory_space<vmem>>) semaphore(%arg16 : memref<!tpu.dma_semaphore, #tpu.memory_space<semaphore_mem>>)
      %dma_wait3A_348 = arith.constant 5 : i32
      %dma_wait3A_349 = arith.constant 1 : i32
      %dma_wait3A_350 = arith.constant 0 : i32
      %dma_wait3A_351 = arith.constant 0 : i32
      %dma_wait3A_352 = tpu.memref_slice %arg13[%dma_wait3A_349, %dma_wait3A_350, %dma_wait3A_351] : memref<2x128x128xf32, #tpu.memory_space<vmem>> -> memref<1x128x128xf32, #tpu.memory_space<vmem>>
      %dma_wait3A_353 = tpu.memref_squeeze %dma_wait3A_352 : memref<1x128x128xf32, #tpu.memory_space<vmem>> -> memref<128x128xf32, #tpu.memory_space<vmem>>
      %dma_wait3A_354 = arith.constant 0 : i32
      %dma_wait3A_355 = tpu.memref_slice %arg9[%rem3A_296, %dma_wait3A_348, %dma_wait3A_354] : memref<2x8x128xi32, #tpu.memory_space<vmem>> -> memref<1x1x128xi32, #tpu.memory_space<vmem>>
      %dma_wait3A_356 = tpu.memref_squeeze %dma_wait3A_355 : memref<1x1x128xi32, #tpu.memory_space<vmem>> -> memref<128xi32, #tpu.memory_space<vmem>>
      %dma_wait3A_357 = arith.constant 0 : i32
      %dma_wait3A_358 = arith.constant 0 : i32
      %dma_wait3A_359 = tpu.memref_slice %arg2[%dma_wait3A_357, %dma_wait3A_358] : memref<20000x128xf32, #tpu.memory_space<hbm>> -> memref<20000x128xf32, #tpu.memory_space<hbm>>
      tpu.wait_indirect_dma semaphore(%arg17 : memref<!tpu.dma_semaphore, #tpu.memory_space<semaphore_mem>>) src(%dma_wait3A_359 : memref<20000x128xf32, #tpu.memory_space<hbm>>) dst(%dma_wait3A_353 : memref<128x128xf32, #tpu.memory_space<vmem>>)
      %rem3A_360 = arith.constant 2 : i32
      %rem3A_361 = arith.remsi %while3A_122, %rem3A_360 : i32
      %run_scoped3A_362 = arith.constant 1 : i32
      %run_scoped3A_363 = arith.constant 5 : i32
      "tpu.region"() ({
        %run_scoped3A_443 = tpu.sem_alloc : memref<!tpu.dma_semaphore, #tpu.memory_space<semaphore_mem>>
        %dma_start3A_444 = arith.constant 0 : i32
        %dma_start3A_445 = arith.constant 0 : i32
        %dma_start3A_446 = tpu.memref_slice %arg13[%run_scoped3A_362, %dma_start3A_444, %dma_start3A_445] : memref<2x128x128xf32, #tpu.memory_space<vmem>> -> memref<1x128x128xf32, #tpu.memory_space<vmem>>
        %dma_start3A_447 = tpu.memref_squeeze %dma_start3A_446 : memref<1x128x128xf32, #tpu.memory_space<vmem>> -> memref<128x128xf32, #tpu.memory_space<vmem>>
        %dma_start3A_448 = arith.constant 0 : i32
        %dma_start3A_449 = tpu.memref_slice %arg10[%rem3A_361, %run_scoped3A_363, %dma_start3A_448] : memref<2x8x128xi32, #tpu.memory_space<vmem>> -> memref<1x1x128xi32, #tpu.memory_space<vmem>>
        %dma_start3A_450 = tpu.memref_squeeze %dma_start3A_449 : memref<1x1x128xi32, #tpu.memory_space<vmem>> -> memref<128xi32, #tpu.memory_space<vmem>>
        %dma_start3A_451 = arith.constant 0 : i32
        %dma_start3A_452 = arith.constant 0 : i32
        %dma_start3A_453 = tpu.memref_slice %arg7[%dma_start3A_451, %dma_start3A_452] : memref<10000x128xf32, #tpu.memory_space<vmem_shared>> -> memref<10000x128xf32, #tpu.memory_space<vmem_shared>>
        tpu.enqueue_indirect_dma source(%dma_start3A_447 : memref<128x128xf32, #tpu.memory_space<vmem>>) target(%dma_start3A_453 : memref<10000x128xf32, #tpu.memory_space<vmem_shared>>) offsets(%dma_start3A_450 : memref<128xi32, #tpu.memory_space<vmem>>) semaphore(%run_scoped3A_443 : memref<!tpu.dma_semaphore, #tpu.memory_space<semaphore_mem>>) {add = true}
        %dma_wait3A_454 = arith.constant 0 : i32
        %dma_wait3A_455 = arith.constant 0 : i32
        %dma_wait3A_456 = tpu.memref_slice %arg13[%run_scoped3A_362, %dma_wait3A_454, %dma_wait3A_455] : memref<2x128x128xf32, #tpu.memory_space<vmem>> -> memref<1x128x128xf32, #tpu.memory_space<vmem>>
        %dma_wait3A_457 = tpu.memref_squeeze %dma_wait3A_456 : memref<1x128x128xf32, #tpu.memory_space<vmem>> -> memref<128x128xf32, #tpu.memory_space<vmem>>
        %dma_wait3A_458 = arith.constant 0 : i32
        %dma_wait3A_459 = tpu.memref_slice %arg10[%rem3A_361, %run_scoped3A_363, %dma_wait3A_458] : memref<2x8x128xi32, #tpu.memory_space<vmem>> -> memref<1x1x128xi32, #tpu.memory_space<vmem>>
        %dma_wait3A_460 = tpu.memref_squeeze %dma_wait3A_459 : memref<1x1x128xi32, #tpu.memory_space<vmem>> -> memref<128xi32, #tpu.memory_space<vmem>>
        %dma_wait3A_461 = arith.constant 0 : i32
        %dma_wait3A_462 = arith.constant 0 : i32
        %dma_wait3A_463 = tpu.memref_slice %arg7[%dma_wait3A_461, %dma_wait3A_462] : memref<10000x128xf32, #tpu.memory_space<vmem_shared>> -> memref<10000x128xf32, #tpu.memory_space<vmem_shared>>
        tpu.wait_indirect_dma semaphore(%run_scoped3A_443 : memref<!tpu.dma_semaphore, #tpu.memory_space<semaphore_mem>>) src(%dma_wait3A_457 : memref<128x128xf32, #tpu.memory_space<vmem>>) dst(%dma_wait3A_463 : memref<10000x128xf32, #tpu.memory_space<vmem_shared>>)
        tpu.yield
      }) : () -> ()
      %rem3A_364 = arith.constant 2 : i32
      %rem3A_365 = arith.remsi %while3A_122, %rem3A_364 : i32
      %eq3A_366 = arith.constant 0 : i32
      %eq3A_367 = arith.cmpi eq, %arg0, %eq3A_366 : i32
      %convert_element_type3A_368 = arith.extui %eq3A_367 : i1 to i32
      %cond3A_369 = arith.constant 4 : i32
      %cond3A_370 = arith.constant 5 : i32
      %cond3A_371 = arith.constant 0 : i32
      %cond3A_372 = arith.cmpi ne, %convert_element_type3A_368, %cond3A_371 : i32
      scf.if %cond3A_372 {
        %dma_wait3A_443 = arith.constant 0 : i32
        %dma_wait3A_444 = tpu.memref_slice %arg10[%rem3A_326, %cond3A_369, %dma_wait3A_443] : memref<2x8x128xi32, #tpu.memory_space<vmem>> -> memref<1x1x128xi32, #tpu.memory_space<vmem>>
        %dma_wait3A_445 = tpu.memref_squeeze %dma_wait3A_444 : memref<1x1x128xi32, #tpu.memory_space<vmem>> -> memref<128xi32, #tpu.memory_space<vmem>>
        %dma_wait3A_446 = arith.constant 0 : i32
        %dma_wait3A_447 = tpu.memref_slice %arg8[%dma_wait3A_446] : memref<10000xf32, #tpu.memory_space<vmem_shared>> -> memref<10000xf32, #tpu.memory_space<vmem_shared>>
        tpu.wait_indirect_dma semaphore(%arg18 : memref<!tpu.dma_semaphore, #tpu.memory_space<semaphore_mem>>) src(%arg14 : memref<128xf32, #tpu.memory_space<vmem>>) dst(%dma_wait3A_447 : memref<10000xf32, #tpu.memory_space<vmem_shared>>)
        %dma_start3A_448 = arith.constant 0 : i32
        %dma_start3A_449 = tpu.memref_slice %arg10[%rem3A_365, %cond3A_370, %dma_start3A_448] : memref<2x8x128xi32, #tpu.memory_space<vmem>> -> memref<1x1x128xi32, #tpu.memory_space<vmem>>
        %dma_start3A_450 = tpu.memref_squeeze %dma_start3A_449 : memref<1x1x128xi32, #tpu.memory_space<vmem>> -> memref<128xi32, #tpu.memory_space<vmem>>
        %dma_start3A_451 = arith.constant 0 : i32
        %dma_start3A_452 = tpu.memref_slice %arg8[%dma_start3A_451] : memref<10000xf32, #tpu.memory_space<vmem_shared>> -> memref<10000xf32, #tpu.memory_space<vmem_shared>>
        tpu.enqueue_indirect_dma source(%arg14 : memref<128xf32, #tpu.memory_space<vmem>>) target(%dma_start3A_452 : memref<10000xf32, #tpu.memory_space<vmem_shared>>) offsets(%dma_start3A_450 : memref<128xi32, #tpu.memory_space<vmem>>) semaphore(%arg18 : memref<!tpu.dma_semaphore, #tpu.memory_space<semaphore_mem>>) {add = true}
      } else {
      }
      %rem3A_373 = arith.constant 2 : i32
      %rem3A_374 = arith.remsi %while3A_122, %rem3A_373 : i32
      %dma_start3A_375 = arith.constant 7 : i32
      %dma_start3A_376 = arith.constant 1 : i32
      %dma_start3A_377 = arith.constant 0 : i32
      %dma_start3A_378 = arith.constant 0 : i32
      %dma_start3A_379 = tpu.memref_slice %arg13[%dma_start3A_376, %dma_start3A_377, %dma_start3A_378] : memref<2x128x128xf32, #tpu.memory_space<vmem>> -> memref<1x128x128xf32, #tpu.memory_space<vmem>>
      %dma_start3A_380 = tpu.memref_squeeze %dma_start3A_379 : memref<1x128x128xf32, #tpu.memory_space<vmem>> -> memref<128x128xf32, #tpu.memory_space<vmem>>
      %dma_start3A_381 = arith.constant 0 : i32
      %dma_start3A_382 = tpu.memref_slice %arg9[%rem3A_374, %dma_start3A_375, %dma_start3A_381] : memref<2x8x128xi32, #tpu.memory_space<vmem>> -> memref<1x1x128xi32, #tpu.memory_space<vmem>>
      %dma_start3A_383 = tpu.memref_squeeze %dma_start3A_382 : memref<1x1x128xi32, #tpu.memory_space<vmem>> -> memref<128xi32, #tpu.memory_space<vmem>>
      %dma_start3A_384 = arith.constant 0 : i32
      %dma_start3A_385 = arith.constant 0 : i32
      %dma_start3A_386 = tpu.memref_slice %arg2[%dma_start3A_384, %dma_start3A_385] : memref<20000x128xf32, #tpu.memory_space<hbm>> -> memref<20000x128xf32, #tpu.memory_space<hbm>>
      tpu.enqueue_indirect_dma source(%dma_start3A_386 : memref<20000x128xf32, #tpu.memory_space<hbm>>) target(%dma_start3A_380 : memref<128x128xf32, #tpu.memory_space<vmem>>) offsets(%dma_start3A_383 : memref<128xi32, #tpu.memory_space<vmem>>) semaphore(%arg17 : memref<!tpu.dma_semaphore, #tpu.memory_space<semaphore_mem>>)
      %dma_wait3A_387 = arith.constant 6 : i32
      %dma_wait3A_388 = arith.constant 0 : i32
      %dma_wait3A_389 = arith.constant 0 : i32
      %dma_wait3A_390 = arith.constant 0 : i32
      %dma_wait3A_391 = tpu.memref_slice %arg13[%dma_wait3A_388, %dma_wait3A_389, %dma_wait3A_390] : memref<2x128x128xf32, #tpu.memory_space<vmem>> -> memref<1x128x128xf32, #tpu.memory_space<vmem>>
      %dma_wait3A_392 = tpu.memref_squeeze %dma_wait3A_391 : memref<1x128x128xf32, #tpu.memory_space<vmem>> -> memref<128x128xf32, #tpu.memory_space<vmem>>
      %dma_wait3A_393 = arith.constant 0 : i32
      %dma_wait3A_394 = tpu.memref_slice %arg9[%rem3A_335, %dma_wait3A_387, %dma_wait3A_393] : memref<2x8x128xi32, #tpu.memory_space<vmem>> -> memref<1x1x128xi32, #tpu.memory_space<vmem>>
      %dma_wait3A_395 = tpu.memref_squeeze %dma_wait3A_394 : memref<1x1x128xi32, #tpu.memory_space<vmem>> -> memref<128xi32, #tpu.memory_space<vmem>>
      %dma_wait3A_396 = arith.constant 0 : i32
      %dma_wait3A_397 = arith.constant 0 : i32
      %dma_wait3A_398 = tpu.memref_slice %arg2[%dma_wait3A_396, %dma_wait3A_397] : memref<20000x128xf32, #tpu.memory_space<hbm>> -> memref<20000x128xf32, #tpu.memory_space<hbm>>
      tpu.wait_indirect_dma semaphore(%arg16 : memref<!tpu.dma_semaphore, #tpu.memory_space<semaphore_mem>>) src(%dma_wait3A_398 : memref<20000x128xf32, #tpu.memory_space<hbm>>) dst(%dma_wait3A_392 : memref<128x128xf32, #tpu.memory_space<vmem>>)
      %rem3A_399 = arith.constant 2 : i32
      %rem3A_400 = arith.remsi %while3A_122, %rem3A_399 : i32
      %run_scoped3A_401 = arith.constant 0 : i32
      %run_scoped3A_402 = arith.constant 6 : i32
      "tpu.region"() ({
        %run_scoped3A_443 = tpu.sem_alloc : memref<!tpu.dma_semaphore, #tpu.memory_space<semaphore_mem>>
        %dma_start3A_444 = arith.constant 0 : i32
        %dma_start3A_445 = arith.constant 0 : i32
        %dma_start3A_446 = tpu.memref_slice %arg13[%run_scoped3A_401, %dma_start3A_444, %dma_start3A_445] : memref<2x128x128xf32, #tpu.memory_space<vmem>> -> memref<1x128x128xf32, #tpu.memory_space<vmem>>
        %dma_start3A_447 = tpu.memref_squeeze %dma_start3A_446 : memref<1x128x128xf32, #tpu.memory_space<vmem>> -> memref<128x128xf32, #tpu.memory_space<vmem>>
        %dma_start3A_448 = arith.constant 0 : i32
        %dma_start3A_449 = tpu.memref_slice %arg10[%rem3A_400, %run_scoped3A_402, %dma_start3A_448] : memref<2x8x128xi32, #tpu.memory_space<vmem>> -> memref<1x1x128xi32, #tpu.memory_space<vmem>>
        %dma_start3A_450 = tpu.memref_squeeze %dma_start3A_449 : memref<1x1x128xi32, #tpu.memory_space<vmem>> -> memref<128xi32, #tpu.memory_space<vmem>>
        %dma_start3A_451 = arith.constant 0 : i32
        %dma_start3A_452 = arith.constant 0 : i32
        %dma_start3A_453 = tpu.memref_slice %arg7[%dma_start3A_451, %dma_start3A_452] : memref<10000x128xf32, #tpu.memory_space<vmem_shared>> -> memref<10000x128xf32, #tpu.memory_space<vmem_shared>>
        tpu.enqueue_indirect_dma source(%dma_start3A_447 : memref<128x128xf32, #tpu.memory_space<vmem>>) target(%dma_start3A_453 : memref<10000x128xf32, #tpu.memory_space<vmem_shared>>) offsets(%dma_start3A_450 : memref<128xi32, #tpu.memory_space<vmem>>) semaphore(%run_scoped3A_443 : memref<!tpu.dma_semaphore, #tpu.memory_space<semaphore_mem>>) {add = true}
        %dma_wait3A_454 = arith.constant 0 : i32
        %dma_wait3A_455 = arith.constant 0 : i32
        %dma_wait3A_456 = tpu.memref_slice %arg13[%run_scoped3A_401, %dma_wait3A_454, %dma_wait3A_455] : memref<2x128x128xf32, #tpu.memory_space<vmem>> -> memref<1x128x128xf32, #tpu.memory_space<vmem>>
        %dma_wait3A_457 = tpu.memref_squeeze %dma_wait3A_456 : memref<1x128x128xf32, #tpu.memory_space<vmem>> -> memref<128x128xf32, #tpu.memory_space<vmem>>
        %dma_wait3A_458 = arith.constant 0 : i32
        %dma_wait3A_459 = tpu.memref_slice %arg10[%rem3A_400, %run_scoped3A_402, %dma_wait3A_458] : memref<2x8x128xi32, #tpu.memory_space<vmem>> -> memref<1x1x128xi32, #tpu.memory_space<vmem>>
        %dma_wait3A_460 = tpu.memref_squeeze %dma_wait3A_459 : memref<1x1x128xi32, #tpu.memory_space<vmem>> -> memref<128xi32, #tpu.memory_space<vmem>>
        %dma_wait3A_461 = arith.constant 0 : i32
        %dma_wait3A_462 = arith.constant 0 : i32
        %dma_wait3A_463 = tpu.memref_slice %arg7[%dma_wait3A_461, %dma_wait3A_462] : memref<10000x128xf32, #tpu.memory_space<vmem_shared>> -> memref<10000x128xf32, #tpu.memory_space<vmem_shared>>
        tpu.wait_indirect_dma semaphore(%run_scoped3A_443 : memref<!tpu.dma_semaphore, #tpu.memory_space<semaphore_mem>>) src(%dma_wait3A_457 : memref<128x128xf32, #tpu.memory_space<vmem>>) dst(%dma_wait3A_463 : memref<10000x128xf32, #tpu.memory_space<vmem_shared>>)
        tpu.yield
      }) : () -> ()
      %rem3A_403 = arith.constant 2 : i32
      %rem3A_404 = arith.remsi %while3A_122, %rem3A_403 : i32
      %eq3A_405 = arith.constant 0 : i32
      %eq3A_406 = arith.cmpi eq, %arg0, %eq3A_405 : i32
      %convert_element_type3A_407 = arith.extui %eq3A_406 : i1 to i32
      %cond3A_408 = arith.constant 5 : i32
      %cond3A_409 = arith.constant 6 : i32
      %cond3A_410 = arith.constant 0 : i32
      %cond3A_411 = arith.cmpi ne, %convert_element_type3A_407, %cond3A_410 : i32
      scf.if %cond3A_411 {
        %dma_wait3A_443 = arith.constant 0 : i32
        %dma_wait3A_444 = tpu.memref_slice %arg10[%rem3A_365, %cond3A_408, %dma_wait3A_443] : memref<2x8x128xi32, #tpu.memory_space<vmem>> -> memref<1x1x128xi32, #tpu.memory_space<vmem>>
        %dma_wait3A_445 = tpu.memref_squeeze %dma_wait3A_444 : memref<1x1x128xi32, #tpu.memory_space<vmem>> -> memref<128xi32, #tpu.memory_space<vmem>>
        %dma_wait3A_446 = arith.constant 0 : i32
        %dma_wait3A_447 = tpu.memref_slice %arg8[%dma_wait3A_446] : memref<10000xf32, #tpu.memory_space<vmem_shared>> -> memref<10000xf32, #tpu.memory_space<vmem_shared>>
        tpu.wait_indirect_dma semaphore(%arg18 : memref<!tpu.dma_semaphore, #tpu.memory_space<semaphore_mem>>) src(%arg14 : memref<128xf32, #tpu.memory_space<vmem>>) dst(%dma_wait3A_447 : memref<10000xf32, #tpu.memory_space<vmem_shared>>)
        %dma_start3A_448 = arith.constant 0 : i32
        %dma_start3A_449 = tpu.memref_slice %arg10[%rem3A_404, %cond3A_409, %dma_start3A_448] : memref<2x8x128xi32, #tpu.memory_space<vmem>> -> memref<1x1x128xi32, #tpu.memory_space<vmem>>
        %dma_start3A_450 = tpu.memref_squeeze %dma_start3A_449 : memref<1x1x128xi32, #tpu.memory_space<vmem>> -> memref<128xi32, #tpu.memory_space<vmem>>
        %dma_start3A_451 = arith.constant 0 : i32
        %dma_start3A_452 = tpu.memref_slice %arg8[%dma_start3A_451] : memref<10000xf32, #tpu.memory_space<vmem_shared>> -> memref<10000xf32, #tpu.memory_space<vmem_shared>>
        tpu.enqueue_indirect_dma source(%arg14 : memref<128xf32, #tpu.memory_space<vmem>>) target(%dma_start3A_452 : memref<10000xf32, #tpu.memory_space<vmem_shared>>) offsets(%dma_start3A_450 : memref<128xi32, #tpu.memory_space<vmem>>) semaphore(%arg18 : memref<!tpu.dma_semaphore, #tpu.memory_space<semaphore_mem>>) {add = true}
      } else {
      }
      %dma_wait3A_412 = arith.constant 7 : i32
      %dma_wait3A_413 = arith.constant 1 : i32
      %dma_wait3A_414 = arith.constant 0 : i32
      %dma_wait3A_415 = arith.constant 0 : i32
      %dma_wait3A_416 = tpu.memref_slice %arg13[%dma_wait3A_413, %dma_wait3A_414, %dma_wait3A_415] : memref<2x128x128xf32, #tpu.memory_space<vmem>> -> memref<1x128x128xf32, #tpu.memory_space<vmem>>
      %dma_wait3A_417 = tpu.memref_squeeze %dma_wait3A_416 : memref<1x128x128xf32, #tpu.memory_space<vmem>> -> memref<128x128xf32, #tpu.memory_space<vmem>>
      %dma_wait3A_418 = arith.constant 0 : i32
      %dma_wait3A_419 = tpu.memref_slice %arg9[%rem3A_374, %dma_wait3A_412, %dma_wait3A_418] : memref<2x8x128xi32, #tpu.memory_space<vmem>> -> memref<1x1x128xi32, #tpu.memory_space<vmem>>
      %dma_wait3A_420 = tpu.memref_squeeze %dma_wait3A_419 : memref<1x1x128xi32, #tpu.memory_space<vmem>> -> memref<128xi32, #tpu.memory_space<vmem>>
      %dma_wait3A_421 = arith.constant 0 : i32
      %dma_wait3A_422 = arith.constant 0 : i32
      %dma_wait3A_423 = tpu.memref_slice %arg2[%dma_wait3A_421, %dma_wait3A_422] : memref<20000x128xf32, #tpu.memory_space<hbm>> -> memref<20000x128xf32, #tpu.memory_space<hbm>>
      tpu.wait_indirect_dma semaphore(%arg17 : memref<!tpu.dma_semaphore, #tpu.memory_space<semaphore_mem>>) src(%dma_wait3A_423 : memref<20000x128xf32, #tpu.memory_space<hbm>>) dst(%dma_wait3A_417 : memref<128x128xf32, #tpu.memory_space<vmem>>)
      %rem3A_424 = arith.constant 2 : i32
      %rem3A_425 = arith.remsi %while3A_122, %rem3A_424 : i32
      %run_scoped3A_426 = arith.constant 1 : i32
      %run_scoped3A_427 = arith.constant 7 : i32
      "tpu.region"() ({
        %run_scoped3A_443 = tpu.sem_alloc : memref<!tpu.dma_semaphore, #tpu.memory_space<semaphore_mem>>
        %dma_start3A_444 = arith.constant 0 : i32
        %dma_start3A_445 = arith.constant 0 : i32
        %dma_start3A_446 = tpu.memref_slice %arg13[%run_scoped3A_426, %dma_start3A_444, %dma_start3A_445] : memref<2x128x128xf32, #tpu.memory_space<vmem>> -> memref<1x128x128xf32, #tpu.memory_space<vmem>>
        %dma_start3A_447 = tpu.memref_squeeze %dma_start3A_446 : memref<1x128x128xf32, #tpu.memory_space<vmem>> -> memref<128x128xf32, #tpu.memory_space<vmem>>
        %dma_start3A_448 = arith.constant 0 : i32
        %dma_start3A_449 = tpu.memref_slice %arg10[%rem3A_425, %run_scoped3A_427, %dma_start3A_448] : memref<2x8x128xi32, #tpu.memory_space<vmem>> -> memref<1x1x128xi32, #tpu.memory_space<vmem>>
        %dma_start3A_450 = tpu.memref_squeeze %dma_start3A_449 : memref<1x1x128xi32, #tpu.memory_space<vmem>> -> memref<128xi32, #tpu.memory_space<vmem>>
        %dma_start3A_451 = arith.constant 0 : i32
        %dma_start3A_452 = arith.constant 0 : i32
        %dma_start3A_453 = tpu.memref_slice %arg7[%dma_start3A_451, %dma_start3A_452] : memref<10000x128xf32, #tpu.memory_space<vmem_shared>> -> memref<10000x128xf32, #tpu.memory_space<vmem_shared>>
        tpu.enqueue_indirect_dma source(%dma_start3A_447 : memref<128x128xf32, #tpu.memory_space<vmem>>) target(%dma_start3A_453 : memref<10000x128xf32, #tpu.memory_space<vmem_shared>>) offsets(%dma_start3A_450 : memref<128xi32, #tpu.memory_space<vmem>>) semaphore(%run_scoped3A_443 : memref<!tpu.dma_semaphore, #tpu.memory_space<semaphore_mem>>) {add = true}
        %dma_wait3A_454 = arith.constant 0 : i32
        %dma_wait3A_455 = arith.constant 0 : i32
        %dma_wait3A_456 = tpu.memref_slice %arg13[%run_scoped3A_426, %dma_wait3A_454, %dma_wait3A_455] : memref<2x128x128xf32, #tpu.memory_space<vmem>> -> memref<1x128x128xf32, #tpu.memory_space<vmem>>
        %dma_wait3A_457 = tpu.memref_squeeze %dma_wait3A_456 : memref<1x128x128xf32, #tpu.memory_space<vmem>> -> memref<128x128xf32, #tpu.memory_space<vmem>>
        %dma_wait3A_458 = arith.constant 0 : i32
        %dma_wait3A_459 = tpu.memref_slice %arg10[%rem3A_425, %run_scoped3A_427, %dma_wait3A_458] : memref<2x8x128xi32, #tpu.memory_space<vmem>> -> memref<1x1x128xi32, #tpu.memory_space<vmem>>
        %dma_wait3A_460 = tpu.memref_squeeze %dma_wait3A_459 : memref<1x1x128xi32, #tpu.memory_space<vmem>> -> memref<128xi32, #tpu.memory_space<vmem>>
        %dma_wait3A_461 = arith.constant 0 : i32
        %dma_wait3A_462 = arith.constant 0 : i32
        %dma_wait3A_463 = tpu.memref_slice %arg7[%dma_wait3A_461, %dma_wait3A_462] : memref<10000x128xf32, #tpu.memory_space<vmem_shared>> -> memref<10000x128xf32, #tpu.memory_space<vmem_shared>>
        tpu.wait_indirect_dma semaphore(%run_scoped3A_443 : memref<!tpu.dma_semaphore, #tpu.memory_space<semaphore_mem>>) src(%dma_wait3A_457 : memref<128x128xf32, #tpu.memory_space<vmem>>) dst(%dma_wait3A_463 : memref<10000x128xf32, #tpu.memory_space<vmem_shared>>)
        tpu.yield
      }) : () -> ()
      %rem3A_428 = arith.constant 2 : i32
      %rem3A_429 = arith.remsi %while3A_122, %rem3A_428 : i32
      %eq3A_430 = arith.constant 0 : i32
      %eq3A_431 = arith.cmpi eq, %arg0, %eq3A_430 : i32
      %convert_element_type3A_432 = arith.extui %eq3A_431 : i1 to i32
      %cond3A_433 = arith.constant 6 : i32
      %cond3A_434 = arith.constant 7 : i32
      %cond3A_435 = arith.constant 0 : i32
      %cond3A_436 = arith.cmpi ne, %convert_element_type3A_432, %cond3A_435 : i32
      scf.if %cond3A_436 {
        %dma_wait3A_443 = arith.constant 0 : i32
        %dma_wait3A_444 = tpu.memref_slice %arg10[%rem3A_404, %cond3A_433, %dma_wait3A_443] : memref<2x8x128xi32, #tpu.memory_space<vmem>> -> memref<1x1x128xi32, #tpu.memory_space<vmem>>
        %dma_wait3A_445 = tpu.memref_squeeze %dma_wait3A_444 : memref<1x1x128xi32, #tpu.memory_space<vmem>> -> memref<128xi32, #tpu.memory_space<vmem>>
        %dma_wait3A_446 = arith.constant 0 : i32
        %dma_wait3A_447 = tpu.memref_slice %arg8[%dma_wait3A_446] : memref<10000xf32, #tpu.memory_space<vmem_shared>> -> memref<10000xf32, #tpu.memory_space<vmem_shared>>
        tpu.wait_indirect_dma semaphore(%arg18 : memref<!tpu.dma_semaphore, #tpu.memory_space<semaphore_mem>>) src(%arg14 : memref<128xf32, #tpu.memory_space<vmem>>) dst(%dma_wait3A_447 : memref<10000xf32, #tpu.memory_space<vmem_shared>>)
        %dma_start3A_448 = arith.constant 0 : i32
        %dma_start3A_449 = tpu.memref_slice %arg10[%rem3A_429, %cond3A_434, %dma_start3A_448] : memref<2x8x128xi32, #tpu.memory_space<vmem>> -> memref<1x1x128xi32, #tpu.memory_space<vmem>>
        %dma_start3A_450 = tpu.memref_squeeze %dma_start3A_449 : memref<1x1x128xi32, #tpu.memory_space<vmem>> -> memref<128xi32, #tpu.memory_space<vmem>>
        %dma_start3A_451 = arith.constant 0 : i32
        %dma_start3A_452 = tpu.memref_slice %arg8[%dma_start3A_451] : memref<10000xf32, #tpu.memory_space<vmem_shared>> -> memref<10000xf32, #tpu.memory_space<vmem_shared>>
        tpu.enqueue_indirect_dma source(%arg14 : memref<128xf32, #tpu.memory_space<vmem>>) target(%dma_start3A_452 : memref<10000xf32, #tpu.memory_space<vmem_shared>>) offsets(%dma_start3A_450 : memref<128xi32, #tpu.memory_space<vmem>>) semaphore(%arg18 : memref<!tpu.dma_semaphore, #tpu.memory_space<semaphore_mem>>) {add = true}
      } else {
      }
      %eq3A_437 = arith.constant 0 : i32
      %eq3A_438 = arith.cmpi eq, %arg0, %eq3A_437 : i32
      %convert_element_type3A_439 = arith.extui %eq3A_438 : i1 to i32
      %cond3A_440 = arith.constant 7 : i32
      %cond3A_441 = arith.constant 0 : i32
      %cond3A_442 = arith.cmpi ne, %convert_element_type3A_439, %cond3A_441 : i32
      scf.if %cond3A_442 {
        %dma_wait3A_443 = arith.constant 0 : i32
        %dma_wait3A_444 = tpu.memref_slice %arg10[%rem3A_429, %cond3A_440, %dma_wait3A_443] : memref<2x8x128xi32, #tpu.memory_space<vmem>> -> memref<1x1x128xi32, #tpu.memory_space<vmem>>
        %dma_wait3A_445 = tpu.memref_squeeze %dma_wait3A_444 : memref<1x1x128xi32, #tpu.memory_space<vmem>> -> memref<128xi32, #tpu.memory_space<vmem>>
        %dma_wait3A_446 = arith.constant 0 : i32
        %dma_wait3A_447 = tpu.memref_slice %arg8[%dma_wait3A_446] : memref<10000xf32, #tpu.memory_space<vmem_shared>> -> memref<10000xf32, #tpu.memory_space<vmem_shared>>
        tpu.wait_indirect_dma semaphore(%arg18 : memref<!tpu.dma_semaphore, #tpu.memory_space<semaphore_mem>>) src(%arg14 : memref<128xf32, #tpu.memory_space<vmem>>) dst(%dma_wait3A_447 : memref<10000xf32, #tpu.memory_space<vmem_shared>>)
      } else {
      }
    }
    %lt3A_87 = arith.constant 2 : i32
    %lt3A_88 = arith.cmpi slt, %arg1, %lt3A_87 : i32
    %convert_element_type3A_89 = arith.extui %lt3A_88 : i1 to i32
    %cond3A_90 = arith.constant 0 : i32
    %cond3A_91 = arith.cmpi ne, %convert_element_type3A_89, %cond3A_90 : i32
    scf.if %cond3A_91 {
      %dma_start3A = arith.constant 0 : i32
      %dma_start3A_122 = arith.constant 0 : i32
      %dma_start3A_123 = arith.constant 0 : i32
      %dma_start3A_124 = tpu.memref_slice %arg13[%dma_start3A, %dma_start3A_122, %dma_start3A_123] : memref<2x128x128xf32, #tpu.memory_space<vmem>> -> memref<1x128x128xf32, #tpu.memory_space<vmem>>
      %dma_start3A_125 = tpu.memref_squeeze %dma_start3A_124 : memref<1x128x128xf32, #tpu.memory_space<vmem>> -> memref<128x128xf32, #tpu.memory_space<vmem>>
      %dma_start3A_126 = arith.constant 0 : i32
      %dma_start3A_127 = tpu.memref_slice %arg11[%arg1, %dma_start3A_126] : memref<2x128xi32, #tpu.memory_space<vmem>> -> memref<1x128xi32, #tpu.memory_space<vmem>>
      %dma_start3A_128 = tpu.memref_squeeze %dma_start3A_127 : memref<1x128xi32, #tpu.memory_space<vmem>> -> memref<128xi32, #tpu.memory_space<vmem>>
      %dma_start3A_129 = arith.constant 0 : i32
      %dma_start3A_130 = arith.constant 0 : i32
      %dma_start3A_131 = tpu.memref_slice %arg2[%dma_start3A_129, %dma_start3A_130] : memref<20000x128xf32, #tpu.memory_space<hbm>> -> memref<20000x128xf32, #tpu.memory_space<hbm>>
      tpu.enqueue_indirect_dma source(%dma_start3A_131 : memref<20000x128xf32, #tpu.memory_space<hbm>>) target(%dma_start3A_125 : memref<128x128xf32, #tpu.memory_space<vmem>>) offsets(%dma_start3A_128 : memref<128xi32, #tpu.memory_space<vmem>>) semaphore(%arg16 : memref<!tpu.dma_semaphore, #tpu.memory_space<semaphore_mem>>)
      %dma_wait3A = arith.constant 0 : i32
      %dma_wait3A_132 = arith.constant 0 : i32
      %dma_wait3A_133 = arith.constant 0 : i32
      %dma_wait3A_134 = tpu.memref_slice %arg13[%dma_wait3A, %dma_wait3A_132, %dma_wait3A_133] : memref<2x128x128xf32, #tpu.memory_space<vmem>> -> memref<1x128x128xf32, #tpu.memory_space<vmem>>
      %dma_wait3A_135 = tpu.memref_squeeze %dma_wait3A_134 : memref<1x128x128xf32, #tpu.memory_space<vmem>> -> memref<128x128xf32, #tpu.memory_space<vmem>>
      %dma_wait3A_136 = arith.constant 0 : i32
      %dma_wait3A_137 = tpu.memref_slice %arg11[%arg1, %dma_wait3A_136] : memref<2x128xi32, #tpu.memory_space<vmem>> -> memref<1x128xi32, #tpu.memory_space<vmem>>
      %dma_wait3A_138 = tpu.memref_squeeze %dma_wait3A_137 : memref<1x128xi32, #tpu.memory_space<vmem>> -> memref<128xi32, #tpu.memory_space<vmem>>
      %dma_wait3A_139 = arith.constant 0 : i32
      %dma_wait3A_140 = arith.constant 0 : i32
      %dma_wait3A_141 = tpu.memref_slice %arg2[%dma_wait3A_139, %dma_wait3A_140] : memref<20000x128xf32, #tpu.memory_space<hbm>> -> memref<20000x128xf32, #tpu.memory_space<hbm>>
      tpu.wait_indirect_dma semaphore(%arg16 : memref<!tpu.dma_semaphore, #tpu.memory_space<semaphore_mem>>) src(%dma_wait3A_141 : memref<20000x128xf32, #tpu.memory_space<hbm>>) dst(%dma_wait3A_135 : memref<128x128xf32, #tpu.memory_space<vmem>>)
      %run_scoped3A = arith.constant 0 : i32
      "tpu.region"() ({
        %run_scoped3A_147 = tpu.sem_alloc : memref<!tpu.dma_semaphore, #tpu.memory_space<semaphore_mem>>
        %dma_start3A_148 = arith.constant 0 : i32
        %dma_start3A_149 = arith.constant 0 : i32
        %dma_start3A_150 = tpu.memref_slice %arg13[%run_scoped3A, %dma_start3A_148, %dma_start3A_149] : memref<2x128x128xf32, #tpu.memory_space<vmem>> -> memref<1x128x128xf32, #tpu.memory_space<vmem>>
        %dma_start3A_151 = tpu.memref_squeeze %dma_start3A_150 : memref<1x128x128xf32, #tpu.memory_space<vmem>> -> memref<128x128xf32, #tpu.memory_space<vmem>>
        %dma_start3A_152 = arith.constant 0 : i32
        %dma_start3A_153 = tpu.memref_slice %arg12[%arg1, %dma_start3A_152] : memref<2x128xi32, #tpu.memory_space<vmem>> -> memref<1x128xi32, #tpu.memory_space<vmem>>
        %dma_start3A_154 = tpu.memref_squeeze %dma_start3A_153 : memref<1x128xi32, #tpu.memory_space<vmem>> -> memref<128xi32, #tpu.memory_space<vmem>>
        %dma_start3A_155 = arith.constant 0 : i32
        %dma_start3A_156 = arith.constant 0 : i32
        %dma_start3A_157 = tpu.memref_slice %arg7[%dma_start3A_155, %dma_start3A_156] : memref<10000x128xf32, #tpu.memory_space<vmem_shared>> -> memref<10000x128xf32, #tpu.memory_space<vmem_shared>>
        tpu.enqueue_indirect_dma source(%dma_start3A_151 : memref<128x128xf32, #tpu.memory_space<vmem>>) target(%dma_start3A_157 : memref<10000x128xf32, #tpu.memory_space<vmem_shared>>) offsets(%dma_start3A_154 : memref<128xi32, #tpu.memory_space<vmem>>) semaphore(%run_scoped3A_147 : memref<!tpu.dma_semaphore, #tpu.memory_space<semaphore_mem>>) {add = true}
        %dma_wait3A_158 = arith.constant 0 : i32
        %dma_wait3A_159 = arith.constant 0 : i32
        %dma_wait3A_160 = tpu.memref_slice %arg13[%run_scoped3A, %dma_wait3A_158, %dma_wait3A_159] : memref<2x128x128xf32, #tpu.memory_space<vmem>> -> memref<1x128x128xf32, #tpu.memory_space<vmem>>
        %dma_wait3A_161 = tpu.memref_squeeze %dma_wait3A_160 : memref<1x128x128xf32, #tpu.memory_space<vmem>> -> memref<128x128xf32, #tpu.memory_space<vmem>>
        %dma_wait3A_162 = arith.constant 0 : i32
        %dma_wait3A_163 = tpu.memref_slice %arg12[%arg1, %dma_wait3A_162] : memref<2x128xi32, #tpu.memory_space<vmem>> -> memref<1x128xi32, #tpu.memory_space<vmem>>
        %dma_wait3A_164 = tpu.memref_squeeze %dma_wait3A_163 : memref<1x128xi32, #tpu.memory_space<vmem>> -> memref<128xi32, #tpu.memory_space<vmem>>
        %dma_wait3A_165 = arith.constant 0 : i32
        %dma_wait3A_166 = arith.constant 0 : i32
        %dma_wait3A_167 = tpu.memref_slice %arg7[%dma_wait3A_165, %dma_wait3A_166] : memref<10000x128xf32, #tpu.memory_space<vmem_shared>> -> memref<10000x128xf32, #tpu.memory_space<vmem_shared>>
        tpu.wait_indirect_dma semaphore(%run_scoped3A_147 : memref<!tpu.dma_semaphore, #tpu.memory_space<semaphore_mem>>) src(%dma_wait3A_161 : memref<128x128xf32, #tpu.memory_space<vmem>>) dst(%dma_wait3A_167 : memref<10000x128xf32, #tpu.memory_space<vmem_shared>>)
        tpu.yield
      }) : () -> ()
      %eq3A_142 = arith.constant 0 : i32
      %eq3A_143 = arith.cmpi eq, %arg0, %eq3A_142 : i32
      %convert_element_type3A_144 = arith.extui %eq3A_143 : i1 to i32
      %cond3A_145 = arith.constant 0 : i32
      %cond3A_146 = arith.cmpi ne, %convert_element_type3A_144, %cond3A_145 : i32
      scf.if %cond3A_146 {
        "tpu.region"() ({
          %run_scoped3A_147 = tpu.sem_alloc : memref<!tpu.dma_semaphore, #tpu.memory_space<semaphore_mem>>
          %dma_start3A_148 = arith.constant 0 : i32
          %dma_start3A_149 = tpu.memref_slice %arg12[%arg1, %dma_start3A_148] : memref<2x128xi32, #tpu.memory_space<vmem>> -> memref<1x128xi32, #tpu.memory_space<vmem>>
          %dma_start3A_150 = tpu.memref_squeeze %dma_start3A_149 : memref<1x128xi32, #tpu.memory_space<vmem>> -> memref<128xi32, #tpu.memory_space<vmem>>
          %dma_start3A_151 = arith.constant 0 : i32
          %dma_start3A_152 = tpu.memref_slice %arg8[%dma_start3A_151] : memref<10000xf32, #tpu.memory_space<vmem_shared>> -> memref<10000xf32, #tpu.memory_space<vmem_shared>>
          tpu.enqueue_indirect_dma source(%arg14 : memref<128xf32, #tpu.memory_space<vmem>>) target(%dma_start3A_152 : memref<10000xf32, #tpu.memory_space<vmem_shared>>) offsets(%dma_start3A_150 : memref<128xi32, #tpu.memory_space<vmem>>) semaphore(%run_scoped3A_147 : memref<!tpu.dma_semaphore, #tpu.memory_space<semaphore_mem>>) {add = true}
          %dma_wait3A_153 = arith.constant 0 : i32
          %dma_wait3A_154 = tpu.memref_slice %arg12[%arg1, %dma_wait3A_153] : memref<2x128xi32, #tpu.memory_space<vmem>> -> memref<1x128xi32, #tpu.memory_space<vmem>>
          %dma_wait3A_155 = tpu.memref_squeeze %dma_wait3A_154 : memref<1x128xi32, #tpu.memory_space<vmem>> -> memref<128xi32, #tpu.memory_space<vmem>>
          %dma_wait3A_156 = arith.constant 0 : i32
          %dma_wait3A_157 = tpu.memref_slice %arg8[%dma_wait3A_156] : memref<10000xf32, #tpu.memory_space<vmem_shared>> -> memref<10000xf32, #tpu.memory_space<vmem_shared>>
          tpu.wait_indirect_dma semaphore(%run_scoped3A_147 : memref<!tpu.dma_semaphore, #tpu.memory_space<semaphore_mem>>) src(%arg14 : memref<128xf32, #tpu.memory_space<vmem>>) dst(%dma_wait3A_157 : memref<10000xf32, #tpu.memory_space<vmem_shared>>)
          tpu.yield
        }) : () -> ()
      } else {
      }
    } else {
    }
    %barrier3A_92 = arith.constant 0 : index
    tpu.barrier barrier_id(%barrier3A_92)
    %mul3A_93 = arith.constant 10000 : i32
    %mul3A_94 = arith.muli %arg0, %mul3A_93 : i32
    %add3A_95 = arith.addi %mul3A_94, %mul3A_36 : i32
    %lt3A_96 = arith.constant 15 : i32
    %lt3A_97 = arith.cmpi slt, %arg1, %lt3A_96 : i32
    %convert_element_type3A_98 = arith.extui %lt3A_97 : i1 to i32
    %cond3A_99 = arith.constant 0 : i32
    %cond3A_100 = arith.cmpi ne, %convert_element_type3A_98, %cond3A_99 : i32
    scf.if %cond3A_100 {
      "tpu.region"() ({
        %run_scoped3A = tpu.sem_alloc : memref<!tpu.dma_semaphore, #tpu.memory_space<semaphore_mem>>
        %dma_start3A = arith.constant 0 : i32
        %dma_start3A_122 = tpu.memref_slice %arg5[%add3A_95, %dma_start3A] : memref<20000x128xf32, #tpu.memory_space<hbm>> -> memref<632x128xf32, #tpu.memory_space<hbm>>
        %dma_start3A_123 = arith.constant 0 : i32
        %dma_start3A_124 = tpu.memref_slice %arg7[%mul3A_36, %dma_start3A_123] : memref<10000x128xf32, #tpu.memory_space<vmem_shared>> -> memref<632x128xf32, #tpu.memory_space<vmem_shared>>
        tpu.enqueue_dma source(%dma_start3A_124 : memref<632x128xf32, #tpu.memory_space<vmem_shared>>) target(%dma_start3A_122 : memref<632x128xf32, #tpu.memory_space<hbm>>) target_semaphore(%run_scoped3A : memref<!tpu.dma_semaphore, #tpu.memory_space<semaphore_mem>>)
        %dma_wait3A = arith.constant 0 : i32
        %dma_wait3A_125 = tpu.memref_slice %arg5[%add3A_95, %dma_wait3A] : memref<20000x128xf32, #tpu.memory_space<hbm>> -> memref<632x128xf32, #tpu.memory_space<hbm>>
        %dma_wait3A_126 = arith.constant 0 : i32
        %dma_wait3A_127 = tpu.memref_slice %arg7[%mul3A_36, %dma_wait3A_126] : memref<10000x128xf32, #tpu.memory_space<vmem_shared>> -> memref<632x128xf32, #tpu.memory_space<vmem_shared>>
        tpu.wait_dma2 semaphore(%run_scoped3A : memref<!tpu.dma_semaphore, #tpu.memory_space<semaphore_mem>>) src(%dma_wait3A_127 : memref<632x128xf32, #tpu.memory_space<vmem_shared>>) dst(%dma_wait3A_125 : memref<632x128xf32, #tpu.memory_space<hbm>>)
        tpu.yield
      }) : () -> ()
    } else {
    }
    %eq3A_101 = arith.constant 15 : i32
    %eq3A_102 = arith.cmpi eq, %arg1, %eq3A_101 : i32
    %convert_element_type3A_103 = arith.extui %eq3A_102 : i1 to i32
    %cond3A_104 = arith.constant 0 : i32
    %cond3A_105 = arith.cmpi ne, %convert_element_type3A_103, %cond3A_104 : i32
    scf.if %cond3A_105 {
      "tpu.region"() ({
        %run_scoped3A = tpu.sem_alloc : memref<!tpu.dma_semaphore, #tpu.memory_space<semaphore_mem>>
        %dma_start3A = arith.constant 0 : i32
        %dma_start3A_122 = tpu.memref_slice %arg5[%add3A_95, %dma_start3A] : memref<20000x128xf32, #tpu.memory_space<hbm>> -> memref<520x128xf32, #tpu.memory_space<hbm>>
        %dma_start3A_123 = arith.constant 0 : i32
        %dma_start3A_124 = tpu.memref_slice %arg7[%mul3A_36, %dma_start3A_123] : memref<10000x128xf32, #tpu.memory_space<vmem_shared>> -> memref<520x128xf32, #tpu.memory_space<vmem_shared>>
        tpu.enqueue_dma source(%dma_start3A_124 : memref<520x128xf32, #tpu.memory_space<vmem_shared>>) target(%dma_start3A_122 : memref<520x128xf32, #tpu.memory_space<hbm>>) target_semaphore(%run_scoped3A : memref<!tpu.dma_semaphore, #tpu.memory_space<semaphore_mem>>)
        %dma_wait3A = arith.constant 0 : i32
        %dma_wait3A_125 = tpu.memref_slice %arg5[%add3A_95, %dma_wait3A] : memref<20000x128xf32, #tpu.memory_space<hbm>> -> memref<520x128xf32, #tpu.memory_space<hbm>>
        %dma_wait3A_126 = arith.constant 0 : i32
        %dma_wait3A_127 = tpu.memref_slice %arg7[%mul3A_36, %dma_wait3A_126] : memref<10000x128xf32, #tpu.memory_space<vmem_shared>> -> memref<520x128xf32, #tpu.memory_space<vmem_shared>>
        tpu.wait_dma2 semaphore(%run_scoped3A : memref<!tpu.dma_semaphore, #tpu.memory_space<semaphore_mem>>) src(%dma_wait3A_127 : memref<520x128xf32, #tpu.memory_space<vmem_shared>>) dst(%dma_wait3A_125 : memref<520x128xf32, #tpu.memory_space<hbm>>)
        tpu.yield
      }) : () -> ()
    } else {
    }
    %eq3A_106 = arith.constant 0 : i32
    %eq3A_107 = arith.cmpi eq, %arg0, %eq3A_106 : i32
    %lt3A_108 = arith.constant 15 : i32
    %lt3A_109 = arith.cmpi slt, %arg1, %lt3A_108 : i32
    %and3A_110 = arith.andi %eq3A_107, %lt3A_109 : i1
    %convert_element_type3A_111 = arith.extui %and3A_110 : i1 to i32
    %cond3A_112 = arith.constant 0 : i32
    %cond3A_113 = arith.cmpi ne, %convert_element_type3A_111, %cond3A_112 : i32
    scf.if %cond3A_113 {
      "tpu.region"() ({
        %run_scoped3A = tpu.sem_alloc : memref<!tpu.dma_semaphore, #tpu.memory_space<semaphore_mem>>
        %dma_start3A = arith.constant 0 : i32
        %dma_start3A_122 = tpu.memref_slice %arg15[%dma_start3A] : memref<640xf32, #tpu.memory_space<vmem>> -> memref<632xf32, #tpu.memory_space<vmem>>
        %dma_start3A_123 = tpu.memref_slice %arg8[%mul3A_36] : memref<10000xf32, #tpu.memory_space<vmem_shared>> -> memref<632xf32, #tpu.memory_space<vmem_shared>>
        %dma_start3A_124 = arith.constant 0 : i32
        %dma_start3A_125 = tpu.memref_slice %arg15[%dma_start3A_124] : memref<640xf32, #tpu.memory_space<vmem>> -> memref<632xf32, #tpu.memory_space<vmem>>
        %dma_start3A_126 = tpu.memref_slice %arg8[%mul3A_36] : memref<10000xf32, #tpu.memory_space<vmem_shared>> -> memref<632xf32, #tpu.memory_space<vmem_shared>>
        tpu.enqueue_dma source(%dma_start3A_126 : memref<632xf32, #tpu.memory_space<vmem_shared>>) target(%dma_start3A_125 : memref<632xf32, #tpu.memory_space<vmem>>) target_semaphore(%run_scoped3A : memref<!tpu.dma_semaphore, #tpu.memory_space<semaphore_mem>>)
        %dma_wait3A = arith.constant 0 : i32
        %dma_wait3A_127 = tpu.memref_slice %arg15[%dma_wait3A] : memref<640xf32, #tpu.memory_space<vmem>> -> memref<632xf32, #tpu.memory_space<vmem>>
        %dma_wait3A_128 = tpu.memref_slice %arg8[%mul3A_36] : memref<10000xf32, #tpu.memory_space<vmem_shared>> -> memref<632xf32, #tpu.memory_space<vmem_shared>>
        %dma_wait3A_129 = arith.constant 0 : i32
        %dma_wait3A_130 = tpu.memref_slice %arg15[%dma_wait3A_129] : memref<640xf32, #tpu.memory_space<vmem>> -> memref<632xf32, #tpu.memory_space<vmem>>
        %dma_wait3A_131 = tpu.memref_slice %arg8[%mul3A_36] : memref<10000xf32, #tpu.memory_space<vmem_shared>> -> memref<632xf32, #tpu.memory_space<vmem_shared>>
        tpu.wait_dma2 semaphore(%run_scoped3A : memref<!tpu.dma_semaphore, #tpu.memory_space<semaphore_mem>>) src(%dma_wait3A_131 : memref<632xf32, #tpu.memory_space<vmem_shared>>) dst(%dma_wait3A_130 : memref<632xf32, #tpu.memory_space<vmem>>)
        tpu.yield
      }) : () -> ()
      "tpu.region"() ({
        %run_scoped3A = tpu.sem_alloc : memref<!tpu.dma_semaphore, #tpu.memory_space<semaphore_mem>>
        %dma_start3A = arith.constant 0 : i32
        %dma_start3A_122 = tpu.memref_slice %arg15[%dma_start3A] : memref<640xf32, #tpu.memory_space<vmem>> -> memref<632xf32, #tpu.memory_space<vmem>>
        %dma_start3A_123 = tpu.memref_slice %arg6[%mul3A_36] : memref<10000xf32, #tpu.memory_space<hbm>> -> memref<632xf32, #tpu.memory_space<hbm>>
        %dma_start3A_124 = tpu.memref_slice %arg6[%mul3A_36] : memref<10000xf32, #tpu.memory_space<hbm>> -> memref<632xf32, #tpu.memory_space<hbm>>
        %dma_start3A_125 = arith.constant 0 : i32
        %dma_start3A_126 = tpu.memref_slice %arg15[%dma_start3A_125] : memref<640xf32, #tpu.memory_space<vmem>> -> memref<632xf32, #tpu.memory_space<vmem>>
        tpu.enqueue_dma source(%dma_start3A_126 : memref<632xf32, #tpu.memory_space<vmem>>) target(%dma_start3A_124 : memref<632xf32, #tpu.memory_space<hbm>>) target_semaphore(%run_scoped3A : memref<!tpu.dma_semaphore, #tpu.memory_space<semaphore_mem>>)
        %dma_wait3A = arith.constant 0 : i32
        %dma_wait3A_127 = tpu.memref_slice %arg15[%dma_wait3A] : memref<640xf32, #tpu.memory_space<vmem>> -> memref<632xf32, #tpu.memory_space<vmem>>
        %dma_wait3A_128 = tpu.memref_slice %arg6[%mul3A_36] : memref<10000xf32, #tpu.memory_space<hbm>> -> memref<632xf32, #tpu.memory_space<hbm>>
        %dma_wait3A_129 = tpu.memref_slice %arg6[%mul3A_36] : memref<10000xf32, #tpu.memory_space<hbm>> -> memref<632xf32, #tpu.memory_space<hbm>>
        %dma_wait3A_130 = arith.constant 0 : i32
        %dma_wait3A_131 = tpu.memref_slice %arg15[%dma_wait3A_130] : memref<640xf32, #tpu.memory_space<vmem>> -> memref<632xf32, #tpu.memory_space<vmem>>
        tpu.wait_dma2 semaphore(%run_scoped3A : memref<!tpu.dma_semaphore, #tpu.memory_space<semaphore_mem>>) src(%dma_wait3A_131 : memref<632xf32, #tpu.memory_space<vmem>>) dst(%dma_wait3A_129 : memref<632xf32, #tpu.memory_space<hbm>>)
        tpu.yield
      }) : () -> ()
    } else {
    }
    %eq3A_114 = arith.constant 0 : i32
    %eq3A_115 = arith.cmpi eq, %arg0, %eq3A_114 : i32
    %eq3A_116 = arith.constant 15 : i32
    %eq3A_117 = arith.cmpi eq, %arg1, %eq3A_116 : i32
    %and3A_118 = arith.andi %eq3A_115, %eq3A_117 : i1
    %convert_element_type3A_119 = arith.extui %and3A_118 : i1 to i32
    %cond3A_120 = arith.constant 0 : i32
    %cond3A_121 = arith.cmpi ne, %convert_element_type3A_119, %cond3A_120 : i32
    scf.if %cond3A_121 {
      "tpu.region"() ({
        %run_scoped3A = tpu.sem_alloc : memref<!tpu.dma_semaphore, #tpu.memory_space<semaphore_mem>>
        %dma_start3A = arith.constant 0 : i32
        %dma_start3A_122 = tpu.memref_slice %arg15[%dma_start3A] : memref<640xf32, #tpu.memory_space<vmem>> -> memref<520xf32, #tpu.memory_space<vmem>>
        %dma_start3A_123 = tpu.memref_slice %arg8[%mul3A_36] : memref<10000xf32, #tpu.memory_space<vmem_shared>> -> memref<520xf32, #tpu.memory_space<vmem_shared>>
        %dma_start3A_124 = arith.constant 0 : i32
        %dma_start3A_125 = tpu.memref_slice %arg15[%dma_start3A_124] : memref<640xf32, #tpu.memory_space<vmem>> -> memref<520xf32, #tpu.memory_space<vmem>>
        %dma_start3A_126 = tpu.memref_slice %arg8[%mul3A_36] : memref<10000xf32, #tpu.memory_space<vmem_shared>> -> memref<520xf32, #tpu.memory_space<vmem_shared>>
        tpu.enqueue_dma source(%dma_start3A_126 : memref<520xf32, #tpu.memory_space<vmem_shared>>) target(%dma_start3A_125 : memref<520xf32, #tpu.memory_space<vmem>>) target_semaphore(%run_scoped3A : memref<!tpu.dma_semaphore, #tpu.memory_space<semaphore_mem>>)
        %dma_wait3A = arith.constant 0 : i32
        %dma_wait3A_127 = tpu.memref_slice %arg15[%dma_wait3A] : memref<640xf32, #tpu.memory_space<vmem>> -> memref<520xf32, #tpu.memory_space<vmem>>
        %dma_wait3A_128 = tpu.memref_slice %arg8[%mul3A_36] : memref<10000xf32, #tpu.memory_space<vmem_shared>> -> memref<520xf32, #tpu.memory_space<vmem_shared>>
        %dma_wait3A_129 = arith.constant 0 : i32
        %dma_wait3A_130 = tpu.memref_slice %arg15[%dma_wait3A_129] : memref<640xf32, #tpu.memory_space<vmem>> -> memref<520xf32, #tpu.memory_space<vmem>>
        %dma_wait3A_131 = tpu.memref_slice %arg8[%mul3A_36] : memref<10000xf32, #tpu.memory_space<vmem_shared>> -> memref<520xf32, #tpu.memory_space<vmem_shared>>
        tpu.wait_dma2 semaphore(%run_scoped3A : memref<!tpu.dma_semaphore, #tpu.memory_space<semaphore_mem>>) src(%dma_wait3A_131 : memref<520xf32, #tpu.memory_space<vmem_shared>>) dst(%dma_wait3A_130 : memref<520xf32, #tpu.memory_space<vmem>>)
        tpu.yield
      }) : () -> ()
      "tpu.region"() ({
        %run_scoped3A = tpu.sem_alloc : memref<!tpu.dma_semaphore, #tpu.memory_space<semaphore_mem>>
        %dma_start3A = arith.constant 0 : i32
        %dma_start3A_122 = tpu.memref_slice %arg15[%dma_start3A] : memref<640xf32, #tpu.memory_space<vmem>> -> memref<520xf32, #tpu.memory_space<vmem>>
        %dma_start3A_123 = tpu.memref_slice %arg6[%mul3A_36] : memref<10000xf32, #tpu.memory_space<hbm>> -> memref<520xf32, #tpu.memory_space<hbm>>
        %dma_start3A_124 = tpu.memref_slice %arg6[%mul3A_36] : memref<10000xf32, #tpu.memory_space<hbm>> -> memref<520xf32, #tpu.memory_space<hbm>>
        %dma_start3A_125 = arith.constant 0 : i32
        %dma_start3A_126 = tpu.memref_slice %arg15[%dma_start3A_125] : memref<640xf32, #tpu.memory_space<vmem>> -> memref<520xf32, #tpu.memory_space<vmem>>
        tpu.enqueue_dma source(%dma_start3A_126 : memref<520xf32, #tpu.memory_space<vmem>>) target(%dma_start3A_124 : memref<520xf32, #tpu.memory_space<hbm>>) target_semaphore(%run_scoped3A : memref<!tpu.dma_semaphore, #tpu.memory_space<semaphore_mem>>)
        %dma_wait3A = arith.constant 0 : i32
        %dma_wait3A_127 = tpu.memref_slice %arg15[%dma_wait3A] : memref<640xf32, #tpu.memory_space<vmem>> -> memref<520xf32, #tpu.memory_space<vmem>>
        %dma_wait3A_128 = tpu.memref_slice %arg6[%mul3A_36] : memref<10000xf32, #tpu.memory_space<hbm>> -> memref<520xf32, #tpu.memory_space<hbm>>
        %dma_wait3A_129 = tpu.memref_slice %arg6[%mul3A_36] : memref<10000xf32, #tpu.memory_space<hbm>> -> memref<520xf32, #tpu.memory_space<hbm>>
        %dma_wait3A_130 = arith.constant 0 : i32
        %dma_wait3A_131 = tpu.memref_slice %arg15[%dma_wait3A_130] : memref<640xf32, #tpu.memory_space<vmem>> -> memref<520xf32, #tpu.memory_space<vmem>>
        tpu.wait_dma2 semaphore(%run_scoped3A : memref<!tpu.dma_semaphore, #tpu.memory_space<semaphore_mem>>) src(%dma_wait3A_131 : memref<520xf32, #tpu.memory_space<vmem>>) dst(%dma_wait3A_129 : memref<520xf32, #tpu.memory_space<hbm>>)
        tpu.yield
      }) : () -> ()
    } else {
    }
    return
  }
}

#map = affine_map<(d0, d1) -> (0, 0)>
module attributes {stable_mosaic.version = 14 : i64} {
  func.func @seg_sum(%arg0: i32, %arg1: i32, %arg2: memref<20000x128xf32, #tpu.memory_space<hbm>>, %arg3: memref<2512x128xi32, #tpu.memory_space<hbm>>, %arg4: memref<1250x128xi32, #tpu.memory_space<hbm>>, %arg5: memref<20000x128xf32, #tpu.memory_space<hbm>>, %arg6: memref<10000x128xf32, #tpu.memory_space<vmem_shared>>, %arg7: memref<10000xf32, #tpu.memory_space<vmem_shared>>, %arg8: memref<2x8x128xi32, #tpu.memory_space<vmem>>, %arg9: memref<2x8x128xi32, #tpu.memory_space<vmem>>, %arg10: memref<2x128xi32, #tpu.memory_space<vmem>>, %arg11: memref<2x128xi32, #tpu.memory_space<vmem>>, %arg12: memref<2x128x128xf32, #tpu.memory_space<vmem>>, %arg13: memref<128xf32, #tpu.memory_space<vmem>>, %arg14: memref<640xf32, #tpu.memory_space<vmem>>, %arg15: memref<!tpu.dma_semaphore, #tpu.memory_space<semaphore_mem>>, %arg16: memref<!tpu.dma_semaphore, #tpu.memory_space<semaphore_mem>>, %arg17: memref<!tpu.dma_semaphore, #tpu.memory_space<semaphore_mem>>) attributes {dimension_semantics = [#tpu.dimension_semantics<core_parallel>, #tpu.dimension_semantics<subcore_parallel>], iteration_bounds = array<i64: 2, 16>, scalar_prefetch = 0 : i64, scratch_operands = 12 : i64, tpu.core_type = #tpu.core_type<sc_vector_subcore>, window_params = [{transform_indices = #map}, {transform_indices = #map}, {transform_indices = #map}, {transform_indices = #map}]} {
    %mul3A = arith.constant 1256 : i32
    %mul3A_0 = arith.muli %arg0, %mul3A : i32
    %broadcast_in_dim3A = arith.constant 0.000000e+00 : f32
    %broadcast_in_dim3A_1 = vector.broadcast %broadcast_in_dim3A : f32 to vector<16xf32>
    %broadcast_in_dim3A_2 = arith.constant 1.000000e+00 : f32
    %broadcast_in_dim3A_3 = vector.broadcast %broadcast_in_dim3A_2 : f32 to vector<16xf32>
    %scan3A = arith.constant 0 : i32
    %scan3A_4 = arith.constant 0 : i32
    %scan3A_5 = arith.constant 1024 : i32
    %scan3A_6 = arith.addi %scan3A_4, %scan3A_5 : i32
    %scan3A_7 = arith.constant 1 : i32
    scf.for %scan3A_89 = %scan3A_4 to %scan3A_6 step %scan3A_7  : i32 {
      %jit3A_90 = arith.constant 8 : i32
      %div3A_91 = arith.divsi %scan3A_89, %jit3A_90 : i32
      %sign3A_92 = arith.constant 0 : i32
      %sign3A_93 = arith.cmpi sgt, %scan3A_89, %sign3A_92 : i32
      %sign3A_94 = arith.extui %sign3A_93 : i1 to i32
      %sign3A_95 = arith.constant 0 : i32
      %sign3A_96 = arith.cmpi slt, %scan3A_89, %sign3A_95 : i32
      %sign3A_97 = arith.extui %sign3A_96 : i1 to i32
      %sign3A_98 = arith.subi %sign3A_94, %sign3A_97 : i32
      %sign3A_99 = arith.constant 0 : i32
      %sign3A_100 = arith.cmpi sgt, %jit3A_90, %sign3A_99 : i32
      %sign3A_101 = arith.extui %sign3A_100 : i1 to i32
      %sign3A_102 = arith.constant 0 : i32
      %sign3A_103 = arith.cmpi slt, %jit3A_90, %sign3A_102 : i32
      %sign3A_104 = arith.extui %sign3A_103 : i1 to i32
      %sign3A_105 = arith.subi %sign3A_101, %sign3A_104 : i32
      %ne3A_106 = arith.cmpi ne, %sign3A_98, %sign3A_105 : i32
      %rem3A_107 = arith.remsi %scan3A_89, %jit3A_90 : i32
      %ne3A_108 = arith.constant 0 : i32
      %ne3A_109 = arith.cmpi ne, %rem3A_107, %ne3A_108 : i32
      %and3A_110 = arith.andi %ne3A_106, %ne3A_109 : i1
      %sub3A_111 = arith.constant 1 : i32
      %sub3A_112 = arith.subi %div3A_91, %sub3A_111 : i32
      %select_n3A_113 = arith.select %and3A_110, %sub3A_112, %div3A_91 : i32
      %jit3A_114 = arith.constant 8 : i32
      %eq3A_115 = arith.constant 0 : i32
      %eq3A_116 = arith.cmpi eq, %jit3A_114, %eq3A_115 : i32
      %jit3A_117 = arith.constant 1 : i32
      %select_n3A_118 = arith.select %eq3A_116, %jit3A_117, %jit3A_114 : i32
      %rem3A_119 = arith.remsi %scan3A_89, %select_n3A_118 : i32
      %ne3A_120 = arith.constant 0 : i32
      %ne3A_121 = arith.cmpi ne, %rem3A_119, %ne3A_120 : i32
      %lt3A_122 = arith.constant 0 : i32
      %lt3A_123 = arith.cmpi slt, %rem3A_119, %lt3A_122 : i32
      %lt3A_124 = arith.constant 0 : i32
      %lt3A_125 = arith.cmpi slt, %select_n3A_118, %lt3A_124 : i32
      %ne3A_126 = arith.xori %lt3A_123, %lt3A_125 : i1
      %and3A_127 = arith.andi %ne3A_126, %ne3A_121 : i1
      %add3A_128 = arith.addi %rem3A_119, %select_n3A_118 : i32
      %select_n3A_129 = arith.select %and3A_127, %add3A_128, %rem3A_119 : i32
      %mul3A_130 = arith.constant 16 : i32
      %mul3A_131 = arith.muli %select_n3A_129, %mul3A_130 : i32
      %swap3A = arith.constant 0 : i32
      %swap3A_132 = arith.index_cast %swap3A : i32 to index
      %swap3A_133 = arith.index_cast %select_n3A_113 : i32 to index
      %swap3A_134 = arith.index_cast %mul3A_131 : i32 to index
      %swap3A_135 = tpu.vector_load %arg12[%swap3A_132, %swap3A_133, %swap3A_134] {strides = array<i32>} : memref<2x128x128xf32, #tpu.memory_space<vmem>>, vector<1x1x16xf32>,
      %swap3A_136 = vector.shape_cast %swap3A_135 : vector<1x1x16xf32> to vector<16xf32>
      %swap3A_137 = vector.shape_cast %broadcast_in_dim3A_1 : vector<16xf32> to vector<1x1x16xf32>
      tpu.vector_store %arg12[%swap3A_132, %swap3A_133, %swap3A_134], %swap3A_137 {strides = array<i32>} : memref<2x128x128xf32, #tpu.memory_space<vmem>>, vector<1x1x16xf32>,
    }
    %scan3A_8 = arith.constant 1024 : i32
    %lt3A = arith.constant 12 : i32
    %lt3A_9 = arith.cmpi slt, %arg1, %lt3A : i32
    %jit3A = arith.constant 80 : i32
    %jit3A_10 = arith.constant 72 : i32
    %select_n3A = arith.select %lt3A_9, %jit3A, %jit3A_10 : i32
    %lt3A_11 = arith.constant 12 : i32
    %lt3A_12 = arith.cmpi slt, %arg1, %lt3A_11 : i32
    %mul3A_13 = arith.constant 80 : i32
    %mul3A_14 = arith.muli %arg1, %mul3A_13 : i32
    %sub3A = arith.constant 12 : i32
    %sub3A_15 = arith.subi %arg1, %sub3A : i32
    %mul3A_16 = arith.constant 72 : i32
    %mul3A_17 = arith.muli %sub3A_15, %mul3A_16 : i32
    %add3A = arith.constant 960 : i32
    %add3A_18 = arith.addi %add3A, %mul3A_17 : i32
    %select_n3A_19 = arith.select %lt3A_12, %mul3A_14, %add3A_18 : i32
    %lt3A_20 = arith.constant 2 : i32
    %lt3A_21 = arith.cmpi slt, %arg1, %lt3A_20 : i32
    %convert_element_type3A = arith.extui %lt3A_21 : i1 to i32
    %cond3A = arith.constant 0 : i32
    %cond3A_22 = arith.cmpi ne, %convert_element_type3A, %cond3A : i32
    scf.if %cond3A_22 {
      %add3A_89 = arith.constant 1248 : i32
      %add3A_90 = arith.addi %mul3A_0, %add3A_89 : i32
      "tpu.region"() ({
        %run_scoped3A = tpu.sem_alloc : memref<!tpu.dma_semaphore, #tpu.memory_space<semaphore_mem>>
        %dma_start3A = arith.constant 0 : i32
        %dma_start3A_91 = tpu.memref_slice %arg3[%add3A_90, %dma_start3A] : memref<2512x128xi32, #tpu.memory_space<hbm>> -> memref<2x128xi32, #tpu.memory_space<hbm>>
        %dma_start3A_92 = arith.constant 0 : i32
        %dma_start3A_93 = tpu.memref_slice %arg3[%add3A_90, %dma_start3A_92] : memref<2512x128xi32, #tpu.memory_space<hbm>> -> memref<2x128xi32, #tpu.memory_space<hbm>>
        tpu.enqueue_dma source(%dma_start3A_93 : memref<2x128xi32, #tpu.memory_space<hbm>>) target(%arg10 : memref<2x128xi32, #tpu.memory_space<vmem>>) target_semaphore(%run_scoped3A : memref<!tpu.dma_semaphore, #tpu.memory_space<semaphore_mem>>)
        %dma_wait3A = arith.constant 0 : i32
        %dma_wait3A_94 = tpu.memref_slice %arg3[%add3A_90, %dma_wait3A] : memref<2512x128xi32, #tpu.memory_space<hbm>> -> memref<2x128xi32, #tpu.memory_space<hbm>>
        %dma_wait3A_95 = arith.constant 0 : i32
        %dma_wait3A_96 = tpu.memref_slice %arg3[%add3A_90, %dma_wait3A_95] : memref<2512x128xi32, #tpu.memory_space<hbm>> -> memref<2x128xi32, #tpu.memory_space<hbm>>
        tpu.wait_dma2 semaphore(%run_scoped3A : memref<!tpu.dma_semaphore, #tpu.memory_space<semaphore_mem>>) src(%dma_wait3A_96 : memref<2x128xi32, #tpu.memory_space<hbm>>) dst(%arg10 : memref<2x128xi32, #tpu.memory_space<vmem>>)
        tpu.yield
      }) : () -> ()
      "tpu.region"() ({
        %run_scoped3A = tpu.sem_alloc : memref<!tpu.dma_semaphore, #tpu.memory_space<semaphore_mem>>
        %dma_start3A = arith.constant 1248 : i32
        %dma_start3A_91 = arith.constant 0 : i32
        %dma_start3A_92 = tpu.memref_slice %arg4[%dma_start3A, %dma_start3A_91] : memref<1250x128xi32, #tpu.memory_space<hbm>> -> memref<2x128xi32, #tpu.memory_space<hbm>>
        %dma_start3A_93 = arith.constant 1248 : i32
        %dma_start3A_94 = arith.constant 0 : i32
        %dma_start3A_95 = tpu.memref_slice %arg4[%dma_start3A_93, %dma_start3A_94] : memref<1250x128xi32, #tpu.memory_space<hbm>> -> memref<2x128xi32, #tpu.memory_space<hbm>>
        tpu.enqueue_dma source(%dma_start3A_95 : memref<2x128xi32, #tpu.memory_space<hbm>>) target(%arg11 : memref<2x128xi32, #tpu.memory_space<vmem>>) target_semaphore(%run_scoped3A : memref<!tpu.dma_semaphore, #tpu.memory_space<semaphore_mem>>)
        %dma_wait3A = arith.constant 1248 : i32
        %dma_wait3A_96 = arith.constant 0 : i32
        %dma_wait3A_97 = tpu.memref_slice %arg4[%dma_wait3A, %dma_wait3A_96] : memref<1250x128xi32, #tpu.memory_space<hbm>> -> memref<2x128xi32, #tpu.memory_space<hbm>>
        %dma_wait3A_98 = arith.constant 1248 : i32
        %dma_wait3A_99 = arith.constant 0 : i32
        %dma_wait3A_100 = tpu.memref_slice %arg4[%dma_wait3A_98, %dma_wait3A_99] : memref<1250x128xi32, #tpu.memory_space<hbm>> -> memref<2x128xi32, #tpu.memory_space<hbm>>
        tpu.wait_dma2 semaphore(%run_scoped3A : memref<!tpu.dma_semaphore, #tpu.memory_space<semaphore_mem>>) src(%dma_wait3A_100 : memref<2x128xi32, #tpu.memory_space<hbm>>) dst(%arg11 : memref<2x128xi32, #tpu.memory_space<vmem>>)
        tpu.yield
      }) : () -> ()
    } else {
    }
    %mul3A_23 = arith.constant 632 : i32
    %mul3A_24 = arith.muli %arg1, %mul3A_23 : i32
    %lt3A_25 = arith.constant 15 : i32
    %lt3A_26 = arith.cmpi slt, %arg1, %lt3A_25 : i32
    %convert_element_type3A_27 = arith.extui %lt3A_26 : i1 to i32
    %cond3A_28 = arith.constant 0 : i32
    %cond3A_29 = arith.cmpi ne, %convert_element_type3A_27, %cond3A_28 : i32
    scf.if %cond3A_29 {
      %scan3A_89 = arith.constant 0 : i32
      %scan3A_90 = arith.constant 0 : i32
      %scan3A_91 = arith.constant 4 : i32
      %scan3A_92 = arith.addi %scan3A_90, %scan3A_91 : i32
      %scan3A_93 = arith.constant 1 : i32
      scf.for %scan3A_97 = %scan3A_90 to %scan3A_92 step %scan3A_93  : i32 {
        %mul3A_98 = arith.constant 128 : i32
        %mul3A_99 = arith.muli %scan3A_97, %mul3A_98 : i32
        %add3A_100 = arith.addi %mul3A_24, %mul3A_99 : i32
        %run_scoped3A_101 = arith.constant 0 : i32
        "tpu.region"() ({
          %run_scoped3A_102 = tpu.sem_alloc : memref<!tpu.dma_semaphore, #tpu.memory_space<semaphore_mem>>
          %dma_start3A = arith.constant 0 : i32
          %dma_start3A_103 = arith.constant 0 : i32
          %dma_start3A_104 = tpu.memref_slice %arg12[%run_scoped3A_101, %dma_start3A, %dma_start3A_103] : memref<2x128x128xf32, #tpu.memory_space<vmem>> -> memref<1x128x128xf32, #tpu.memory_space<vmem>>
          %dma_start3A_105 = tpu.memref_squeeze %dma_start3A_104 : memref<1x128x128xf32, #tpu.memory_space<vmem>> -> memref<128x128xf32, #tpu.memory_space<vmem>>
          %dma_start3A_106 = arith.constant 0 : i32
          %dma_start3A_107 = tpu.memref_slice %arg6[%add3A_100, %dma_start3A_106] : memref<10000x128xf32, #tpu.memory_space<vmem_shared>> -> memref<128x128xf32, #tpu.memory_space<vmem_shared>>
          %dma_start3A_108 = arith.constant 0 : i32
          %dma_start3A_109 = tpu.memref_slice %arg6[%add3A_100, %dma_start3A_108] : memref<10000x128xf32, #tpu.memory_space<vmem_shared>> -> memref<128x128xf32, #tpu.memory_space<vmem_shared>>
          %dma_start3A_110 = arith.constant 0 : i32
          %dma_start3A_111 = arith.constant 0 : i32
          %dma_start3A_112 = tpu.memref_slice %arg12[%run_scoped3A_101, %dma_start3A_110, %dma_start3A_111] : memref<2x128x128xf32, #tpu.memory_space<vmem>> -> memref<1x128x128xf32, #tpu.memory_space<vmem>>
          %dma_start3A_113 = tpu.memref_squeeze %dma_start3A_112 : memref<1x128x128xf32, #tpu.memory_space<vmem>> -> memref<128x128xf32, #tpu.memory_space<vmem>>
          tpu.enqueue_dma source(%dma_start3A_113 : memref<128x128xf32, #tpu.memory_space<vmem>>) target(%dma_start3A_109 : memref<128x128xf32, #tpu.memory_space<vmem_shared>>) target_semaphore(%run_scoped3A_102 : memref<!tpu.dma_semaphore, #tpu.memory_space<semaphore_mem>>)
          %dma_wait3A = arith.constant 0 : i32
          %dma_wait3A_114 = arith.constant 0 : i32
          %dma_wait3A_115 = tpu.memref_slice %arg12[%run_scoped3A_101, %dma_wait3A, %dma_wait3A_114] : memref<2x128x128xf32, #tpu.memory_space<vmem>> -> memref<1x128x128xf32, #tpu.memory_space<vmem>>
          %dma_wait3A_116 = tpu.memref_squeeze %dma_wait3A_115 : memref<1x128x128xf32, #tpu.memory_space<vmem>> -> memref<128x128xf32, #tpu.memory_space<vmem>>
          %dma_wait3A_117 = arith.constant 0 : i32
          %dma_wait3A_118 = tpu.memref_slice %arg6[%add3A_100, %dma_wait3A_117] : memref<10000x128xf32, #tpu.memory_space<vmem_shared>> -> memref<128x128xf32, #tpu.memory_space<vmem_shared>>
          %dma_wait3A_119 = arith.constant 0 : i32
          %dma_wait3A_120 = tpu.memref_slice %arg6[%add3A_100, %dma_wait3A_119] : memref<10000x128xf32, #tpu.memory_space<vmem_shared>> -> memref<128x128xf32, #tpu.memory_space<vmem_shared>>
          %dma_wait3A_121 = arith.constant 0 : i32
          %dma_wait3A_122 = arith.constant 0 : i32
          %dma_wait3A_123 = tpu.memref_slice %arg12[%run_scoped3A_101, %dma_wait3A_121, %dma_wait3A_122] : memref<2x128x128xf32, #tpu.memory_space<vmem>> -> memref<1x128x128xf32, #tpu.memory_space<vmem>>
          %dma_wait3A_124 = tpu.memref_squeeze %dma_wait3A_123 : memref<1x128x128xf32, #tpu.memory_space<vmem>> -> memref<128x128xf32, #tpu.memory_space<vmem>>
          tpu.wait_dma2 semaphore(%run_scoped3A_102 : memref<!tpu.dma_semaphore, #tpu.memory_space<semaphore_mem>>) src(%dma_wait3A_124 : memref<128x128xf32, #tpu.memory_space<vmem>>) dst(%dma_wait3A_120 : memref<128x128xf32, #tpu.memory_space<vmem_shared>>)
          tpu.yield
        }) : () -> ()
      }
      %scan3A_94 = arith.constant 4 : i32
      %add3A_95 = arith.constant 512 : i32
      %add3A_96 = arith.addi %mul3A_24, %add3A_95 : i32
      %run_scoped3A = arith.constant 0 : i32
      "tpu.region"() ({
        %run_scoped3A_97 = tpu.sem_alloc : memref<!tpu.dma_semaphore, #tpu.memory_space<semaphore_mem>>
        %dma_start3A = arith.constant 0 : i32
        %dma_start3A_98 = arith.constant 0 : i32
        %dma_start3A_99 = tpu.memref_slice %arg12[%run_scoped3A, %dma_start3A, %dma_start3A_98] : memref<2x128x128xf32, #tpu.memory_space<vmem>> -> memref<1x128x128xf32, #tpu.memory_space<vmem>>
        %dma_start3A_100 = tpu.memref_squeeze %dma_start3A_99 : memref<1x128x128xf32, #tpu.memory_space<vmem>> -> memref<128x128xf32, #tpu.memory_space<vmem>>
        %dma_start3A_101 = arith.constant 0 : i32
        %dma_start3A_102 = arith.constant 0 : i32
        %dma_start3A_103 = tpu.memref_slice %dma_start3A_100[%dma_start3A_101, %dma_start3A_102] : memref<128x128xf32, #tpu.memory_space<vmem>> -> memref<120x128xf32, #tpu.memory_space<vmem>>
        %dma_start3A_104 = arith.constant 0 : i32
        %dma_start3A_105 = tpu.memref_slice %arg6[%add3A_96, %dma_start3A_104] : memref<10000x128xf32, #tpu.memory_space<vmem_shared>> -> memref<120x128xf32, #tpu.memory_space<vmem_shared>>
        %dma_start3A_106 = arith.constant 0 : i32
        %dma_start3A_107 = tpu.memref_slice %arg6[%add3A_96, %dma_start3A_106] : memref<10000x128xf32, #tpu.memory_space<vmem_shared>> -> memref<120x128xf32, #tpu.memory_space<vmem_shared>>
        %dma_start3A_108 = arith.constant 0 : i32
        %dma_start3A_109 = arith.constant 0 : i32
        %dma_start3A_110 = tpu.memref_slice %arg12[%run_scoped3A, %dma_start3A_108, %dma_start3A_109] : memref<2x128x128xf32, #tpu.memory_space<vmem>> -> memref<1x128x128xf32, #tpu.memory_space<vmem>>
        %dma_start3A_111 = tpu.memref_squeeze %dma_start3A_110 : memref<1x128x128xf32, #tpu.memory_space<vmem>> -> memref<128x128xf32, #tpu.memory_space<vmem>>
        %dma_start3A_112 = arith.constant 0 : i32
        %dma_start3A_113 = arith.constant 0 : i32
        %dma_start3A_114 = tpu.memref_slice %dma_start3A_111[%dma_start3A_112, %dma_start3A_113] : memref<128x128xf32, #tpu.memory_space<vmem>> -> memref<120x128xf32, #tpu.memory_space<vmem>>
        tpu.enqueue_dma source(%dma_start3A_114 : memref<120x128xf32, #tpu.memory_space<vmem>>) target(%dma_start3A_107 : memref<120x128xf32, #tpu.memory_space<vmem_shared>>) target_semaphore(%run_scoped3A_97 : memref<!tpu.dma_semaphore, #tpu.memory_space<semaphore_mem>>)
        %dma_wait3A = arith.constant 0 : i32
        %dma_wait3A_115 = arith.constant 0 : i32
        %dma_wait3A_116 = tpu.memref_slice %arg12[%run_scoped3A, %dma_wait3A, %dma_wait3A_115] : memref<2x128x128xf32, #tpu.memory_space<vmem>> -> memref<1x128x128xf32, #tpu.memory_space<vmem>>
        %dma_wait3A_117 = tpu.memref_squeeze %dma_wait3A_116 : memref<1x128x128xf32, #tpu.memory_space<vmem>> -> memref<128x128xf32, #tpu.memory_space<vmem>>
        %dma_wait3A_118 = arith.constant 0 : i32
        %dma_wait3A_119 = arith.constant 0 : i32
        %dma_wait3A_120 = tpu.memref_slice %dma_wait3A_117[%dma_wait3A_118, %dma_wait3A_119] : memref<128x128xf32, #tpu.memory_space<vmem>> -> memref<120x128xf32, #tpu.memory_space<vmem>>
        %dma_wait3A_121 = arith.constant 0 : i32
        %dma_wait3A_122 = tpu.memref_slice %arg6[%add3A_96, %dma_wait3A_121] : memref<10000x128xf32, #tpu.memory_space<vmem_shared>> -> memref<120x128xf32, #tpu.memory_space<vmem_shared>>
        %dma_wait3A_123 = arith.constant 0 : i32
        %dma_wait3A_124 = tpu.memref_slice %arg6[%add3A_96, %dma_wait3A_123] : memref<10000x128xf32, #tpu.memory_space<vmem_shared>> -> memref<120x128xf32, #tpu.memory_space<vmem_shared>>
        %dma_wait3A_125 = arith.constant 0 : i32
        %dma_wait3A_126 = arith.constant 0 : i32
        %dma_wait3A_127 = tpu.memref_slice %arg12[%run_scoped3A, %dma_wait3A_125, %dma_wait3A_126] : memref<2x128x128xf32, #tpu.memory_space<vmem>> -> memref<1x128x128xf32, #tpu.memory_space<vmem>>
        %dma_wait3A_128 = tpu.memref_squeeze %dma_wait3A_127 : memref<1x128x128xf32, #tpu.memory_space<vmem>> -> memref<128x128xf32, #tpu.memory_space<vmem>>
        %dma_wait3A_129 = arith.constant 0 : i32
        %dma_wait3A_130 = arith.constant 0 : i32
        %dma_wait3A_131 = tpu.memref_slice %dma_wait3A_128[%dma_wait3A_129, %dma_wait3A_130] : memref<128x128xf32, #tpu.memory_space<vmem>> -> memref<120x128xf32, #tpu.memory_space<vmem>>
        tpu.wait_dma2 semaphore(%run_scoped3A_97 : memref<!tpu.dma_semaphore, #tpu.memory_space<semaphore_mem>>) src(%dma_wait3A_131 : memref<120x128xf32, #tpu.memory_space<vmem>>) dst(%dma_wait3A_124 : memref<120x128xf32, #tpu.memory_space<vmem_shared>>)
        tpu.yield
      }) : () -> ()
    } else {
    }
    %eq3A = arith.constant 15 : i32
    %eq3A_30 = arith.cmpi eq, %arg1, %eq3A : i32
    %convert_element_type3A_31 = arith.extui %eq3A_30 : i1 to i32
    %cond3A_32 = arith.constant 0 : i32
    %cond3A_33 = arith.cmpi ne, %convert_element_type3A_31, %cond3A_32 : i32
    scf.if %cond3A_33 {
      %scan3A_89 = arith.constant 0 : i32
      %scan3A_90 = arith.constant 0 : i32
      %scan3A_91 = arith.constant 4 : i32
      %scan3A_92 = arith.addi %scan3A_90, %scan3A_91 : i32
      %scan3A_93 = arith.constant 1 : i32
      scf.for %scan3A_97 = %scan3A_90 to %scan3A_92 step %scan3A_93  : i32 {
        %mul3A_98 = arith.constant 128 : i32
        %mul3A_99 = arith.muli %scan3A_97, %mul3A_98 : i32
        %add3A_100 = arith.addi %mul3A_24, %mul3A_99 : i32
        %run_scoped3A_101 = arith.constant 0 : i32
        "tpu.region"() ({
          %run_scoped3A_102 = tpu.sem_alloc : memref<!tpu.dma_semaphore, #tpu.memory_space<semaphore_mem>>
          %dma_start3A = arith.constant 0 : i32
          %dma_start3A_103 = arith.constant 0 : i32
          %dma_start3A_104 = tpu.memref_slice %arg12[%run_scoped3A_101, %dma_start3A, %dma_start3A_103] : memref<2x128x128xf32, #tpu.memory_space<vmem>> -> memref<1x128x128xf32, #tpu.memory_space<vmem>>
          %dma_start3A_105 = tpu.memref_squeeze %dma_start3A_104 : memref<1x128x128xf32, #tpu.memory_space<vmem>> -> memref<128x128xf32, #tpu.memory_space<vmem>>
          %dma_start3A_106 = arith.constant 0 : i32
          %dma_start3A_107 = tpu.memref_slice %arg6[%add3A_100, %dma_start3A_106] : memref<10000x128xf32, #tpu.memory_space<vmem_shared>> -> memref<128x128xf32, #tpu.memory_space<vmem_shared>>
          %dma_start3A_108 = arith.constant 0 : i32
          %dma_start3A_109 = tpu.memref_slice %arg6[%add3A_100, %dma_start3A_108] : memref<10000x128xf32, #tpu.memory_space<vmem_shared>> -> memref<128x128xf32, #tpu.memory_space<vmem_shared>>
          %dma_start3A_110 = arith.constant 0 : i32
          %dma_start3A_111 = arith.constant 0 : i32
          %dma_start3A_112 = tpu.memref_slice %arg12[%run_scoped3A_101, %dma_start3A_110, %dma_start3A_111] : memref<2x128x128xf32, #tpu.memory_space<vmem>> -> memref<1x128x128xf32, #tpu.memory_space<vmem>>
          %dma_start3A_113 = tpu.memref_squeeze %dma_start3A_112 : memref<1x128x128xf32, #tpu.memory_space<vmem>> -> memref<128x128xf32, #tpu.memory_space<vmem>>
          tpu.enqueue_dma source(%dma_start3A_113 : memref<128x128xf32, #tpu.memory_space<vmem>>) target(%dma_start3A_109 : memref<128x128xf32, #tpu.memory_space<vmem_shared>>) target_semaphore(%run_scoped3A_102 : memref<!tpu.dma_semaphore, #tpu.memory_space<semaphore_mem>>)
          %dma_wait3A = arith.constant 0 : i32
          %dma_wait3A_114 = arith.constant 0 : i32
          %dma_wait3A_115 = tpu.memref_slice %arg12[%run_scoped3A_101, %dma_wait3A, %dma_wait3A_114] : memref<2x128x128xf32, #tpu.memory_space<vmem>> -> memref<1x128x128xf32, #tpu.memory_space<vmem>>
          %dma_wait3A_116 = tpu.memref_squeeze %dma_wait3A_115 : memref<1x128x128xf32, #tpu.memory_space<vmem>> -> memref<128x128xf32, #tpu.memory_space<vmem>>
          %dma_wait3A_117 = arith.constant 0 : i32
          %dma_wait3A_118 = tpu.memref_slice %arg6[%add3A_100, %dma_wait3A_117] : memref<10000x128xf32, #tpu.memory_space<vmem_shared>> -> memref<128x128xf32, #tpu.memory_space<vmem_shared>>
          %dma_wait3A_119 = arith.constant 0 : i32
          %dma_wait3A_120 = tpu.memref_slice %arg6[%add3A_100, %dma_wait3A_119] : memref<10000x128xf32, #tpu.memory_space<vmem_shared>> -> memref<128x128xf32, #tpu.memory_space<vmem_shared>>
          %dma_wait3A_121 = arith.constant 0 : i32
          %dma_wait3A_122 = arith.constant 0 : i32
          %dma_wait3A_123 = tpu.memref_slice %arg12[%run_scoped3A_101, %dma_wait3A_121, %dma_wait3A_122] : memref<2x128x128xf32, #tpu.memory_space<vmem>> -> memref<1x128x128xf32, #tpu.memory_space<vmem>>
          %dma_wait3A_124 = tpu.memref_squeeze %dma_wait3A_123 : memref<1x128x128xf32, #tpu.memory_space<vmem>> -> memref<128x128xf32, #tpu.memory_space<vmem>>
          tpu.wait_dma2 semaphore(%run_scoped3A_102 : memref<!tpu.dma_semaphore, #tpu.memory_space<semaphore_mem>>) src(%dma_wait3A_124 : memref<128x128xf32, #tpu.memory_space<vmem>>) dst(%dma_wait3A_120 : memref<128x128xf32, #tpu.memory_space<vmem_shared>>)
          tpu.yield
        }) : () -> ()
      }
      %scan3A_94 = arith.constant 4 : i32
      %add3A_95 = arith.constant 512 : i32
      %add3A_96 = arith.addi %mul3A_24, %add3A_95 : i32
      %run_scoped3A = arith.constant 0 : i32
      "tpu.region"() ({
        %run_scoped3A_97 = tpu.sem_alloc : memref<!tpu.dma_semaphore, #tpu.memory_space<semaphore_mem>>
        %dma_start3A = arith.constant 0 : i32
        %dma_start3A_98 = arith.constant 0 : i32
        %dma_start3A_99 = tpu.memref_slice %arg12[%run_scoped3A, %dma_start3A, %dma_start3A_98] : memref<2x128x128xf32, #tpu.memory_space<vmem>> -> memref<1x128x128xf32, #tpu.memory_space<vmem>>
        %dma_start3A_100 = tpu.memref_squeeze %dma_start3A_99 : memref<1x128x128xf32, #tpu.memory_space<vmem>> -> memref<128x128xf32, #tpu.memory_space<vmem>>
        %dma_start3A_101 = arith.constant 0 : i32
        %dma_start3A_102 = arith.constant 0 : i32
        %dma_start3A_103 = tpu.memref_slice %dma_start3A_100[%dma_start3A_101, %dma_start3A_102] : memref<128x128xf32, #tpu.memory_space<vmem>> -> memref<8x128xf32, #tpu.memory_space<vmem>>
        %dma_start3A_104 = arith.constant 0 : i32
        %dma_start3A_105 = tpu.memref_slice %arg6[%add3A_96, %dma_start3A_104] : memref<10000x128xf32, #tpu.memory_space<vmem_shared>> -> memref<8x128xf32, #tpu.memory_space<vmem_shared>>
        %dma_start3A_106 = arith.constant 0 : i32
        %dma_start3A_107 = tpu.memref_slice %arg6[%add3A_96, %dma_start3A_106] : memref<10000x128xf32, #tpu.memory_space<vmem_shared>> -> memref<8x128xf32, #tpu.memory_space<vmem_shared>>
        %dma_start3A_108 = arith.constant 0 : i32
        %dma_start3A_109 = arith.constant 0 : i32
        %dma_start3A_110 = tpu.memref_slice %arg12[%run_scoped3A, %dma_start3A_108, %dma_start3A_109] : memref<2x128x128xf32, #tpu.memory_space<vmem>> -> memref<1x128x128xf32, #tpu.memory_space<vmem>>
        %dma_start3A_111 = tpu.memref_squeeze %dma_start3A_110 : memref<1x128x128xf32, #tpu.memory_space<vmem>> -> memref<128x128xf32, #tpu.memory_space<vmem>>
        %dma_start3A_112 = arith.constant 0 : i32
        %dma_start3A_113 = arith.constant 0 : i32
        %dma_start3A_114 = tpu.memref_slice %dma_start3A_111[%dma_start3A_112, %dma_start3A_113] : memref<128x128xf32, #tpu.memory_space<vmem>> -> memref<8x128xf32, #tpu.memory_space<vmem>>
        tpu.enqueue_dma source(%dma_start3A_114 : memref<8x128xf32, #tpu.memory_space<vmem>>) target(%dma_start3A_107 : memref<8x128xf32, #tpu.memory_space<vmem_shared>>) target_semaphore(%run_scoped3A_97 : memref<!tpu.dma_semaphore, #tpu.memory_space<semaphore_mem>>)
        %dma_wait3A = arith.constant 0 : i32
        %dma_wait3A_115 = arith.constant 0 : i32
        %dma_wait3A_116 = tpu.memref_slice %arg12[%run_scoped3A, %dma_wait3A, %dma_wait3A_115] : memref<2x128x128xf32, #tpu.memory_space<vmem>> -> memref<1x128x128xf32, #tpu.memory_space<vmem>>
        %dma_wait3A_117 = tpu.memref_squeeze %dma_wait3A_116 : memref<1x128x128xf32, #tpu.memory_space<vmem>> -> memref<128x128xf32, #tpu.memory_space<vmem>>
        %dma_wait3A_118 = arith.constant 0 : i32
        %dma_wait3A_119 = arith.constant 0 : i32
        %dma_wait3A_120 = tpu.memref_slice %dma_wait3A_117[%dma_wait3A_118, %dma_wait3A_119] : memref<128x128xf32, #tpu.memory_space<vmem>> -> memref<8x128xf32, #tpu.memory_space<vmem>>
        %dma_wait3A_121 = arith.constant 0 : i32
        %dma_wait3A_122 = tpu.memref_slice %arg6[%add3A_96, %dma_wait3A_121] : memref<10000x128xf32, #tpu.memory_space<vmem_shared>> -> memref<8x128xf32, #tpu.memory_space<vmem_shared>>
        %dma_wait3A_123 = arith.constant 0 : i32
        %dma_wait3A_124 = tpu.memref_slice %arg6[%add3A_96, %dma_wait3A_123] : memref<10000x128xf32, #tpu.memory_space<vmem_shared>> -> memref<8x128xf32, #tpu.memory_space<vmem_shared>>
        %dma_wait3A_125 = arith.constant 0 : i32
        %dma_wait3A_126 = arith.constant 0 : i32
        %dma_wait3A_127 = tpu.memref_slice %arg12[%run_scoped3A, %dma_wait3A_125, %dma_wait3A_126] : memref<2x128x128xf32, #tpu.memory_space<vmem>> -> memref<1x128x128xf32, #tpu.memory_space<vmem>>
        %dma_wait3A_128 = tpu.memref_squeeze %dma_wait3A_127 : memref<1x128x128xf32, #tpu.memory_space<vmem>> -> memref<128x128xf32, #tpu.memory_space<vmem>>
        %dma_wait3A_129 = arith.constant 0 : i32
        %dma_wait3A_130 = arith.constant 0 : i32
        %dma_wait3A_131 = tpu.memref_slice %dma_wait3A_128[%dma_wait3A_129, %dma_wait3A_130] : memref<128x128xf32, #tpu.memory_space<vmem>> -> memref<8x128xf32, #tpu.memory_space<vmem>>
        tpu.wait_dma2 semaphore(%run_scoped3A_97 : memref<!tpu.dma_semaphore, #tpu.memory_space<semaphore_mem>>) src(%dma_wait3A_131 : memref<8x128xf32, #tpu.memory_space<vmem>>) dst(%dma_wait3A_124 : memref<8x128xf32, #tpu.memory_space<vmem_shared>>)
        tpu.yield
      }) : () -> ()
    } else {
    }
    %barrier3A = arith.constant 0 : index
    tpu.barrier barrier_id(%barrier3A)
    %jit3A_34 = arith.constant 8 : i32
    %div3A = arith.divsi %select_n3A, %jit3A_34 : i32
    %sign3A = arith.constant 0 : i32
    %sign3A_35 = arith.cmpi sgt, %select_n3A, %sign3A : i32
    %sign3A_36 = arith.extui %sign3A_35 : i1 to i32
    %sign3A_37 = arith.constant 0 : i32
    %sign3A_38 = arith.cmpi slt, %select_n3A, %sign3A_37 : i32
    %sign3A_39 = arith.extui %sign3A_38 : i1 to i32
    %sign3A_40 = arith.subi %sign3A_36, %sign3A_39 : i32
    %sign3A_41 = arith.constant 0 : i32
    %sign3A_42 = arith.cmpi sgt, %jit3A_34, %sign3A_41 : i32
    %sign3A_43 = arith.extui %sign3A_42 : i1 to i32
    %sign3A_44 = arith.constant 0 : i32
    %sign3A_45 = arith.cmpi slt, %jit3A_34, %sign3A_44 : i32
    %sign3A_46 = arith.extui %sign3A_45 : i1 to i32
    %sign3A_47 = arith.subi %sign3A_43, %sign3A_46 : i32
    %ne3A = arith.cmpi ne, %sign3A_40, %sign3A_47 : i32
    %rem3A = arith.remsi %select_n3A, %jit3A_34 : i32
    %ne3A_48 = arith.constant 0 : i32
    %ne3A_49 = arith.cmpi ne, %rem3A, %ne3A_48 : i32
    %and3A = arith.andi %ne3A, %ne3A_49 : i1
    %sub3A_50 = arith.constant 1 : i32
    %sub3A_51 = arith.subi %div3A, %sub3A_50 : i32
    %select_n3A_52 = arith.select %and3A, %sub3A_51, %div3A : i32
    %rem3A_53 = arith.constant 0 : i32
    %rem3A_54 = arith.constant 2 : i32
    %rem3A_55 = arith.remsi %rem3A_53, %rem3A_54 : i32
    %mul3A_56 = arith.constant 0 : i32
    %mul3A_57 = arith.constant 8 : i32
    %mul3A_58 = arith.muli %mul3A_56, %mul3A_57 : i32
    %add3A_59 = arith.addi %select_n3A_19, %mul3A_58 : i32
    %add3A_60 = arith.addi %mul3A_0, %add3A_59 : i32
    "tpu.region"() ({
      %run_scoped3A = tpu.sem_alloc : memref<!tpu.dma_semaphore, #tpu.memory_space<semaphore_mem>>
      %dma_start3A = arith.constant 0 : i32
      %dma_start3A_89 = arith.constant 0 : i32
      %dma_start3A_90 = tpu.memref_slice %arg8[%rem3A_55, %dma_start3A, %dma_start3A_89] : memref<2x8x128xi32, #tpu.memory_space<vmem>> -> memref<1x8x128xi32, #tpu.memory_space<vmem>>
      %dma_start3A_91 = tpu.memref_squeeze %dma_start3A_90 : memref<1x8x128xi32, #tpu.memory_space<vmem>> -> memref<8x128xi32, #tpu.memory_space<vmem>>
      %dma_start3A_92 = arith.constant 0 : i32
      %dma_start3A_93 = tpu.memref_slice %arg3[%add3A_60, %dma_start3A_92] : memref<2512x128xi32, #tpu.memory_space<hbm>> -> memref<8x128xi32, #tpu.memory_space<hbm>>
      %dma_start3A_94 = arith.constant 0 : i32
      %dma_start3A_95 = arith.constant 0 : i32
      %dma_start3A_96 = tpu.memref_slice %arg8[%rem3A_55, %dma_start3A_94, %dma_start3A_95] : memref<2x8x128xi32, #tpu.memory_space<vmem>> -> memref<1x8x128xi32, #tpu.memory_space<vmem>>
      %dma_start3A_97 = tpu.memref_squeeze %dma_start3A_96 : memref<1x8x128xi32, #tpu.memory_space<vmem>> -> memref<8x128xi32, #tpu.memory_space<vmem>>
      %dma_start3A_98 = arith.constant 0 : i32
      %dma_start3A_99 = tpu.memref_slice %arg3[%add3A_60, %dma_start3A_98] : memref<2512x128xi32, #tpu.memory_space<hbm>> -> memref<8x128xi32, #tpu.memory_space<hbm>>
      tpu.enqueue_dma source(%dma_start3A_99 : memref<8x128xi32, #tpu.memory_space<hbm>>) target(%dma_start3A_97 : memref<8x128xi32, #tpu.memory_space<vmem>>) target_semaphore(%run_scoped3A : memref<!tpu.dma_semaphore, #tpu.memory_space<semaphore_mem>>)
      %dma_wait3A = arith.constant 0 : i32
      %dma_wait3A_100 = arith.constant 0 : i32
      %dma_wait3A_101 = tpu.memref_slice %arg8[%rem3A_55, %dma_wait3A, %dma_wait3A_100] : memref<2x8x128xi32, #tpu.memory_space<vmem>> -> memref<1x8x128xi32, #tpu.memory_space<vmem>>
      %dma_wait3A_102 = tpu.memref_squeeze %dma_wait3A_101 : memref<1x8x128xi32, #tpu.memory_space<vmem>> -> memref<8x128xi32, #tpu.memory_space<vmem>>
      %dma_wait3A_103 = arith.constant 0 : i32
      %dma_wait3A_104 = tpu.memref_slice %arg3[%add3A_60, %dma_wait3A_103] : memref<2512x128xi32, #tpu.memory_space<hbm>> -> memref<8x128xi32, #tpu.memory_space<hbm>>
      %dma_wait3A_105 = arith.constant 0 : i32
      %dma_wait3A_106 = arith.constant 0 : i32
      %dma_wait3A_107 = tpu.memref_slice %arg8[%rem3A_55, %dma_wait3A_105, %dma_wait3A_106] : memref<2x8x128xi32, #tpu.memory_space<vmem>> -> memref<1x8x128xi32, #tpu.memory_space<vmem>>
      %dma_wait3A_108 = tpu.memref_squeeze %dma_wait3A_107 : memref<1x8x128xi32, #tpu.memory_space<vmem>> -> memref<8x128xi32, #tpu.memory_space<vmem>>
      %dma_wait3A_109 = arith.constant 0 : i32
      %dma_wait3A_110 = tpu.memref_slice %arg3[%add3A_60, %dma_wait3A_109] : memref<2512x128xi32, #tpu.memory_space<hbm>> -> memref<8x128xi32, #tpu.memory_space<hbm>>
      tpu.wait_dma2 semaphore(%run_scoped3A : memref<!tpu.dma_semaphore, #tpu.memory_space<semaphore_mem>>) src(%dma_wait3A_110 : memref<8x128xi32, #tpu.memory_space<hbm>>) dst(%dma_wait3A_108 : memref<8x128xi32, #tpu.memory_space<vmem>>)
      tpu.yield
    }) : () -> ()
    "tpu.region"() ({
      %run_scoped3A = tpu.sem_alloc : memref<!tpu.dma_semaphore, #tpu.memory_space<semaphore_mem>>
      %dma_start3A = arith.constant 0 : i32
      %dma_start3A_89 = arith.constant 0 : i32
      %dma_start3A_90 = tpu.memref_slice %arg9[%rem3A_55, %dma_start3A, %dma_start3A_89] : memref<2x8x128xi32, #tpu.memory_space<vmem>> -> memref<1x8x128xi32, #tpu.memory_space<vmem>>
      %dma_start3A_91 = tpu.memref_squeeze %dma_start3A_90 : memref<1x8x128xi32, #tpu.memory_space<vmem>> -> memref<8x128xi32, #tpu.memory_space<vmem>>
      %dma_start3A_92 = arith.constant 0 : i32
      %dma_start3A_93 = tpu.memref_slice %arg4[%add3A_59, %dma_start3A_92] : memref<1250x128xi32, #tpu.memory_space<hbm>> -> memref<8x128xi32, #tpu.memory_space<hbm>>
      %dma_start3A_94 = arith.constant 0 : i32
      %dma_start3A_95 = arith.constant 0 : i32
      %dma_start3A_96 = tpu.memref_slice %arg9[%rem3A_55, %dma_start3A_94, %dma_start3A_95] : memref<2x8x128xi32, #tpu.memory_space<vmem>> -> memref<1x8x128xi32, #tpu.memory_space<vmem>>
      %dma_start3A_97 = tpu.memref_squeeze %dma_start3A_96 : memref<1x8x128xi32, #tpu.memory_space<vmem>> -> memref<8x128xi32, #tpu.memory_space<vmem>>
      %dma_start3A_98 = arith.constant 0 : i32
      %dma_start3A_99 = tpu.memref_slice %arg4[%add3A_59, %dma_start3A_98] : memref<1250x128xi32, #tpu.memory_space<hbm>> -> memref<8x128xi32, #tpu.memory_space<hbm>>
      tpu.enqueue_dma source(%dma_start3A_99 : memref<8x128xi32, #tpu.memory_space<hbm>>) target(%dma_start3A_97 : memref<8x128xi32, #tpu.memory_space<vmem>>) target_semaphore(%run_scoped3A : memref<!tpu.dma_semaphore, #tpu.memory_space<semaphore_mem>>)
      %dma_wait3A = arith.constant 0 : i32
      %dma_wait3A_100 = arith.constant 0 : i32
      %dma_wait3A_101 = tpu.memref_slice %arg9[%rem3A_55, %dma_wait3A, %dma_wait3A_100] : memref<2x8x128xi32, #tpu.memory_space<vmem>> -> memref<1x8x128xi32, #tpu.memory_space<vmem>>
      %dma_wait3A_102 = tpu.memref_squeeze %dma_wait3A_101 : memref<1x8x128xi32, #tpu.memory_space<vmem>> -> memref<8x128xi32, #tpu.memory_space<vmem>>
      %dma_wait3A_103 = arith.constant 0 : i32
      %dma_wait3A_104 = tpu.memref_slice %arg4[%add3A_59, %dma_wait3A_103] : memref<1250x128xi32, #tpu.memory_space<hbm>> -> memref<8x128xi32, #tpu.memory_space<hbm>>
      %dma_wait3A_105 = arith.constant 0 : i32
      %dma_wait3A_106 = arith.constant 0 : i32
      %dma_wait3A_107 = tpu.memref_slice %arg9[%rem3A_55, %dma_wait3A_105, %dma_wait3A_106] : memref<2x8x128xi32, #tpu.memory_space<vmem>> -> memref<1x8x128xi32, #tpu.memory_space<vmem>>
      %dma_wait3A_108 = tpu.memref_squeeze %dma_wait3A_107 : memref<1x8x128xi32, #tpu.memory_space<vmem>> -> memref<8x128xi32, #tpu.memory_space<vmem>>
      %dma_wait3A_109 = arith.constant 0 : i32
      %dma_wait3A_110 = tpu.memref_slice %arg4[%add3A_59, %dma_wait3A_109] : memref<1250x128xi32, #tpu.memory_space<hbm>> -> memref<8x128xi32, #tpu.memory_space<hbm>>
      tpu.wait_dma2 semaphore(%run_scoped3A : memref<!tpu.dma_semaphore, #tpu.memory_space<semaphore_mem>>) src(%dma_wait3A_110 : memref<8x128xi32, #tpu.memory_space<hbm>>) dst(%dma_wait3A_108 : memref<8x128xi32, #tpu.memory_space<vmem>>)
      tpu.yield
    }) : () -> ()
    %while3A = arith.constant 0 : i32
    %while3A_61 = arith.constant 0 : i32
    %while3A_62 = arith.subi %select_n3A_52, %while3A_61 : i32
    %while3A_63 = arith.addi %while3A_61, %while3A_62 : i32
    %while3A_64 = arith.constant 1 : i32
    %while3A_65 = arith.divsi %while3A_62, %while3A_64 : i32
    %while3A_66 = arith.muli %while3A_65, %while3A_64 : i32
    %while3A_67 = arith.addi %while3A_61, %while3A_66 : i32
    %while3A_68 = arith.constant 1 : i32
    scf.for %while3A_89 = %while3A_61 to %while3A_67 step %while3A_68  : i32 {
      %rem3A_90 = arith.constant 2 : i32
      %rem3A_91 = arith.remsi %while3A_89, %rem3A_90 : i32
      %dma_start3A = arith.constant 0 : i32
      %dma_start3A_92 = arith.constant 0 : i32
      %dma_start3A_93 = arith.constant 0 : i32
      %dma_start3A_94 = arith.constant 0 : i32
      %dma_start3A_95 = tpu.memref_slice %arg12[%dma_start3A_92, %dma_start3A_93, %dma_start3A_94] : memref<2x128x128xf32, #tpu.memory_space<vmem>> -> memref<1x128x128xf32, #tpu.memory_space<vmem>>
      %dma_start3A_96 = tpu.memref_squeeze %dma_start3A_95 : memref<1x128x128xf32, #tpu.memory_space<vmem>> -> memref<128x128xf32, #tpu.memory_space<vmem>>
      %dma_start3A_97 = arith.constant 0 : i32
      %dma_start3A_98 = tpu.memref_slice %arg8[%rem3A_91, %dma_start3A, %dma_start3A_97] : memref<2x8x128xi32, #tpu.memory_space<vmem>> -> memref<1x1x128xi32, #tpu.memory_space<vmem>>
      %dma_start3A_99 = tpu.memref_squeeze %dma_start3A_98 : memref<1x1x128xi32, #tpu.memory_space<vmem>> -> memref<128xi32, #tpu.memory_space<vmem>>
      %dma_start3A_100 = arith.constant 0 : i32
      %dma_start3A_101 = arith.constant 0 : i32
      %dma_start3A_102 = tpu.memref_slice %arg2[%dma_start3A_100, %dma_start3A_101] : memref<20000x128xf32, #tpu.memory_space<hbm>> -> memref<20000x128xf32, #tpu.memory_space<hbm>>
      tpu.enqueue_indirect_dma source(%dma_start3A_102 : memref<20000x128xf32, #tpu.memory_space<hbm>>) target(%dma_start3A_96 : memref<128x128xf32, #tpu.memory_space<vmem>>) offsets(%dma_start3A_99 : memref<128xi32, #tpu.memory_space<vmem>>) semaphore(%arg15 : memref<!tpu.dma_semaphore, #tpu.memory_space<semaphore_mem>>)
      %add3A_103 = arith.constant 1 : i32
      %add3A_104 = arith.addi %while3A_89, %add3A_103 : i32
      %lt3A_105 = arith.cmpi slt, %add3A_104, %select_n3A_52 : i32
      %convert_element_type3A_106 = arith.extui %lt3A_105 : i1 to i32
      %cond3A_107 = arith.constant 0 : i32
      %cond3A_108 = arith.cmpi ne, %convert_element_type3A_106, %cond3A_107 : i32
      scf.if %cond3A_108 {
        %add3A_333 = arith.constant 1 : i32
        %add3A_334 = arith.addi %while3A_89, %add3A_333 : i32
        %rem3A_335 = arith.constant 2 : i32
        %rem3A_336 = arith.remsi %add3A_334, %rem3A_335 : i32
        %mul3A_337 = arith.constant 8 : i32
        %mul3A_338 = arith.muli %add3A_334, %mul3A_337 : i32
        %add3A_339 = arith.addi %select_n3A_19, %mul3A_338 : i32
        %add3A_340 = arith.addi %mul3A_0, %add3A_339 : i32
        "tpu.region"() ({
          %run_scoped3A_341 = tpu.sem_alloc : memref<!tpu.dma_semaphore, #tpu.memory_space<semaphore_mem>>
          %dma_start3A_342 = arith.constant 0 : i32
          %dma_start3A_343 = arith.constant 0 : i32
          %dma_start3A_344 = tpu.memref_slice %arg8[%rem3A_336, %dma_start3A_342, %dma_start3A_343] : memref<2x8x128xi32, #tpu.memory_space<vmem>> -> memref<1x8x128xi32, #tpu.memory_space<vmem>>
          %dma_start3A_345 = tpu.memref_squeeze %dma_start3A_344 : memref<1x8x128xi32, #tpu.memory_space<vmem>> -> memref<8x128xi32, #tpu.memory_space<vmem>>
          %dma_start3A_346 = arith.constant 0 : i32
          %dma_start3A_347 = tpu.memref_slice %arg3[%add3A_340, %dma_start3A_346] : memref<2512x128xi32, #tpu.memory_space<hbm>> -> memref<8x128xi32, #tpu.memory_space<hbm>>
          %dma_start3A_348 = arith.constant 0 : i32
          %dma_start3A_349 = arith.constant 0 : i32
          %dma_start3A_350 = tpu.memref_slice %arg8[%rem3A_336, %dma_start3A_348, %dma_start3A_349] : memref<2x8x128xi32, #tpu.memory_space<vmem>> -> memref<1x8x128xi32, #tpu.memory_space<vmem>>
          %dma_start3A_351 = tpu.memref_squeeze %dma_start3A_350 : memref<1x8x128xi32, #tpu.memory_space<vmem>> -> memref<8x128xi32, #tpu.memory_space<vmem>>
          %dma_start3A_352 = arith.constant 0 : i32
          %dma_start3A_353 = tpu.memref_slice %arg3[%add3A_340, %dma_start3A_352] : memref<2512x128xi32, #tpu.memory_space<hbm>> -> memref<8x128xi32, #tpu.memory_space<hbm>>
          tpu.enqueue_dma source(%dma_start3A_353 : memref<8x128xi32, #tpu.memory_space<hbm>>) target(%dma_start3A_351 : memref<8x128xi32, #tpu.memory_space<vmem>>) target_semaphore(%run_scoped3A_341 : memref<!tpu.dma_semaphore, #tpu.memory_space<semaphore_mem>>)
          %dma_wait3A_354 = arith.constant 0 : i32
          %dma_wait3A_355 = arith.constant 0 : i32
          %dma_wait3A_356 = tpu.memref_slice %arg8[%rem3A_336, %dma_wait3A_354, %dma_wait3A_355] : memref<2x8x128xi32, #tpu.memory_space<vmem>> -> memref<1x8x128xi32, #tpu.memory_space<vmem>>
          %dma_wait3A_357 = tpu.memref_squeeze %dma_wait3A_356 : memref<1x8x128xi32, #tpu.memory_space<vmem>> -> memref<8x128xi32, #tpu.memory_space<vmem>>
          %dma_wait3A_358 = arith.constant 0 : i32
          %dma_wait3A_359 = tpu.memref_slice %arg3[%add3A_340, %dma_wait3A_358] : memref<2512x128xi32, #tpu.memory_space<hbm>> -> memref<8x128xi32, #tpu.memory_space<hbm>>
          %dma_wait3A_360 = arith.constant 0 : i32
          %dma_wait3A_361 = arith.constant 0 : i32
          %dma_wait3A_362 = tpu.memref_slice %arg8[%rem3A_336, %dma_wait3A_360, %dma_wait3A_361] : memref<2x8x128xi32, #tpu.memory_space<vmem>> -> memref<1x8x128xi32, #tpu.memory_space<vmem>>
          %dma_wait3A_363 = tpu.memref_squeeze %dma_wait3A_362 : memref<1x8x128xi32, #tpu.memory_space<vmem>> -> memref<8x128xi32, #tpu.memory_space<vmem>>
          %dma_wait3A_364 = arith.constant 0 : i32
          %dma_wait3A_365 = tpu.memref_slice %arg3[%add3A_340, %dma_wait3A_364] : memref<2512x128xi32, #tpu.memory_space<hbm>> -> memref<8x128xi32, #tpu.memory_space<hbm>>
          tpu.wait_dma2 semaphore(%run_scoped3A_341 : memref<!tpu.dma_semaphore, #tpu.memory_space<semaphore_mem>>) src(%dma_wait3A_365 : memref<8x128xi32, #tpu.memory_space<hbm>>) dst(%dma_wait3A_363 : memref<8x128xi32, #tpu.memory_space<vmem>>)
          tpu.yield
        }) : () -> ()
        "tpu.region"() ({
          %run_scoped3A_341 = tpu.sem_alloc : memref<!tpu.dma_semaphore, #tpu.memory_space<semaphore_mem>>
          %dma_start3A_342 = arith.constant 0 : i32
          %dma_start3A_343 = arith.constant 0 : i32
          %dma_start3A_344 = tpu.memref_slice %arg9[%rem3A_336, %dma_start3A_342, %dma_start3A_343] : memref<2x8x128xi32, #tpu.memory_space<vmem>> -> memref<1x8x128xi32, #tpu.memory_space<vmem>>
          %dma_start3A_345 = tpu.memref_squeeze %dma_start3A_344 : memref<1x8x128xi32, #tpu.memory_space<vmem>> -> memref<8x128xi32, #tpu.memory_space<vmem>>
          %dma_start3A_346 = arith.constant 0 : i32
          %dma_start3A_347 = tpu.memref_slice %arg4[%add3A_339, %dma_start3A_346] : memref<1250x128xi32, #tpu.memory_space<hbm>> -> memref<8x128xi32, #tpu.memory_space<hbm>>
          %dma_start3A_348 = arith.constant 0 : i32
          %dma_start3A_349 = arith.constant 0 : i32
          %dma_start3A_350 = tpu.memref_slice %arg9[%rem3A_336, %dma_start3A_348, %dma_start3A_349] : memref<2x8x128xi32, #tpu.memory_space<vmem>> -> memref<1x8x128xi32, #tpu.memory_space<vmem>>
          %dma_start3A_351 = tpu.memref_squeeze %dma_start3A_350 : memref<1x8x128xi32, #tpu.memory_space<vmem>> -> memref<8x128xi32, #tpu.memory_space<vmem>>
          %dma_start3A_352 = arith.constant 0 : i32
          %dma_start3A_353 = tpu.memref_slice %arg4[%add3A_339, %dma_start3A_352] : memref<1250x128xi32, #tpu.memory_space<hbm>> -> memref<8x128xi32, #tpu.memory_space<hbm>>
          tpu.enqueue_dma source(%dma_start3A_353 : memref<8x128xi32, #tpu.memory_space<hbm>>) target(%dma_start3A_351 : memref<8x128xi32, #tpu.memory_space<vmem>>) target_semaphore(%run_scoped3A_341 : memref<!tpu.dma_semaphore, #tpu.memory_space<semaphore_mem>>)
          %dma_wait3A_354 = arith.constant 0 : i32
          %dma_wait3A_355 = arith.constant 0 : i32
          %dma_wait3A_356 = tpu.memref_slice %arg9[%rem3A_336, %dma_wait3A_354, %dma_wait3A_355] : memref<2x8x128xi32, #tpu.memory_space<vmem>> -> memref<1x8x128xi32, #tpu.memory_space<vmem>>
          %dma_wait3A_357 = tpu.memref_squeeze %dma_wait3A_356 : memref<1x8x128xi32, #tpu.memory_space<vmem>> -> memref<8x128xi32, #tpu.memory_space<vmem>>
          %dma_wait3A_358 = arith.constant 0 : i32
          %dma_wait3A_359 = tpu.memref_slice %arg4[%add3A_339, %dma_wait3A_358] : memref<1250x128xi32, #tpu.memory_space<hbm>> -> memref<8x128xi32, #tpu.memory_space<hbm>>
          %dma_wait3A_360 = arith.constant 0 : i32
          %dma_wait3A_361 = arith.constant 0 : i32
          %dma_wait3A_362 = tpu.memref_slice %arg9[%rem3A_336, %dma_wait3A_360, %dma_wait3A_361] : memref<2x8x128xi32, #tpu.memory_space<vmem>> -> memref<1x8x128xi32, #tpu.memory_space<vmem>>
          %dma_wait3A_363 = tpu.memref_squeeze %dma_wait3A_362 : memref<1x8x128xi32, #tpu.memory_space<vmem>> -> memref<8x128xi32, #tpu.memory_space<vmem>>
          %dma_wait3A_364 = arith.constant 0 : i32
          %dma_wait3A_365 = tpu.memref_slice %arg4[%add3A_339, %dma_wait3A_364] : memref<1250x128xi32, #tpu.memory_space<hbm>> -> memref<8x128xi32, #tpu.memory_space<hbm>>
          tpu.wait_dma2 semaphore(%run_scoped3A_341 : memref<!tpu.dma_semaphore, #tpu.memory_space<semaphore_mem>>) src(%dma_wait3A_365 : memref<8x128xi32, #tpu.memory_space<hbm>>) dst(%dma_wait3A_363 : memref<8x128xi32, #tpu.memory_space<vmem>>)
          tpu.yield
        }) : () -> ()
      } else {
      }
      %rem3A_109 = arith.constant 2 : i32
      %rem3A_110 = arith.remsi %while3A_89, %rem3A_109 : i32
      %dma_start3A_111 = arith.constant 1 : i32
      %dma_start3A_112 = arith.constant 1 : i32
      %dma_start3A_113 = arith.constant 0 : i32
      %dma_start3A_114 = arith.constant 0 : i32
      %dma_start3A_115 = tpu.memref_slice %arg12[%dma_start3A_112, %dma_start3A_113, %dma_start3A_114] : memref<2x128x128xf32, #tpu.memory_space<vmem>> -> memref<1x128x128xf32, #tpu.memory_space<vmem>>
      %dma_start3A_116 = tpu.memref_squeeze %dma_start3A_115 : memref<1x128x128xf32, #tpu.memory_space<vmem>> -> memref<128x128xf32, #tpu.memory_space<vmem>>
      %dma_start3A_117 = arith.constant 0 : i32
      %dma_start3A_118 = tpu.memref_slice %arg8[%rem3A_110, %dma_start3A_111, %dma_start3A_117] : memref<2x8x128xi32, #tpu.memory_space<vmem>> -> memref<1x1x128xi32, #tpu.memory_space<vmem>>
      %dma_start3A_119 = tpu.memref_squeeze %dma_start3A_118 : memref<1x1x128xi32, #tpu.memory_space<vmem>> -> memref<128xi32, #tpu.memory_space<vmem>>
      %dma_start3A_120 = arith.constant 0 : i32
      %dma_start3A_121 = arith.constant 0 : i32
      %dma_start3A_122 = tpu.memref_slice %arg2[%dma_start3A_120, %dma_start3A_121] : memref<20000x128xf32, #tpu.memory_space<hbm>> -> memref<20000x128xf32, #tpu.memory_space<hbm>>
      tpu.enqueue_indirect_dma source(%dma_start3A_122 : memref<20000x128xf32, #tpu.memory_space<hbm>>) target(%dma_start3A_116 : memref<128x128xf32, #tpu.memory_space<vmem>>) offsets(%dma_start3A_119 : memref<128xi32, #tpu.memory_space<vmem>>) semaphore(%arg16 : memref<!tpu.dma_semaphore, #tpu.memory_space<semaphore_mem>>)
      %dma_wait3A = arith.constant 0 : i32
      %dma_wait3A_123 = arith.constant 0 : i32
      %dma_wait3A_124 = arith.constant 0 : i32
      %dma_wait3A_125 = arith.constant 0 : i32
      %dma_wait3A_126 = tpu.memref_slice %arg12[%dma_wait3A_123, %dma_wait3A_124, %dma_wait3A_125] : memref<2x128x128xf32, #tpu.memory_space<vmem>> -> memref<1x128x128xf32, #tpu.memory_space<vmem>>
      %dma_wait3A_127 = tpu.memref_squeeze %dma_wait3A_126 : memref<1x128x128xf32, #tpu.memory_space<vmem>> -> memref<128x128xf32, #tpu.memory_space<vmem>>
      %dma_wait3A_128 = arith.constant 0 : i32
      %dma_wait3A_129 = tpu.memref_slice %arg8[%rem3A_91, %dma_wait3A, %dma_wait3A_128] : memref<2x8x128xi32, #tpu.memory_space<vmem>> -> memref<1x1x128xi32, #tpu.memory_space<vmem>>
      %dma_wait3A_130 = tpu.memref_squeeze %dma_wait3A_129 : memref<1x1x128xi32, #tpu.memory_space<vmem>> -> memref<128xi32, #tpu.memory_space<vmem>>
      %dma_wait3A_131 = arith.constant 0 : i32
      %dma_wait3A_132 = arith.constant 0 : i32
      %dma_wait3A_133 = tpu.memref_slice %arg2[%dma_wait3A_131, %dma_wait3A_132] : memref<20000x128xf32, #tpu.memory_space<hbm>> -> memref<20000x128xf32, #tpu.memory_space<hbm>>
      tpu.wait_indirect_dma semaphore(%arg15 : memref<!tpu.dma_semaphore, #tpu.memory_space<semaphore_mem>>) src(%dma_wait3A_133 : memref<20000x128xf32, #tpu.memory_space<hbm>>) dst(%dma_wait3A_127 : memref<128x128xf32, #tpu.memory_space<vmem>>)
      %rem3A_134 = arith.constant 2 : i32
      %rem3A_135 = arith.remsi %while3A_89, %rem3A_134 : i32
      %run_scoped3A = arith.constant 0 : i32
      %run_scoped3A_136 = arith.constant 0 : i32
      "tpu.region"() ({
        %run_scoped3A_333 = tpu.sem_alloc : memref<!tpu.dma_semaphore, #tpu.memory_space<semaphore_mem>>
        %dma_start3A_334 = arith.constant 0 : i32
        %dma_start3A_335 = arith.constant 0 : i32
        %dma_start3A_336 = tpu.memref_slice %arg12[%run_scoped3A, %dma_start3A_334, %dma_start3A_335] : memref<2x128x128xf32, #tpu.memory_space<vmem>> -> memref<1x128x128xf32, #tpu.memory_space<vmem>>
        %dma_start3A_337 = tpu.memref_squeeze %dma_start3A_336 : memref<1x128x128xf32, #tpu.memory_space<vmem>> -> memref<128x128xf32, #tpu.memory_space<vmem>>
        %dma_start3A_338 = arith.constant 0 : i32
        %dma_start3A_339 = tpu.memref_slice %arg9[%rem3A_135, %run_scoped3A_136, %dma_start3A_338] : memref<2x8x128xi32, #tpu.memory_space<vmem>> -> memref<1x1x128xi32, #tpu.memory_space<vmem>>
        %dma_start3A_340 = tpu.memref_squeeze %dma_start3A_339 : memref<1x1x128xi32, #tpu.memory_space<vmem>> -> memref<128xi32, #tpu.memory_space<vmem>>
        %dma_start3A_341 = arith.constant 0 : i32
        %dma_start3A_342 = arith.constant 0 : i32
        %dma_start3A_343 = tpu.memref_slice %arg6[%dma_start3A_341, %dma_start3A_342] : memref<10000x128xf32, #tpu.memory_space<vmem_shared>> -> memref<10000x128xf32, #tpu.memory_space<vmem_shared>>
        tpu.enqueue_indirect_dma source(%dma_start3A_337 : memref<128x128xf32, #tpu.memory_space<vmem>>) target(%dma_start3A_343 : memref<10000x128xf32, #tpu.memory_space<vmem_shared>>) offsets(%dma_start3A_340 : memref<128xi32, #tpu.memory_space<vmem>>) semaphore(%run_scoped3A_333 : memref<!tpu.dma_semaphore, #tpu.memory_space<semaphore_mem>>) {add = true}
        %dma_wait3A_344 = arith.constant 0 : i32
        %dma_wait3A_345 = arith.constant 0 : i32
        %dma_wait3A_346 = tpu.memref_slice %arg12[%run_scoped3A, %dma_wait3A_344, %dma_wait3A_345] : memref<2x128x128xf32, #tpu.memory_space<vmem>> -> memref<1x128x128xf32, #tpu.memory_space<vmem>>
        %dma_wait3A_347 = tpu.memref_squeeze %dma_wait3A_346 : memref<1x128x128xf32, #tpu.memory_space<vmem>> -> memref<128x128xf32, #tpu.memory_space<vmem>>
        %dma_wait3A_348 = arith.constant 0 : i32
        %dma_wait3A_349 = tpu.memref_slice %arg9[%rem3A_135, %run_scoped3A_136, %dma_wait3A_348] : memref<2x8x128xi32, #tpu.memory_space<vmem>> -> memref<1x1x128xi32, #tpu.memory_space<vmem>>
        %dma_wait3A_350 = tpu.memref_squeeze %dma_wait3A_349 : memref<1x1x128xi32, #tpu.memory_space<vmem>> -> memref<128xi32, #tpu.memory_space<vmem>>
        %dma_wait3A_351 = arith.constant 0 : i32
        %dma_wait3A_352 = arith.constant 0 : i32
        %dma_wait3A_353 = tpu.memref_slice %arg6[%dma_wait3A_351, %dma_wait3A_352] : memref<10000x128xf32, #tpu.memory_space<vmem_shared>> -> memref<10000x128xf32, #tpu.memory_space<vmem_shared>>
        tpu.wait_indirect_dma semaphore(%run_scoped3A_333 : memref<!tpu.dma_semaphore, #tpu.memory_space<semaphore_mem>>) src(%dma_wait3A_347 : memref<128x128xf32, #tpu.memory_space<vmem>>) dst(%dma_wait3A_353 : memref<10000x128xf32, #tpu.memory_space<vmem_shared>>)
        tpu.yield
      }) : () -> ()
      %rem3A_137 = arith.constant 2 : i32
      %rem3A_138 = arith.remsi %while3A_89, %rem3A_137 : i32
      %dma_start3A_139 = arith.constant 2 : i32
      %dma_start3A_140 = arith.constant 0 : i32
      %dma_start3A_141 = arith.constant 0 : i32
      %dma_start3A_142 = arith.constant 0 : i32
      %dma_start3A_143 = tpu.memref_slice %arg12[%dma_start3A_140, %dma_start3A_141, %dma_start3A_142] : memref<2x128x128xf32, #tpu.memory_space<vmem>> -> memref<1x128x128xf32, #tpu.memory_space<vmem>>
      %dma_start3A_144 = tpu.memref_squeeze %dma_start3A_143 : memref<1x128x128xf32, #tpu.memory_space<vmem>> -> memref<128x128xf32, #tpu.memory_space<vmem>>
      %dma_start3A_145 = arith.constant 0 : i32
      %dma_start3A_146 = tpu.memref_slice %arg8[%rem3A_138, %dma_start3A_139, %dma_start3A_145] : memref<2x8x128xi32, #tpu.memory_space<vmem>> -> memref<1x1x128xi32, #tpu.memory_space<vmem>>
      %dma_start3A_147 = tpu.memref_squeeze %dma_start3A_146 : memref<1x1x128xi32, #tpu.memory_space<vmem>> -> memref<128xi32, #tpu.memory_space<vmem>>
      %dma_start3A_148 = arith.constant 0 : i32
      %dma_start3A_149 = arith.constant 0 : i32
      %dma_start3A_150 = tpu.memref_slice %arg2[%dma_start3A_148, %dma_start3A_149] : memref<20000x128xf32, #tpu.memory_space<hbm>> -> memref<20000x128xf32, #tpu.memory_space<hbm>>
      tpu.enqueue_indirect_dma source(%dma_start3A_150 : memref<20000x128xf32, #tpu.memory_space<hbm>>) target(%dma_start3A_144 : memref<128x128xf32, #tpu.memory_space<vmem>>) offsets(%dma_start3A_147 : memref<128xi32, #tpu.memory_space<vmem>>) semaphore(%arg15 : memref<!tpu.dma_semaphore, #tpu.memory_space<semaphore_mem>>)
      %dma_wait3A_151 = arith.constant 1 : i32
      %dma_wait3A_152 = arith.constant 1 : i32
      %dma_wait3A_153 = arith.constant 0 : i32
      %dma_wait3A_154 = arith.constant 0 : i32
      %dma_wait3A_155 = tpu.memref_slice %arg12[%dma_wait3A_152, %dma_wait3A_153, %dma_wait3A_154] : memref<2x128x128xf32, #tpu.memory_space<vmem>> -> memref<1x128x128xf32, #tpu.memory_space<vmem>>
      %dma_wait3A_156 = tpu.memref_squeeze %dma_wait3A_155 : memref<1x128x128xf32, #tpu.memory_space<vmem>> -> memref<128x128xf32, #tpu.memory_space<vmem>>
      %dma_wait3A_157 = arith.constant 0 : i32
      %dma_wait3A_158 = tpu.memref_slice %arg8[%rem3A_110, %dma_wait3A_151, %dma_wait3A_157] : memref<2x8x128xi32, #tpu.memory_space<vmem>> -> memref<1x1x128xi32, #tpu.memory_space<vmem>>
      %dma_wait3A_159 = tpu.memref_squeeze %dma_wait3A_158 : memref<1x1x128xi32, #tpu.memory_space<vmem>> -> memref<128xi32, #tpu.memory_space<vmem>>
      %dma_wait3A_160 = arith.constant 0 : i32
      %dma_wait3A_161 = arith.constant 0 : i32
      %dma_wait3A_162 = tpu.memref_slice %arg2[%dma_wait3A_160, %dma_wait3A_161] : memref<20000x128xf32, #tpu.memory_space<hbm>> -> memref<20000x128xf32, #tpu.memory_space<hbm>>
      tpu.wait_indirect_dma semaphore(%arg16 : memref<!tpu.dma_semaphore, #tpu.memory_space<semaphore_mem>>) src(%dma_wait3A_162 : memref<20000x128xf32, #tpu.memory_space<hbm>>) dst(%dma_wait3A_156 : memref<128x128xf32, #tpu.memory_space<vmem>>)
      %rem3A_163 = arith.constant 2 : i32
      %rem3A_164 = arith.remsi %while3A_89, %rem3A_163 : i32
      %run_scoped3A_165 = arith.constant 1 : i32
      %run_scoped3A_166 = arith.constant 1 : i32
      "tpu.region"() ({
        %run_scoped3A_333 = tpu.sem_alloc : memref<!tpu.dma_semaphore, #tpu.memory_space<semaphore_mem>>
        %dma_start3A_334 = arith.constant 0 : i32
        %dma_start3A_335 = arith.constant 0 : i32
        %dma_start3A_336 = tpu.memref_slice %arg12[%run_scoped3A_165, %dma_start3A_334, %dma_start3A_335] : memref<2x128x128xf32, #tpu.memory_space<vmem>> -> memref<1x128x128xf32, #tpu.memory_space<vmem>>
        %dma_start3A_337 = tpu.memref_squeeze %dma_start3A_336 : memref<1x128x128xf32, #tpu.memory_space<vmem>> -> memref<128x128xf32, #tpu.memory_space<vmem>>
        %dma_start3A_338 = arith.constant 0 : i32
        %dma_start3A_339 = tpu.memref_slice %arg9[%rem3A_164, %run_scoped3A_166, %dma_start3A_338] : memref<2x8x128xi32, #tpu.memory_space<vmem>> -> memref<1x1x128xi32, #tpu.memory_space<vmem>>
        %dma_start3A_340 = tpu.memref_squeeze %dma_start3A_339 : memref<1x1x128xi32, #tpu.memory_space<vmem>> -> memref<128xi32, #tpu.memory_space<vmem>>
        %dma_start3A_341 = arith.constant 0 : i32
        %dma_start3A_342 = arith.constant 0 : i32
        %dma_start3A_343 = tpu.memref_slice %arg6[%dma_start3A_341, %dma_start3A_342] : memref<10000x128xf32, #tpu.memory_space<vmem_shared>> -> memref<10000x128xf32, #tpu.memory_space<vmem_shared>>
        tpu.enqueue_indirect_dma source(%dma_start3A_337 : memref<128x128xf32, #tpu.memory_space<vmem>>) target(%dma_start3A_343 : memref<10000x128xf32, #tpu.memory_space<vmem_shared>>) offsets(%dma_start3A_340 : memref<128xi32, #tpu.memory_space<vmem>>) semaphore(%run_scoped3A_333 : memref<!tpu.dma_semaphore, #tpu.memory_space<semaphore_mem>>) {add = true}
        %dma_wait3A_344 = arith.constant 0 : i32
        %dma_wait3A_345 = arith.constant 0 : i32
        %dma_wait3A_346 = tpu.memref_slice %arg12[%run_scoped3A_165, %dma_wait3A_344, %dma_wait3A_345] : memref<2x128x128xf32, #tpu.memory_space<vmem>> -> memref<1x128x128xf32, #tpu.memory_space<vmem>>
        %dma_wait3A_347 = tpu.memref_squeeze %dma_wait3A_346 : memref<1x128x128xf32, #tpu.memory_space<vmem>> -> memref<128x128xf32, #tpu.memory_space<vmem>>
        %dma_wait3A_348 = arith.constant 0 : i32
        %dma_wait3A_349 = tpu.memref_slice %arg9[%rem3A_164, %run_scoped3A_166, %dma_wait3A_348] : memref<2x8x128xi32, #tpu.memory_space<vmem>> -> memref<1x1x128xi32, #tpu.memory_space<vmem>>
        %dma_wait3A_350 = tpu.memref_squeeze %dma_wait3A_349 : memref<1x1x128xi32, #tpu.memory_space<vmem>> -> memref<128xi32, #tpu.memory_space<vmem>>
        %dma_wait3A_351 = arith.constant 0 : i32
        %dma_wait3A_352 = arith.constant 0 : i32
        %dma_wait3A_353 = tpu.memref_slice %arg6[%dma_wait3A_351, %dma_wait3A_352] : memref<10000x128xf32, #tpu.memory_space<vmem_shared>> -> memref<10000x128xf32, #tpu.memory_space<vmem_shared>>
        tpu.wait_indirect_dma semaphore(%run_scoped3A_333 : memref<!tpu.dma_semaphore, #tpu.memory_space<semaphore_mem>>) src(%dma_wait3A_347 : memref<128x128xf32, #tpu.memory_space<vmem>>) dst(%dma_wait3A_353 : memref<10000x128xf32, #tpu.memory_space<vmem_shared>>)
        tpu.yield
      }) : () -> ()
      %rem3A_167 = arith.constant 2 : i32
      %rem3A_168 = arith.remsi %while3A_89, %rem3A_167 : i32
      %dma_start3A_169 = arith.constant 3 : i32
      %dma_start3A_170 = arith.constant 1 : i32
      %dma_start3A_171 = arith.constant 0 : i32
      %dma_start3A_172 = arith.constant 0 : i32
      %dma_start3A_173 = tpu.memref_slice %arg12[%dma_start3A_170, %dma_start3A_171, %dma_start3A_172] : memref<2x128x128xf32, #tpu.memory_space<vmem>> -> memref<1x128x128xf32, #tpu.memory_space<vmem>>
      %dma_start3A_174 = tpu.memref_squeeze %dma_start3A_173 : memref<1x128x128xf32, #tpu.memory_space<vmem>> -> memref<128x128xf32, #tpu.memory_space<vmem>>
      %dma_start3A_175 = arith.constant 0 : i32
      %dma_start3A_176 = tpu.memref_slice %arg8[%rem3A_168, %dma_start3A_169, %dma_start3A_175] : memref<2x8x128xi32, #tpu.memory_space<vmem>> -> memref<1x1x128xi32, #tpu.memory_space<vmem>>
      %dma_start3A_177 = tpu.memref_squeeze %dma_start3A_176 : memref<1x1x128xi32, #tpu.memory_space<vmem>> -> memref<128xi32, #tpu.memory_space<vmem>>
      %dma_start3A_178 = arith.constant 0 : i32
      %dma_start3A_179 = arith.constant 0 : i32
      %dma_start3A_180 = tpu.memref_slice %arg2[%dma_start3A_178, %dma_start3A_179] : memref<20000x128xf32, #tpu.memory_space<hbm>> -> memref<20000x128xf32, #tpu.memory_space<hbm>>
      tpu.enqueue_indirect_dma source(%dma_start3A_180 : memref<20000x128xf32, #tpu.memory_space<hbm>>) target(%dma_start3A_174 : memref<128x128xf32, #tpu.memory_space<vmem>>) offsets(%dma_start3A_177 : memref<128xi32, #tpu.memory_space<vmem>>) semaphore(%arg16 : memref<!tpu.dma_semaphore, #tpu.memory_space<semaphore_mem>>)
      %dma_wait3A_181 = arith.constant 2 : i32
      %dma_wait3A_182 = arith.constant 0 : i32
      %dma_wait3A_183 = arith.constant 0 : i32
      %dma_wait3A_184 = arith.constant 0 : i32
      %dma_wait3A_185 = tpu.memref_slice %arg12[%dma_wait3A_182, %dma_wait3A_183, %dma_wait3A_184] : memref<2x128x128xf32, #tpu.memory_space<vmem>> -> memref<1x128x128xf32, #tpu.memory_space<vmem>>
      %dma_wait3A_186 = tpu.memref_squeeze %dma_wait3A_185 : memref<1x128x128xf32, #tpu.memory_space<vmem>> -> memref<128x128xf32, #tpu.memory_space<vmem>>
      %dma_wait3A_187 = arith.constant 0 : i32
      %dma_wait3A_188 = tpu.memref_slice %arg8[%rem3A_138, %dma_wait3A_181, %dma_wait3A_187] : memref<2x8x128xi32, #tpu.memory_space<vmem>> -> memref<1x1x128xi32, #tpu.memory_space<vmem>>
      %dma_wait3A_189 = tpu.memref_squeeze %dma_wait3A_188 : memref<1x1x128xi32, #tpu.memory_space<vmem>> -> memref<128xi32, #tpu.memory_space<vmem>>
      %dma_wait3A_190 = arith.constant 0 : i32
      %dma_wait3A_191 = arith.constant 0 : i32
      %dma_wait3A_192 = tpu.memref_slice %arg2[%dma_wait3A_190, %dma_wait3A_191] : memref<20000x128xf32, #tpu.memory_space<hbm>> -> memref<20000x128xf32, #tpu.memory_space<hbm>>
      tpu.wait_indirect_dma semaphore(%arg15 : memref<!tpu.dma_semaphore, #tpu.memory_space<semaphore_mem>>) src(%dma_wait3A_192 : memref<20000x128xf32, #tpu.memory_space<hbm>>) dst(%dma_wait3A_186 : memref<128x128xf32, #tpu.memory_space<vmem>>)
      %rem3A_193 = arith.constant 2 : i32
      %rem3A_194 = arith.remsi %while3A_89, %rem3A_193 : i32
      %run_scoped3A_195 = arith.constant 0 : i32
      %run_scoped3A_196 = arith.constant 2 : i32
      "tpu.region"() ({
        %run_scoped3A_333 = tpu.sem_alloc : memref<!tpu.dma_semaphore, #tpu.memory_space<semaphore_mem>>
        %dma_start3A_334 = arith.constant 0 : i32
        %dma_start3A_335 = arith.constant 0 : i32
        %dma_start3A_336 = tpu.memref_slice %arg12[%run_scoped3A_195, %dma_start3A_334, %dma_start3A_335] : memref<2x128x128xf32, #tpu.memory_space<vmem>> -> memref<1x128x128xf32, #tpu.memory_space<vmem>>
        %dma_start3A_337 = tpu.memref_squeeze %dma_start3A_336 : memref<1x128x128xf32, #tpu.memory_space<vmem>> -> memref<128x128xf32, #tpu.memory_space<vmem>>
        %dma_start3A_338 = arith.constant 0 : i32
        %dma_start3A_339 = tpu.memref_slice %arg9[%rem3A_194, %run_scoped3A_196, %dma_start3A_338] : memref<2x8x128xi32, #tpu.memory_space<vmem>> -> memref<1x1x128xi32, #tpu.memory_space<vmem>>
        %dma_start3A_340 = tpu.memref_squeeze %dma_start3A_339 : memref<1x1x128xi32, #tpu.memory_space<vmem>> -> memref<128xi32, #tpu.memory_space<vmem>>
        %dma_start3A_341 = arith.constant 0 : i32
        %dma_start3A_342 = arith.constant 0 : i32
        %dma_start3A_343 = tpu.memref_slice %arg6[%dma_start3A_341, %dma_start3A_342] : memref<10000x128xf32, #tpu.memory_space<vmem_shared>> -> memref<10000x128xf32, #tpu.memory_space<vmem_shared>>
        tpu.enqueue_indirect_dma source(%dma_start3A_337 : memref<128x128xf32, #tpu.memory_space<vmem>>) target(%dma_start3A_343 : memref<10000x128xf32, #tpu.memory_space<vmem_shared>>) offsets(%dma_start3A_340 : memref<128xi32, #tpu.memory_space<vmem>>) semaphore(%run_scoped3A_333 : memref<!tpu.dma_semaphore, #tpu.memory_space<semaphore_mem>>) {add = true}
        %dma_wait3A_344 = arith.constant 0 : i32
        %dma_wait3A_345 = arith.constant 0 : i32
        %dma_wait3A_346 = tpu.memref_slice %arg12[%run_scoped3A_195, %dma_wait3A_344, %dma_wait3A_345] : memref<2x128x128xf32, #tpu.memory_space<vmem>> -> memref<1x128x128xf32, #tpu.memory_space<vmem>>
        %dma_wait3A_347 = tpu.memref_squeeze %dma_wait3A_346 : memref<1x128x128xf32, #tpu.memory_space<vmem>> -> memref<128x128xf32, #tpu.memory_space<vmem>>
        %dma_wait3A_348 = arith.constant 0 : i32
        %dma_wait3A_349 = tpu.memref_slice %arg9[%rem3A_194, %run_scoped3A_196, %dma_wait3A_348] : memref<2x8x128xi32, #tpu.memory_space<vmem>> -> memref<1x1x128xi32, #tpu.memory_space<vmem>>
        %dma_wait3A_350 = tpu.memref_squeeze %dma_wait3A_349 : memref<1x1x128xi32, #tpu.memory_space<vmem>> -> memref<128xi32, #tpu.memory_space<vmem>>
        %dma_wait3A_351 = arith.constant 0 : i32
        %dma_wait3A_352 = arith.constant 0 : i32
        %dma_wait3A_353 = tpu.memref_slice %arg6[%dma_wait3A_351, %dma_wait3A_352] : memref<10000x128xf32, #tpu.memory_space<vmem_shared>> -> memref<10000x128xf32, #tpu.memory_space<vmem_shared>>
        tpu.wait_indirect_dma semaphore(%run_scoped3A_333 : memref<!tpu.dma_semaphore, #tpu.memory_space<semaphore_mem>>) src(%dma_wait3A_347 : memref<128x128xf32, #tpu.memory_space<vmem>>) dst(%dma_wait3A_353 : memref<10000x128xf32, #tpu.memory_space<vmem_shared>>)
        tpu.yield
      }) : () -> ()
      %rem3A_197 = arith.constant 2 : i32
      %rem3A_198 = arith.remsi %while3A_89, %rem3A_197 : i32
      %dma_start3A_199 = arith.constant 4 : i32
      %dma_start3A_200 = arith.constant 0 : i32
      %dma_start3A_201 = arith.constant 0 : i32
      %dma_start3A_202 = arith.constant 0 : i32
      %dma_start3A_203 = tpu.memref_slice %arg12[%dma_start3A_200, %dma_start3A_201, %dma_start3A_202] : memref<2x128x128xf32, #tpu.memory_space<vmem>> -> memref<1x128x128xf32, #tpu.memory_space<vmem>>
      %dma_start3A_204 = tpu.memref_squeeze %dma_start3A_203 : memref<1x128x128xf32, #tpu.memory_space<vmem>> -> memref<128x128xf32, #tpu.memory_space<vmem>>
      %dma_start3A_205 = arith.constant 0 : i32
      %dma_start3A_206 = tpu.memref_slice %arg8[%rem3A_198, %dma_start3A_199, %dma_start3A_205] : memref<2x8x128xi32, #tpu.memory_space<vmem>> -> memref<1x1x128xi32, #tpu.memory_space<vmem>>
      %dma_start3A_207 = tpu.memref_squeeze %dma_start3A_206 : memref<1x1x128xi32, #tpu.memory_space<vmem>> -> memref<128xi32, #tpu.memory_space<vmem>>
      %dma_start3A_208 = arith.constant 0 : i32
      %dma_start3A_209 = arith.constant 0 : i32
      %dma_start3A_210 = tpu.memref_slice %arg2[%dma_start3A_208, %dma_start3A_209] : memref<20000x128xf32, #tpu.memory_space<hbm>> -> memref<20000x128xf32, #tpu.memory_space<hbm>>
      tpu.enqueue_indirect_dma source(%dma_start3A_210 : memref<20000x128xf32, #tpu.memory_space<hbm>>) target(%dma_start3A_204 : memref<128x128xf32, #tpu.memory_space<vmem>>) offsets(%dma_start3A_207 : memref<128xi32, #tpu.memory_space<vmem>>) semaphore(%arg15 : memref<!tpu.dma_semaphore, #tpu.memory_space<semaphore_mem>>)
      %dma_wait3A_211 = arith.constant 3 : i32
      %dma_wait3A_212 = arith.constant 1 : i32
      %dma_wait3A_213 = arith.constant 0 : i32
      %dma_wait3A_214 = arith.constant 0 : i32
      %dma_wait3A_215 = tpu.memref_slice %arg12[%dma_wait3A_212, %dma_wait3A_213, %dma_wait3A_214] : memref<2x128x128xf32, #tpu.memory_space<vmem>> -> memref<1x128x128xf32, #tpu.memory_space<vmem>>
      %dma_wait3A_216 = tpu.memref_squeeze %dma_wait3A_215 : memref<1x128x128xf32, #tpu.memory_space<vmem>> -> memref<128x128xf32, #tpu.memory_space<vmem>>
      %dma_wait3A_217 = arith.constant 0 : i32
      %dma_wait3A_218 = tpu.memref_slice %arg8[%rem3A_168, %dma_wait3A_211, %dma_wait3A_217] : memref<2x8x128xi32, #tpu.memory_space<vmem>> -> memref<1x1x128xi32, #tpu.memory_space<vmem>>
      %dma_wait3A_219 = tpu.memref_squeeze %dma_wait3A_218 : memref<1x1x128xi32, #tpu.memory_space<vmem>> -> memref<128xi32, #tpu.memory_space<vmem>>
      %dma_wait3A_220 = arith.constant 0 : i32
      %dma_wait3A_221 = arith.constant 0 : i32
      %dma_wait3A_222 = tpu.memref_slice %arg2[%dma_wait3A_220, %dma_wait3A_221] : memref<20000x128xf32, #tpu.memory_space<hbm>> -> memref<20000x128xf32, #tpu.memory_space<hbm>>
      tpu.wait_indirect_dma semaphore(%arg16 : memref<!tpu.dma_semaphore, #tpu.memory_space<semaphore_mem>>) src(%dma_wait3A_222 : memref<20000x128xf32, #tpu.memory_space<hbm>>) dst(%dma_wait3A_216 : memref<128x128xf32, #tpu.memory_space<vmem>>)
      %rem3A_223 = arith.constant 2 : i32
      %rem3A_224 = arith.remsi %while3A_89, %rem3A_223 : i32
      %run_scoped3A_225 = arith.constant 1 : i32
      %run_scoped3A_226 = arith.constant 3 : i32
      "tpu.region"() ({
        %run_scoped3A_333 = tpu.sem_alloc : memref<!tpu.dma_semaphore, #tpu.memory_space<semaphore_mem>>
        %dma_start3A_334 = arith.constant 0 : i32
        %dma_start3A_335 = arith.constant 0 : i32
        %dma_start3A_336 = tpu.memref_slice %arg12[%run_scoped3A_225, %dma_start3A_334, %dma_start3A_335] : memref<2x128x128xf32, #tpu.memory_space<vmem>> -> memref<1x128x128xf32, #tpu.memory_space<vmem>>
        %dma_start3A_337 = tpu.memref_squeeze %dma_start3A_336 : memref<1x128x128xf32, #tpu.memory_space<vmem>> -> memref<128x128xf32, #tpu.memory_space<vmem>>
        %dma_start3A_338 = arith.constant 0 : i32
        %dma_start3A_339 = tpu.memref_slice %arg9[%rem3A_224, %run_scoped3A_226, %dma_start3A_338] : memref<2x8x128xi32, #tpu.memory_space<vmem>> -> memref<1x1x128xi32, #tpu.memory_space<vmem>>
        %dma_start3A_340 = tpu.memref_squeeze %dma_start3A_339 : memref<1x1x128xi32, #tpu.memory_space<vmem>> -> memref<128xi32, #tpu.memory_space<vmem>>
        %dma_start3A_341 = arith.constant 0 : i32
        %dma_start3A_342 = arith.constant 0 : i32
        %dma_start3A_343 = tpu.memref_slice %arg6[%dma_start3A_341, %dma_start3A_342] : memref<10000x128xf32, #tpu.memory_space<vmem_shared>> -> memref<10000x128xf32, #tpu.memory_space<vmem_shared>>
        tpu.enqueue_indirect_dma source(%dma_start3A_337 : memref<128x128xf32, #tpu.memory_space<vmem>>) target(%dma_start3A_343 : memref<10000x128xf32, #tpu.memory_space<vmem_shared>>) offsets(%dma_start3A_340 : memref<128xi32, #tpu.memory_space<vmem>>) semaphore(%run_scoped3A_333 : memref<!tpu.dma_semaphore, #tpu.memory_space<semaphore_mem>>) {add = true}
        %dma_wait3A_344 = arith.constant 0 : i32
        %dma_wait3A_345 = arith.constant 0 : i32
        %dma_wait3A_346 = tpu.memref_slice %arg12[%run_scoped3A_225, %dma_wait3A_344, %dma_wait3A_345] : memref<2x128x128xf32, #tpu.memory_space<vmem>> -> memref<1x128x128xf32, #tpu.memory_space<vmem>>
        %dma_wait3A_347 = tpu.memref_squeeze %dma_wait3A_346 : memref<1x128x128xf32, #tpu.memory_space<vmem>> -> memref<128x128xf32, #tpu.memory_space<vmem>>
        %dma_wait3A_348 = arith.constant 0 : i32
        %dma_wait3A_349 = tpu.memref_slice %arg9[%rem3A_224, %run_scoped3A_226, %dma_wait3A_348] : memref<2x8x128xi32, #tpu.memory_space<vmem>> -> memref<1x1x128xi32, #tpu.memory_space<vmem>>
        %dma_wait3A_350 = tpu.memref_squeeze %dma_wait3A_349 : memref<1x1x128xi32, #tpu.memory_space<vmem>> -> memref<128xi32, #tpu.memory_space<vmem>>
        %dma_wait3A_351 = arith.constant 0 : i32
        %dma_wait3A_352 = arith.constant 0 : i32
        %dma_wait3A_353 = tpu.memref_slice %arg6[%dma_wait3A_351, %dma_wait3A_352] : memref<10000x128xf32, #tpu.memory_space<vmem_shared>> -> memref<10000x128xf32, #tpu.memory_space<vmem_shared>>
        tpu.wait_indirect_dma semaphore(%run_scoped3A_333 : memref<!tpu.dma_semaphore, #tpu.memory_space<semaphore_mem>>) src(%dma_wait3A_347 : memref<128x128xf32, #tpu.memory_space<vmem>>) dst(%dma_wait3A_353 : memref<10000x128xf32, #tpu.memory_space<vmem_shared>>)
        tpu.yield
      }) : () -> ()
      %rem3A_227 = arith.constant 2 : i32
      %rem3A_228 = arith.remsi %while3A_89, %rem3A_227 : i32
      %dma_start3A_229 = arith.constant 5 : i32
      %dma_start3A_230 = arith.constant 1 : i32
      %dma_start3A_231 = arith.constant 0 : i32
      %dma_start3A_232 = arith.constant 0 : i32
      %dma_start3A_233 = tpu.memref_slice %arg12[%dma_start3A_230, %dma_start3A_231, %dma_start3A_232] : memref<2x128x128xf32, #tpu.memory_space<vmem>> -> memref<1x128x128xf32, #tpu.memory_space<vmem>>
      %dma_start3A_234 = tpu.memref_squeeze %dma_start3A_233 : memref<1x128x128xf32, #tpu.memory_space<vmem>> -> memref<128x128xf32, #tpu.memory_space<vmem>>
      %dma_start3A_235 = arith.constant 0 : i32
      %dma_start3A_236 = tpu.memref_slice %arg8[%rem3A_228, %dma_start3A_229, %dma_start3A_235] : memref<2x8x128xi32, #tpu.memory_space<vmem>> -> memref<1x1x128xi32, #tpu.memory_space<vmem>>
      %dma_start3A_237 = tpu.memref_squeeze %dma_start3A_236 : memref<1x1x128xi32, #tpu.memory_space<vmem>> -> memref<128xi32, #tpu.memory_space<vmem>>
      %dma_start3A_238 = arith.constant 0 : i32
      %dma_start3A_239 = arith.constant 0 : i32
      %dma_start3A_240 = tpu.memref_slice %arg2[%dma_start3A_238, %dma_start3A_239] : memref<20000x128xf32, #tpu.memory_space<hbm>> -> memref<20000x128xf32, #tpu.memory_space<hbm>>
      tpu.enqueue_indirect_dma source(%dma_start3A_240 : memref<20000x128xf32, #tpu.memory_space<hbm>>) target(%dma_start3A_234 : memref<128x128xf32, #tpu.memory_space<vmem>>) offsets(%dma_start3A_237 : memref<128xi32, #tpu.memory_space<vmem>>) semaphore(%arg16 : memref<!tpu.dma_semaphore, #tpu.memory_space<semaphore_mem>>)
      %dma_wait3A_241 = arith.constant 4 : i32
      %dma_wait3A_242 = arith.constant 0 : i32
      %dma_wait3A_243 = arith.constant 0 : i32
      %dma_wait3A_244 = arith.constant 0 : i32
      %dma_wait3A_245 = tpu.memref_slice %arg12[%dma_wait3A_242, %dma_wait3A_243, %dma_wait3A_244] : memref<2x128x128xf32, #tpu.memory_space<vmem>> -> memref<1x128x128xf32, #tpu.memory_space<vmem>>
      %dma_wait3A_246 = tpu.memref_squeeze %dma_wait3A_245 : memref<1x128x128xf32, #tpu.memory_space<vmem>> -> memref<128x128xf32, #tpu.memory_space<vmem>>
      %dma_wait3A_247 = arith.constant 0 : i32
      %dma_wait3A_248 = tpu.memref_slice %arg8[%rem3A_198, %dma_wait3A_241, %dma_wait3A_247] : memref<2x8x128xi32, #tpu.memory_space<vmem>> -> memref<1x1x128xi32, #tpu.memory_space<vmem>>
      %dma_wait3A_249 = tpu.memref_squeeze %dma_wait3A_248 : memref<1x1x128xi32, #tpu.memory_space<vmem>> -> memref<128xi32, #tpu.memory_space<vmem>>
      %dma_wait3A_250 = arith.constant 0 : i32
      %dma_wait3A_251 = arith.constant 0 : i32
      %dma_wait3A_252 = tpu.memref_slice %arg2[%dma_wait3A_250, %dma_wait3A_251] : memref<20000x128xf32, #tpu.memory_space<hbm>> -> memref<20000x128xf32, #tpu.memory_space<hbm>>
      tpu.wait_indirect_dma semaphore(%arg15 : memref<!tpu.dma_semaphore, #tpu.memory_space<semaphore_mem>>) src(%dma_wait3A_252 : memref<20000x128xf32, #tpu.memory_space<hbm>>) dst(%dma_wait3A_246 : memref<128x128xf32, #tpu.memory_space<vmem>>)
      %rem3A_253 = arith.constant 2 : i32
      %rem3A_254 = arith.remsi %while3A_89, %rem3A_253 : i32
      %run_scoped3A_255 = arith.constant 0 : i32
      %run_scoped3A_256 = arith.constant 4 : i32
      "tpu.region"() ({
        %run_scoped3A_333 = tpu.sem_alloc : memref<!tpu.dma_semaphore, #tpu.memory_space<semaphore_mem>>
        %dma_start3A_334 = arith.constant 0 : i32
        %dma_start3A_335 = arith.constant 0 : i32
        %dma_start3A_336 = tpu.memref_slice %arg12[%run_scoped3A_255, %dma_start3A_334, %dma_start3A_335] : memref<2x128x128xf32, #tpu.memory_space<vmem>> -> memref<1x128x128xf32, #tpu.memory_space<vmem>>
        %dma_start3A_337 = tpu.memref_squeeze %dma_start3A_336 : memref<1x128x128xf32, #tpu.memory_space<vmem>> -> memref<128x128xf32, #tpu.memory_space<vmem>>
        %dma_start3A_338 = arith.constant 0 : i32
        %dma_start3A_339 = tpu.memref_slice %arg9[%rem3A_254, %run_scoped3A_256, %dma_start3A_338] : memref<2x8x128xi32, #tpu.memory_space<vmem>> -> memref<1x1x128xi32, #tpu.memory_space<vmem>>
        %dma_start3A_340 = tpu.memref_squeeze %dma_start3A_339 : memref<1x1x128xi32, #tpu.memory_space<vmem>> -> memref<128xi32, #tpu.memory_space<vmem>>
        %dma_start3A_341 = arith.constant 0 : i32
        %dma_start3A_342 = arith.constant 0 : i32
        %dma_start3A_343 = tpu.memref_slice %arg6[%dma_start3A_341, %dma_start3A_342] : memref<10000x128xf32, #tpu.memory_space<vmem_shared>> -> memref<10000x128xf32, #tpu.memory_space<vmem_shared>>
        tpu.enqueue_indirect_dma source(%dma_start3A_337 : memref<128x128xf32, #tpu.memory_space<vmem>>) target(%dma_start3A_343 : memref<10000x128xf32, #tpu.memory_space<vmem_shared>>) offsets(%dma_start3A_340 : memref<128xi32, #tpu.memory_space<vmem>>) semaphore(%run_scoped3A_333 : memref<!tpu.dma_semaphore, #tpu.memory_space<semaphore_mem>>) {add = true}
        %dma_wait3A_344 = arith.constant 0 : i32
        %dma_wait3A_345 = arith.constant 0 : i32
        %dma_wait3A_346 = tpu.memref_slice %arg12[%run_scoped3A_255, %dma_wait3A_344, %dma_wait3A_345] : memref<2x128x128xf32, #tpu.memory_space<vmem>> -> memref<1x128x128xf32, #tpu.memory_space<vmem>>
        %dma_wait3A_347 = tpu.memref_squeeze %dma_wait3A_346 : memref<1x128x128xf32, #tpu.memory_space<vmem>> -> memref<128x128xf32, #tpu.memory_space<vmem>>
        %dma_wait3A_348 = arith.constant 0 : i32
        %dma_wait3A_349 = tpu.memref_slice %arg9[%rem3A_254, %run_scoped3A_256, %dma_wait3A_348] : memref<2x8x128xi32, #tpu.memory_space<vmem>> -> memref<1x1x128xi32, #tpu.memory_space<vmem>>
        %dma_wait3A_350 = tpu.memref_squeeze %dma_wait3A_349 : memref<1x1x128xi32, #tpu.memory_space<vmem>> -> memref<128xi32, #tpu.memory_space<vmem>>
        %dma_wait3A_351 = arith.constant 0 : i32
        %dma_wait3A_352 = arith.constant 0 : i32
        %dma_wait3A_353 = tpu.memref_slice %arg6[%dma_wait3A_351, %dma_wait3A_352] : memref<10000x128xf32, #tpu.memory_space<vmem_shared>> -> memref<10000x128xf32, #tpu.memory_space<vmem_shared>>
        tpu.wait_indirect_dma semaphore(%run_scoped3A_333 : memref<!tpu.dma_semaphore, #tpu.memory_space<semaphore_mem>>) src(%dma_wait3A_347 : memref<128x128xf32, #tpu.memory_space<vmem>>) dst(%dma_wait3A_353 : memref<10000x128xf32, #tpu.memory_space<vmem_shared>>)
        tpu.yield
      }) : () -> ()
      %rem3A_257 = arith.constant 2 : i32
      %rem3A_258 = arith.remsi %while3A_89, %rem3A_257 : i32
      %dma_start3A_259 = arith.constant 6 : i32
      %dma_start3A_260 = arith.constant 0 : i32
      %dma_start3A_261 = arith.constant 0 : i32
      %dma_start3A_262 = arith.constant 0 : i32
      %dma_start3A_263 = tpu.memref_slice %arg12[%dma_start3A_260, %dma_start3A_261, %dma_start3A_262] : memref<2x128x128xf32, #tpu.memory_space<vmem>> -> memref<1x128x128xf32, #tpu.memory_space<vmem>>
      %dma_start3A_264 = tpu.memref_squeeze %dma_start3A_263 : memref<1x128x128xf32, #tpu.memory_space<vmem>> -> memref<128x128xf32, #tpu.memory_space<vmem>>
      %dma_start3A_265 = arith.constant 0 : i32
      %dma_start3A_266 = tpu.memref_slice %arg8[%rem3A_258, %dma_start3A_259, %dma_start3A_265] : memref<2x8x128xi32, #tpu.memory_space<vmem>> -> memref<1x1x128xi32, #tpu.memory_space<vmem>>
      %dma_start3A_267 = tpu.memref_squeeze %dma_start3A_266 : memref<1x1x128xi32, #tpu.memory_space<vmem>> -> memref<128xi32, #tpu.memory_space<vmem>>
      %dma_start3A_268 = arith.constant 0 : i32
      %dma_start3A_269 = arith.constant 0 : i32
      %dma_start3A_270 = tpu.memref_slice %arg2[%dma_start3A_268, %dma_start3A_269] : memref<20000x128xf32, #tpu.memory_space<hbm>> -> memref<20000x128xf32, #tpu.memory_space<hbm>>
      tpu.enqueue_indirect_dma source(%dma_start3A_270 : memref<20000x128xf32, #tpu.memory_space<hbm>>) target(%dma_start3A_264 : memref<128x128xf32, #tpu.memory_space<vmem>>) offsets(%dma_start3A_267 : memref<128xi32, #tpu.memory_space<vmem>>) semaphore(%arg15 : memref<!tpu.dma_semaphore, #tpu.memory_space<semaphore_mem>>)
      %dma_wait3A_271 = arith.constant 5 : i32
      %dma_wait3A_272 = arith.constant 1 : i32
      %dma_wait3A_273 = arith.constant 0 : i32
      %dma_wait3A_274 = arith.constant 0 : i32
      %dma_wait3A_275 = tpu.memref_slice %arg12[%dma_wait3A_272, %dma_wait3A_273, %dma_wait3A_274] : memref<2x128x128xf32, #tpu.memory_space<vmem>> -> memref<1x128x128xf32, #tpu.memory_space<vmem>>
      %dma_wait3A_276 = tpu.memref_squeeze %dma_wait3A_275 : memref<1x128x128xf32, #tpu.memory_space<vmem>> -> memref<128x128xf32, #tpu.memory_space<vmem>>
      %dma_wait3A_277 = arith.constant 0 : i32
      %dma_wait3A_278 = tpu.memref_slice %arg8[%rem3A_228, %dma_wait3A_271, %dma_wait3A_277] : memref<2x8x128xi32, #tpu.memory_space<vmem>> -> memref<1x1x128xi32, #tpu.memory_space<vmem>>
      %dma_wait3A_279 = tpu.memref_squeeze %dma_wait3A_278 : memref<1x1x128xi32, #tpu.memory_space<vmem>> -> memref<128xi32, #tpu.memory_space<vmem>>
      %dma_wait3A_280 = arith.constant 0 : i32
      %dma_wait3A_281 = arith.constant 0 : i32
      %dma_wait3A_282 = tpu.memref_slice %arg2[%dma_wait3A_280, %dma_wait3A_281] : memref<20000x128xf32, #tpu.memory_space<hbm>> -> memref<20000x128xf32, #tpu.memory_space<hbm>>
      tpu.wait_indirect_dma semaphore(%arg16 : memref<!tpu.dma_semaphore, #tpu.memory_space<semaphore_mem>>) src(%dma_wait3A_282 : memref<20000x128xf32, #tpu.memory_space<hbm>>) dst(%dma_wait3A_276 : memref<128x128xf32, #tpu.memory_space<vmem>>)
      %rem3A_283 = arith.constant 2 : i32
      %rem3A_284 = arith.remsi %while3A_89, %rem3A_283 : i32
      %run_scoped3A_285 = arith.constant 1 : i32
      %run_scoped3A_286 = arith.constant 5 : i32
      "tpu.region"() ({
        %run_scoped3A_333 = tpu.sem_alloc : memref<!tpu.dma_semaphore, #tpu.memory_space<semaphore_mem>>
        %dma_start3A_334 = arith.constant 0 : i32
        %dma_start3A_335 = arith.constant 0 : i32
        %dma_start3A_336 = tpu.memref_slice %arg12[%run_scoped3A_285, %dma_start3A_334, %dma_start3A_335] : memref<2x128x128xf32, #tpu.memory_space<vmem>> -> memref<1x128x128xf32, #tpu.memory_space<vmem>>
        %dma_start3A_337 = tpu.memref_squeeze %dma_start3A_336 : memref<1x128x128xf32, #tpu.memory_space<vmem>> -> memref<128x128xf32, #tpu.memory_space<vmem>>
        %dma_start3A_338 = arith.constant 0 : i32
        %dma_start3A_339 = tpu.memref_slice %arg9[%rem3A_284, %run_scoped3A_286, %dma_start3A_338] : memref<2x8x128xi32, #tpu.memory_space<vmem>> -> memref<1x1x128xi32, #tpu.memory_space<vmem>>
        %dma_start3A_340 = tpu.memref_squeeze %dma_start3A_339 : memref<1x1x128xi32, #tpu.memory_space<vmem>> -> memref<128xi32, #tpu.memory_space<vmem>>
        %dma_start3A_341 = arith.constant 0 : i32
        %dma_start3A_342 = arith.constant 0 : i32
        %dma_start3A_343 = tpu.memref_slice %arg6[%dma_start3A_341, %dma_start3A_342] : memref<10000x128xf32, #tpu.memory_space<vmem_shared>> -> memref<10000x128xf32, #tpu.memory_space<vmem_shared>>
        tpu.enqueue_indirect_dma source(%dma_start3A_337 : memref<128x128xf32, #tpu.memory_space<vmem>>) target(%dma_start3A_343 : memref<10000x128xf32, #tpu.memory_space<vmem_shared>>) offsets(%dma_start3A_340 : memref<128xi32, #tpu.memory_space<vmem>>) semaphore(%run_scoped3A_333 : memref<!tpu.dma_semaphore, #tpu.memory_space<semaphore_mem>>) {add = true}
        %dma_wait3A_344 = arith.constant 0 : i32
        %dma_wait3A_345 = arith.constant 0 : i32
        %dma_wait3A_346 = tpu.memref_slice %arg12[%run_scoped3A_285, %dma_wait3A_344, %dma_wait3A_345] : memref<2x128x128xf32, #tpu.memory_space<vmem>> -> memref<1x128x128xf32, #tpu.memory_space<vmem>>
        %dma_wait3A_347 = tpu.memref_squeeze %dma_wait3A_346 : memref<1x128x128xf32, #tpu.memory_space<vmem>> -> memref<128x128xf32, #tpu.memory_space<vmem>>
        %dma_wait3A_348 = arith.constant 0 : i32
        %dma_wait3A_349 = tpu.memref_slice %arg9[%rem3A_284, %run_scoped3A_286, %dma_wait3A_348] : memref<2x8x128xi32, #tpu.memory_space<vmem>> -> memref<1x1x128xi32, #tpu.memory_space<vmem>>
        %dma_wait3A_350 = tpu.memref_squeeze %dma_wait3A_349 : memref<1x1x128xi32, #tpu.memory_space<vmem>> -> memref<128xi32, #tpu.memory_space<vmem>>
        %dma_wait3A_351 = arith.constant 0 : i32
        %dma_wait3A_352 = arith.constant 0 : i32
        %dma_wait3A_353 = tpu.memref_slice %arg6[%dma_wait3A_351, %dma_wait3A_352] : memref<10000x128xf32, #tpu.memory_space<vmem_shared>> -> memref<10000x128xf32, #tpu.memory_space<vmem_shared>>
        tpu.wait_indirect_dma semaphore(%run_scoped3A_333 : memref<!tpu.dma_semaphore, #tpu.memory_space<semaphore_mem>>) src(%dma_wait3A_347 : memref<128x128xf32, #tpu.memory_space<vmem>>) dst(%dma_wait3A_353 : memref<10000x128xf32, #tpu.memory_space<vmem_shared>>)
        tpu.yield
      }) : () -> ()
      %rem3A_287 = arith.constant 2 : i32
      %rem3A_288 = arith.remsi %while3A_89, %rem3A_287 : i32
      %dma_start3A_289 = arith.constant 7 : i32
      %dma_start3A_290 = arith.constant 1 : i32
      %dma_start3A_291 = arith.constant 0 : i32
      %dma_start3A_292 = arith.constant 0 : i32
      %dma_start3A_293 = tpu.memref_slice %arg12[%dma_start3A_290, %dma_start3A_291, %dma_start3A_292] : memref<2x128x128xf32, #tpu.memory_space<vmem>> -> memref<1x128x128xf32, #tpu.memory_space<vmem>>
      %dma_start3A_294 = tpu.memref_squeeze %dma_start3A_293 : memref<1x128x128xf32, #tpu.memory_space<vmem>> -> memref<128x128xf32, #tpu.memory_space<vmem>>
      %dma_start3A_295 = arith.constant 0 : i32
      %dma_start3A_296 = tpu.memref_slice %arg8[%rem3A_288, %dma_start3A_289, %dma_start3A_295] : memref<2x8x128xi32, #tpu.memory_space<vmem>> -> memref<1x1x128xi32, #tpu.memory_space<vmem>>
      %dma_start3A_297 = tpu.memref_squeeze %dma_start3A_296 : memref<1x1x128xi32, #tpu.memory_space<vmem>> -> memref<128xi32, #tpu.memory_space<vmem>>
      %dma_start3A_298 = arith.constant 0 : i32
      %dma_start3A_299 = arith.constant 0 : i32
      %dma_start3A_300 = tpu.memref_slice %arg2[%dma_start3A_298, %dma_start3A_299] : memref<20000x128xf32, #tpu.memory_space<hbm>> -> memref<20000x128xf32, #tpu.memory_space<hbm>>
      tpu.enqueue_indirect_dma source(%dma_start3A_300 : memref<20000x128xf32, #tpu.memory_space<hbm>>) target(%dma_start3A_294 : memref<128x128xf32, #tpu.memory_space<vmem>>) offsets(%dma_start3A_297 : memref<128xi32, #tpu.memory_space<vmem>>) semaphore(%arg16 : memref<!tpu.dma_semaphore, #tpu.memory_space<semaphore_mem>>)
      %dma_wait3A_301 = arith.constant 6 : i32
      %dma_wait3A_302 = arith.constant 0 : i32
      %dma_wait3A_303 = arith.constant 0 : i32
      %dma_wait3A_304 = arith.constant 0 : i32
      %dma_wait3A_305 = tpu.memref_slice %arg12[%dma_wait3A_302, %dma_wait3A_303, %dma_wait3A_304] : memref<2x128x128xf32, #tpu.memory_space<vmem>> -> memref<1x128x128xf32, #tpu.memory_space<vmem>>
      %dma_wait3A_306 = tpu.memref_squeeze %dma_wait3A_305 : memref<1x128x128xf32, #tpu.memory_space<vmem>> -> memref<128x128xf32, #tpu.memory_space<vmem>>
      %dma_wait3A_307 = arith.constant 0 : i32
      %dma_wait3A_308 = tpu.memref_slice %arg8[%rem3A_258, %dma_wait3A_301, %dma_wait3A_307] : memref<2x8x128xi32, #tpu.memory_space<vmem>> -> memref<1x1x128xi32, #tpu.memory_space<vmem>>
      %dma_wait3A_309 = tpu.memref_squeeze %dma_wait3A_308 : memref<1x1x128xi32, #tpu.memory_space<vmem>> -> memref<128xi32, #tpu.memory_space<vmem>>
      %dma_wait3A_310 = arith.constant 0 : i32
      %dma_wait3A_311 = arith.constant 0 : i32
      %dma_wait3A_312 = tpu.memref_slice %arg2[%dma_wait3A_310, %dma_wait3A_311] : memref<20000x128xf32, #tpu.memory_space<hbm>> -> memref<20000x128xf32, #tpu.memory_space<hbm>>
      tpu.wait_indirect_dma semaphore(%arg15 : memref<!tpu.dma_semaphore, #tpu.memory_space<semaphore_mem>>) src(%dma_wait3A_312 : memref<20000x128xf32, #tpu.memory_space<hbm>>) dst(%dma_wait3A_306 : memref<128x128xf32, #tpu.memory_space<vmem>>)
      %rem3A_313 = arith.constant 2 : i32
      %rem3A_314 = arith.remsi %while3A_89, %rem3A_313 : i32
      %run_scoped3A_315 = arith.constant 0 : i32
      %run_scoped3A_316 = arith.constant 6 : i32
      "tpu.region"() ({
        %run_scoped3A_333 = tpu.sem_alloc : memref<!tpu.dma_semaphore, #tpu.memory_space<semaphore_mem>>
        %dma_start3A_334 = arith.constant 0 : i32
        %dma_start3A_335 = arith.constant 0 : i32
        %dma_start3A_336 = tpu.memref_slice %arg12[%run_scoped3A_315, %dma_start3A_334, %dma_start3A_335] : memref<2x128x128xf32, #tpu.memory_space<vmem>> -> memref<1x128x128xf32, #tpu.memory_space<vmem>>
        %dma_start3A_337 = tpu.memref_squeeze %dma_start3A_336 : memref<1x128x128xf32, #tpu.memory_space<vmem>> -> memref<128x128xf32, #tpu.memory_space<vmem>>
        %dma_start3A_338 = arith.constant 0 : i32
        %dma_start3A_339 = tpu.memref_slice %arg9[%rem3A_314, %run_scoped3A_316, %dma_start3A_338] : memref<2x8x128xi32, #tpu.memory_space<vmem>> -> memref<1x1x128xi32, #tpu.memory_space<vmem>>
        %dma_start3A_340 = tpu.memref_squeeze %dma_start3A_339 : memref<1x1x128xi32, #tpu.memory_space<vmem>> -> memref<128xi32, #tpu.memory_space<vmem>>
        %dma_start3A_341 = arith.constant 0 : i32
        %dma_start3A_342 = arith.constant 0 : i32
        %dma_start3A_343 = tpu.memref_slice %arg6[%dma_start3A_341, %dma_start3A_342] : memref<10000x128xf32, #tpu.memory_space<vmem_shared>> -> memref<10000x128xf32, #tpu.memory_space<vmem_shared>>
        tpu.enqueue_indirect_dma source(%dma_start3A_337 : memref<128x128xf32, #tpu.memory_space<vmem>>) target(%dma_start3A_343 : memref<10000x128xf32, #tpu.memory_space<vmem_shared>>) offsets(%dma_start3A_340 : memref<128xi32, #tpu.memory_space<vmem>>) semaphore(%run_scoped3A_333 : memref<!tpu.dma_semaphore, #tpu.memory_space<semaphore_mem>>) {add = true}
        %dma_wait3A_344 = arith.constant 0 : i32
        %dma_wait3A_345 = arith.constant 0 : i32
        %dma_wait3A_346 = tpu.memref_slice %arg12[%run_scoped3A_315, %dma_wait3A_344, %dma_wait3A_345] : memref<2x128x128xf32, #tpu.memory_space<vmem>> -> memref<1x128x128xf32, #tpu.memory_space<vmem>>
        %dma_wait3A_347 = tpu.memref_squeeze %dma_wait3A_346 : memref<1x128x128xf32, #tpu.memory_space<vmem>> -> memref<128x128xf32, #tpu.memory_space<vmem>>
        %dma_wait3A_348 = arith.constant 0 : i32
        %dma_wait3A_349 = tpu.memref_slice %arg9[%rem3A_314, %run_scoped3A_316, %dma_wait3A_348] : memref<2x8x128xi32, #tpu.memory_space<vmem>> -> memref<1x1x128xi32, #tpu.memory_space<vmem>>
        %dma_wait3A_350 = tpu.memref_squeeze %dma_wait3A_349 : memref<1x1x128xi32, #tpu.memory_space<vmem>> -> memref<128xi32, #tpu.memory_space<vmem>>
        %dma_wait3A_351 = arith.constant 0 : i32
        %dma_wait3A_352 = arith.constant 0 : i32
        %dma_wait3A_353 = tpu.memref_slice %arg6[%dma_wait3A_351, %dma_wait3A_352] : memref<10000x128xf32, #tpu.memory_space<vmem_shared>> -> memref<10000x128xf32, #tpu.memory_space<vmem_shared>>
        tpu.wait_indirect_dma semaphore(%run_scoped3A_333 : memref<!tpu.dma_semaphore, #tpu.memory_space<semaphore_mem>>) src(%dma_wait3A_347 : memref<128x128xf32, #tpu.memory_space<vmem>>) dst(%dma_wait3A_353 : memref<10000x128xf32, #tpu.memory_space<vmem_shared>>)
        tpu.yield
      }) : () -> ()
      %dma_wait3A_317 = arith.constant 7 : i32
      %dma_wait3A_318 = arith.constant 1 : i32
      %dma_wait3A_319 = arith.constant 0 : i32
      %dma_wait3A_320 = arith.constant 0 : i32
      %dma_wait3A_321 = tpu.memref_slice %arg12[%dma_wait3A_318, %dma_wait3A_319, %dma_wait3A_320] : memref<2x128x128xf32, #tpu.memory_space<vmem>> -> memref<1x128x128xf32, #tpu.memory_space<vmem>>
      %dma_wait3A_322 = tpu.memref_squeeze %dma_wait3A_321 : memref<1x128x128xf32, #tpu.memory_space<vmem>> -> memref<128x128xf32, #tpu.memory_space<vmem>>
      %dma_wait3A_323 = arith.constant 0 : i32
      %dma_wait3A_324 = tpu.memref_slice %arg8[%rem3A_288, %dma_wait3A_317, %dma_wait3A_323] : memref<2x8x128xi32, #tpu.memory_space<vmem>> -> memref<1x1x128xi32, #tpu.memory_space<vmem>>
      %dma_wait3A_325 = tpu.memref_squeeze %dma_wait3A_324 : memref<1x1x128xi32, #tpu.memory_space<vmem>> -> memref<128xi32, #tpu.memory_space<vmem>>
      %dma_wait3A_326 = arith.constant 0 : i32
      %dma_wait3A_327 = arith.constant 0 : i32
      %dma_wait3A_328 = tpu.memref_slice %arg2[%dma_wait3A_326, %dma_wait3A_327] : memref<20000x128xf32, #tpu.memory_space<hbm>> -> memref<20000x128xf32, #tpu.memory_space<hbm>>
      tpu.wait_indirect_dma semaphore(%arg16 : memref<!tpu.dma_semaphore, #tpu.memory_space<semaphore_mem>>) src(%dma_wait3A_328 : memref<20000x128xf32, #tpu.memory_space<hbm>>) dst(%dma_wait3A_322 : memref<128x128xf32, #tpu.memory_space<vmem>>)
      %rem3A_329 = arith.constant 2 : i32
      %rem3A_330 = arith.remsi %while3A_89, %rem3A_329 : i32
      %run_scoped3A_331 = arith.constant 1 : i32
      %run_scoped3A_332 = arith.constant 7 : i32
      "tpu.region"() ({
        %run_scoped3A_333 = tpu.sem_alloc : memref<!tpu.dma_semaphore, #tpu.memory_space<semaphore_mem>>
        %dma_start3A_334 = arith.constant 0 : i32
        %dma_start3A_335 = arith.constant 0 : i32
        %dma_start3A_336 = tpu.memref_slice %arg12[%run_scoped3A_331, %dma_start3A_334, %dma_start3A_335] : memref<2x128x128xf32, #tpu.memory_space<vmem>> -> memref<1x128x128xf32, #tpu.memory_space<vmem>>
        %dma_start3A_337 = tpu.memref_squeeze %dma_start3A_336 : memref<1x128x128xf32, #tpu.memory_space<vmem>> -> memref<128x128xf32, #tpu.memory_space<vmem>>
        %dma_start3A_338 = arith.constant 0 : i32
        %dma_start3A_339 = tpu.memref_slice %arg9[%rem3A_330, %run_scoped3A_332, %dma_start3A_338] : memref<2x8x128xi32, #tpu.memory_space<vmem>> -> memref<1x1x128xi32, #tpu.memory_space<vmem>>
        %dma_start3A_340 = tpu.memref_squeeze %dma_start3A_339 : memref<1x1x128xi32, #tpu.memory_space<vmem>> -> memref<128xi32, #tpu.memory_space<vmem>>
        %dma_start3A_341 = arith.constant 0 : i32
        %dma_start3A_342 = arith.constant 0 : i32
        %dma_start3A_343 = tpu.memref_slice %arg6[%dma_start3A_341, %dma_start3A_342] : memref<10000x128xf32, #tpu.memory_space<vmem_shared>> -> memref<10000x128xf32, #tpu.memory_space<vmem_shared>>
        tpu.enqueue_indirect_dma source(%dma_start3A_337 : memref<128x128xf32, #tpu.memory_space<vmem>>) target(%dma_start3A_343 : memref<10000x128xf32, #tpu.memory_space<vmem_shared>>) offsets(%dma_start3A_340 : memref<128xi32, #tpu.memory_space<vmem>>) semaphore(%run_scoped3A_333 : memref<!tpu.dma_semaphore, #tpu.memory_space<semaphore_mem>>) {add = true}
        %dma_wait3A_344 = arith.constant 0 : i32
        %dma_wait3A_345 = arith.constant 0 : i32
        %dma_wait3A_346 = tpu.memref_slice %arg12[%run_scoped3A_331, %dma_wait3A_344, %dma_wait3A_345] : memref<2x128x128xf32, #tpu.memory_space<vmem>> -> memref<1x128x128xf32, #tpu.memory_space<vmem>>
        %dma_wait3A_347 = tpu.memref_squeeze %dma_wait3A_346 : memref<1x128x128xf32, #tpu.memory_space<vmem>> -> memref<128x128xf32, #tpu.memory_space<vmem>>
        %dma_wait3A_348 = arith.constant 0 : i32
        %dma_wait3A_349 = tpu.memref_slice %arg9[%rem3A_330, %run_scoped3A_332, %dma_wait3A_348] : memref<2x8x128xi32, #tpu.memory_space<vmem>> -> memref<1x1x128xi32, #tpu.memory_space<vmem>>
        %dma_wait3A_350 = tpu.memref_squeeze %dma_wait3A_349 : memref<1x1x128xi32, #tpu.memory_space<vmem>> -> memref<128xi32, #tpu.memory_space<vmem>>
        %dma_wait3A_351 = arith.constant 0 : i32
        %dma_wait3A_352 = arith.constant 0 : i32
        %dma_wait3A_353 = tpu.memref_slice %arg6[%dma_wait3A_351, %dma_wait3A_352] : memref<10000x128xf32, #tpu.memory_space<vmem_shared>> -> memref<10000x128xf32, #tpu.memory_space<vmem_shared>>
        tpu.wait_indirect_dma semaphore(%run_scoped3A_333 : memref<!tpu.dma_semaphore, #tpu.memory_space<semaphore_mem>>) src(%dma_wait3A_347 : memref<128x128xf32, #tpu.memory_space<vmem>>) dst(%dma_wait3A_353 : memref<10000x128xf32, #tpu.memory_space<vmem_shared>>)
        tpu.yield
      }) : () -> ()
    }
    %while3A_69 = arith.constant 1 : i32
    scf.for %while3A_89 = %while3A_67 to %while3A_63 step %while3A_69  : i32 {
      %rem3A_90 = arith.constant 2 : i32
      %rem3A_91 = arith.remsi %while3A_89, %rem3A_90 : i32
      %dma_start3A = arith.constant 0 : i32
      %dma_start3A_92 = arith.constant 0 : i32
      %dma_start3A_93 = arith.constant 0 : i32
      %dma_start3A_94 = arith.constant 0 : i32
      %dma_start3A_95 = tpu.memref_slice %arg12[%dma_start3A_92, %dma_start3A_93, %dma_start3A_94] : memref<2x128x128xf32, #tpu.memory_space<vmem>> -> memref<1x128x128xf32, #tpu.memory_space<vmem>>
      %dma_start3A_96 = tpu.memref_squeeze %dma_start3A_95 : memref<1x128x128xf32, #tpu.memory_space<vmem>> -> memref<128x128xf32, #tpu.memory_space<vmem>>
      %dma_start3A_97 = arith.constant 0 : i32
      %dma_start3A_98 = tpu.memref_slice %arg8[%rem3A_91, %dma_start3A, %dma_start3A_97] : memref<2x8x128xi32, #tpu.memory_space<vmem>> -> memref<1x1x128xi32, #tpu.memory_space<vmem>>
      %dma_start3A_99 = tpu.memref_squeeze %dma_start3A_98 : memref<1x1x128xi32, #tpu.memory_space<vmem>> -> memref<128xi32, #tpu.memory_space<vmem>>
      %dma_start3A_100 = arith.constant 0 : i32
      %dma_start3A_101 = arith.constant 0 : i32
      %dma_start3A_102 = tpu.memref_slice %arg2[%dma_start3A_100, %dma_start3A_101] : memref<20000x128xf32, #tpu.memory_space<hbm>> -> memref<20000x128xf32, #tpu.memory_space<hbm>>
      tpu.enqueue_indirect_dma source(%dma_start3A_102 : memref<20000x128xf32, #tpu.memory_space<hbm>>) target(%dma_start3A_96 : memref<128x128xf32, #tpu.memory_space<vmem>>) offsets(%dma_start3A_99 : memref<128xi32, #tpu.memory_space<vmem>>) semaphore(%arg15 : memref<!tpu.dma_semaphore, #tpu.memory_space<semaphore_mem>>)
      %add3A_103 = arith.constant 1 : i32
      %add3A_104 = arith.addi %while3A_89, %add3A_103 : i32
      %lt3A_105 = arith.cmpi slt, %add3A_104, %select_n3A_52 : i32
      %convert_element_type3A_106 = arith.extui %lt3A_105 : i1 to i32
      %cond3A_107 = arith.constant 0 : i32
      %cond3A_108 = arith.cmpi ne, %convert_element_type3A_106, %cond3A_107 : i32
      scf.if %cond3A_108 {
        %add3A_333 = arith.constant 1 : i32
        %add3A_334 = arith.addi %while3A_89, %add3A_333 : i32
        %rem3A_335 = arith.constant 2 : i32
        %rem3A_336 = arith.remsi %add3A_334, %rem3A_335 : i32
        %mul3A_337 = arith.constant 8 : i32
        %mul3A_338 = arith.muli %add3A_334, %mul3A_337 : i32
        %add3A_339 = arith.addi %select_n3A_19, %mul3A_338 : i32
        %add3A_340 = arith.addi %mul3A_0, %add3A_339 : i32
        "tpu.region"() ({
          %run_scoped3A_341 = tpu.sem_alloc : memref<!tpu.dma_semaphore, #tpu.memory_space<semaphore_mem>>
          %dma_start3A_342 = arith.constant 0 : i32
          %dma_start3A_343 = arith.constant 0 : i32
          %dma_start3A_344 = tpu.memref_slice %arg8[%rem3A_336, %dma_start3A_342, %dma_start3A_343] : memref<2x8x128xi32, #tpu.memory_space<vmem>> -> memref<1x8x128xi32, #tpu.memory_space<vmem>>
          %dma_start3A_345 = tpu.memref_squeeze %dma_start3A_344 : memref<1x8x128xi32, #tpu.memory_space<vmem>> -> memref<8x128xi32, #tpu.memory_space<vmem>>
          %dma_start3A_346 = arith.constant 0 : i32
          %dma_start3A_347 = tpu.memref_slice %arg3[%add3A_340, %dma_start3A_346] : memref<2512x128xi32, #tpu.memory_space<hbm>> -> memref<8x128xi32, #tpu.memory_space<hbm>>
          %dma_start3A_348 = arith.constant 0 : i32
          %dma_start3A_349 = arith.constant 0 : i32
          %dma_start3A_350 = tpu.memref_slice %arg8[%rem3A_336, %dma_start3A_348, %dma_start3A_349] : memref<2x8x128xi32, #tpu.memory_space<vmem>> -> memref<1x8x128xi32, #tpu.memory_space<vmem>>
          %dma_start3A_351 = tpu.memref_squeeze %dma_start3A_350 : memref<1x8x128xi32, #tpu.memory_space<vmem>> -> memref<8x128xi32, #tpu.memory_space<vmem>>
          %dma_start3A_352 = arith.constant 0 : i32
          %dma_start3A_353 = tpu.memref_slice %arg3[%add3A_340, %dma_start3A_352] : memref<2512x128xi32, #tpu.memory_space<hbm>> -> memref<8x128xi32, #tpu.memory_space<hbm>>
          tpu.enqueue_dma source(%dma_start3A_353 : memref<8x128xi32, #tpu.memory_space<hbm>>) target(%dma_start3A_351 : memref<8x128xi32, #tpu.memory_space<vmem>>) target_semaphore(%run_scoped3A_341 : memref<!tpu.dma_semaphore, #tpu.memory_space<semaphore_mem>>)
          %dma_wait3A_354 = arith.constant 0 : i32
          %dma_wait3A_355 = arith.constant 0 : i32
          %dma_wait3A_356 = tpu.memref_slice %arg8[%rem3A_336, %dma_wait3A_354, %dma_wait3A_355] : memref<2x8x128xi32, #tpu.memory_space<vmem>> -> memref<1x8x128xi32, #tpu.memory_space<vmem>>
          %dma_wait3A_357 = tpu.memref_squeeze %dma_wait3A_356 : memref<1x8x128xi32, #tpu.memory_space<vmem>> -> memref<8x128xi32, #tpu.memory_space<vmem>>
          %dma_wait3A_358 = arith.constant 0 : i32
          %dma_wait3A_359 = tpu.memref_slice %arg3[%add3A_340, %dma_wait3A_358] : memref<2512x128xi32, #tpu.memory_space<hbm>> -> memref<8x128xi32, #tpu.memory_space<hbm>>
          %dma_wait3A_360 = arith.constant 0 : i32
          %dma_wait3A_361 = arith.constant 0 : i32
          %dma_wait3A_362 = tpu.memref_slice %arg8[%rem3A_336, %dma_wait3A_360, %dma_wait3A_361] : memref<2x8x128xi32, #tpu.memory_space<vmem>> -> memref<1x8x128xi32, #tpu.memory_space<vmem>>
          %dma_wait3A_363 = tpu.memref_squeeze %dma_wait3A_362 : memref<1x8x128xi32, #tpu.memory_space<vmem>> -> memref<8x128xi32, #tpu.memory_space<vmem>>
          %dma_wait3A_364 = arith.constant 0 : i32
          %dma_wait3A_365 = tpu.memref_slice %arg3[%add3A_340, %dma_wait3A_364] : memref<2512x128xi32, #tpu.memory_space<hbm>> -> memref<8x128xi32, #tpu.memory_space<hbm>>
          tpu.wait_dma2 semaphore(%run_scoped3A_341 : memref<!tpu.dma_semaphore, #tpu.memory_space<semaphore_mem>>) src(%dma_wait3A_365 : memref<8x128xi32, #tpu.memory_space<hbm>>) dst(%dma_wait3A_363 : memref<8x128xi32, #tpu.memory_space<vmem>>)
          tpu.yield
        }) : () -> ()
        "tpu.region"() ({
          %run_scoped3A_341 = tpu.sem_alloc : memref<!tpu.dma_semaphore, #tpu.memory_space<semaphore_mem>>
          %dma_start3A_342 = arith.constant 0 : i32
          %dma_start3A_343 = arith.constant 0 : i32
          %dma_start3A_344 = tpu.memref_slice %arg9[%rem3A_336, %dma_start3A_342, %dma_start3A_343] : memref<2x8x128xi32, #tpu.memory_space<vmem>> -> memref<1x8x128xi32, #tpu.memory_space<vmem>>
          %dma_start3A_345 = tpu.memref_squeeze %dma_start3A_344 : memref<1x8x128xi32, #tpu.memory_space<vmem>> -> memref<8x128xi32, #tpu.memory_space<vmem>>
          %dma_start3A_346 = arith.constant 0 : i32
          %dma_start3A_347 = tpu.memref_slice %arg4[%add3A_339, %dma_start3A_346] : memref<1250x128xi32, #tpu.memory_space<hbm>> -> memref<8x128xi32, #tpu.memory_space<hbm>>
          %dma_start3A_348 = arith.constant 0 : i32
          %dma_start3A_349 = arith.constant 0 : i32
          %dma_start3A_350 = tpu.memref_slice %arg9[%rem3A_336, %dma_start3A_348, %dma_start3A_349] : memref<2x8x128xi32, #tpu.memory_space<vmem>> -> memref<1x8x128xi32, #tpu.memory_space<vmem>>
          %dma_start3A_351 = tpu.memref_squeeze %dma_start3A_350 : memref<1x8x128xi32, #tpu.memory_space<vmem>> -> memref<8x128xi32, #tpu.memory_space<vmem>>
          %dma_start3A_352 = arith.constant 0 : i32
          %dma_start3A_353 = tpu.memref_slice %arg4[%add3A_339, %dma_start3A_352] : memref<1250x128xi32, #tpu.memory_space<hbm>> -> memref<8x128xi32, #tpu.memory_space<hbm>>
          tpu.enqueue_dma source(%dma_start3A_353 : memref<8x128xi32, #tpu.memory_space<hbm>>) target(%dma_start3A_351 : memref<8x128xi32, #tpu.memory_space<vmem>>) target_semaphore(%run_scoped3A_341 : memref<!tpu.dma_semaphore, #tpu.memory_space<semaphore_mem>>)
          %dma_wait3A_354 = arith.constant 0 : i32
          %dma_wait3A_355 = arith.constant 0 : i32
          %dma_wait3A_356 = tpu.memref_slice %arg9[%rem3A_336, %dma_wait3A_354, %dma_wait3A_355] : memref<2x8x128xi32, #tpu.memory_space<vmem>> -> memref<1x8x128xi32, #tpu.memory_space<vmem>>
          %dma_wait3A_357 = tpu.memref_squeeze %dma_wait3A_356 : memref<1x8x128xi32, #tpu.memory_space<vmem>> -> memref<8x128xi32, #tpu.memory_space<vmem>>
          %dma_wait3A_358 = arith.constant 0 : i32
          %dma_wait3A_359 = tpu.memref_slice %arg4[%add3A_339, %dma_wait3A_358] : memref<1250x128xi32, #tpu.memory_space<hbm>> -> memref<8x128xi32, #tpu.memory_space<hbm>>
          %dma_wait3A_360 = arith.constant 0 : i32
          %dma_wait3A_361 = arith.constant 0 : i32
          %dma_wait3A_362 = tpu.memref_slice %arg9[%rem3A_336, %dma_wait3A_360, %dma_wait3A_361] : memref<2x8x128xi32, #tpu.memory_space<vmem>> -> memref<1x8x128xi32, #tpu.memory_space<vmem>>
          %dma_wait3A_363 = tpu.memref_squeeze %dma_wait3A_362 : memref<1x8x128xi32, #tpu.memory_space<vmem>> -> memref<8x128xi32, #tpu.memory_space<vmem>>
          %dma_wait3A_364 = arith.constant 0 : i32
          %dma_wait3A_365 = tpu.memref_slice %arg4[%add3A_339, %dma_wait3A_364] : memref<1250x128xi32, #tpu.memory_space<hbm>> -> memref<8x128xi32, #tpu.memory_space<hbm>>
          tpu.wait_dma2 semaphore(%run_scoped3A_341 : memref<!tpu.dma_semaphore, #tpu.memory_space<semaphore_mem>>) src(%dma_wait3A_365 : memref<8x128xi32, #tpu.memory_space<hbm>>) dst(%dma_wait3A_363 : memref<8x128xi32, #tpu.memory_space<vmem>>)
          tpu.yield
        }) : () -> ()
      } else {
      }
      %rem3A_109 = arith.constant 2 : i32
      %rem3A_110 = arith.remsi %while3A_89, %rem3A_109 : i32
      %dma_start3A_111 = arith.constant 1 : i32
      %dma_start3A_112 = arith.constant 1 : i32
      %dma_start3A_113 = arith.constant 0 : i32
      %dma_start3A_114 = arith.constant 0 : i32
      %dma_start3A_115 = tpu.memref_slice %arg12[%dma_start3A_112, %dma_start3A_113, %dma_start3A_114] : memref<2x128x128xf32, #tpu.memory_space<vmem>> -> memref<1x128x128xf32, #tpu.memory_space<vmem>>
      %dma_start3A_116 = tpu.memref_squeeze %dma_start3A_115 : memref<1x128x128xf32, #tpu.memory_space<vmem>> -> memref<128x128xf32, #tpu.memory_space<vmem>>
      %dma_start3A_117 = arith.constant 0 : i32
      %dma_start3A_118 = tpu.memref_slice %arg8[%rem3A_110, %dma_start3A_111, %dma_start3A_117] : memref<2x8x128xi32, #tpu.memory_space<vmem>> -> memref<1x1x128xi32, #tpu.memory_space<vmem>>
      %dma_start3A_119 = tpu.memref_squeeze %dma_start3A_118 : memref<1x1x128xi32, #tpu.memory_space<vmem>> -> memref<128xi32, #tpu.memory_space<vmem>>
      %dma_start3A_120 = arith.constant 0 : i32
      %dma_start3A_121 = arith.constant 0 : i32
      %dma_start3A_122 = tpu.memref_slice %arg2[%dma_start3A_120, %dma_start3A_121] : memref<20000x128xf32, #tpu.memory_space<hbm>> -> memref<20000x128xf32, #tpu.memory_space<hbm>>
      tpu.enqueue_indirect_dma source(%dma_start3A_122 : memref<20000x128xf32, #tpu.memory_space<hbm>>) target(%dma_start3A_116 : memref<128x128xf32, #tpu.memory_space<vmem>>) offsets(%dma_start3A_119 : memref<128xi32, #tpu.memory_space<vmem>>) semaphore(%arg16 : memref<!tpu.dma_semaphore, #tpu.memory_space<semaphore_mem>>)
      %dma_wait3A = arith.constant 0 : i32
      %dma_wait3A_123 = arith.constant 0 : i32
      %dma_wait3A_124 = arith.constant 0 : i32
      %dma_wait3A_125 = arith.constant 0 : i32
      %dma_wait3A_126 = tpu.memref_slice %arg12[%dma_wait3A_123, %dma_wait3A_124, %dma_wait3A_125] : memref<2x128x128xf32, #tpu.memory_space<vmem>> -> memref<1x128x128xf32, #tpu.memory_space<vmem>>
      %dma_wait3A_127 = tpu.memref_squeeze %dma_wait3A_126 : memref<1x128x128xf32, #tpu.memory_space<vmem>> -> memref<128x128xf32, #tpu.memory_space<vmem>>
      %dma_wait3A_128 = arith.constant 0 : i32
      %dma_wait3A_129 = tpu.memref_slice %arg8[%rem3A_91, %dma_wait3A, %dma_wait3A_128] : memref<2x8x128xi32, #tpu.memory_space<vmem>> -> memref<1x1x128xi32, #tpu.memory_space<vmem>>
      %dma_wait3A_130 = tpu.memref_squeeze %dma_wait3A_129 : memref<1x1x128xi32, #tpu.memory_space<vmem>> -> memref<128xi32, #tpu.memory_space<vmem>>
      %dma_wait3A_131 = arith.constant 0 : i32
      %dma_wait3A_132 = arith.constant 0 : i32
      %dma_wait3A_133 = tpu.memref_slice %arg2[%dma_wait3A_131, %dma_wait3A_132] : memref<20000x128xf32, #tpu.memory_space<hbm>> -> memref<20000x128xf32, #tpu.memory_space<hbm>>
      tpu.wait_indirect_dma semaphore(%arg15 : memref<!tpu.dma_semaphore, #tpu.memory_space<semaphore_mem>>) src(%dma_wait3A_133 : memref<20000x128xf32, #tpu.memory_space<hbm>>) dst(%dma_wait3A_127 : memref<128x128xf32, #tpu.memory_space<vmem>>)
      %rem3A_134 = arith.constant 2 : i32
      %rem3A_135 = arith.remsi %while3A_89, %rem3A_134 : i32
      %run_scoped3A = arith.constant 0 : i32
      %run_scoped3A_136 = arith.constant 0 : i32
      "tpu.region"() ({
        %run_scoped3A_333 = tpu.sem_alloc : memref<!tpu.dma_semaphore, #tpu.memory_space<semaphore_mem>>
        %dma_start3A_334 = arith.constant 0 : i32
        %dma_start3A_335 = arith.constant 0 : i32
        %dma_start3A_336 = tpu.memref_slice %arg12[%run_scoped3A, %dma_start3A_334, %dma_start3A_335] : memref<2x128x128xf32, #tpu.memory_space<vmem>> -> memref<1x128x128xf32, #tpu.memory_space<vmem>>
        %dma_start3A_337 = tpu.memref_squeeze %dma_start3A_336 : memref<1x128x128xf32, #tpu.memory_space<vmem>> -> memref<128x128xf32, #tpu.memory_space<vmem>>
        %dma_start3A_338 = arith.constant 0 : i32
        %dma_start3A_339 = tpu.memref_slice %arg9[%rem3A_135, %run_scoped3A_136, %dma_start3A_338] : memref<2x8x128xi32, #tpu.memory_space<vmem>> -> memref<1x1x128xi32, #tpu.memory_space<vmem>>
        %dma_start3A_340 = tpu.memref_squeeze %dma_start3A_339 : memref<1x1x128xi32, #tpu.memory_space<vmem>> -> memref<128xi32, #tpu.memory_space<vmem>>
        %dma_start3A_341 = arith.constant 0 : i32
        %dma_start3A_342 = arith.constant 0 : i32
        %dma_start3A_343 = tpu.memref_slice %arg6[%dma_start3A_341, %dma_start3A_342] : memref<10000x128xf32, #tpu.memory_space<vmem_shared>> -> memref<10000x128xf32, #tpu.memory_space<vmem_shared>>
        tpu.enqueue_indirect_dma source(%dma_start3A_337 : memref<128x128xf32, #tpu.memory_space<vmem>>) target(%dma_start3A_343 : memref<10000x128xf32, #tpu.memory_space<vmem_shared>>) offsets(%dma_start3A_340 : memref<128xi32, #tpu.memory_space<vmem>>) semaphore(%run_scoped3A_333 : memref<!tpu.dma_semaphore, #tpu.memory_space<semaphore_mem>>) {add = true}
        %dma_wait3A_344 = arith.constant 0 : i32
        %dma_wait3A_345 = arith.constant 0 : i32
        %dma_wait3A_346 = tpu.memref_slice %arg12[%run_scoped3A, %dma_wait3A_344, %dma_wait3A_345] : memref<2x128x128xf32, #tpu.memory_space<vmem>> -> memref<1x128x128xf32, #tpu.memory_space<vmem>>
        %dma_wait3A_347 = tpu.memref_squeeze %dma_wait3A_346 : memref<1x128x128xf32, #tpu.memory_space<vmem>> -> memref<128x128xf32, #tpu.memory_space<vmem>>
        %dma_wait3A_348 = arith.constant 0 : i32
        %dma_wait3A_349 = tpu.memref_slice %arg9[%rem3A_135, %run_scoped3A_136, %dma_wait3A_348] : memref<2x8x128xi32, #tpu.memory_space<vmem>> -> memref<1x1x128xi32, #tpu.memory_space<vmem>>
        %dma_wait3A_350 = tpu.memref_squeeze %dma_wait3A_349 : memref<1x1x128xi32, #tpu.memory_space<vmem>> -> memref<128xi32, #tpu.memory_space<vmem>>
        %dma_wait3A_351 = arith.constant 0 : i32
        %dma_wait3A_352 = arith.constant 0 : i32
        %dma_wait3A_353 = tpu.memref_slice %arg6[%dma_wait3A_351, %dma_wait3A_352] : memref<10000x128xf32, #tpu.memory_space<vmem_shared>> -> memref<10000x128xf32, #tpu.memory_space<vmem_shared>>
        tpu.wait_indirect_dma semaphore(%run_scoped3A_333 : memref<!tpu.dma_semaphore, #tpu.memory_space<semaphore_mem>>) src(%dma_wait3A_347 : memref<128x128xf32, #tpu.memory_space<vmem>>) dst(%dma_wait3A_353 : memref<10000x128xf32, #tpu.memory_space<vmem_shared>>)
        tpu.yield
      }) : () -> ()
      %rem3A_137 = arith.constant 2 : i32
      %rem3A_138 = arith.remsi %while3A_89, %rem3A_137 : i32
      %dma_start3A_139 = arith.constant 2 : i32
      %dma_start3A_140 = arith.constant 0 : i32
      %dma_start3A_141 = arith.constant 0 : i32
      %dma_start3A_142 = arith.constant 0 : i32
      %dma_start3A_143 = tpu.memref_slice %arg12[%dma_start3A_140, %dma_start3A_141, %dma_start3A_142] : memref<2x128x128xf32, #tpu.memory_space<vmem>> -> memref<1x128x128xf32, #tpu.memory_space<vmem>>
      %dma_start3A_144 = tpu.memref_squeeze %dma_start3A_143 : memref<1x128x128xf32, #tpu.memory_space<vmem>> -> memref<128x128xf32, #tpu.memory_space<vmem>>
      %dma_start3A_145 = arith.constant 0 : i32
      %dma_start3A_146 = tpu.memref_slice %arg8[%rem3A_138, %dma_start3A_139, %dma_start3A_145] : memref<2x8x128xi32, #tpu.memory_space<vmem>> -> memref<1x1x128xi32, #tpu.memory_space<vmem>>
      %dma_start3A_147 = tpu.memref_squeeze %dma_start3A_146 : memref<1x1x128xi32, #tpu.memory_space<vmem>> -> memref<128xi32, #tpu.memory_space<vmem>>
      %dma_start3A_148 = arith.constant 0 : i32
      %dma_start3A_149 = arith.constant 0 : i32
      %dma_start3A_150 = tpu.memref_slice %arg2[%dma_start3A_148, %dma_start3A_149] : memref<20000x128xf32, #tpu.memory_space<hbm>> -> memref<20000x128xf32, #tpu.memory_space<hbm>>
      tpu.enqueue_indirect_dma source(%dma_start3A_150 : memref<20000x128xf32, #tpu.memory_space<hbm>>) target(%dma_start3A_144 : memref<128x128xf32, #tpu.memory_space<vmem>>) offsets(%dma_start3A_147 : memref<128xi32, #tpu.memory_space<vmem>>) semaphore(%arg15 : memref<!tpu.dma_semaphore, #tpu.memory_space<semaphore_mem>>)
      %dma_wait3A_151 = arith.constant 1 : i32
      %dma_wait3A_152 = arith.constant 1 : i32
      %dma_wait3A_153 = arith.constant 0 : i32
      %dma_wait3A_154 = arith.constant 0 : i32
      %dma_wait3A_155 = tpu.memref_slice %arg12[%dma_wait3A_152, %dma_wait3A_153, %dma_wait3A_154] : memref<2x128x128xf32, #tpu.memory_space<vmem>> -> memref<1x128x128xf32, #tpu.memory_space<vmem>>
      %dma_wait3A_156 = tpu.memref_squeeze %dma_wait3A_155 : memref<1x128x128xf32, #tpu.memory_space<vmem>> -> memref<128x128xf32, #tpu.memory_space<vmem>>
      %dma_wait3A_157 = arith.constant 0 : i32
      %dma_wait3A_158 = tpu.memref_slice %arg8[%rem3A_110, %dma_wait3A_151, %dma_wait3A_157] : memref<2x8x128xi32, #tpu.memory_space<vmem>> -> memref<1x1x128xi32, #tpu.memory_space<vmem>>
      %dma_wait3A_159 = tpu.memref_squeeze %dma_wait3A_158 : memref<1x1x128xi32, #tpu.memory_space<vmem>> -> memref<128xi32, #tpu.memory_space<vmem>>
      %dma_wait3A_160 = arith.constant 0 : i32
      %dma_wait3A_161 = arith.constant 0 : i32
      %dma_wait3A_162 = tpu.memref_slice %arg2[%dma_wait3A_160, %dma_wait3A_161] : memref<20000x128xf32, #tpu.memory_space<hbm>> -> memref<20000x128xf32, #tpu.memory_space<hbm>>
      tpu.wait_indirect_dma semaphore(%arg16 : memref<!tpu.dma_semaphore, #tpu.memory_space<semaphore_mem>>) src(%dma_wait3A_162 : memref<20000x128xf32, #tpu.memory_space<hbm>>) dst(%dma_wait3A_156 : memref<128x128xf32, #tpu.memory_space<vmem>>)
      %rem3A_163 = arith.constant 2 : i32
      %rem3A_164 = arith.remsi %while3A_89, %rem3A_163 : i32
      %run_scoped3A_165 = arith.constant 1 : i32
      %run_scoped3A_166 = arith.constant 1 : i32
      "tpu.region"() ({
        %run_scoped3A_333 = tpu.sem_alloc : memref<!tpu.dma_semaphore, #tpu.memory_space<semaphore_mem>>
        %dma_start3A_334 = arith.constant 0 : i32
        %dma_start3A_335 = arith.constant 0 : i32
        %dma_start3A_336 = tpu.memref_slice %arg12[%run_scoped3A_165, %dma_start3A_334, %dma_start3A_335] : memref<2x128x128xf32, #tpu.memory_space<vmem>> -> memref<1x128x128xf32, #tpu.memory_space<vmem>>
        %dma_start3A_337 = tpu.memref_squeeze %dma_start3A_336 : memref<1x128x128xf32, #tpu.memory_space<vmem>> -> memref<128x128xf32, #tpu.memory_space<vmem>>
        %dma_start3A_338 = arith.constant 0 : i32
        %dma_start3A_339 = tpu.memref_slice %arg9[%rem3A_164, %run_scoped3A_166, %dma_start3A_338] : memref<2x8x128xi32, #tpu.memory_space<vmem>> -> memref<1x1x128xi32, #tpu.memory_space<vmem>>
        %dma_start3A_340 = tpu.memref_squeeze %dma_start3A_339 : memref<1x1x128xi32, #tpu.memory_space<vmem>> -> memref<128xi32, #tpu.memory_space<vmem>>
        %dma_start3A_341 = arith.constant 0 : i32
        %dma_start3A_342 = arith.constant 0 : i32
        %dma_start3A_343 = tpu.memref_slice %arg6[%dma_start3A_341, %dma_start3A_342] : memref<10000x128xf32, #tpu.memory_space<vmem_shared>> -> memref<10000x128xf32, #tpu.memory_space<vmem_shared>>
        tpu.enqueue_indirect_dma source(%dma_start3A_337 : memref<128x128xf32, #tpu.memory_space<vmem>>) target(%dma_start3A_343 : memref<10000x128xf32, #tpu.memory_space<vmem_shared>>) offsets(%dma_start3A_340 : memref<128xi32, #tpu.memory_space<vmem>>) semaphore(%run_scoped3A_333 : memref<!tpu.dma_semaphore, #tpu.memory_space<semaphore_mem>>) {add = true}
        %dma_wait3A_344 = arith.constant 0 : i32
        %dma_wait3A_345 = arith.constant 0 : i32
        %dma_wait3A_346 = tpu.memref_slice %arg12[%run_scoped3A_165, %dma_wait3A_344, %dma_wait3A_345] : memref<2x128x128xf32, #tpu.memory_space<vmem>> -> memref<1x128x128xf32, #tpu.memory_space<vmem>>
        %dma_wait3A_347 = tpu.memref_squeeze %dma_wait3A_346 : memref<1x128x128xf32, #tpu.memory_space<vmem>> -> memref<128x128xf32, #tpu.memory_space<vmem>>
        %dma_wait3A_348 = arith.constant 0 : i32
        %dma_wait3A_349 = tpu.memref_slice %arg9[%rem3A_164, %run_scoped3A_166, %dma_wait3A_348] : memref<2x8x128xi32, #tpu.memory_space<vmem>> -> memref<1x1x128xi32, #tpu.memory_space<vmem>>
        %dma_wait3A_350 = tpu.memref_squeeze %dma_wait3A_349 : memref<1x1x128xi32, #tpu.memory_space<vmem>> -> memref<128xi32, #tpu.memory_space<vmem>>
        %dma_wait3A_351 = arith.constant 0 : i32
        %dma_wait3A_352 = arith.constant 0 : i32
        %dma_wait3A_353 = tpu.memref_slice %arg6[%dma_wait3A_351, %dma_wait3A_352] : memref<10000x128xf32, #tpu.memory_space<vmem_shared>> -> memref<10000x128xf32, #tpu.memory_space<vmem_shared>>
        tpu.wait_indirect_dma semaphore(%run_scoped3A_333 : memref<!tpu.dma_semaphore, #tpu.memory_space<semaphore_mem>>) src(%dma_wait3A_347 : memref<128x128xf32, #tpu.memory_space<vmem>>) dst(%dma_wait3A_353 : memref<10000x128xf32, #tpu.memory_space<vmem_shared>>)
        tpu.yield
      }) : () -> ()
      %rem3A_167 = arith.constant 2 : i32
      %rem3A_168 = arith.remsi %while3A_89, %rem3A_167 : i32
      %dma_start3A_169 = arith.constant 3 : i32
      %dma_start3A_170 = arith.constant 1 : i32
      %dma_start3A_171 = arith.constant 0 : i32
      %dma_start3A_172 = arith.constant 0 : i32
      %dma_start3A_173 = tpu.memref_slice %arg12[%dma_start3A_170, %dma_start3A_171, %dma_start3A_172] : memref<2x128x128xf32, #tpu.memory_space<vmem>> -> memref<1x128x128xf32, #tpu.memory_space<vmem>>
      %dma_start3A_174 = tpu.memref_squeeze %dma_start3A_173 : memref<1x128x128xf32, #tpu.memory_space<vmem>> -> memref<128x128xf32, #tpu.memory_space<vmem>>
      %dma_start3A_175 = arith.constant 0 : i32
      %dma_start3A_176 = tpu.memref_slice %arg8[%rem3A_168, %dma_start3A_169, %dma_start3A_175] : memref<2x8x128xi32, #tpu.memory_space<vmem>> -> memref<1x1x128xi32, #tpu.memory_space<vmem>>
      %dma_start3A_177 = tpu.memref_squeeze %dma_start3A_176 : memref<1x1x128xi32, #tpu.memory_space<vmem>> -> memref<128xi32, #tpu.memory_space<vmem>>
      %dma_start3A_178 = arith.constant 0 : i32
      %dma_start3A_179 = arith.constant 0 : i32
      %dma_start3A_180 = tpu.memref_slice %arg2[%dma_start3A_178, %dma_start3A_179] : memref<20000x128xf32, #tpu.memory_space<hbm>> -> memref<20000x128xf32, #tpu.memory_space<hbm>>
      tpu.enqueue_indirect_dma source(%dma_start3A_180 : memref<20000x128xf32, #tpu.memory_space<hbm>>) target(%dma_start3A_174 : memref<128x128xf32, #tpu.memory_space<vmem>>) offsets(%dma_start3A_177 : memref<128xi32, #tpu.memory_space<vmem>>) semaphore(%arg16 : memref<!tpu.dma_semaphore, #tpu.memory_space<semaphore_mem>>)
      %dma_wait3A_181 = arith.constant 2 : i32
      %dma_wait3A_182 = arith.constant 0 : i32
      %dma_wait3A_183 = arith.constant 0 : i32
      %dma_wait3A_184 = arith.constant 0 : i32
      %dma_wait3A_185 = tpu.memref_slice %arg12[%dma_wait3A_182, %dma_wait3A_183, %dma_wait3A_184] : memref<2x128x128xf32, #tpu.memory_space<vmem>> -> memref<1x128x128xf32, #tpu.memory_space<vmem>>
      %dma_wait3A_186 = tpu.memref_squeeze %dma_wait3A_185 : memref<1x128x128xf32, #tpu.memory_space<vmem>> -> memref<128x128xf32, #tpu.memory_space<vmem>>
      %dma_wait3A_187 = arith.constant 0 : i32
      %dma_wait3A_188 = tpu.memref_slice %arg8[%rem3A_138, %dma_wait3A_181, %dma_wait3A_187] : memref<2x8x128xi32, #tpu.memory_space<vmem>> -> memref<1x1x128xi32, #tpu.memory_space<vmem>>
      %dma_wait3A_189 = tpu.memref_squeeze %dma_wait3A_188 : memref<1x1x128xi32, #tpu.memory_space<vmem>> -> memref<128xi32, #tpu.memory_space<vmem>>
      %dma_wait3A_190 = arith.constant 0 : i32
      %dma_wait3A_191 = arith.constant 0 : i32
      %dma_wait3A_192 = tpu.memref_slice %arg2[%dma_wait3A_190, %dma_wait3A_191] : memref<20000x128xf32, #tpu.memory_space<hbm>> -> memref<20000x128xf32, #tpu.memory_space<hbm>>
      tpu.wait_indirect_dma semaphore(%arg15 : memref<!tpu.dma_semaphore, #tpu.memory_space<semaphore_mem>>) src(%dma_wait3A_192 : memref<20000x128xf32, #tpu.memory_space<hbm>>) dst(%dma_wait3A_186 : memref<128x128xf32, #tpu.memory_space<vmem>>)
      %rem3A_193 = arith.constant 2 : i32
      %rem3A_194 = arith.remsi %while3A_89, %rem3A_193 : i32
      %run_scoped3A_195 = arith.constant 0 : i32
      %run_scoped3A_196 = arith.constant 2 : i32
      "tpu.region"() ({
        %run_scoped3A_333 = tpu.sem_alloc : memref<!tpu.dma_semaphore, #tpu.memory_space<semaphore_mem>>
        %dma_start3A_334 = arith.constant 0 : i32
        %dma_start3A_335 = arith.constant 0 : i32
        %dma_start3A_336 = tpu.memref_slice %arg12[%run_scoped3A_195, %dma_start3A_334, %dma_start3A_335] : memref<2x128x128xf32, #tpu.memory_space<vmem>> -> memref<1x128x128xf32, #tpu.memory_space<vmem>>
        %dma_start3A_337 = tpu.memref_squeeze %dma_start3A_336 : memref<1x128x128xf32, #tpu.memory_space<vmem>> -> memref<128x128xf32, #tpu.memory_space<vmem>>
        %dma_start3A_338 = arith.constant 0 : i32
        %dma_start3A_339 = tpu.memref_slice %arg9[%rem3A_194, %run_scoped3A_196, %dma_start3A_338] : memref<2x8x128xi32, #tpu.memory_space<vmem>> -> memref<1x1x128xi32, #tpu.memory_space<vmem>>
        %dma_start3A_340 = tpu.memref_squeeze %dma_start3A_339 : memref<1x1x128xi32, #tpu.memory_space<vmem>> -> memref<128xi32, #tpu.memory_space<vmem>>
        %dma_start3A_341 = arith.constant 0 : i32
        %dma_start3A_342 = arith.constant 0 : i32
        %dma_start3A_343 = tpu.memref_slice %arg6[%dma_start3A_341, %dma_start3A_342] : memref<10000x128xf32, #tpu.memory_space<vmem_shared>> -> memref<10000x128xf32, #tpu.memory_space<vmem_shared>>
        tpu.enqueue_indirect_dma source(%dma_start3A_337 : memref<128x128xf32, #tpu.memory_space<vmem>>) target(%dma_start3A_343 : memref<10000x128xf32, #tpu.memory_space<vmem_shared>>) offsets(%dma_start3A_340 : memref<128xi32, #tpu.memory_space<vmem>>) semaphore(%run_scoped3A_333 : memref<!tpu.dma_semaphore, #tpu.memory_space<semaphore_mem>>) {add = true}
        %dma_wait3A_344 = arith.constant 0 : i32
        %dma_wait3A_345 = arith.constant 0 : i32
        %dma_wait3A_346 = tpu.memref_slice %arg12[%run_scoped3A_195, %dma_wait3A_344, %dma_wait3A_345] : memref<2x128x128xf32, #tpu.memory_space<vmem>> -> memref<1x128x128xf32, #tpu.memory_space<vmem>>
        %dma_wait3A_347 = tpu.memref_squeeze %dma_wait3A_346 : memref<1x128x128xf32, #tpu.memory_space<vmem>> -> memref<128x128xf32, #tpu.memory_space<vmem>>
        %dma_wait3A_348 = arith.constant 0 : i32
        %dma_wait3A_349 = tpu.memref_slice %arg9[%rem3A_194, %run_scoped3A_196, %dma_wait3A_348] : memref<2x8x128xi32, #tpu.memory_space<vmem>> -> memref<1x1x128xi32, #tpu.memory_space<vmem>>
        %dma_wait3A_350 = tpu.memref_squeeze %dma_wait3A_349 : memref<1x1x128xi32, #tpu.memory_space<vmem>> -> memref<128xi32, #tpu.memory_space<vmem>>
        %dma_wait3A_351 = arith.constant 0 : i32
        %dma_wait3A_352 = arith.constant 0 : i32
        %dma_wait3A_353 = tpu.memref_slice %arg6[%dma_wait3A_351, %dma_wait3A_352] : memref<10000x128xf32, #tpu.memory_space<vmem_shared>> -> memref<10000x128xf32, #tpu.memory_space<vmem_shared>>
        tpu.wait_indirect_dma semaphore(%run_scoped3A_333 : memref<!tpu.dma_semaphore, #tpu.memory_space<semaphore_mem>>) src(%dma_wait3A_347 : memref<128x128xf32, #tpu.memory_space<vmem>>) dst(%dma_wait3A_353 : memref<10000x128xf32, #tpu.memory_space<vmem_shared>>)
        tpu.yield
      }) : () -> ()
      %rem3A_197 = arith.constant 2 : i32
      %rem3A_198 = arith.remsi %while3A_89, %rem3A_197 : i32
      %dma_start3A_199 = arith.constant 4 : i32
      %dma_start3A_200 = arith.constant 0 : i32
      %dma_start3A_201 = arith.constant 0 : i32
      %dma_start3A_202 = arith.constant 0 : i32
      %dma_start3A_203 = tpu.memref_slice %arg12[%dma_start3A_200, %dma_start3A_201, %dma_start3A_202] : memref<2x128x128xf32, #tpu.memory_space<vmem>> -> memref<1x128x128xf32, #tpu.memory_space<vmem>>
      %dma_start3A_204 = tpu.memref_squeeze %dma_start3A_203 : memref<1x128x128xf32, #tpu.memory_space<vmem>> -> memref<128x128xf32, #tpu.memory_space<vmem>>
      %dma_start3A_205 = arith.constant 0 : i32
      %dma_start3A_206 = tpu.memref_slice %arg8[%rem3A_198, %dma_start3A_199, %dma_start3A_205] : memref<2x8x128xi32, #tpu.memory_space<vmem>> -> memref<1x1x128xi32, #tpu.memory_space<vmem>>
      %dma_start3A_207 = tpu.memref_squeeze %dma_start3A_206 : memref<1x1x128xi32, #tpu.memory_space<vmem>> -> memref<128xi32, #tpu.memory_space<vmem>>
      %dma_start3A_208 = arith.constant 0 : i32
      %dma_start3A_209 = arith.constant 0 : i32
      %dma_start3A_210 = tpu.memref_slice %arg2[%dma_start3A_208, %dma_start3A_209] : memref<20000x128xf32, #tpu.memory_space<hbm>> -> memref<20000x128xf32, #tpu.memory_space<hbm>>
      tpu.enqueue_indirect_dma source(%dma_start3A_210 : memref<20000x128xf32, #tpu.memory_space<hbm>>) target(%dma_start3A_204 : memref<128x128xf32, #tpu.memory_space<vmem>>) offsets(%dma_start3A_207 : memref<128xi32, #tpu.memory_space<vmem>>) semaphore(%arg15 : memref<!tpu.dma_semaphore, #tpu.memory_space<semaphore_mem>>)
      %dma_wait3A_211 = arith.constant 3 : i32
      %dma_wait3A_212 = arith.constant 1 : i32
      %dma_wait3A_213 = arith.constant 0 : i32
      %dma_wait3A_214 = arith.constant 0 : i32
      %dma_wait3A_215 = tpu.memref_slice %arg12[%dma_wait3A_212, %dma_wait3A_213, %dma_wait3A_214] : memref<2x128x128xf32, #tpu.memory_space<vmem>> -> memref<1x128x128xf32, #tpu.memory_space<vmem>>
      %dma_wait3A_216 = tpu.memref_squeeze %dma_wait3A_215 : memref<1x128x128xf32, #tpu.memory_space<vmem>> -> memref<128x128xf32, #tpu.memory_space<vmem>>
      %dma_wait3A_217 = arith.constant 0 : i32
      %dma_wait3A_218 = tpu.memref_slice %arg8[%rem3A_168, %dma_wait3A_211, %dma_wait3A_217] : memref<2x8x128xi32, #tpu.memory_space<vmem>> -> memref<1x1x128xi32, #tpu.memory_space<vmem>>
      %dma_wait3A_219 = tpu.memref_squeeze %dma_wait3A_218 : memref<1x1x128xi32, #tpu.memory_space<vmem>> -> memref<128xi32, #tpu.memory_space<vmem>>
      %dma_wait3A_220 = arith.constant 0 : i32
      %dma_wait3A_221 = arith.constant 0 : i32
      %dma_wait3A_222 = tpu.memref_slice %arg2[%dma_wait3A_220, %dma_wait3A_221] : memref<20000x128xf32, #tpu.memory_space<hbm>> -> memref<20000x128xf32, #tpu.memory_space<hbm>>
      tpu.wait_indirect_dma semaphore(%arg16 : memref<!tpu.dma_semaphore, #tpu.memory_space<semaphore_mem>>) src(%dma_wait3A_222 : memref<20000x128xf32, #tpu.memory_space<hbm>>) dst(%dma_wait3A_216 : memref<128x128xf32, #tpu.memory_space<vmem>>)
      %rem3A_223 = arith.constant 2 : i32
      %rem3A_224 = arith.remsi %while3A_89, %rem3A_223 : i32
      %run_scoped3A_225 = arith.constant 1 : i32
      %run_scoped3A_226 = arith.constant 3 : i32
      "tpu.region"() ({
        %run_scoped3A_333 = tpu.sem_alloc : memref<!tpu.dma_semaphore, #tpu.memory_space<semaphore_mem>>
        %dma_start3A_334 = arith.constant 0 : i32
        %dma_start3A_335 = arith.constant 0 : i32
        %dma_start3A_336 = tpu.memref_slice %arg12[%run_scoped3A_225, %dma_start3A_334, %dma_start3A_335] : memref<2x128x128xf32, #tpu.memory_space<vmem>> -> memref<1x128x128xf32, #tpu.memory_space<vmem>>
        %dma_start3A_337 = tpu.memref_squeeze %dma_start3A_336 : memref<1x128x128xf32, #tpu.memory_space<vmem>> -> memref<128x128xf32, #tpu.memory_space<vmem>>
        %dma_start3A_338 = arith.constant 0 : i32
        %dma_start3A_339 = tpu.memref_slice %arg9[%rem3A_224, %run_scoped3A_226, %dma_start3A_338] : memref<2x8x128xi32, #tpu.memory_space<vmem>> -> memref<1x1x128xi32, #tpu.memory_space<vmem>>
        %dma_start3A_340 = tpu.memref_squeeze %dma_start3A_339 : memref<1x1x128xi32, #tpu.memory_space<vmem>> -> memref<128xi32, #tpu.memory_space<vmem>>
        %dma_start3A_341 = arith.constant 0 : i32
        %dma_start3A_342 = arith.constant 0 : i32
        %dma_start3A_343 = tpu.memref_slice %arg6[%dma_start3A_341, %dma_start3A_342] : memref<10000x128xf32, #tpu.memory_space<vmem_shared>> -> memref<10000x128xf32, #tpu.memory_space<vmem_shared>>
        tpu.enqueue_indirect_dma source(%dma_start3A_337 : memref<128x128xf32, #tpu.memory_space<vmem>>) target(%dma_start3A_343 : memref<10000x128xf32, #tpu.memory_space<vmem_shared>>) offsets(%dma_start3A_340 : memref<128xi32, #tpu.memory_space<vmem>>) semaphore(%run_scoped3A_333 : memref<!tpu.dma_semaphore, #tpu.memory_space<semaphore_mem>>) {add = true}
        %dma_wait3A_344 = arith.constant 0 : i32
        %dma_wait3A_345 = arith.constant 0 : i32
        %dma_wait3A_346 = tpu.memref_slice %arg12[%run_scoped3A_225, %dma_wait3A_344, %dma_wait3A_345] : memref<2x128x128xf32, #tpu.memory_space<vmem>> -> memref<1x128x128xf32, #tpu.memory_space<vmem>>
        %dma_wait3A_347 = tpu.memref_squeeze %dma_wait3A_346 : memref<1x128x128xf32, #tpu.memory_space<vmem>> -> memref<128x128xf32, #tpu.memory_space<vmem>>
        %dma_wait3A_348 = arith.constant 0 : i32
        %dma_wait3A_349 = tpu.memref_slice %arg9[%rem3A_224, %run_scoped3A_226, %dma_wait3A_348] : memref<2x8x128xi32, #tpu.memory_space<vmem>> -> memref<1x1x128xi32, #tpu.memory_space<vmem>>
        %dma_wait3A_350 = tpu.memref_squeeze %dma_wait3A_349 : memref<1x1x128xi32, #tpu.memory_space<vmem>> -> memref<128xi32, #tpu.memory_space<vmem>>
        %dma_wait3A_351 = arith.constant 0 : i32
        %dma_wait3A_352 = arith.constant 0 : i32
        %dma_wait3A_353 = tpu.memref_slice %arg6[%dma_wait3A_351, %dma_wait3A_352] : memref<10000x128xf32, #tpu.memory_space<vmem_shared>> -> memref<10000x128xf32, #tpu.memory_space<vmem_shared>>
        tpu.wait_indirect_dma semaphore(%run_scoped3A_333 : memref<!tpu.dma_semaphore, #tpu.memory_space<semaphore_mem>>) src(%dma_wait3A_347 : memref<128x128xf32, #tpu.memory_space<vmem>>) dst(%dma_wait3A_353 : memref<10000x128xf32, #tpu.memory_space<vmem_shared>>)
        tpu.yield
      }) : () -> ()
      %rem3A_227 = arith.constant 2 : i32
      %rem3A_228 = arith.remsi %while3A_89, %rem3A_227 : i32
      %dma_start3A_229 = arith.constant 5 : i32
      %dma_start3A_230 = arith.constant 1 : i32
      %dma_start3A_231 = arith.constant 0 : i32
      %dma_start3A_232 = arith.constant 0 : i32
      %dma_start3A_233 = tpu.memref_slice %arg12[%dma_start3A_230, %dma_start3A_231, %dma_start3A_232] : memref<2x128x128xf32, #tpu.memory_space<vmem>> -> memref<1x128x128xf32, #tpu.memory_space<vmem>>
      %dma_start3A_234 = tpu.memref_squeeze %dma_start3A_233 : memref<1x128x128xf32, #tpu.memory_space<vmem>> -> memref<128x128xf32, #tpu.memory_space<vmem>>
      %dma_start3A_235 = arith.constant 0 : i32
      %dma_start3A_236 = tpu.memref_slice %arg8[%rem3A_228, %dma_start3A_229, %dma_start3A_235] : memref<2x8x128xi32, #tpu.memory_space<vmem>> -> memref<1x1x128xi32, #tpu.memory_space<vmem>>
      %dma_start3A_237 = tpu.memref_squeeze %dma_start3A_236 : memref<1x1x128xi32, #tpu.memory_space<vmem>> -> memref<128xi32, #tpu.memory_space<vmem>>
      %dma_start3A_238 = arith.constant 0 : i32
      %dma_start3A_239 = arith.constant 0 : i32
      %dma_start3A_240 = tpu.memref_slice %arg2[%dma_start3A_238, %dma_start3A_239] : memref<20000x128xf32, #tpu.memory_space<hbm>> -> memref<20000x128xf32, #tpu.memory_space<hbm>>
      tpu.enqueue_indirect_dma source(%dma_start3A_240 : memref<20000x128xf32, #tpu.memory_space<hbm>>) target(%dma_start3A_234 : memref<128x128xf32, #tpu.memory_space<vmem>>) offsets(%dma_start3A_237 : memref<128xi32, #tpu.memory_space<vmem>>) semaphore(%arg16 : memref<!tpu.dma_semaphore, #tpu.memory_space<semaphore_mem>>)
      %dma_wait3A_241 = arith.constant 4 : i32
      %dma_wait3A_242 = arith.constant 0 : i32
      %dma_wait3A_243 = arith.constant 0 : i32
      %dma_wait3A_244 = arith.constant 0 : i32
      %dma_wait3A_245 = tpu.memref_slice %arg12[%dma_wait3A_242, %dma_wait3A_243, %dma_wait3A_244] : memref<2x128x128xf32, #tpu.memory_space<vmem>> -> memref<1x128x128xf32, #tpu.memory_space<vmem>>
      %dma_wait3A_246 = tpu.memref_squeeze %dma_wait3A_245 : memref<1x128x128xf32, #tpu.memory_space<vmem>> -> memref<128x128xf32, #tpu.memory_space<vmem>>
      %dma_wait3A_247 = arith.constant 0 : i32
      %dma_wait3A_248 = tpu.memref_slice %arg8[%rem3A_198, %dma_wait3A_241, %dma_wait3A_247] : memref<2x8x128xi32, #tpu.memory_space<vmem>> -> memref<1x1x128xi32, #tpu.memory_space<vmem>>
      %dma_wait3A_249 = tpu.memref_squeeze %dma_wait3A_248 : memref<1x1x128xi32, #tpu.memory_space<vmem>> -> memref<128xi32, #tpu.memory_space<vmem>>
      %dma_wait3A_250 = arith.constant 0 : i32
      %dma_wait3A_251 = arith.constant 0 : i32
      %dma_wait3A_252 = tpu.memref_slice %arg2[%dma_wait3A_250, %dma_wait3A_251] : memref<20000x128xf32, #tpu.memory_space<hbm>> -> memref<20000x128xf32, #tpu.memory_space<hbm>>
      tpu.wait_indirect_dma semaphore(%arg15 : memref<!tpu.dma_semaphore, #tpu.memory_space<semaphore_mem>>) src(%dma_wait3A_252 : memref<20000x128xf32, #tpu.memory_space<hbm>>) dst(%dma_wait3A_246 : memref<128x128xf32, #tpu.memory_space<vmem>>)
      %rem3A_253 = arith.constant 2 : i32
      %rem3A_254 = arith.remsi %while3A_89, %rem3A_253 : i32
      %run_scoped3A_255 = arith.constant 0 : i32
      %run_scoped3A_256 = arith.constant 4 : i32
      "tpu.region"() ({
        %run_scoped3A_333 = tpu.sem_alloc : memref<!tpu.dma_semaphore, #tpu.memory_space<semaphore_mem>>
        %dma_start3A_334 = arith.constant 0 : i32
        %dma_start3A_335 = arith.constant 0 : i32
        %dma_start3A_336 = tpu.memref_slice %arg12[%run_scoped3A_255, %dma_start3A_334, %dma_start3A_335] : memref<2x128x128xf32, #tpu.memory_space<vmem>> -> memref<1x128x128xf32, #tpu.memory_space<vmem>>
        %dma_start3A_337 = tpu.memref_squeeze %dma_start3A_336 : memref<1x128x128xf32, #tpu.memory_space<vmem>> -> memref<128x128xf32, #tpu.memory_space<vmem>>
        %dma_start3A_338 = arith.constant 0 : i32
        %dma_start3A_339 = tpu.memref_slice %arg9[%rem3A_254, %run_scoped3A_256, %dma_start3A_338] : memref<2x8x128xi32, #tpu.memory_space<vmem>> -> memref<1x1x128xi32, #tpu.memory_space<vmem>>
        %dma_start3A_340 = tpu.memref_squeeze %dma_start3A_339 : memref<1x1x128xi32, #tpu.memory_space<vmem>> -> memref<128xi32, #tpu.memory_space<vmem>>
        %dma_start3A_341 = arith.constant 0 : i32
        %dma_start3A_342 = arith.constant 0 : i32
        %dma_start3A_343 = tpu.memref_slice %arg6[%dma_start3A_341, %dma_start3A_342] : memref<10000x128xf32, #tpu.memory_space<vmem_shared>> -> memref<10000x128xf32, #tpu.memory_space<vmem_shared>>
        tpu.enqueue_indirect_dma source(%dma_start3A_337 : memref<128x128xf32, #tpu.memory_space<vmem>>) target(%dma_start3A_343 : memref<10000x128xf32, #tpu.memory_space<vmem_shared>>) offsets(%dma_start3A_340 : memref<128xi32, #tpu.memory_space<vmem>>) semaphore(%run_scoped3A_333 : memref<!tpu.dma_semaphore, #tpu.memory_space<semaphore_mem>>) {add = true}
        %dma_wait3A_344 = arith.constant 0 : i32
        %dma_wait3A_345 = arith.constant 0 : i32
        %dma_wait3A_346 = tpu.memref_slice %arg12[%run_scoped3A_255, %dma_wait3A_344, %dma_wait3A_345] : memref<2x128x128xf32, #tpu.memory_space<vmem>> -> memref<1x128x128xf32, #tpu.memory_space<vmem>>
        %dma_wait3A_347 = tpu.memref_squeeze %dma_wait3A_346 : memref<1x128x128xf32, #tpu.memory_space<vmem>> -> memref<128x128xf32, #tpu.memory_space<vmem>>
        %dma_wait3A_348 = arith.constant 0 : i32
        %dma_wait3A_349 = tpu.memref_slice %arg9[%rem3A_254, %run_scoped3A_256, %dma_wait3A_348] : memref<2x8x128xi32, #tpu.memory_space<vmem>> -> memref<1x1x128xi32, #tpu.memory_space<vmem>>
        %dma_wait3A_350 = tpu.memref_squeeze %dma_wait3A_349 : memref<1x1x128xi32, #tpu.memory_space<vmem>> -> memref<128xi32, #tpu.memory_space<vmem>>
        %dma_wait3A_351 = arith.constant 0 : i32
        %dma_wait3A_352 = arith.constant 0 : i32
        %dma_wait3A_353 = tpu.memref_slice %arg6[%dma_wait3A_351, %dma_wait3A_352] : memref<10000x128xf32, #tpu.memory_space<vmem_shared>> -> memref<10000x128xf32, #tpu.memory_space<vmem_shared>>
        tpu.wait_indirect_dma semaphore(%run_scoped3A_333 : memref<!tpu.dma_semaphore, #tpu.memory_space<semaphore_mem>>) src(%dma_wait3A_347 : memref<128x128xf32, #tpu.memory_space<vmem>>) dst(%dma_wait3A_353 : memref<10000x128xf32, #tpu.memory_space<vmem_shared>>)
        tpu.yield
      }) : () -> ()
      %rem3A_257 = arith.constant 2 : i32
      %rem3A_258 = arith.remsi %while3A_89, %rem3A_257 : i32
      %dma_start3A_259 = arith.constant 6 : i32
      %dma_start3A_260 = arith.constant 0 : i32
      %dma_start3A_261 = arith.constant 0 : i32
      %dma_start3A_262 = arith.constant 0 : i32
      %dma_start3A_263 = tpu.memref_slice %arg12[%dma_start3A_260, %dma_start3A_261, %dma_start3A_262] : memref<2x128x128xf32, #tpu.memory_space<vmem>> -> memref<1x128x128xf32, #tpu.memory_space<vmem>>
      %dma_start3A_264 = tpu.memref_squeeze %dma_start3A_263 : memref<1x128x128xf32, #tpu.memory_space<vmem>> -> memref<128x128xf32, #tpu.memory_space<vmem>>
      %dma_start3A_265 = arith.constant 0 : i32
      %dma_start3A_266 = tpu.memref_slice %arg8[%rem3A_258, %dma_start3A_259, %dma_start3A_265] : memref<2x8x128xi32, #tpu.memory_space<vmem>> -> memref<1x1x128xi32, #tpu.memory_space<vmem>>
      %dma_start3A_267 = tpu.memref_squeeze %dma_start3A_266 : memref<1x1x128xi32, #tpu.memory_space<vmem>> -> memref<128xi32, #tpu.memory_space<vmem>>
      %dma_start3A_268 = arith.constant 0 : i32
      %dma_start3A_269 = arith.constant 0 : i32
      %dma_start3A_270 = tpu.memref_slice %arg2[%dma_start3A_268, %dma_start3A_269] : memref<20000x128xf32, #tpu.memory_space<hbm>> -> memref<20000x128xf32, #tpu.memory_space<hbm>>
      tpu.enqueue_indirect_dma source(%dma_start3A_270 : memref<20000x128xf32, #tpu.memory_space<hbm>>) target(%dma_start3A_264 : memref<128x128xf32, #tpu.memory_space<vmem>>) offsets(%dma_start3A_267 : memref<128xi32, #tpu.memory_space<vmem>>) semaphore(%arg15 : memref<!tpu.dma_semaphore, #tpu.memory_space<semaphore_mem>>)
      %dma_wait3A_271 = arith.constant 5 : i32
      %dma_wait3A_272 = arith.constant 1 : i32
      %dma_wait3A_273 = arith.constant 0 : i32
      %dma_wait3A_274 = arith.constant 0 : i32
      %dma_wait3A_275 = tpu.memref_slice %arg12[%dma_wait3A_272, %dma_wait3A_273, %dma_wait3A_274] : memref<2x128x128xf32, #tpu.memory_space<vmem>> -> memref<1x128x128xf32, #tpu.memory_space<vmem>>
      %dma_wait3A_276 = tpu.memref_squeeze %dma_wait3A_275 : memref<1x128x128xf32, #tpu.memory_space<vmem>> -> memref<128x128xf32, #tpu.memory_space<vmem>>
      %dma_wait3A_277 = arith.constant 0 : i32
      %dma_wait3A_278 = tpu.memref_slice %arg8[%rem3A_228, %dma_wait3A_271, %dma_wait3A_277] : memref<2x8x128xi32, #tpu.memory_space<vmem>> -> memref<1x1x128xi32, #tpu.memory_space<vmem>>
      %dma_wait3A_279 = tpu.memref_squeeze %dma_wait3A_278 : memref<1x1x128xi32, #tpu.memory_space<vmem>> -> memref<128xi32, #tpu.memory_space<vmem>>
      %dma_wait3A_280 = arith.constant 0 : i32
      %dma_wait3A_281 = arith.constant 0 : i32
      %dma_wait3A_282 = tpu.memref_slice %arg2[%dma_wait3A_280, %dma_wait3A_281] : memref<20000x128xf32, #tpu.memory_space<hbm>> -> memref<20000x128xf32, #tpu.memory_space<hbm>>
      tpu.wait_indirect_dma semaphore(%arg16 : memref<!tpu.dma_semaphore, #tpu.memory_space<semaphore_mem>>) src(%dma_wait3A_282 : memref<20000x128xf32, #tpu.memory_space<hbm>>) dst(%dma_wait3A_276 : memref<128x128xf32, #tpu.memory_space<vmem>>)
      %rem3A_283 = arith.constant 2 : i32
      %rem3A_284 = arith.remsi %while3A_89, %rem3A_283 : i32
      %run_scoped3A_285 = arith.constant 1 : i32
      %run_scoped3A_286 = arith.constant 5 : i32
      "tpu.region"() ({
        %run_scoped3A_333 = tpu.sem_alloc : memref<!tpu.dma_semaphore, #tpu.memory_space<semaphore_mem>>
        %dma_start3A_334 = arith.constant 0 : i32
        %dma_start3A_335 = arith.constant 0 : i32
        %dma_start3A_336 = tpu.memref_slice %arg12[%run_scoped3A_285, %dma_start3A_334, %dma_start3A_335] : memref<2x128x128xf32, #tpu.memory_space<vmem>> -> memref<1x128x128xf32, #tpu.memory_space<vmem>>
        %dma_start3A_337 = tpu.memref_squeeze %dma_start3A_336 : memref<1x128x128xf32, #tpu.memory_space<vmem>> -> memref<128x128xf32, #tpu.memory_space<vmem>>
        %dma_start3A_338 = arith.constant 0 : i32
        %dma_start3A_339 = tpu.memref_slice %arg9[%rem3A_284, %run_scoped3A_286, %dma_start3A_338] : memref<2x8x128xi32, #tpu.memory_space<vmem>> -> memref<1x1x128xi32, #tpu.memory_space<vmem>>
        %dma_start3A_340 = tpu.memref_squeeze %dma_start3A_339 : memref<1x1x128xi32, #tpu.memory_space<vmem>> -> memref<128xi32, #tpu.memory_space<vmem>>
        %dma_start3A_341 = arith.constant 0 : i32
        %dma_start3A_342 = arith.constant 0 : i32
        %dma_start3A_343 = tpu.memref_slice %arg6[%dma_start3A_341, %dma_start3A_342] : memref<10000x128xf32, #tpu.memory_space<vmem_shared>> -> memref<10000x128xf32, #tpu.memory_space<vmem_shared>>
        tpu.enqueue_indirect_dma source(%dma_start3A_337 : memref<128x128xf32, #tpu.memory_space<vmem>>) target(%dma_start3A_343 : memref<10000x128xf32, #tpu.memory_space<vmem_shared>>) offsets(%dma_start3A_340 : memref<128xi32, #tpu.memory_space<vmem>>) semaphore(%run_scoped3A_333 : memref<!tpu.dma_semaphore, #tpu.memory_space<semaphore_mem>>) {add = true}
        %dma_wait3A_344 = arith.constant 0 : i32
        %dma_wait3A_345 = arith.constant 0 : i32
        %dma_wait3A_346 = tpu.memref_slice %arg12[%run_scoped3A_285, %dma_wait3A_344, %dma_wait3A_345] : memref<2x128x128xf32, #tpu.memory_space<vmem>> -> memref<1x128x128xf32, #tpu.memory_space<vmem>>
        %dma_wait3A_347 = tpu.memref_squeeze %dma_wait3A_346 : memref<1x128x128xf32, #tpu.memory_space<vmem>> -> memref<128x128xf32, #tpu.memory_space<vmem>>
        %dma_wait3A_348 = arith.constant 0 : i32
        %dma_wait3A_349 = tpu.memref_slice %arg9[%rem3A_284, %run_scoped3A_286, %dma_wait3A_348] : memref<2x8x128xi32, #tpu.memory_space<vmem>> -> memref<1x1x128xi32, #tpu.memory_space<vmem>>
        %dma_wait3A_350 = tpu.memref_squeeze %dma_wait3A_349 : memref<1x1x128xi32, #tpu.memory_space<vmem>> -> memref<128xi32, #tpu.memory_space<vmem>>
        %dma_wait3A_351 = arith.constant 0 : i32
        %dma_wait3A_352 = arith.constant 0 : i32
        %dma_wait3A_353 = tpu.memref_slice %arg6[%dma_wait3A_351, %dma_wait3A_352] : memref<10000x128xf32, #tpu.memory_space<vmem_shared>> -> memref<10000x128xf32, #tpu.memory_space<vmem_shared>>
        tpu.wait_indirect_dma semaphore(%run_scoped3A_333 : memref<!tpu.dma_semaphore, #tpu.memory_space<semaphore_mem>>) src(%dma_wait3A_347 : memref<128x128xf32, #tpu.memory_space<vmem>>) dst(%dma_wait3A_353 : memref<10000x128xf32, #tpu.memory_space<vmem_shared>>)
        tpu.yield
      }) : () -> ()
      %rem3A_287 = arith.constant 2 : i32
      %rem3A_288 = arith.remsi %while3A_89, %rem3A_287 : i32
      %dma_start3A_289 = arith.constant 7 : i32
      %dma_start3A_290 = arith.constant 1 : i32
      %dma_start3A_291 = arith.constant 0 : i32
      %dma_start3A_292 = arith.constant 0 : i32
      %dma_start3A_293 = tpu.memref_slice %arg12[%dma_start3A_290, %dma_start3A_291, %dma_start3A_292] : memref<2x128x128xf32, #tpu.memory_space<vmem>> -> memref<1x128x128xf32, #tpu.memory_space<vmem>>
      %dma_start3A_294 = tpu.memref_squeeze %dma_start3A_293 : memref<1x128x128xf32, #tpu.memory_space<vmem>> -> memref<128x128xf32, #tpu.memory_space<vmem>>
      %dma_start3A_295 = arith.constant 0 : i32
      %dma_start3A_296 = tpu.memref_slice %arg8[%rem3A_288, %dma_start3A_289, %dma_start3A_295] : memref<2x8x128xi32, #tpu.memory_space<vmem>> -> memref<1x1x128xi32, #tpu.memory_space<vmem>>
      %dma_start3A_297 = tpu.memref_squeeze %dma_start3A_296 : memref<1x1x128xi32, #tpu.memory_space<vmem>> -> memref<128xi32, #tpu.memory_space<vmem>>
      %dma_start3A_298 = arith.constant 0 : i32
      %dma_start3A_299 = arith.constant 0 : i32
      %dma_start3A_300 = tpu.memref_slice %arg2[%dma_start3A_298, %dma_start3A_299] : memref<20000x128xf32, #tpu.memory_space<hbm>> -> memref<20000x128xf32, #tpu.memory_space<hbm>>
      tpu.enqueue_indirect_dma source(%dma_start3A_300 : memref<20000x128xf32, #tpu.memory_space<hbm>>) target(%dma_start3A_294 : memref<128x128xf32, #tpu.memory_space<vmem>>) offsets(%dma_start3A_297 : memref<128xi32, #tpu.memory_space<vmem>>) semaphore(%arg16 : memref<!tpu.dma_semaphore, #tpu.memory_space<semaphore_mem>>)
      %dma_wait3A_301 = arith.constant 6 : i32
      %dma_wait3A_302 = arith.constant 0 : i32
      %dma_wait3A_303 = arith.constant 0 : i32
      %dma_wait3A_304 = arith.constant 0 : i32
      %dma_wait3A_305 = tpu.memref_slice %arg12[%dma_wait3A_302, %dma_wait3A_303, %dma_wait3A_304] : memref<2x128x128xf32, #tpu.memory_space<vmem>> -> memref<1x128x128xf32, #tpu.memory_space<vmem>>
      %dma_wait3A_306 = tpu.memref_squeeze %dma_wait3A_305 : memref<1x128x128xf32, #tpu.memory_space<vmem>> -> memref<128x128xf32, #tpu.memory_space<vmem>>
      %dma_wait3A_307 = arith.constant 0 : i32
      %dma_wait3A_308 = tpu.memref_slice %arg8[%rem3A_258, %dma_wait3A_301, %dma_wait3A_307] : memref<2x8x128xi32, #tpu.memory_space<vmem>> -> memref<1x1x128xi32, #tpu.memory_space<vmem>>
      %dma_wait3A_309 = tpu.memref_squeeze %dma_wait3A_308 : memref<1x1x128xi32, #tpu.memory_space<vmem>> -> memref<128xi32, #tpu.memory_space<vmem>>
      %dma_wait3A_310 = arith.constant 0 : i32
      %dma_wait3A_311 = arith.constant 0 : i32
      %dma_wait3A_312 = tpu.memref_slice %arg2[%dma_wait3A_310, %dma_wait3A_311] : memref<20000x128xf32, #tpu.memory_space<hbm>> -> memref<20000x128xf32, #tpu.memory_space<hbm>>
      tpu.wait_indirect_dma semaphore(%arg15 : memref<!tpu.dma_semaphore, #tpu.memory_space<semaphore_mem>>) src(%dma_wait3A_312 : memref<20000x128xf32, #tpu.memory_space<hbm>>) dst(%dma_wait3A_306 : memref<128x128xf32, #tpu.memory_space<vmem>>)
      %rem3A_313 = arith.constant 2 : i32
      %rem3A_314 = arith.remsi %while3A_89, %rem3A_313 : i32
      %run_scoped3A_315 = arith.constant 0 : i32
      %run_scoped3A_316 = arith.constant 6 : i32
      "tpu.region"() ({
        %run_scoped3A_333 = tpu.sem_alloc : memref<!tpu.dma_semaphore, #tpu.memory_space<semaphore_mem>>
        %dma_start3A_334 = arith.constant 0 : i32
        %dma_start3A_335 = arith.constant 0 : i32
        %dma_start3A_336 = tpu.memref_slice %arg12[%run_scoped3A_315, %dma_start3A_334, %dma_start3A_335] : memref<2x128x128xf32, #tpu.memory_space<vmem>> -> memref<1x128x128xf32, #tpu.memory_space<vmem>>
        %dma_start3A_337 = tpu.memref_squeeze %dma_start3A_336 : memref<1x128x128xf32, #tpu.memory_space<vmem>> -> memref<128x128xf32, #tpu.memory_space<vmem>>
        %dma_start3A_338 = arith.constant 0 : i32
        %dma_start3A_339 = tpu.memref_slice %arg9[%rem3A_314, %run_scoped3A_316, %dma_start3A_338] : memref<2x8x128xi32, #tpu.memory_space<vmem>> -> memref<1x1x128xi32, #tpu.memory_space<vmem>>
        %dma_start3A_340 = tpu.memref_squeeze %dma_start3A_339 : memref<1x1x128xi32, #tpu.memory_space<vmem>> -> memref<128xi32, #tpu.memory_space<vmem>>
        %dma_start3A_341 = arith.constant 0 : i32
        %dma_start3A_342 = arith.constant 0 : i32
        %dma_start3A_343 = tpu.memref_slice %arg6[%dma_start3A_341, %dma_start3A_342] : memref<10000x128xf32, #tpu.memory_space<vmem_shared>> -> memref<10000x128xf32, #tpu.memory_space<vmem_shared>>
        tpu.enqueue_indirect_dma source(%dma_start3A_337 : memref<128x128xf32, #tpu.memory_space<vmem>>) target(%dma_start3A_343 : memref<10000x128xf32, #tpu.memory_space<vmem_shared>>) offsets(%dma_start3A_340 : memref<128xi32, #tpu.memory_space<vmem>>) semaphore(%run_scoped3A_333 : memref<!tpu.dma_semaphore, #tpu.memory_space<semaphore_mem>>) {add = true}
        %dma_wait3A_344 = arith.constant 0 : i32
        %dma_wait3A_345 = arith.constant 0 : i32
        %dma_wait3A_346 = tpu.memref_slice %arg12[%run_scoped3A_315, %dma_wait3A_344, %dma_wait3A_345] : memref<2x128x128xf32, #tpu.memory_space<vmem>> -> memref<1x128x128xf32, #tpu.memory_space<vmem>>
        %dma_wait3A_347 = tpu.memref_squeeze %dma_wait3A_346 : memref<1x128x128xf32, #tpu.memory_space<vmem>> -> memref<128x128xf32, #tpu.memory_space<vmem>>
        %dma_wait3A_348 = arith.constant 0 : i32
        %dma_wait3A_349 = tpu.memref_slice %arg9[%rem3A_314, %run_scoped3A_316, %dma_wait3A_348] : memref<2x8x128xi32, #tpu.memory_space<vmem>> -> memref<1x1x128xi32, #tpu.memory_space<vmem>>
        %dma_wait3A_350 = tpu.memref_squeeze %dma_wait3A_349 : memref<1x1x128xi32, #tpu.memory_space<vmem>> -> memref<128xi32, #tpu.memory_space<vmem>>
        %dma_wait3A_351 = arith.constant 0 : i32
        %dma_wait3A_352 = arith.constant 0 : i32
        %dma_wait3A_353 = tpu.memref_slice %arg6[%dma_wait3A_351, %dma_wait3A_352] : memref<10000x128xf32, #tpu.memory_space<vmem_shared>> -> memref<10000x128xf32, #tpu.memory_space<vmem_shared>>
        tpu.wait_indirect_dma semaphore(%run_scoped3A_333 : memref<!tpu.dma_semaphore, #tpu.memory_space<semaphore_mem>>) src(%dma_wait3A_347 : memref<128x128xf32, #tpu.memory_space<vmem>>) dst(%dma_wait3A_353 : memref<10000x128xf32, #tpu.memory_space<vmem_shared>>)
        tpu.yield
      }) : () -> ()
      %dma_wait3A_317 = arith.constant 7 : i32
      %dma_wait3A_318 = arith.constant 1 : i32
      %dma_wait3A_319 = arith.constant 0 : i32
      %dma_wait3A_320 = arith.constant 0 : i32
      %dma_wait3A_321 = tpu.memref_slice %arg12[%dma_wait3A_318, %dma_wait3A_319, %dma_wait3A_320] : memref<2x128x128xf32, #tpu.memory_space<vmem>> -> memref<1x128x128xf32, #tpu.memory_space<vmem>>
      %dma_wait3A_322 = tpu.memref_squeeze %dma_wait3A_321 : memref<1x128x128xf32, #tpu.memory_space<vmem>> -> memref<128x128xf32, #tpu.memory_space<vmem>>
      %dma_wait3A_323 = arith.constant 0 : i32
      %dma_wait3A_324 = tpu.memref_slice %arg8[%rem3A_288, %dma_wait3A_317, %dma_wait3A_323] : memref<2x8x128xi32, #tpu.memory_space<vmem>> -> memref<1x1x128xi32, #tpu.memory_space<vmem>>
      %dma_wait3A_325 = tpu.memref_squeeze %dma_wait3A_324 : memref<1x1x128xi32, #tpu.memory_space<vmem>> -> memref<128xi32, #tpu.memory_space<vmem>>
      %dma_wait3A_326 = arith.constant 0 : i32
      %dma_wait3A_327 = arith.constant 0 : i32
      %dma_wait3A_328 = tpu.memref_slice %arg2[%dma_wait3A_326, %dma_wait3A_327] : memref<20000x128xf32, #tpu.memory_space<hbm>> -> memref<20000x128xf32, #tpu.memory_space<hbm>>
      tpu.wait_indirect_dma semaphore(%arg16 : memref<!tpu.dma_semaphore, #tpu.memory_space<semaphore_mem>>) src(%dma_wait3A_328 : memref<20000x128xf32, #tpu.memory_space<hbm>>) dst(%dma_wait3A_322 : memref<128x128xf32, #tpu.memory_space<vmem>>)
      %rem3A_329 = arith.constant 2 : i32
      %rem3A_330 = arith.remsi %while3A_89, %rem3A_329 : i32
      %run_scoped3A_331 = arith.constant 1 : i32
      %run_scoped3A_332 = arith.constant 7 : i32
      "tpu.region"() ({
        %run_scoped3A_333 = tpu.sem_alloc : memref<!tpu.dma_semaphore, #tpu.memory_space<semaphore_mem>>
        %dma_start3A_334 = arith.constant 0 : i32
        %dma_start3A_335 = arith.constant 0 : i32
        %dma_start3A_336 = tpu.memref_slice %arg12[%run_scoped3A_331, %dma_start3A_334, %dma_start3A_335] : memref<2x128x128xf32, #tpu.memory_space<vmem>> -> memref<1x128x128xf32, #tpu.memory_space<vmem>>
        %dma_start3A_337 = tpu.memref_squeeze %dma_start3A_336 : memref<1x128x128xf32, #tpu.memory_space<vmem>> -> memref<128x128xf32, #tpu.memory_space<vmem>>
        %dma_start3A_338 = arith.constant 0 : i32
        %dma_start3A_339 = tpu.memref_slice %arg9[%rem3A_330, %run_scoped3A_332, %dma_start3A_338] : memref<2x8x128xi32, #tpu.memory_space<vmem>> -> memref<1x1x128xi32, #tpu.memory_space<vmem>>
        %dma_start3A_340 = tpu.memref_squeeze %dma_start3A_339 : memref<1x1x128xi32, #tpu.memory_space<vmem>> -> memref<128xi32, #tpu.memory_space<vmem>>
        %dma_start3A_341 = arith.constant 0 : i32
        %dma_start3A_342 = arith.constant 0 : i32
        %dma_start3A_343 = tpu.memref_slice %arg6[%dma_start3A_341, %dma_start3A_342] : memref<10000x128xf32, #tpu.memory_space<vmem_shared>> -> memref<10000x128xf32, #tpu.memory_space<vmem_shared>>
        tpu.enqueue_indirect_dma source(%dma_start3A_337 : memref<128x128xf32, #tpu.memory_space<vmem>>) target(%dma_start3A_343 : memref<10000x128xf32, #tpu.memory_space<vmem_shared>>) offsets(%dma_start3A_340 : memref<128xi32, #tpu.memory_space<vmem>>) semaphore(%run_scoped3A_333 : memref<!tpu.dma_semaphore, #tpu.memory_space<semaphore_mem>>) {add = true}
        %dma_wait3A_344 = arith.constant 0 : i32
        %dma_wait3A_345 = arith.constant 0 : i32
        %dma_wait3A_346 = tpu.memref_slice %arg12[%run_scoped3A_331, %dma_wait3A_344, %dma_wait3A_345] : memref<2x128x128xf32, #tpu.memory_space<vmem>> -> memref<1x128x128xf32, #tpu.memory_space<vmem>>
        %dma_wait3A_347 = tpu.memref_squeeze %dma_wait3A_346 : memref<1x128x128xf32, #tpu.memory_space<vmem>> -> memref<128x128xf32, #tpu.memory_space<vmem>>
        %dma_wait3A_348 = arith.constant 0 : i32
        %dma_wait3A_349 = tpu.memref_slice %arg9[%rem3A_330, %run_scoped3A_332, %dma_wait3A_348] : memref<2x8x128xi32, #tpu.memory_space<vmem>> -> memref<1x1x128xi32, #tpu.memory_space<vmem>>
        %dma_wait3A_350 = tpu.memref_squeeze %dma_wait3A_349 : memref<1x1x128xi32, #tpu.memory_space<vmem>> -> memref<128xi32, #tpu.memory_space<vmem>>
        %dma_wait3A_351 = arith.constant 0 : i32
        %dma_wait3A_352 = arith.constant 0 : i32
        %dma_wait3A_353 = tpu.memref_slice %arg6[%dma_wait3A_351, %dma_wait3A_352] : memref<10000x128xf32, #tpu.memory_space<vmem_shared>> -> memref<10000x128xf32, #tpu.memory_space<vmem_shared>>
        tpu.wait_indirect_dma semaphore(%run_scoped3A_333 : memref<!tpu.dma_semaphore, #tpu.memory_space<semaphore_mem>>) src(%dma_wait3A_347 : memref<128x128xf32, #tpu.memory_space<vmem>>) dst(%dma_wait3A_353 : memref<10000x128xf32, #tpu.memory_space<vmem_shared>>)
        tpu.yield
      }) : () -> ()
    }
    %lt3A_70 = arith.constant 2 : i32
    %lt3A_71 = arith.cmpi slt, %arg1, %lt3A_70 : i32
    %convert_element_type3A_72 = arith.extui %lt3A_71 : i1 to i32
    %cond3A_73 = arith.constant 0 : i32
    %cond3A_74 = arith.cmpi ne, %convert_element_type3A_72, %cond3A_73 : i32
    scf.if %cond3A_74 {
      %dma_start3A = arith.constant 0 : i32
      %dma_start3A_89 = arith.constant 0 : i32
      %dma_start3A_90 = arith.constant 0 : i32
      %dma_start3A_91 = tpu.memref_slice %arg12[%dma_start3A, %dma_start3A_89, %dma_start3A_90] : memref<2x128x128xf32, #tpu.memory_space<vmem>> -> memref<1x128x128xf32, #tpu.memory_space<vmem>>
      %dma_start3A_92 = tpu.memref_squeeze %dma_start3A_91 : memref<1x128x128xf32, #tpu.memory_space<vmem>> -> memref<128x128xf32, #tpu.memory_space<vmem>>
      %dma_start3A_93 = arith.constant 0 : i32
      %dma_start3A_94 = tpu.memref_slice %arg10[%arg1, %dma_start3A_93] : memref<2x128xi32, #tpu.memory_space<vmem>> -> memref<1x128xi32, #tpu.memory_space<vmem>>
      %dma_start3A_95 = tpu.memref_squeeze %dma_start3A_94 : memref<1x128xi32, #tpu.memory_space<vmem>> -> memref<128xi32, #tpu.memory_space<vmem>>
      %dma_start3A_96 = arith.constant 0 : i32
      %dma_start3A_97 = arith.constant 0 : i32
      %dma_start3A_98 = tpu.memref_slice %arg2[%dma_start3A_96, %dma_start3A_97] : memref<20000x128xf32, #tpu.memory_space<hbm>> -> memref<20000x128xf32, #tpu.memory_space<hbm>>
      tpu.enqueue_indirect_dma source(%dma_start3A_98 : memref<20000x128xf32, #tpu.memory_space<hbm>>) target(%dma_start3A_92 : memref<128x128xf32, #tpu.memory_space<vmem>>) offsets(%dma_start3A_95 : memref<128xi32, #tpu.memory_space<vmem>>) semaphore(%arg15 : memref<!tpu.dma_semaphore, #tpu.memory_space<semaphore_mem>>)
      %dma_wait3A = arith.constant 0 : i32
      %dma_wait3A_99 = arith.constant 0 : i32
      %dma_wait3A_100 = arith.constant 0 : i32
      %dma_wait3A_101 = tpu.memref_slice %arg12[%dma_wait3A, %dma_wait3A_99, %dma_wait3A_100] : memref<2x128x128xf32, #tpu.memory_space<vmem>> -> memref<1x128x128xf32, #tpu.memory_space<vmem>>
      %dma_wait3A_102 = tpu.memref_squeeze %dma_wait3A_101 : memref<1x128x128xf32, #tpu.memory_space<vmem>> -> memref<128x128xf32, #tpu.memory_space<vmem>>
      %dma_wait3A_103 = arith.constant 0 : i32
      %dma_wait3A_104 = tpu.memref_slice %arg10[%arg1, %dma_wait3A_103] : memref<2x128xi32, #tpu.memory_space<vmem>> -> memref<1x128xi32, #tpu.memory_space<vmem>>
      %dma_wait3A_105 = tpu.memref_squeeze %dma_wait3A_104 : memref<1x128xi32, #tpu.memory_space<vmem>> -> memref<128xi32, #tpu.memory_space<vmem>>
      %dma_wait3A_106 = arith.constant 0 : i32
      %dma_wait3A_107 = arith.constant 0 : i32
      %dma_wait3A_108 = tpu.memref_slice %arg2[%dma_wait3A_106, %dma_wait3A_107] : memref<20000x128xf32, #tpu.memory_space<hbm>> -> memref<20000x128xf32, #tpu.memory_space<hbm>>
      tpu.wait_indirect_dma semaphore(%arg15 : memref<!tpu.dma_semaphore, #tpu.memory_space<semaphore_mem>>) src(%dma_wait3A_108 : memref<20000x128xf32, #tpu.memory_space<hbm>>) dst(%dma_wait3A_102 : memref<128x128xf32, #tpu.memory_space<vmem>>)
      %run_scoped3A = arith.constant 0 : i32
      "tpu.region"() ({
        %run_scoped3A_109 = tpu.sem_alloc : memref<!tpu.dma_semaphore, #tpu.memory_space<semaphore_mem>>
        %dma_start3A_110 = arith.constant 0 : i32
        %dma_start3A_111 = arith.constant 0 : i32
        %dma_start3A_112 = tpu.memref_slice %arg12[%run_scoped3A, %dma_start3A_110, %dma_start3A_111] : memref<2x128x128xf32, #tpu.memory_space<vmem>> -> memref<1x128x128xf32, #tpu.memory_space<vmem>>
        %dma_start3A_113 = tpu.memref_squeeze %dma_start3A_112 : memref<1x128x128xf32, #tpu.memory_space<vmem>> -> memref<128x128xf32, #tpu.memory_space<vmem>>
        %dma_start3A_114 = arith.constant 0 : i32
        %dma_start3A_115 = tpu.memref_slice %arg11[%arg1, %dma_start3A_114] : memref<2x128xi32, #tpu.memory_space<vmem>> -> memref<1x128xi32, #tpu.memory_space<vmem>>
        %dma_start3A_116 = tpu.memref_squeeze %dma_start3A_115 : memref<1x128xi32, #tpu.memory_space<vmem>> -> memref<128xi32, #tpu.memory_space<vmem>>
        %dma_start3A_117 = arith.constant 0 : i32
        %dma_start3A_118 = arith.constant 0 : i32
        %dma_start3A_119 = tpu.memref_slice %arg6[%dma_start3A_117, %dma_start3A_118] : memref<10000x128xf32, #tpu.memory_space<vmem_shared>> -> memref<10000x128xf32, #tpu.memory_space<vmem_shared>>
        tpu.enqueue_indirect_dma source(%dma_start3A_113 : memref<128x128xf32, #tpu.memory_space<vmem>>) target(%dma_start3A_119 : memref<10000x128xf32, #tpu.memory_space<vmem_shared>>) offsets(%dma_start3A_116 : memref<128xi32, #tpu.memory_space<vmem>>) semaphore(%run_scoped3A_109 : memref<!tpu.dma_semaphore, #tpu.memory_space<semaphore_mem>>) {add = true}
        %dma_wait3A_120 = arith.constant 0 : i32
        %dma_wait3A_121 = arith.constant 0 : i32
        %dma_wait3A_122 = tpu.memref_slice %arg12[%run_scoped3A, %dma_wait3A_120, %dma_wait3A_121] : memref<2x128x128xf32, #tpu.memory_space<vmem>> -> memref<1x128x128xf32, #tpu.memory_space<vmem>>
        %dma_wait3A_123 = tpu.memref_squeeze %dma_wait3A_122 : memref<1x128x128xf32, #tpu.memory_space<vmem>> -> memref<128x128xf32, #tpu.memory_space<vmem>>
        %dma_wait3A_124 = arith.constant 0 : i32
        %dma_wait3A_125 = tpu.memref_slice %arg11[%arg1, %dma_wait3A_124] : memref<2x128xi32, #tpu.memory_space<vmem>> -> memref<1x128xi32, #tpu.memory_space<vmem>>
        %dma_wait3A_126 = tpu.memref_squeeze %dma_wait3A_125 : memref<1x128xi32, #tpu.memory_space<vmem>> -> memref<128xi32, #tpu.memory_space<vmem>>
        %dma_wait3A_127 = arith.constant 0 : i32
        %dma_wait3A_128 = arith.constant 0 : i32
        %dma_wait3A_129 = tpu.memref_slice %arg6[%dma_wait3A_127, %dma_wait3A_128] : memref<10000x128xf32, #tpu.memory_space<vmem_shared>> -> memref<10000x128xf32, #tpu.memory_space<vmem_shared>>
        tpu.wait_indirect_dma semaphore(%run_scoped3A_109 : memref<!tpu.dma_semaphore, #tpu.memory_space<semaphore_mem>>) src(%dma_wait3A_123 : memref<128x128xf32, #tpu.memory_space<vmem>>) dst(%dma_wait3A_129 : memref<10000x128xf32, #tpu.memory_space<vmem_shared>>)
        tpu.yield
      }) : () -> ()
    } else {
    }
    %barrier3A_75 = arith.constant 0 : index
    tpu.barrier barrier_id(%barrier3A_75)
    %mul3A_76 = arith.constant 10000 : i32
    %mul3A_77 = arith.muli %arg0, %mul3A_76 : i32
    %add3A_78 = arith.addi %mul3A_77, %mul3A_24 : i32
    %lt3A_79 = arith.constant 15 : i32
    %lt3A_80 = arith.cmpi slt, %arg1, %lt3A_79 : i32
    %convert_element_type3A_81 = arith.extui %lt3A_80 : i1 to i32
    %cond3A_82 = arith.constant 0 : i32
    %cond3A_83 = arith.cmpi ne, %convert_element_type3A_81, %cond3A_82 : i32
    scf.if %cond3A_83 {
      "tpu.region"() ({
        %run_scoped3A = tpu.sem_alloc : memref<!tpu.dma_semaphore, #tpu.memory_space<semaphore_mem>>
        %dma_start3A = arith.constant 0 : i32
        %dma_start3A_89 = tpu.memref_slice %arg5[%add3A_78, %dma_start3A] : memref<20000x128xf32, #tpu.memory_space<hbm>> -> memref<632x128xf32, #tpu.memory_space<hbm>>
        %dma_start3A_90 = arith.constant 0 : i32
        %dma_start3A_91 = tpu.memref_slice %arg6[%mul3A_24, %dma_start3A_90] : memref<10000x128xf32, #tpu.memory_space<vmem_shared>> -> memref<632x128xf32, #tpu.memory_space<vmem_shared>>
        tpu.enqueue_dma source(%dma_start3A_91 : memref<632x128xf32, #tpu.memory_space<vmem_shared>>) target(%dma_start3A_89 : memref<632x128xf32, #tpu.memory_space<hbm>>) target_semaphore(%run_scoped3A : memref<!tpu.dma_semaphore, #tpu.memory_space<semaphore_mem>>)
        %dma_wait3A = arith.constant 0 : i32
        %dma_wait3A_92 = tpu.memref_slice %arg5[%add3A_78, %dma_wait3A] : memref<20000x128xf32, #tpu.memory_space<hbm>> -> memref<632x128xf32, #tpu.memory_space<hbm>>
        %dma_wait3A_93 = arith.constant 0 : i32
        %dma_wait3A_94 = tpu.memref_slice %arg6[%mul3A_24, %dma_wait3A_93] : memref<10000x128xf32, #tpu.memory_space<vmem_shared>> -> memref<632x128xf32, #tpu.memory_space<vmem_shared>>
        tpu.wait_dma2 semaphore(%run_scoped3A : memref<!tpu.dma_semaphore, #tpu.memory_space<semaphore_mem>>) src(%dma_wait3A_94 : memref<632x128xf32, #tpu.memory_space<vmem_shared>>) dst(%dma_wait3A_92 : memref<632x128xf32, #tpu.memory_space<hbm>>)
        tpu.yield
      }) : () -> ()
    } else {
    }
    %eq3A_84 = arith.constant 15 : i32
    %eq3A_85 = arith.cmpi eq, %arg1, %eq3A_84 : i32
    %convert_element_type3A_86 = arith.extui %eq3A_85 : i1 to i32
    %cond3A_87 = arith.constant 0 : i32
    %cond3A_88 = arith.cmpi ne, %convert_element_type3A_86, %cond3A_87 : i32
    scf.if %cond3A_88 {
      "tpu.region"() ({
        %run_scoped3A = tpu.sem_alloc : memref<!tpu.dma_semaphore, #tpu.memory_space<semaphore_mem>>
        %dma_start3A = arith.constant 0 : i32
        %dma_start3A_89 = tpu.memref_slice %arg5[%add3A_78, %dma_start3A] : memref<20000x128xf32, #tpu.memory_space<hbm>> -> memref<520x128xf32, #tpu.memory_space<hbm>>
        %dma_start3A_90 = arith.constant 0 : i32
        %dma_start3A_91 = tpu.memref_slice %arg6[%mul3A_24, %dma_start3A_90] : memref<10000x128xf32, #tpu.memory_space<vmem_shared>> -> memref<520x128xf32, #tpu.memory_space<vmem_shared>>
        tpu.enqueue_dma source(%dma_start3A_91 : memref<520x128xf32, #tpu.memory_space<vmem_shared>>) target(%dma_start3A_89 : memref<520x128xf32, #tpu.memory_space<hbm>>) target_semaphore(%run_scoped3A : memref<!tpu.dma_semaphore, #tpu.memory_space<semaphore_mem>>)
        %dma_wait3A = arith.constant 0 : i32
        %dma_wait3A_92 = tpu.memref_slice %arg5[%add3A_78, %dma_wait3A] : memref<20000x128xf32, #tpu.memory_space<hbm>> -> memref<520x128xf32, #tpu.memory_space<hbm>>
        %dma_wait3A_93 = arith.constant 0 : i32
        %dma_wait3A_94 = tpu.memref_slice %arg6[%mul3A_24, %dma_wait3A_93] : memref<10000x128xf32, #tpu.memory_space<vmem_shared>> -> memref<520x128xf32, #tpu.memory_space<vmem_shared>>
        tpu.wait_dma2 semaphore(%run_scoped3A : memref<!tpu.dma_semaphore, #tpu.memory_space<semaphore_mem>>) src(%dma_wait3A_94 : memref<520x128xf32, #tpu.memory_space<vmem_shared>>) dst(%dma_wait3A_92 : memref<520x128xf32, #tpu.memory_space<hbm>>)
        tpu.yield
      }) : () -> ()
    } else {
    }
    return
  }
}

module attributes {stable_mosaic.version = 14 : i64} {
  func.func @_mm_body(%arg0: i32, %arg1: i32, %arg2: memref<2000x256xf32, #tpu.memory_space<vmem>>, %arg3: memref<256x128xf32, #tpu.memory_space<vmem>>, %arg4: memref<2000x128xf32, #tpu.memory_space<vmem>>) attributes {dimension_semantics = [#tpu.dimension_semantics<arbitrary>, #tpu.dimension_semantics<arbitrary>], iteration_bounds = array<i64: 5, 2>, scalar_prefetch = 0 : i64, scratch_operands = 0 : i64, tpu.core_type = #tpu.core_type<tc>, window_params = [{transform_indices = @transform_0, window_bounds = array<i64: 2000, 256>}, {transform_indices = @transform_1, window_bounds = array<i64: 256, 128>}, {transform_indices = @transform_2, window_bounds = array<i64: 2000, 128>}]} {
    %get3A = arith.constant 0 : index
    %get3A_0 = arith.constant 0 : index
    %get3A_1 = vector.load %arg2[%get3A, %get3A_0] : memref<2000x256xf32, #tpu.memory_space<vmem>>, vector<2000x256xf32>
    %get3A_2 = arith.constant 0 : index
    %get3A_3 = arith.constant 0 : index
    %get3A_4 = vector.load %arg3[%get3A_2, %get3A_3] : memref<256x128xf32, #tpu.memory_space<vmem>>, vector<256x128xf32>
    %dot_general3A = arith.constant dense<0.000000e+00> : vector<2000x128xf32>
    %dot_general3A_5 = tpu.matmul %get3A_1, %get3A_4, %dot_general3A {dimension_numbers = #tpu.dot_dimension_numbers<[1], [0], [0], [1], [0, 0, 1, 1], [], []>, transpose_lhs_hint = false} : vector<2000x256xf32>, vector<256x128xf32>, vector<2000x128xf32> -> vector<2000x128xf32>
    %swap3A = arith.constant 0 : index
    %swap3A_6 = arith.constant 0 : index
    %swap3A_7 = vector.load %arg4[%swap3A, %swap3A_6] : memref<2000x128xf32, #tpu.memory_space<vmem>>, vector<2000x128xf32>
    tpu.vector_store %arg4[%swap3A, %swap3A_6], %dot_general3A_5 {strides = array<i32>} : memref<2000x128xf32, #tpu.memory_space<vmem>>, vector<2000x128xf32>,
    return
  }
  func.func @transform_0(%arg0: i32, %arg1: i32) -> (i32, i32) {
    %c0_i32 = arith.constant 0 : i32
    %c0_i32_0 = arith.constant 0 : i32
    return %arg0, %c0_i32 : i32, i32
  }
  func.func @transform_1(%arg0: i32, %arg1: i32) -> (i32, i32) {
    %c0_i32 = arith.constant 0 : i32
    %c0_i32_0 = arith.constant 0 : i32
    return %c0_i32, %arg1 : i32, i32
  }
  func.func @transform_2(%arg0: i32, %arg1: i32) -> (i32, i32) {
    %mul3A = arith.constant 5 : i32
    %mul3A_0 = arith.muli %arg1, %mul3A : i32
    %add3A = arith.addi %mul3A_0, %arg0 : i32
    %c0_i32 = arith.constant 0 : i32
    %c0_i32_1 = arith.constant 0 : i32
    return %add3A, %c0_i32 : i32, i32
  }
}

module attributes {stable_mosaic.version = 14 : i64} {
  func.func @_mmb_body(%arg0: i32, %arg1: i32, %arg2: memref<2000x256xf32, #tpu.memory_space<vmem>>, %arg3: memref<256x128xf32, #tpu.memory_space<vmem>>, %arg4: memref<1x128xf32, #tpu.memory_space<vmem>>, %arg5: memref<2000x128xf32, #tpu.memory_space<vmem>>) attributes {dimension_semantics = [#tpu.dimension_semantics<arbitrary>, #tpu.dimension_semantics<arbitrary>], iteration_bounds = array<i64: 5, 2>, scalar_prefetch = 0 : i64, scratch_operands = 0 : i64, tpu.core_type = #tpu.core_type<tc>, window_params = [{transform_indices = @transform_0, window_bounds = array<i64: 2000, 256>}, {transform_indices = @transform_1, window_bounds = array<i64: 256, 128>}, {transform_indices = @transform_2, window_bounds = array<i64: 1, 128>}, {transform_indices = @transform_3, window_bounds = array<i64: 2000, 128>}]} {
    %get3A = arith.constant 0 : index
    %get3A_0 = arith.constant 0 : index
    %get3A_1 = vector.load %arg2[%get3A, %get3A_0] : memref<2000x256xf32, #tpu.memory_space<vmem>>, vector<2000x256xf32>
    %get3A_2 = arith.constant 0 : index
    %get3A_3 = arith.constant 0 : index
    %get3A_4 = vector.load %arg3[%get3A_2, %get3A_3] : memref<256x128xf32, #tpu.memory_space<vmem>>, vector<256x128xf32>
    %dot_general3A = arith.constant dense<0.000000e+00> : vector<2000x128xf32>
    %dot_general3A_5 = tpu.matmul %get3A_1, %get3A_4, %dot_general3A {dimension_numbers = #tpu.dot_dimension_numbers<[1], [0], [0], [1], [0, 0, 1, 1], [], []>, transpose_lhs_hint = false} : vector<2000x256xf32>, vector<256x128xf32>, vector<2000x128xf32> -> vector<2000x128xf32>
    %get3A_6 = arith.constant 0 : index
    %get3A_7 = arith.constant 0 : index
    %get3A_8 = vector.load %arg4[%get3A_6, %get3A_7] : memref<1x128xf32, #tpu.memory_space<vmem>>, vector<1x128xf32>
    %add3A = vector.broadcast %get3A_8 : vector<1x128xf32> to vector<2000x128xf32>
    %add3A_9 = arith.addf %dot_general3A_5, %add3A : vector<2000x128xf32>
    %swap3A = arith.constant 0 : index
    %swap3A_10 = arith.constant 0 : index
    %swap3A_11 = vector.load %arg5[%swap3A, %swap3A_10] : memref<2000x128xf32, #tpu.memory_space<vmem>>, vector<2000x128xf32>
    tpu.vector_store %arg5[%swap3A, %swap3A_10], %add3A_9 {strides = array<i32>} : memref<2000x128xf32, #tpu.memory_space<vmem>>, vector<2000x128xf32>,
    return
  }
  func.func @transform_0(%arg0: i32, %arg1: i32) -> (i32, i32) {
    %c0_i32 = arith.constant 0 : i32
    %c0_i32_0 = arith.constant 0 : i32
    return %arg0, %c0_i32 : i32, i32
  }
  func.func @transform_1(%arg0: i32, %arg1: i32) -> (i32, i32) {
    %c0_i32 = arith.constant 0 : i32
    %c0_i32_0 = arith.constant 0 : i32
    return %c0_i32, %arg1 : i32, i32
  }
  func.func @transform_2(%arg0: i32, %arg1: i32) -> (i32, i32) {
    %c0_i32 = arith.constant 0 : i32
    %c0_i32_0 = arith.constant 0 : i32
    return %c0_i32, %arg1 : i32, i32
  }
  func.func @transform_3(%arg0: i32, %arg1: i32) -> (i32, i32) {
    %c0_i32 = arith.constant 0 : i32
    return %arg0, %arg1 : i32, i32
  }
}

module attributes {stable_mosaic.version = 14 : i64} {
  func.func @_comb_mm_body(%arg0: i32, %arg1: i32, %arg2: memref<2000x128xf32, #tpu.memory_space<vmem>>, %arg3: memref<2000x128xf32, #tpu.memory_space<vmem>>, %arg4: memref<2000x1xf32, #tpu.memory_space<vmem>>, %arg5: memref<2000x256xf32, #tpu.memory_space<vmem>>, %arg6: memref<256x128xf32, #tpu.memory_space<vmem>>, %arg7: memref<2000x128xf32, #tpu.memory_space<vmem>>, %arg8: memref<2000x128xf32, #tpu.memory_space<vmem>>) attributes {dimension_semantics = [#tpu.dimension_semantics<arbitrary>, #tpu.dimension_semantics<arbitrary>], iteration_bounds = array<i64: 5, 2>, scalar_prefetch = 0 : i64, scratch_operands = 0 : i64, tpu.core_type = #tpu.core_type<tc>, window_params = [{transform_indices = @transform_0, window_bounds = array<i64: 2000, 128>}, {transform_indices = @transform_1, window_bounds = array<i64: 2000, 128>}, {transform_indices = @transform_2, window_bounds = array<i64: 2000, 1>}, {transform_indices = @transform_3, window_bounds = array<i64: 2000, 256>}, {transform_indices = @transform_4, window_bounds = array<i64: 256, 128>}, {transform_indices = @transform_5, window_bounds = array<i64: 2000, 128>}, {transform_indices = @transform_6, window_bounds = array<i64: 2000, 128>}]} {
    %get3A = arith.constant 0 : index
    %get3A_0 = arith.constant 0 : index
    %get3A_1 = vector.load %arg4[%get3A, %get3A_0] : memref<2000x1xf32, #tpu.memory_space<vmem>>, vector<2000x1xf32>
    %max3A = arith.constant 1.000000e+00 : f32
    %max3A_2 = vector.broadcast %max3A : f32 to vector<2000x1xf32>
    %max3A_3 = arith.maximumf %get3A_1, %max3A_2 : vector<2000x1xf32>
    %div3A = arith.constant 1.000000e+00 : f32
    %div3A_4 = vector.broadcast %div3A : f32 to vector<2000x1xf32>
    %div3A_5 = arith.divf %div3A_4, %max3A_3 : vector<2000x1xf32>
    %get3A_6 = arith.constant 0 : index
    %get3A_7 = arith.constant 0 : index
    %get3A_8 = vector.load %arg2[%get3A_6, %get3A_7] : memref<2000x128xf32, #tpu.memory_space<vmem>>, vector<2000x128xf32>
    %get3A_9 = arith.constant 0 : index
    %get3A_10 = arith.constant 0 : index
    %get3A_11 = vector.load %arg3[%get3A_9, %get3A_10] : memref<2000x128xf32, #tpu.memory_space<vmem>>, vector<2000x128xf32>
    %concatenate3A = tpu.concatenate %get3A_8, %get3A_11 in 1 : vector<2000x128xf32>, vector<2000x128xf32> -> vector<2000x256xf32>
    %mul3A = vector.broadcast %div3A_5 : vector<2000x1xf32> to vector<2000x256xf32>
    %mul3A_12 = arith.mulf %concatenate3A, %mul3A : vector<2000x256xf32>
    %get3A_13 = arith.constant 0 : index
    %get3A_14 = arith.constant 0 : index
    %get3A_15 = vector.load %arg5[%get3A_13, %get3A_14] : memref<2000x256xf32, #tpu.memory_space<vmem>>, vector<2000x256xf32>
    %add3A = arith.addf %mul3A_12, %get3A_15 : vector<2000x256xf32>
    %max3A_16 = arith.constant 0.000000e+00 : f32
    %max3A_17 = vector.broadcast %max3A_16 : f32 to vector<2000x256xf32>
    %max3A_18 = arith.maximumf %add3A, %max3A_17 : vector<2000x256xf32>
    %get3A_19 = arith.constant 0 : index
    %get3A_20 = arith.constant 0 : index
    %get3A_21 = vector.load %arg6[%get3A_19, %get3A_20] : memref<256x128xf32, #tpu.memory_space<vmem>>, vector<256x128xf32>
    %dot_general3A = arith.constant dense<0.000000e+00> : vector<2000x128xf32>
    %dot_general3A_22 = tpu.matmul %max3A_18, %get3A_21, %dot_general3A {dimension_numbers = #tpu.dot_dimension_numbers<[1], [0], [0], [1], [0, 0, 1, 1], [], []>, transpose_lhs_hint = false} : vector<2000x256xf32>, vector<256x128xf32>, vector<2000x128xf32> -> vector<2000x128xf32>
    %swap3A = arith.constant 0 : index
    %swap3A_23 = arith.constant 0 : index
    %swap3A_24 = vector.load %arg7[%swap3A, %swap3A_23] : memref<2000x128xf32, #tpu.memory_space<vmem>>, vector<2000x128xf32>
    tpu.vector_store %arg7[%swap3A, %swap3A_23], %dot_general3A_22 {strides = array<i32>} : memref<2000x128xf32, #tpu.memory_space<vmem>>, vector<2000x128xf32>,
    %eq3A = arith.constant 0 : i32
    %eq3A_25 = arith.cmpi eq, %arg1, %eq3A : i32
    %slice3A = vector.extract_strided_slice %max3A_18 {offsets = [0, 0], sizes = [2000, 128], strides = [1, 1]} : vector<2000x256xf32> to vector<2000x128xf32>
    %slice3A_26 = vector.extract_strided_slice %max3A_18 {offsets = [0, 128], sizes = [2000, 128], strides = [1, 1]} : vector<2000x256xf32> to vector<2000x128xf32>
    %select_n3A = arith.select %eq3A_25, %slice3A, %slice3A_26 : vector<2000x128xf32>
    %swap3A_27 = arith.constant 0 : index
    %swap3A_28 = arith.constant 0 : index
    %swap3A_29 = vector.load %arg8[%swap3A_27, %swap3A_28] : memref<2000x128xf32, #tpu.memory_space<vmem>>, vector<2000x128xf32>
    tpu.vector_store %arg8[%swap3A_27, %swap3A_28], %select_n3A {strides = array<i32>} : memref<2000x128xf32, #tpu.memory_space<vmem>>, vector<2000x128xf32>,
    return
  }
  func.func @transform_0(%arg0: i32, %arg1: i32) -> (i32, i32) {
    %c0_i32 = arith.constant 0 : i32
    %c0_i32_0 = arith.constant 0 : i32
    return %arg0, %c0_i32 : i32, i32
  }
  func.func @transform_1(%arg0: i32, %arg1: i32) -> (i32, i32) {
    %add3A = arith.constant 5 : i32
    %add3A_0 = arith.addi %add3A, %arg0 : i32
    %c0_i32 = arith.constant 0 : i32
    %c0_i32_1 = arith.constant 0 : i32
    return %add3A_0, %c0_i32 : i32, i32
  }
  func.func @transform_2(%arg0: i32, %arg1: i32) -> (i32, i32) {
    %c0_i32 = arith.constant 0 : i32
    %c0_i32_0 = arith.constant 0 : i32
    return %arg0, %c0_i32 : i32, i32
  }
  func.func @transform_3(%arg0: i32, %arg1: i32) -> (i32, i32) {
    %c0_i32 = arith.constant 0 : i32
    %c0_i32_0 = arith.constant 0 : i32
    return %arg0, %c0_i32 : i32, i32
  }
  func.func @transform_4(%arg0: i32, %arg1: i32) -> (i32, i32) {
    %c0_i32 = arith.constant 0 : i32
    %c0_i32_0 = arith.constant 0 : i32
    return %c0_i32, %arg1 : i32, i32
  }
  func.func @transform_5(%arg0: i32, %arg1: i32) -> (i32, i32) {
    %mul3A = arith.constant 5 : i32
    %mul3A_0 = arith.muli %arg1, %mul3A : i32
    %add3A = arith.addi %mul3A_0, %arg0 : i32
    %c0_i32 = arith.constant 0 : i32
    %c0_i32_1 = arith.constant 0 : i32
    return %add3A, %c0_i32 : i32, i32
  }
  func.func @transform_6(%arg0: i32, %arg1: i32) -> (i32, i32) {
    %c0_i32 = arith.constant 0 : i32
    return %arg0, %arg1 : i32, i32
  }
}

module attributes {stable_mosaic.version = 14 : i64} {
  func.func @_final_body(%arg0: i32, %arg1: memref<2000x128xf32, #tpu.memory_space<vmem>>, %arg2: memref<2000x128xf32, #tpu.memory_space<vmem>>, %arg3: memref<2000x1xf32, #tpu.memory_space<vmem>>, %arg4: memref<2000x256xf32, #tpu.memory_space<vmem>>, %arg5: memref<256x64xf32, #tpu.memory_space<vmem>>, %arg6: memref<1x64xf32, #tpu.memory_space<vmem>>, %arg7: memref<2000x64xf32, #tpu.memory_space<vmem>>) attributes {dimension_semantics = [#tpu.dimension_semantics<arbitrary>], iteration_bounds = array<i64: 5>, scalar_prefetch = 0 : i64, scratch_operands = 0 : i64, tpu.core_type = #tpu.core_type<tc>, window_params = [{transform_indices = @transform_0, window_bounds = array<i64: 2000, 128>}, {transform_indices = @transform_1, window_bounds = array<i64: 2000, 128>}, {transform_indices = @transform_2, window_bounds = array<i64: 2000, 1>}, {transform_indices = @transform_3, window_bounds = array<i64: 2000, 256>}, {pipeline_mode = #tpu.pipeline_mode<synchronous>, transform_indices = @transform_4, window_bounds = array<i64: 256, 64>}, {pipeline_mode = #tpu.pipeline_mode<synchronous>, transform_indices = @transform_5, window_bounds = array<i64: 1, 64>}, {transform_indices = @transform_6, window_bounds = array<i64: 2000, 64>}]} {
    %get3A = arith.constant 0 : index
    %get3A_0 = arith.constant 0 : index
    %get3A_1 = vector.load %arg3[%get3A, %get3A_0] : memref<2000x1xf32, #tpu.memory_space<vmem>>, vector<2000x1xf32>
    %max3A = arith.constant 1.000000e+00 : f32
    %max3A_2 = vector.broadcast %max3A : f32 to vector<2000x1xf32>
    %max3A_3 = arith.maximumf %get3A_1, %max3A_2 : vector<2000x1xf32>
    %div3A = arith.constant 1.000000e+00 : f32
    %div3A_4 = vector.broadcast %div3A : f32 to vector<2000x1xf32>
    %div3A_5 = arith.divf %div3A_4, %max3A_3 : vector<2000x1xf32>
    %get3A_6 = arith.constant 0 : index
    %get3A_7 = arith.constant 0 : index
    %get3A_8 = vector.load %arg1[%get3A_6, %get3A_7] : memref<2000x128xf32, #tpu.memory_space<vmem>>, vector<2000x128xf32>
    %get3A_9 = arith.constant 0 : index
    %get3A_10 = arith.constant 0 : index
    %get3A_11 = vector.load %arg2[%get3A_9, %get3A_10] : memref<2000x128xf32, #tpu.memory_space<vmem>>, vector<2000x128xf32>
    %concatenate3A = tpu.concatenate %get3A_8, %get3A_11 in 1 : vector<2000x128xf32>, vector<2000x128xf32> -> vector<2000x256xf32>
    %mul3A = vector.broadcast %div3A_5 : vector<2000x1xf32> to vector<2000x256xf32>
    %mul3A_12 = arith.mulf %concatenate3A, %mul3A : vector<2000x256xf32>
    %get3A_13 = arith.constant 0 : index
    %get3A_14 = arith.constant 0 : index
    %get3A_15 = vector.load %arg4[%get3A_13, %get3A_14] : memref<2000x256xf32, #tpu.memory_space<vmem>>, vector<2000x256xf32>
    %add3A = arith.addf %mul3A_12, %get3A_15 : vector<2000x256xf32>
    %get3A_16 = arith.constant 0 : index
    %get3A_17 = arith.constant 0 : index
    %get3A_18 = vector.load %arg5[%get3A_16, %get3A_17] : memref<256x64xf32, #tpu.memory_space<vmem>>, vector<256x64xf32>
    %dot_general3A = arith.constant dense<0.000000e+00> : vector<2000x64xf32>
    %dot_general3A_19 = tpu.matmul %add3A, %get3A_18, %dot_general3A {dimension_numbers = #tpu.dot_dimension_numbers<[1], [0], [0], [1], [0, 0, 1, 1], [], []>, transpose_lhs_hint = false} : vector<2000x256xf32>, vector<256x64xf32>, vector<2000x64xf32> -> vector<2000x64xf32>
    %get3A_20 = arith.constant 0 : index
    %get3A_21 = arith.constant 0 : index
    %get3A_22 = vector.load %arg6[%get3A_20, %get3A_21] : memref<1x64xf32, #tpu.memory_space<vmem>>, vector<1x64xf32>
    %add3A_23 = vector.broadcast %get3A_22 : vector<1x64xf32> to vector<2000x64xf32>
    %add3A_24 = arith.addf %dot_general3A_19, %add3A_23 : vector<2000x64xf32>
    %reduce_max3A = arith.constant dense<0xFF800000> : vector<2000xf32>
    %reduce_max3A_25 = vector.multi_reduction <maximumf>, %add3A_24, %reduce_max3A [1] : vector<2000x64xf32> to vector<2000xf32>
    %broadcast_in_dim3A = vector.shape_cast %reduce_max3A_25 : vector<2000xf32> to vector<2000x1xf32>
    %sub3A = vector.broadcast %broadcast_in_dim3A : vector<2000x1xf32> to vector<2000x64xf32>
    %sub3A_26 = arith.subf %add3A_24, %sub3A : vector<2000x64xf32>
    %exp3A = math.exp %sub3A_26 : vector<2000x64xf32>
    %reduce_sum3A = arith.constant dense<0.000000e+00> : vector<2000xf32>
    %reduce_sum3A_27 = vector.multi_reduction <add>, %exp3A, %reduce_sum3A [1] : vector<2000x64xf32> to vector<2000xf32>
    %broadcast_in_dim3A_28 = vector.shape_cast %reduce_sum3A_27 : vector<2000xf32> to vector<2000x1xf32>
    %log3A = math.log %broadcast_in_dim3A_28 : vector<2000x1xf32>
    %sub3A_29 = vector.broadcast %broadcast_in_dim3A : vector<2000x1xf32> to vector<2000x64xf32>
    %sub3A_30 = arith.subf %add3A_24, %sub3A_29 : vector<2000x64xf32>
    %sub3A_31 = vector.broadcast %log3A : vector<2000x1xf32> to vector<2000x64xf32>
    %sub3A_32 = arith.subf %sub3A_30, %sub3A_31 : vector<2000x64xf32>
    %swap3A = arith.constant 0 : index
    %swap3A_33 = arith.constant 0 : index
    %swap3A_34 = vector.load %arg7[%swap3A, %swap3A_33] : memref<2000x64xf32, #tpu.memory_space<vmem>>, vector<2000x64xf32>
    tpu.vector_store %arg7[%swap3A, %swap3A_33], %sub3A_32 {strides = array<i32>} : memref<2000x64xf32, #tpu.memory_space<vmem>>, vector<2000x64xf32>,
    return
  }
  func.func @transform_0(%arg0: i32) -> (i32, i32) {
    %c0_i32 = arith.constant 0 : i32
    %c0_i32_0 = arith.constant 0 : i32
    return %arg0, %c0_i32 : i32, i32
  }
  func.func @transform_1(%arg0: i32) -> (i32, i32) {
    %add3A = arith.constant 5 : i32
    %add3A_0 = arith.addi %add3A, %arg0 : i32
    %c0_i32 = arith.constant 0 : i32
    %c0_i32_1 = arith.constant 0 : i32
    return %add3A_0, %c0_i32 : i32, i32
  }
  func.func @transform_2(%arg0: i32) -> (i32, i32) {
    %c0_i32 = arith.constant 0 : i32
    %c0_i32_0 = arith.constant 0 : i32
    return %arg0, %c0_i32 : i32, i32
  }
  func.func @transform_3(%arg0: i32) -> (i32, i32) {
    %c0_i32 = arith.constant 0 : i32
    %c0_i32_0 = arith.constant 0 : i32
    return %arg0, %c0_i32 : i32, i32
  }
  func.func @transform_4(%arg0: i32) -> (i32, i32) {
    %c0_i32 = arith.constant 0 : i32
    %c0_i32_0 = arith.constant 0 : i32
    %c0_i32_1 = arith.constant 0 : i32
    return %c0_i32, %c0_i32_0 : i32, i32
  }
  func.func @transform_5(%arg0: i32) -> (i32, i32) {
    %c0_i32 = arith.constant 0 : i32
    %c0_i32_0 = arith.constant 0 : i32
    %c0_i32_1 = arith.constant 0 : i32
    return %c0_i32, %c0_i32_0 : i32, i32
  }
  func.func @transform_6(%arg0: i32) -> (i32, i32) {
    %c0_i32 = arith.constant 0 : i32
    %c0_i32_0 = arith.constant 0 : i32
    return %arg0, %c0_i32 : i32, i32
  }
}

</mosaic_0001>

<sc_bundles>
// kernel: kernel.12.cloned.1.call-start
scs
__scs_entry_jumppad:
0x0: {  	(pc) =	sbr.rel $0x88, $3  }
0x1: {  	(tag) =	ssettag $0x0;
	lr =	simm.s32 $0x1  }
0x2: {  	[smem:$0x3F97] =	sst lr;
	_ =	strace $0xD0000000  }
0x3: {  	_ = 	snop  }
0x4: {  	_ = 	snop  }
0x5: {  	_ = 	snop  }
0x6: {  	_ = 	snop  }
0x7: {  	_ = 	snop  }
__scs_overlays_trampoline_lowered:
0x8: {  	[smem:$0x3FA6] =	sst s0  }
0x9: {  	[smem:$0x3FA7] =	sst s1  }
0xa: {  	[smem:$0x3FA8] =	sst s2  }
0xb: {  	[smem:$0x3FA9] =	sst s3  }
0xc: {  	[smem:$0x3FAA] =	sst s4  }
0xd: {  	[smem:$0x3FAB] =	sst s5  }
0xe: {  	[smem:$0x3FAC] =	sst s6  }
0xf: {  	[smem:$0x3FAD] =	sst s7  }
0x10: {  	[smem:$0x3FAE] =	sst s8  }
0x11: {  	[smem:$0x3FAF] =	sst s9;
	s0 =	simm.s32 @!p0 $0x0  }
0x12: {  	s1 =	sld [smem:$0x3F95];
	s0 =	simm.s32 @p0 $0x1  }
0x13: {  	[smem:$0x3FB0] =	sst s0;
	s0 =	simm.s32 @!p1 $0x0  }
0x14: {  	s2 =	sld [smem:$0x3F94];
	s0 =	simm.s32 @p1 $0x1  }
0x15: {  	[smem:$0x3FB1] =	sst s0;
	s0 =	simm.s32 @!p2 $0x0  }
0x16: {  	s3 =	sld [smem:$0x3FDB];
	s0 =	simm.s32 @p2 $0x1  }
0x17: {  	s4 =	simm.s32 $0x1BF5;
	[smem:$0x3FB3] =	sst s0  }
0x18: {  	s0 =	sld [smem:$0x3F96];
	_ =	swait.ge [sflag:s4], $0x0  }
0x19: {  	s7 =	sld [smem:$0x3F97]  }
0x1a: {  	s8 =	sadd.s32 $0xFFFFE003, lr  }
0x1b: {  	s9 =	sadd.s32 $0xFFFFFEF7, lr;
	s5 =	simm.s32 $0xFFFFFFFF;
	p2 =	slt.u32 s8, $0xFFFFF086  }
0x1c: {  	p1 =	slt.u32 s9, $0xF7A;
	s5 =	simm.s32 @!p2 $0x0  }
0x1d: {  	s5 =	simm.s32 @p1 $0x1;
	p0 =	seq.s32 s7, s2  }
0x1e: {  	s7 =	smul.u32 @!p0 $0xF7A, s2;
	p2 =	seq.s32 @!p0 s5, $0x0  }
0x1f: {  	s9 =	smul.u32 $0xF7A, s1;
	s8 =	simm.s32 @!p0 $0x1BF5;
	p2 =	por !p2, p0  }
0x20: {  	[sflag:s8] =	ssyncset.s32 @!p0 $0xFFFFF086;
	s6 =	sadd.s32 @!p0 s3, s7;
	s7 =	simm.s32 @!p0 $0x108  }
0x21: {  	s3 =	sadd.s32 s3, s9;
	s6 =	sadd.s32 @!p0 $0x88, s6;
	s7 =	simm.s32 @p2 $0x1082  }
0x22: {  	[simem:s7], [sflag:s8] =	dma.local @!p0 [hbm:s6], $0xF7A  }
0x23: {  	s9 =	sor.u32 $0xD0000000, s2;
	s6 =	simm.s32 $0x108;
	_ =	swait.ge @!p0 [sflag:s8], $0x0  }
0x24: {  	s3 =	sadd.s32 $0x88, s3;
	s6 =	simm.s32 @!p1 $0x1082;
	[sflag:s4] =	ssyncset.s32 $0xFFFFF086  }
0x25: {  	[simem:s6], [sflag:s4] =	dma.local [hbm:s3], $0xF7A  }
0x26: {  	[smem:$0x3F97] =	sst s1;
	(tag) =	ssettag s2;
	_ =	strace s9  }
0x27: {  	s1 =	sld [smem:$0x3FA7]  }
0x28: {  	s2 =	sld [smem:$0x3FA8]  }
0x29: {  	s4 =	sld [smem:$0x3FAA]  }
0x2a: {  	p0 =	seq.s32 s5, $0x0;
	s5 =	sld [smem:$0x3FAB]  }
0x2b: {  	s6 =	sld [smem:$0x3FAC]  }
0x2c: {  	s7 =	sld [smem:$0x3FAD]  }
0x2d: {  	s3 =	simm.s32 $0x108;
	s8 =	sld [smem:$0x3FAE]  }
0x2e: {  	s3 =	simm.s32 @!p0 $0x1082;
	s9 =	sld [smem:$0x3FAF]  }
0x2f: {  	lr =	sadd.s32 s0, s3;
	s0 =	sld [smem:$0x3FA6]  }
0x30: {  	s3 =	sld [smem:$0x3FA9]  }
0x31: {  	[smem:$0x3FB2] =	sst s10  }
0x32: {  	s10 =	sld [smem:$0x3FB0];
	_ =	sdelay $0x3  }
0x33: {  	p0 =	seq.s32 s10, $0x1;
	s10 =	sld [smem:$0x3FB2];
	_ =	sdelay $0x3  }
0x34: {  	[smem:$0x3FB2] =	sst s10  }
0x35: {  	s10 =	sld [smem:$0x3FB1];
	_ =	sdelay $0x3  }
0x36: {  	p1 =	seq.s32 s10, $0x1;
	s10 =	sld [smem:$0x3FB2];
	_ =	sdelay $0x3  }
0x37: {  	[smem:$0x3FB2] =	sst s10  }
0x38: {  	s10 =	sld [smem:$0x3FB3]  }
0x39: {  	_ = 	snop;
	(pc) =	sbr.ind lr, $3  }
0x3a: {  	_ = 	snop  }
0x3b: {  	_ = 	snop  }
0x3c: {  	p2 =	seq.s32 s10, $0x1;
	s10 =	sld [smem:$0x3FB2]  }
0x3d: {  	_ =	shalt  }
0x3e: {  	_ =	shalt  }
0x3f: {  	_ =	shalt  }
0x40: {  	_ =	shalt  }
0x41: {  	_ =	shalt  }
0x42: {  	_ =	shalt  }
0x43: {  	_ =	shalt  }
0x44: {  	_ =	shalt  }
0x45: {  	_ =	shalt  }
0x46: {  	_ =	shalt  }
0x47: {  	_ =	shalt  }
0x48: {  	_ =	shalt  }
0x49: {  	_ =	shalt  }
0x4a: {  	_ =	shalt  }
0x4b: {  	_ =	shalt  }
0x4c: {  	_ =	shalt  }
0x4d: {  	_ =	shalt  }
0x4e: {  	_ =	shalt  }
0x4f: {  	_ =	shalt  }
0x50: {  	_ =	shalt  }
0x51: {  	_ =	shalt  }
0x52: {  	_ =	shalt  }
0x53: {  	_ =	shalt  }
0x54: {  	_ =	shalt  }
0x55: {  	_ =	shalt  }
0x56: {  	_ =	shalt  }
0x57: {  	_ =	shalt  }
0x58: {  	_ =	shalt  }
0x59: {  	_ =	shalt  }
0x5a: {  	_ =	shalt  }
0x5b: {  	_ =	shalt  }
0x5c: {  	_ =	shalt  }
0x5d: {  	_ =	shalt  }
0x5e: {  	_ =	shalt  }
0x5f: {  	_ =	shalt  }
0x60: {  	_ =	shalt  }
0x61: {  	_ =	shalt  }
0x62: {  	_ =	shalt  }
0x63: {  	_ =	shalt  }
0x64: {  	_ =	shalt  }
0x65: {  	_ =	shalt  }
0x66: {  	_ =	shalt  }
0x67: {  	_ =	shalt  }
0x68: {  	_ =	shalt  }
0x69: {  	_ =	shalt  }
0x6a: {  	_ =	shalt  }
0x6b: {  	_ =	shalt  }
0x6c: {  	_ =	shalt  }
0x6d: {  	_ =	shalt  }
0x6e: {  	_ =	shalt  }
0x6f: {  	_ =	shalt  }
0x70: {  	_ =	shalt  }
0x71: {  	_ =	shalt  }
0x72: {  	_ =	shalt  }
0x73: {  	_ =	shalt  }
0x74: {  	_ =	shalt  }
0x75: {  	_ =	shalt  }
0x76: {  	_ =	shalt  }
0x77: {  	_ =	shalt  }
0x78: {  	_ =	shalt  }
0x79: {  	_ =	shalt  }
0x7a: {  	_ =	shalt  }
0x7b: {  	_ =	shalt  }
0x7c: {  	_ =	shalt  }
0x7d: {  	_ =	shalt  }
0x7e: {  	_ =	shalt  }
0x7f: {  	_ =	shalt  }
0x80: {  	_ =	shalt  }
0x81: {  	_ =	shalt  }
0x82: {  	_ =	shalt  }
0x83: {  	_ =	shalt  }
0x84: {  	_ =	shalt  }
0x85: {  	_ =	shalt  }
0x86: {  	_ =	shalt  }
0x87: {  	_ =	shalt  }
.Lfunc_end0:
.L_simem_size_0:
called_computation.1_lowered:
.L_overlay_start_0:
0x88: {  	s2 =	sld [smem:$0x3FD9]  }
0x89: {  	s3 =	sld [smem:$0x3FFE];
	_ =	sdelay $0x1  }
0x8a: {  	s1 =	srdreg.scid  }
0x8b: {  	s0 =	sand.u32 $0x1, s1  }
0x8c: {  	s17 =	sshll.u32 s0, $0xA;
	s2 =	sadd.s32 s3, s2  }
0x8d: {  	s2 =	sadd.s32 s2, s17  }
0x8e: {  	[smem:$0x3FBE] =	sst s2  }
0x8f: {  	_ = 	snop  }
0x90: {  	s2 =	sld [smem:$0x3FD0];
	(tm) =	ssettm $0x1  }
0x91: {  	s18 =	sld [smem:$0x3FFB];
	_ =	sdelay $0x3  }
0x92: {  	_ =	strace s18  }
0x93: {  	s3 =	sld [smem:$0x3FFC];
	_ =	sdelay $0x3  }
0x94: {  	_ =	strace s3  }
0x95: {  	s3 =	sld [smem:$0x3FFD];
	_ =	sdelay $0x3  }
0x96: {  	_ =	strace s3  }
0x97: {  	_ =	strace $0x8FFFFFFF  }
0x98: {  	s19 =	sld [smem:$0x3FDB];
	_ =	sdelay $0x1  }
0x99: {  	s4 =	simm.s32 $_scs_section_size  }
0x9a: {  	s5 =	simm.s32 $_size__tile_overlayer_lowered;
	s6 =	simm.s32 $_tile_overlayer_lowered  }
0x9b: {  	s22 =	simm.s32 $0x1BFF;
	s21 =	sshll.u32 s6, $0x1;
	s3 =	sadd.s32 s4, s19  }
0x9c: {  	s7 =	simm.s32 $0x0;
	s20 =	sshll.u32 s5, $0x1;
	s5 =	sadd.s32 s21, s3  }
0x9d: {  	[timem:s7], [sflag:s22] =	dma.local [hbm:s5], s20  }
0x9e: {  	_ =	swait.ge [sflag:s22], s20  }
0x9f: {  	s4 =	ssub.s32 $0x0, s20;
	[sflag:s22] =	ssyncset.done $0x0  }
0xa0: {  	[sflag:s22] =	ssyncadd.s32 s4;
	_ =	sdelay $0x1  }
0xa1: {  	s23 =	simm.s32 $0x1B8B  }
0xa2: {  	_ =	swait.ge [sflag:s23], $0x1  }
0xa3: {  	[sflag:s23] =	ssyncset.done $0x0  }
0xa4: {  	s25 =	simm.s32 $0x1B8E;
	s24 =	sld [smem:$0x3FFE];
	[sflag:s23] =	ssyncadd.s32 $0xFFFFFFFF  }
0xa5: {  	s26 =	simm.s32 $execute0_lowered;
	[smem:$0x3FD2] =	sst s25  }
0xa6: {  	s5 =	sshll.u32 s26, $0x1;
	_ =	strace $0x80000049;
	[dreg:$0x1] =	wrdreg $0xFFFFFFFF  }
0xa7: {  	s28 =	simm.s32 $_size_execute0_lowered;
	s3 =	sadd.s32 s3, s5;
	[dreg:$0x0] =	wrdreg $0x0  }
0xa8: {  	s5 =	sshll.u32 s28, $0x1;
	[dreg:$0x2] =	wrdreg s3  }
0xa9: {  	[dreg:$0x3] =	wrdreg s5  }
0xaa: {  	[dreg:$0x4] =	wrdreg $0xC0  }
0xab: {  	_ =	task [dreg:s7], $0x5FFFF  }
0xac: {  	[dreg:$0x1] =	wrdreg $0xFFFFFFFF  }
0xad: {  	[dreg:$0x0] =	wrdreg $0x60  }
0xae: {  	[dreg:$0x2] =	wrdreg s24  }
0xaf: {  	[dreg:$0x3] =	wrdreg s2  }
0xb0: {  	[dreg:$0x4] =	wrdreg $0x0  }
0xb1: {  	[dreg:$0x5] =	wrdreg $0x9  }
0xb2: {  	_ =	task.clear_ibuf [dreg:s7], $0x6FFFF;
	_ =	strace $0x90000049  }
0xb3: {  	s29 =	simm.s32 $0x9;
	_ =	strace $0x8000004B  }
0xb4: {  	_ =	swait.ge [sflag:s29], $0x1  }
0xb5: {  	[sflag:s29] =	ssyncadd.s32 $0xFFFFFFFF  }
0xb6: {  	_ =	strace $0x9000004B  }
0xb7: {  	_ =	sfence  }
0xb8: {  	s30 =	sld [smem:$0x0];
	_ =	sdelay $0x2  }
0xb9: {  	s31 =	sshll.u32 s1, $0xD;
	s1 =	sshrl.u32 s1, $0x2  }
0xba: {  	s3 =	sand.u32 $0x4000, s31;
	s1 =	sadd.s32 s1, s30  }
0xbb: {  	s0 =	sor.u32 s3, s0;
	s1 =	sshll.u32 s1, $0x11  }
0xbc: {  	s0 =	sor.u32 s1, s0  }
0xbd: {  	s0 =	sadd.s32 $0x8F2B, s0  }
0xbe: {  	[sflag:s0] =	ssyncadd.remote.s32 $0x1  }
0xbf: {  	_ =	sfence.sel $0xFFFF  }
0xc0: {  	[dreg:$0x0] =	wrdreg $0xFFFFFFFF;
	(pc) =	sbr.abs _section_cstart, $3  }
0xc1: {  	[dreg:$0x1] =	wrdreg $0xFFFFFFFF  }
0xc2: {  	_ =	task.clear_ibuf [dreg:s7], $0x2FFFF;
	_ =	strace $0x9FFFFFFF  }
0xc3: {  	(tm) =	ssettm $0x7FFFFFFF  }
tec
execute0_lowered:
.L_overlay_start_1:
0x0: {  	(tag) =	ssettag $0x1  }
0x1: {  	s0 =	rddreg [dreg:$0x0]  }
0x2: {  	s1 =	rddreg [dreg:$0x1];
	s15 =	stileid.u32  }
0x3: {  	s2 =	rddreg [dreg:$0x2];
	s3 =	simm.s32 $0x0;
	s4 =	smul.u32 $0x48, s15  }
0x4: {  	s6 =	srdreg.scid;
	s28 =	simm.s32 $0x3;
	s5 =	smul.u32 $0x50, s15  }
0x5: {  	s30 =	simm.s32 $0x14A80;
	s29 =	simm.s32 $0x1;
	s11 =	smul.u32 $0x278, s15  }
0x6: {  	[smem:$0x7FF] =	sst s3;
	p0 =	slt.u32 s15, $0xC;
	s10 =	smul.u32 $0x4F000, s15  }
0x7: {  	s9 =	sand.u32 $0x1, s6;
	s19 =	sadd.s32 $0x138400, s2;
	s20 =	sadd.s32 $0x128400, s2  }
0x8: {  	s21 =	sshll.u32 s15, $0x7;
	s24 =	sadd.s32 $0x12C400, s2;
	s25 =	sadd.s32 $0x130400, s2  }
0x9: {  	s26 =	sadd.s32 $0x134400, s2;
	_ =	strace $0x8000004A;
	[dreg:$0x7] =	wrdreg s19  }
0xa: {  	p1 =	seq.s32 s15, $0xF;
	s12 =	smul.u32 $0x2710, s9;
	[dreg:$0x8] =	wrdreg s20  }
0xb: {  	s14 =	smul.u32 $0x27400, s9;
	s8 =	ssub.s32 $0x2, s9;
	[dreg:$0xb] =	wrdreg s24  }
0xc: {  	s22 =	sadd.s32 $0x14880, s21;
	s23 =	smul.u32 $0x4E80, s9;
	[dreg:$0xc] =	wrdreg s25  }
0xd: {  	[dreg:$0xd] =	wrdreg s26;
	s26 =	simm.s32 $0x18A80;
	s19 =	simm.s32 $0x0  }
0xe: {  	s7 =	sadd.s32 $0x60, s4;
	s4 =	sadd.s32 $0x56C00, s0;
	s10 =	sshrl.u32 s10, $0x2  }
0xf: {  	[dreg:$0x9] =	wrdreg s22;
	s7 =	smov.u32 @p0 s5;
	s5 =	sadd.s32 s11, s12  }
0x10: {  	s11 =	sshrl.u32 s8, $0x1;
	s6 =	sshrl.u32 s14, $0x3;
	s12 =	smul.u32 $0x4E8, s9  }
0x11: {  	s9 =	simm.s32 $0x80;
	s13 =	sshll.u32 s7, $0x4;
	s5 =	sshll.u32 s5, $0x4  }
0x12: {  	s6 =	sadd.s32 s1, s6;
	s17 =	ssub.s32 s8, s11;
	s18 =	sadd.s32 s13, s0  }
0x13: {  	s5 =	sadd.s32 s5, s0;
	s6 =	sadd.s32 $0x4E00, s6;
	s0 =	sadd.s32 $0x8800, s0  }
0x14: {  	s16 =	sadd.s32 s12, s7;
	s17 =	smax.u32 s17, $0x1;
	[dreg:$0x5] =	wrdreg s6  }
0x15: {  	s6 =	sadd.s32 s10, s2;
	[dreg:$0x6] =	wrdreg s0;
	s10 =	simm.s32 $0xA  }
0x16: {  	s0 =	sshll.u32 s16, $0x4;
	s12 =	sadd.s32 $0x3A00, s18;
	s14 =	sadd.s32 $0xA4E00, s5  }
0x17: {  	s7 =	sadd.s32 $0x3A80, s18;
	s18 =	simm.s32 $0x2;
	s8 =	sadd.s32 $0x10000, s6  }
.Ltmp0:
0x18: {  	s10 =	simm.s32 @!p0 $0x9;
	s11 =	sadd.s32 s1, s0;
	(pc) =	sbr.rel .LBB2_1-.Ltmp0, $4  }
0x19: {  	s0 =	sadd.s32 $0x14980, s21;
	s21 =	sadd.s32 $0x4000, s6;
	s22 =	sadd.s32 $0x8000, s6  }
0x1a: {  	p0 =	sgt.u32 s15, $0x1;
	[dreg:$0xa] =	wrdreg s0;
	s0 =	sadd.s32 s23, s1  }
0x1b: {  	s31 =	sshll.u32 s10, $0xA;
	s23 =	sadd.s32 $0xC000, s6;
	s0 =	sadd.s32 s13, s0  }
0x1c: {  	v0 =	vimm.f32 $0.0e+00;
	[dreg:$0x4] =	wrdreg s31;
	s5 =	sadd.s32 $0x80, s0;
	s0 =	simm.s32 $0x14080  }
.LBB2_14:
0x1d: {  	s1 =	rddreg [dreg:$0x8]  }
0x1e: {  	s13 =	simm.s32 $0x1FC3;
	s1 =	sshrl.u32 s1, $0x3  }
0x1f: {  	[hbm:s14], [sflag:s13] =	dma.local [spmem:s1], $0x2080  }
0x20: {  	_ =	swait.ge [sflag:s28], $0x2080  }
0x21: {  	[sflag:s28] =	ssyncset.done $0x0  }
0x22: {  	[sflag:s28] =	ssyncadd.s32 $0xFFFFDF80  }
.LBB2_15:
0x23: {  	s19 =	sadd.s32 $0x1, s19  }
0x24: {  	p2 =	sne.s32 s19, s17  }
.Ltmp1:
0x25: {  	_ = 	snop;
	(pc) =	sbr.rel @!p2 .LBB2_16-.Ltmp1, $1  }
0x26: {  	_ =	sdelay $0x3  }
.LBB2_1:
0x27: {  	s1 =	sand.u32 $0xFE00, s3  }
0x28: {  	s13 =	sand.u32 $0x70, s3;
	s20 =	sshrl.u32 s1, $0x2  }
0x29: {  	s1 =	simm.s32 $0x40;
	s20 =	sor.u32 s13, s20;
	s13 =	simm.s32 $0x0  }
.LBB2_2:
0x2a: {  	p2 =	sne.s32 s1, $0xFFC0  }
0x2b: {  	[tilespmem:s20+$0x14A80] =	vst v0;
	s13 =	sadd.s32 $0x10, s13;
	s20 =	smov.u32 s1;
	s1 =	sadd.s32 $0x40, s1  }
.Ltmp2:
0x2c: {  	(pc) =	sbr.rel @p2 .LBB2_2-.Ltmp2, $4  }
0x2d: {  	_ = 	snop  }
0x2e: {  	s20 =	sand.u32 $0xFE00, s20  }
0x2f: {  	s24 =	sand.u32 $0x70, s13;
	s20 =	sshrl.u32 s20, $0x2  }
0x30: {  	s20 =	sor.u32 s24, s20  }
.Ltmp3:
0x31: {  	(pc) =	sbr.rel @p0 .LBB2_5-.Ltmp3, $2  }
0x32: {  	_ =	sdelay $0x2  }
0x33: {  	[tilespmem:s20+$0x14A80] =	vst v0  }
0x34: {  	s1 =	rddreg [dreg:$0x5];
	s13 =	simm.s32 $0x14880  }
0x35: {  	[tilespmem:s13], [sflag:$0x3] =	stream.linear.gather [hbm4b:s1+s3], $0x100, $0x38;
	[tilespmem:$0x1CA80] =	vst v63  }
0x36: {  	_ =	swait.ge [sflag:s28], $0x100  }
0x37: {  	s31 =	simm.s32 $0x14980;
	[sflag:s28] =	ssyncset.done $0x0  }
.Ltmp4:
0x38: {  	s25 =	rddreg [dreg:$0x6];
	[sflag:s28] =	ssyncadd.s32 $0xFFFFFF00;
	(pc) =	sbr.rel .LBB2_6-.Ltmp4, $4  }
0x39: {  	[tilespmem:s31], [sflag:$0x3] =	stream.linear.gather [hbm4b:s25+s3], $0x100, $0x38;
	[tilespmem:$0x1CA80] =	vst v63  }
0x3a: {  	_ =	swait.ge [sflag:s28], $0x100  }
0x3b: {  	[sflag:s28] =	ssyncset.done $0x0  }
0x3c: {  	[sflag:s28] =	ssyncadd.s32 $0xFFFFFF00  }
.LBB2_5:
.Ltmp5:
0x3d: {  	(pc) =	sbr.rel @!p1 .LBB2_6-.Ltmp5, $1  }
0x3e: {  	_ =	sdelay $0x3  }
0x3f: {  	s1 =	rddreg [dreg:$0x8]  }
0x40: {  	[spmem:s1] =	stream.linear.scatter [tilespmem:s30], [sflag:$0x3], $0x4000, $0x38;
	[tilespmem:$0x1CA80] =	vst v63  }
0x41: {  	_ =	swait.ge [sflag:s28], $0x4000  }
0x42: {  	[sflag:s28] =	ssyncset.done $0x0  }
0x43: {  	s20 =	rddreg [dreg:$0xb];
	[sflag:s28] =	ssyncadd.s32 $0xFFFFC000  }
0x44: {  	[spmem:s20] =	stream.linear.scatter [tilespmem:s30], [sflag:$0x3], $0x4000, $0x38;
	[tilespmem:$0x1CA80] =	vst v63  }
0x45: {  	_ =	swait.ge [sflag:s28], $0x4000  }
0x46: {  	[sflag:s28] =	ssyncset.done $0x0  }
0x47: {  	s24 =	rddreg [dreg:$0xc];
	[sflag:s28] =	ssyncadd.s32 $0xFFFFC000  }
0x48: {  	[spmem:s24] =	stream.linear.scatter [tilespmem:s30], [sflag:$0x3], $0x4000, $0x38;
	[tilespmem:$0x1CA80] =	vst v63  }
0x49: {  	_ =	swait.ge [sflag:s28], $0x4000  }
0x4a: {  	[sflag:s28] =	ssyncset.done $0x0  }
0x4b: {  	s25 =	rddreg [dreg:$0xd];
	[sflag:s28] =	ssyncadd.s32 $0xFFFFC000  }
0x4c: {  	[spmem:s25] =	stream.linear.scatter [tilespmem:s30], [sflag:$0x3], $0x4000, $0x38;
	[tilespmem:$0x1CA80] =	vst v63  }
0x4d: {  	_ =	swait.ge [sflag:s28], $0x4000  }
0x4e: {  	[sflag:s28] =	ssyncset.done $0x0  }
.Ltmp6:
0x4f: {  	s31 =	rddreg [dreg:$0x7];
	[sflag:s28] =	ssyncadd.s32 $0xFFFFC000;
	(pc) =	sbr.rel .LBB2_8-.Ltmp6, $4  }
0x50: {  	[spmem:s31] =	stream.linear.scatter [tilespmem:s30], [sflag:$0x3], $0x400, $0x38;
	[tilespmem:$0x1CA80] =	vst v63  }
0x51: {  	_ =	swait.ge [sflag:s28], $0x400  }
0x52: {  	[sflag:s28] =	ssyncset.done $0x0  }
0x53: {  	[sflag:s28] =	ssyncadd.s32 $0xFFFFFC00  }
.LBB2_6:
0x54: {  	[spmem:s6] =	stream.linear.scatter [tilespmem:s30], [sflag:$0x3], $0x4000, $0x38;
	[tilespmem:$0x1CA80] =	vst v63  }
0x55: {  	_ =	swait.ge [sflag:s28], $0x4000  }
0x56: {  	[sflag:s28] =	ssyncset.done $0x0  }
0x57: {  	[sflag:s28] =	ssyncadd.s32 $0xFFFFC000  }
0x58: {  	[spmem:s21] =	stream.linear.scatter [tilespmem:s30], [sflag:$0x3], $0x4000, $0x38;
	[tilespmem:$0x1CA80] =	vst v63  }
0x59: {  	_ =	swait.ge [sflag:s28], $0x4000  }
0x5a: {  	[sflag:s28] =	ssyncset.done $0x0  }
0x5b: {  	[sflag:s28] =	ssyncadd.s32 $0xFFFFC000  }
0x5c: {  	[spmem:s22] =	stream.linear.scatter [tilespmem:s30], [sflag:$0x3], $0x4000, $0x38;
	[tilespmem:$0x1CA80] =	vst v63  }
0x5d: {  	_ =	swait.ge [sflag:s28], $0x4000  }
0x5e: {  	[sflag:s28] =	ssyncset.done $0x0  }
0x5f: {  	[sflag:s28] =	ssyncadd.s32 $0xFFFFC000  }
0x60: {  	[spmem:s23] =	stream.linear.scatter [tilespmem:s30], [sflag:$0x3], $0x4000, $0x38;
	[tilespmem:$0x1CA80] =	vst v63  }
0x61: {  	_ =	swait.ge [sflag:s28], $0x4000  }
0x62: {  	[sflag:s28] =	ssyncset.done $0x0  }
0x63: {  	[sflag:s28] =	ssyncadd.s32 $0xFFFFC000  }
0x64: {  	[spmem:s8] =	stream.linear.scatter [tilespmem:s30], [sflag:$0x3], $0x3C00, $0x38;
	[tilespmem:$0x1CA80] =	vst v63  }
0x65: {  	_ =	swait.ge [sflag:s28], $0x3C00  }
0x66: {  	[sflag:s28] =	ssyncset.done $0x0  }
0x67: {  	[sflag:s28] =	ssyncadd.s32 $0xFFFFC400  }
.LBB2_8:
0x68: {  	[bflag:$0x0] =	sbarrier.arrive $0xFFFF;
	s20 =	simm.s32 $0x0;
	s1 =	simm.s32 $0x13880  }
0x69: {  	[tilespmem:s1], [sflag:$0x3] =	stream.linear.gather [hbm4b:s11+s20], $0x400, $0x38;
	[tilespmem:$0x1CA80] =	vst v63  }
0x6a: {  	_ =	swait.ge [sflag:s28], $0x400  }
0x6b: {  	[sflag:s28] =	ssyncset.done $0x0  }
0x6c: {  	[sflag:s28] =	ssyncadd.s32 $0xFFFFFC00  }
0x6d: {  	[tilespmem:s0], [sflag:$0x3] =	stream.linear.gather [hbm4b:s12+s20], $0x400, $0x38;
	[tilespmem:$0x1CA80] =	vst v63  }
0x6e: {  	_ =	swait.ge [sflag:s28], $0x400  }
0x6f: {  	s25 =	smov.u32 s5;
	[sflag:s28] =	ssyncset.done $0x0  }
0x70: {  	s24 =	smov.u32 s7;
	s1 =	simm.s32 $0x1;
	[sflag:s28] =	ssyncadd.s32 $0xFFFFFC00  }
.LBB2_9:
0x71: {  	s13 =	sand.u32 $0x400, s20  }
0x72: {  	p2 =	sge.u32 s1, s10;
	s15 =	sor.u32 $0x13880, s13  }
0x73: {  	[tilespmem:s30], [sflag:$0x1] =	stream.indirect.gather [hbm4b:s4+s9], $0x80, s15, s9, $0xb8;
	[tilespmem:$0x1CA80] =	vst v63  }
0x74: {  	s15 =	sxor.u32 @!p2 $0xFFFFFFFF, s20  }
0x75: {  	s15 =	sand.u32 @!p2 $0x400, s15  }
0x76: {  	s31 =	simm.s32 @!p2 $0x0;
	s16 =	sor.u32 @!p2 $0x13880, s15  }
0x77: {  	[tilespmem:s16], [sflag:$0x3] =	stream.linear.gather @!p2 [hbm4b:s25+s31], $0x400, $0x38;
	[tilespmem:$0x1CA80] =	vst v63  }
0x78: {  	s16 =	simm.s32 @!p2 $0x3  }
0x79: {  	_ =	swait.ge @!p2 [sflag:s16], $0x400  }
0x7a: {  	[sflag:s16] =	ssyncset.done @!p2 $0x0  }
0x7b: {  	s15 =	sor.u32 @!p2 $0x14080, s15;
	[sflag:s16] =	ssyncadd.s32 @!p2 $0xFFFFFC00  }
0x7c: {  	[tilespmem:s15], [sflag:$0x3] =	stream.linear.gather @!p2 [hbm4b:s24+s31], $0x400, $0x38;
	[tilespmem:$0x1CA80] =	vst v63  }
0x7d: {  	_ =	swait.ge @!p2 [sflag:s16], $0x400  }
0x7e: {  	[sflag:s16] =	ssyncset.done @!p2 $0x0  }
0x7f: {  	s31 =	sadd.s32 $0x13900, s13;
	[sflag:s16] =	ssyncadd.s32 @!p2 $0xFFFFFC00  }
0x80: {  	[tilespmem:s26], [sflag:$0x2] =	stream.indirect.gather [hbm4b:s4+s9], $0x80, s31, s9, $0xb8;
	[tilespmem:$0x1CA80] =	vst v63  }
0x81: {  	_ =	swait.ge [sflag:s29], $0x4000  }
0x82: {  	[sflag:s29] =	ssyncset.done $0x0  }
0x83: {  	s16 =	sadd.s32 $0x14080, s13;
	[sflag:s29] =	ssyncadd.s32 $0xFFFFC000  }
0x84: {  	[spmem:s2] =	stream.indirect.scatter.add.f32 [tilespmem:s30], [sflag:$0x3], $0x80, s16, s9, $0xb8;
	[tilespmem:$0x1CA80] =	vst v63  }
0x85: {  	_ =	swait.ge [sflag:s28], $0x4000  }
0x86: {  	[sflag:s28] =	ssyncset.done $0x0  }
0x87: {  	s31 =	sadd.s32 $0x13980, s13;
	[sflag:s28] =	ssyncadd.s32 $0xFFFFC000  }
0x88: {  	[tilespmem:s30], [sflag:$0x1] =	stream.indirect.gather [hbm4b:s4+s9], $0x80, s31, s9, $0xb8;
	[tilespmem:$0x1CA80] =	vst v63  }
0x89: {  	_ =	swait.ge [sflag:s18], $0x4000  }
0x8a: {  	[sflag:s18] =	ssyncset.done $0x0  }
0x8b: {  	s16 =	sadd.s32 $0x14100, s13;
	[sflag:s18] =	ssyncadd.s32 $0xFFFFC000  }
0x8c: {  	[spmem:s2] =	stream.indirect.scatter.add.f32 [tilespmem:s26], [sflag:$0x3], $0x80, s16, s9, $0xb8;
	[tilespmem:$0x1CA80] =	vst v63  }
0x8d: {  	_ =	swait.ge [sflag:s28], $0x4000  }
0x8e: {  	[sflag:s28] =	ssyncset.done $0x0  }
0x8f: {  	s31 =	sadd.s32 $0x13A00, s13;
	[sflag:s28] =	ssyncadd.s32 $0xFFFFC000  }
0x90: {  	[tilespmem:s26], [sflag:$0x2] =	stream.indirect.gather [hbm4b:s4+s9], $0x80, s31, s9, $0xb8;
	[tilespmem:$0x1CA80] =	vst v63  }
0x91: {  	_ =	swait.ge [sflag:s29], $0x4000  }
0x92: {  	[sflag:s29] =	ssyncset.done $0x0  }
0x93: {  	s16 =	sadd.s32 $0x14180, s13;
	[sflag:s29] =	ssyncadd.s32 $0xFFFFC000  }
0x94: {  	[spmem:s2] =	stream.indirect.scatter.add.f32 [tilespmem:s30], [sflag:$0x3], $0x80, s16, s9, $0xb8;
	[tilespmem:$0x1CA80] =	vst v63  }
0x95: {  	_ =	swait.ge [sflag:s28], $0x4000  }
0x96: {  	[sflag:s28] =	ssyncset.done $0x0  }
0x97: {  	s31 =	sadd.s32 $0x13A80, s13;
	[sflag:s28] =	ssyncadd.s32 $0xFFFFC000  }
0x98: {  	[tilespmem:s30], [sflag:$0x1] =	stream.indirect.gather [hbm4b:s4+s9], $0x80, s31, s9, $0xb8;
	[tilespmem:$0x1CA80] =	vst v63  }
0x99: {  	_ =	swait.ge [sflag:s18], $0x4000  }
0x9a: {  	[sflag:s18] =	ssyncset.done $0x0  }
0x9b: {  	s16 =	sadd.s32 $0x14200, s13;
	[sflag:s18] =	ssyncadd.s32 $0xFFFFC000  }
0x9c: {  	[spmem:s2] =	stream.indirect.scatter.add.f32 [tilespmem:s26], [sflag:$0x3], $0x80, s16, s9, $0xb8;
	[tilespmem:$0x1CA80] =	vst v63  }
0x9d: {  	_ =	swait.ge [sflag:s28], $0x4000  }
0x9e: {  	[sflag:s28] =	ssyncset.done $0x0  }
0x9f: {  	s31 =	sadd.s32 $0x13B00, s13;
	[sflag:s28] =	ssyncadd.s32 $0xFFFFC000  }
0xa0: {  	[tilespmem:s26], [sflag:$0x2] =	stream.indirect.gather [hbm4b:s4+s9], $0x80, s31, s9, $0xb8;
	[tilespmem:$0x1CA80] =	vst v63  }
0xa1: {  	_ =	swait.ge [sflag:s29], $0x4000  }
0xa2: {  	[sflag:s29] =	ssyncset.done $0x0  }
0xa3: {  	s16 =	sadd.s32 $0x14280, s13;
	[sflag:s29] =	ssyncadd.s32 $0xFFFFC000  }
0xa4: {  	[spmem:s2] =	stream.indirect.scatter.add.f32 [tilespmem:s30], [sflag:$0x3], $0x80, s16, s9, $0xb8;
	[tilespmem:$0x1CA80] =	vst v63  }
0xa5: {  	_ =	swait.ge [sflag:s28], $0x4000  }
0xa6: {  	[sflag:s28] =	ssyncset.done $0x0  }
0xa7: {  	s31 =	sadd.s32 $0x13B80, s13;
	[sflag:s28] =	ssyncadd.s32 $0xFFFFC000  }
0xa8: {  	[tilespmem:s30], [sflag:$0x1] =	stream.indirect.gather [hbm4b:s4+s9], $0x80, s31, s9, $0xb8;
	[tilespmem:$0x1CA80] =	vst v63  }
0xa9: {  	_ =	swait.ge [sflag:s18], $0x4000  }
0xaa: {  	[sflag:s18] =	ssyncset.done $0x0  }
0xab: {  	s16 =	sadd.s32 $0x14300, s13;
	[sflag:s18] =	ssyncadd.s32 $0xFFFFC000  }
0xac: {  	[spmem:s2] =	stream.indirect.scatter.add.f32 [tilespmem:s26], [sflag:$0x3], $0x80, s16, s9, $0xb8;
	[tilespmem:$0x1CA80] =	vst v63  }
0xad: {  	_ =	swait.ge [sflag:s28], $0x4000  }
0xae: {  	[sflag:s28] =	ssyncset.done $0x0  }
0xaf: {  	s31 =	sadd.s32 $0x13C00, s13;
	[sflag:s28] =	ssyncadd.s32 $0xFFFFC000  }
0xb0: {  	[tilespmem:s26], [sflag:$0x2] =	stream.indirect.gather [hbm4b:s4+s9], $0x80, s31, s9, $0xb8;
	[tilespmem:$0x1CA80] =	vst v63  }
0xb1: {  	_ =	swait.ge [sflag:s29], $0x4000  }
0xb2: {  	[sflag:s29] =	ssyncset.done $0x0  }
0xb3: {  	s16 =	sadd.s32 $0x14380, s13;
	[sflag:s29] =	ssyncadd.s32 $0xFFFFC000  }
0xb4: {  	[spmem:s2] =	stream.indirect.scatter.add.f32 [tilespmem:s30], [sflag:$0x3], $0x80, s16, s9, $0xb8;
	[tilespmem:$0x1CA80] =	vst v63  }
0xb5: {  	_ =	swait.ge [sflag:s28], $0x4000  }
0xb6: {  	[sflag:s28] =	ssyncset.done $0x0  }
0xb7: {  	[sflag:s28] =	ssyncadd.s32 $0xFFFFC000  }
0xb8: {  	_ =	swait.ge [sflag:s18], $0x4000  }
0xb9: {  	[sflag:s18] =	ssyncset.done $0x0  }
0xba: {  	s13 =	sadd.s32 $0x14400, s13;
	[sflag:s18] =	ssyncadd.s32 $0xFFFFC000  }
0xbb: {  	[spmem:s2] =	stream.indirect.scatter.add.f32 [tilespmem:s26], [sflag:$0x3], $0x80, s13, s9, $0xb8;
	[tilespmem:$0x1CA80] =	vst v63  }
0xbc: {  	_ =	swait.ge [sflag:s28], $0x4000  }
0xbd: {  	s20 =	sadd.s32 $0x400, s20;
	s31 =	rddreg [dreg:$0x4]  }
0xbe: {  	p2 =	sne.s32 s31, s20  }
.Ltmp7:
0xbf: {  	_ = 	snop;
	(pc) =	sbr.rel @p2 .LBB2_9-.Ltmp7, $3  }
0xc0: {  	_ =	sdelay $0x1  }
0xc1: {  	s1 =	sadd.s32 $0x1, s1;
	[sflag:s28] =	ssyncset.done $0x0  }
0xc2: {  	s25 =	sadd.s32 $0x80, s25;
	s24 =	sadd.s32 $0x80, s24;
	[sflag:s28] =	ssyncadd.s32 $0xFFFFC000  }
.Ltmp8:
0xc3: {  	(pc) =	sbr.rel @p0 .LBB2_12-.Ltmp8, $1  }
0xc4: {  	_ =	sdelay $0x3  }
0xc5: {  	s1 =	rddreg [dreg:$0x9]  }
0xc6: {  	[tilespmem:s30], [sflag:$0x1] =	stream.indirect.gather [hbm4b:s4+s9], $0x80, s1, s9, $0xb8;
	[tilespmem:$0x1CA80] =	vst v63  }
0xc7: {  	_ =	swait.ge [sflag:s29], $0x4000  }
0xc8: {  	[sflag:s29] =	ssyncset.done $0x0  }
0xc9: {  	s31 =	rddreg [dreg:$0xa];
	[sflag:s29] =	ssyncadd.s32 $0xFFFFC000  }
0xca: {  	[spmem:s2] =	stream.indirect.scatter.add.f32 [tilespmem:s30], [sflag:$0x3], $0x80, s31, s9, $0xb8;
	[tilespmem:$0x1CA80] =	vst v63  }
.Ltmp9:
0xcb: {  	_ =	swait.ge [sflag:s28], $0x4000;
	(pc) =	sbr.rel .LBB2_13-.Ltmp9, $3  }
0xcc: {  	[sflag:s28] =	ssyncset.done $0x0  }
0xcd: {  	[sflag:s28] =	ssyncadd.s32 $0xFFFFC000  }
0xce: {  	[bflag:$0x0] =	sbarrier.arrive $0xFFFF;
	_ =	sdelay $0x1  }
.LBB2_12:
.Ltmp10:
0xcf: {  	(pc) =	sbr.rel @p1 .LBB2_14-.Ltmp10, $2  }
0xd0: {  	_ =	sdelay $0x1  }
0xd1: {  	[bflag:$0x0] =	sbarrier.arrive $0xFFFF;
	_ =	sdelay $0x1  }
.LBB2_13:
0xd2: {  	s1 =	stileid.u32  }
0xd3: {  	s1 =	sshll.u32 s1, $0x6  }
.Ltmp11:
0xd4: {  	s13 =	sshrl.u32 s6, $0x3;
	s1 =	sor.u32 $0x1C03, s1;
	(pc) =	sbr.rel .LBB2_15-.Ltmp11, $4  }
0xd5: {  	[hbm:s14], [sflag:s1] =	dma.local [spmem:s13], $0x2780  }
0xd6: {  	_ =	swait.ge [sflag:s28], $0x2780  }
0xd7: {  	[sflag:s28] =	ssyncset.done $0x0  }
0xd8: {  	[sflag:s28] =	ssyncadd.s32 $0xFFFFD880  }
.LBB2_16:
0xd9: {  	_ =	sfence.sel $0x180000  }
0xda: {  	[bflag:$0x0] =	sbarrier.arrive $0xFFFF  }
0xdb: {  	_ =	strace $0x9000004A  }
0xdc: {  	s0 =	stileid.u32;
	[bflag:$0x2] =	sbarrier.arrive $0xFFFF  }
0xdd: {  	p0 =	sne.s32 s0, $0x0;
	s0 =	rddreg [dreg:$0x3]  }
0xde: {  	s0 =	sadd.s32 @!p0 $0x100000, s0  }
0xdf: {  	[sflag:s0] =	ssyncadd.tile.s32 @!p0 $0x1;
	_ =	shalt  }
.Lfunc_end2:
_tile_overlayer_lowered:
.L_overlay_start_2:
0xe0: {  	(tag) =	ssettag $0x2  }
0xe1: {  	s0 =	rddreg [dreg:$0x0];
	s2 =	stileid.u32  }
0xe2: {  	s1 =	rddreg [dreg:$0x1];
	p0 =	sne.s32 s2, $0x0  }
0xe3: {  	s3 =	rddreg [dreg:$0x2];
	[bflag:$0x3] =	sbarrier.arrive $0xFFFF;
	s2 =	simm.s32 @!p0 $0x1C03  }
0xe4: {  	[timem:s3], [sflag:s2] =	dma.local @!p0 [hbm:s0], s1  }
0xe5: {  	s0 =	simm.s32 @!p0 $0x3  }
0xe6: {  	_ =	swait.ge @!p0 [sflag:s0], s1  }
0xe7: {  	s1 =	ssub.s32 @!p0 $0x0, s1;
	[sflag:s0] =	ssyncset.done @!p0 $0x0  }
0xe8: {  	[sflag:s0] =	ssyncadd.s32 @!p0 s1  }
0xe9: {  	[bflag:$0x3] =	sbarrier.arrive $0xFFFF  }
0xea: {  	_ =	shalt  }

// kernel: kernel.9.cloned.1.call-start
scs
__scs_entry_jumppad:
0x0: {  	(pc) =	sbr.rel $0x88, $3  }
0x1: {  	(tag) =	ssettag $0x0;
	lr =	simm.s32 $0x1  }
0x2: {  	[smem:$0x3F97] =	sst lr;
	_ =	strace $0xD0000000  }
0x3: {  	_ = 	snop  }
0x4: {  	_ = 	snop  }
0x5: {  	_ = 	snop  }
0x6: {  	_ = 	snop  }
0x7: {  	_ = 	snop  }
__scs_overlays_trampoline_lowered:
0x8: {  	[smem:$0x3FA6] =	sst s0  }
0x9: {  	[smem:$0x3FA7] =	sst s1  }
0xa: {  	[smem:$0x3FA8] =	sst s2  }
0xb: {  	[smem:$0x3FA9] =	sst s3  }
0xc: {  	[smem:$0x3FAA] =	sst s4  }
0xd: {  	[smem:$0x3FAB] =	sst s5  }
0xe: {  	[smem:$0x3FAC] =	sst s6  }
0xf: {  	[smem:$0x3FAD] =	sst s7  }
0x10: {  	[smem:$0x3FAE] =	sst s8  }
0x11: {  	[smem:$0x3FAF] =	sst s9;
	s0 =	simm.s32 @!p0 $0x0  }
0x12: {  	s1 =	sld [smem:$0x3F95];
	s0 =	simm.s32 @p0 $0x1  }
0x13: {  	[smem:$0x3FB0] =	sst s0;
	s0 =	simm.s32 @!p1 $0x0  }
0x14: {  	s2 =	sld [smem:$0x3F94];
	s0 =	simm.s32 @p1 $0x1  }
0x15: {  	[smem:$0x3FB1] =	sst s0;
	s0 =	simm.s32 @!p2 $0x0  }
0x16: {  	s3 =	sld [smem:$0x3FDB];
	s0 =	simm.s32 @p2 $0x1  }
0x17: {  	s4 =	simm.s32 $0x1BF5;
	[smem:$0x3FB3] =	sst s0  }
0x18: {  	s0 =	sld [smem:$0x3F96];
	_ =	swait.ge [sflag:s4], $0x0  }
0x19: {  	s7 =	sld [smem:$0x3F97]  }
0x1a: {  	s8 =	sadd.s32 $0xFFFFE003, lr  }
0x1b: {  	s9 =	sadd.s32 $0xFFFFFEF7, lr;
	s5 =	simm.s32 $0xFFFFFFFF;
	p2 =	slt.u32 s8, $0xFFFFF086  }
0x1c: {  	p1 =	slt.u32 s9, $0xF7A;
	s5 =	simm.s32 @!p2 $0x0  }
0x1d: {  	s5 =	simm.s32 @p1 $0x1;
	p0 =	seq.s32 s7, s2  }
0x1e: {  	s7 =	smul.u32 @!p0 $0xF7A, s2;
	p2 =	seq.s32 @!p0 s5, $0x0  }
0x1f: {  	s9 =	smul.u32 $0xF7A, s1;
	s8 =	simm.s32 @!p0 $0x1BF5;
	p2 =	por !p2, p0  }
0x20: {  	[sflag:s8] =	ssyncset.s32 @!p0 $0xFFFFF086;
	s6 =	sadd.s32 @!p0 s3, s7;
	s7 =	simm.s32 @!p0 $0x108  }
0x21: {  	s3 =	sadd.s32 s3, s9;
	s6 =	sadd.s32 @!p0 $0x88, s6;
	s7 =	simm.s32 @p2 $0x1082  }
0x22: {  	[simem:s7], [sflag:s8] =	dma.local @!p0 [hbm:s6], $0xF7A  }
0x23: {  	s9 =	sor.u32 $0xD0000000, s2;
	s6 =	simm.s32 $0x108;
	_ =	swait.ge @!p0 [sflag:s8], $0x0  }
0x24: {  	s3 =	sadd.s32 $0x88, s3;
	s6 =	simm.s32 @!p1 $0x1082;
	[sflag:s4] =	ssyncset.s32 $0xFFFFF086  }
0x25: {  	[simem:s6], [sflag:s4] =	dma.local [hbm:s3], $0xF7A  }
0x26: {  	[smem:$0x3F97] =	sst s1;
	(tag) =	ssettag s2;
	_ =	strace s9  }
0x27: {  	s1 =	sld [smem:$0x3FA7]  }
0x28: {  	s2 =	sld [smem:$0x3FA8]  }
0x29: {  	s4 =	sld [smem:$0x3FAA]  }
0x2a: {  	p0 =	seq.s32 s5, $0x0;
	s5 =	sld [smem:$0x3FAB]  }
0x2b: {  	s6 =	sld [smem:$0x3FAC]  }
0x2c: {  	s7 =	sld [smem:$0x3FAD]  }
0x2d: {  	s3 =	simm.s32 $0x108;
	s8 =	sld [smem:$0x3FAE]  }
0x2e: {  	s3 =	simm.s32 @!p0 $0x1082;
	s9 =	sld [smem:$0x3FAF]  }
0x2f: {  	lr =	sadd.s32 s0, s3;
	s0 =	sld [smem:$0x3FA6]  }
0x30: {  	s3 =	sld [smem:$0x3FA9]  }
0x31: {  	[smem:$0x3FB2] =	sst s10  }
0x32: {  	s10 =	sld [smem:$0x3FB0];
	_ =	sdelay $0x3  }
0x33: {  	p0 =	seq.s32 s10, $0x1;
	s10 =	sld [smem:$0x3FB2];
	_ =	sdelay $0x3  }
0x34: {  	[smem:$0x3FB2] =	sst s10  }
0x35: {  	s10 =	sld [smem:$0x3FB1];
	_ =	sdelay $0x3  }
0x36: {  	p1 =	seq.s32 s10, $0x1;
	s10 =	sld [smem:$0x3FB2];
	_ =	sdelay $0x3  }
0x37: {  	[smem:$0x3FB2] =	sst s10  }
0x38: {  	s10 =	sld [smem:$0x3FB3]  }
0x39: {  	_ = 	snop;
	(pc) =	sbr.ind lr, $3  }
0x3a: {  	_ = 	snop  }
0x3b: {  	_ = 	snop  }
0x3c: {  	p2 =	seq.s32 s10, $0x1;
	s10 =	sld [smem:$0x3FB2]  }
0x3d: {  	_ =	shalt  }
0x3e: {  	_ =	shalt  }
0x3f: {  	_ =	shalt  }
0x40: {  	_ =	shalt  }
0x41: {  	_ =	shalt  }
0x42: {  	_ =	shalt  }
0x43: {  	_ =	shalt  }
0x44: {  	_ =	shalt  }
0x45: {  	_ =	shalt  }
0x46: {  	_ =	shalt  }
0x47: {  	_ =	shalt  }
0x48: {  	_ =	shalt  }
0x49: {  	_ =	shalt  }
0x4a: {  	_ =	shalt  }
0x4b: {  	_ =	shalt  }
0x4c: {  	_ =	shalt  }
0x4d: {  	_ =	shalt  }
0x4e: {  	_ =	shalt  }
0x4f: {  	_ =	shalt  }
0x50: {  	_ =	shalt  }
0x51: {  	_ =	shalt  }
0x52: {  	_ =	shalt  }
0x53: {  	_ =	shalt  }
0x54: {  	_ =	shalt  }
0x55: {  	_ =	shalt  }
0x56: {  	_ =	shalt  }
0x57: {  	_ =	shalt  }
0x58: {  	_ =	shalt  }
0x59: {  	_ =	shalt  }
0x5a: {  	_ =	shalt  }
0x5b: {  	_ =	shalt  }
0x5c: {  	_ =	shalt  }
0x5d: {  	_ =	shalt  }
0x5e: {  	_ =	shalt  }
0x5f: {  	_ =	shalt  }
0x60: {  	_ =	shalt  }
0x61: {  	_ =	shalt  }
0x62: {  	_ =	shalt  }
0x63: {  	_ =	shalt  }
0x64: {  	_ =	shalt  }
0x65: {  	_ =	shalt  }
0x66: {  	_ =	shalt  }
0x67: {  	_ =	shalt  }
0x68: {  	_ =	shalt  }
0x69: {  	_ =	shalt  }
0x6a: {  	_ =	shalt  }
0x6b: {  	_ =	shalt  }
0x6c: {  	_ =	shalt  }
0x6d: {  	_ =	shalt  }
0x6e: {  	_ =	shalt  }
0x6f: {  	_ =	shalt  }
0x70: {  	_ =	shalt  }
0x71: {  	_ =	shalt  }
0x72: {  	_ =	shalt  }
0x73: {  	_ =	shalt  }
0x74: {  	_ =	shalt  }
0x75: {  	_ =	shalt  }
0x76: {  	_ =	shalt  }
0x77: {  	_ =	shalt  }
0x78: {  	_ =	shalt  }
0x79: {  	_ =	shalt  }
0x7a: {  	_ =	shalt  }
0x7b: {  	_ =	shalt  }
0x7c: {  	_ =	shalt  }
0x7d: {  	_ =	shalt  }
0x7e: {  	_ =	shalt  }
0x7f: {  	_ =	shalt  }
0x80: {  	_ =	shalt  }
0x81: {  	_ =	shalt  }
0x82: {  	_ =	shalt  }
0x83: {  	_ =	shalt  }
0x84: {  	_ =	shalt  }
0x85: {  	_ =	shalt  }
0x86: {  	_ =	shalt  }
0x87: {  	_ =	shalt  }
.Lfunc_end0:
.L_simem_size_0:
called_computation_lowered:
.L_overlay_start_0:
0x88: {  	s2 =	sld [smem:$0x3FD9]  }
0x89: {  	s3 =	sld [smem:$0x3FFE];
	_ =	sdelay $0x1  }
0x8a: {  	s1 =	srdreg.scid  }
0x8b: {  	s0 =	sand.u32 $0x1, s1  }
0x8c: {  	s17 =	sshll.u32 s0, $0xA;
	s2 =	sadd.s32 s3, s2  }
0x8d: {  	s2 =	sadd.s32 s2, s17  }
0x8e: {  	[smem:$0x3FBE] =	sst s2  }
0x8f: {  	_ = 	snop  }
0x90: {  	s2 =	sld [smem:$0x3FD0];
	(tm) =	ssettm $0x1  }
0x91: {  	s18 =	sld [smem:$0x3FFB];
	_ =	sdelay $0x3  }
0x92: {  	_ =	strace s18  }
0x93: {  	s3 =	sld [smem:$0x3FFC];
	_ =	sdelay $0x3  }
0x94: {  	_ =	strace s3  }
0x95: {  	s3 =	sld [smem:$0x3FFD];
	_ =	sdelay $0x3  }
0x96: {  	_ =	strace s3  }
0x97: {  	_ =	strace $0x8FFFFFFF  }
0x98: {  	s19 =	sld [smem:$0x3FDB];
	_ =	sdelay $0x1  }
0x99: {  	s4 =	simm.s32 $_scs_section_size  }
0x9a: {  	s5 =	simm.s32 $_size__tile_overlayer_lowered;
	s6 =	simm.s32 $_tile_overlayer_lowered  }
0x9b: {  	s22 =	simm.s32 $0x1BFF;
	s21 =	sshll.u32 s6, $0x1;
	s3 =	sadd.s32 s4, s19  }
0x9c: {  	s7 =	simm.s32 $0x0;
	s20 =	sshll.u32 s5, $0x1;
	s5 =	sadd.s32 s21, s3  }
0x9d: {  	[timem:s7], [sflag:s22] =	dma.local [hbm:s5], s20  }
0x9e: {  	_ =	swait.ge [sflag:s22], s20  }
0x9f: {  	s4 =	ssub.s32 $0x0, s20;
	[sflag:s22] =	ssyncset.done $0x0  }
0xa0: {  	[sflag:s22] =	ssyncadd.s32 s4;
	_ =	sdelay $0x1  }
0xa1: {  	s23 =	simm.s32 $0x1B8B  }
0xa2: {  	_ =	swait.ge [sflag:s23], $0x1  }
0xa3: {  	[sflag:s23] =	ssyncset.done $0x0  }
0xa4: {  	s25 =	simm.s32 $0x1B8E;
	s24 =	sld [smem:$0x3FFE];
	[sflag:s23] =	ssyncadd.s32 $0xFFFFFFFF  }
0xa5: {  	s26 =	simm.s32 $execute0_lowered;
	[smem:$0x3FD2] =	sst s25  }
0xa6: {  	s5 =	sshll.u32 s26, $0x1;
	_ =	strace $0x80000046;
	[dreg:$0x1] =	wrdreg $0xFFFFFFFF  }
0xa7: {  	s28 =	simm.s32 $_size_execute0_lowered;
	s3 =	sadd.s32 s3, s5;
	[dreg:$0x0] =	wrdreg $0x0  }
0xa8: {  	s5 =	sshll.u32 s28, $0x1;
	[dreg:$0x2] =	wrdreg s3  }
0xa9: {  	[dreg:$0x3] =	wrdreg s5  }
0xaa: {  	[dreg:$0x4] =	wrdreg $0xC0  }
0xab: {  	_ =	task [dreg:s7], $0x5FFFF  }
0xac: {  	[dreg:$0x1] =	wrdreg $0xFFFFFFFF  }
0xad: {  	[dreg:$0x0] =	wrdreg $0x60  }
0xae: {  	[dreg:$0x2] =	wrdreg s24  }
0xaf: {  	[dreg:$0x3] =	wrdreg s2  }
0xb0: {  	[dreg:$0x4] =	wrdreg $0x0  }
0xb1: {  	[dreg:$0x5] =	wrdreg $0x138800  }
0xb2: {  	[dreg:$0x6] =	wrdreg $0x9  }
0xb3: {  	_ =	task.clear_ibuf [dreg:s7], $0x7FFFF;
	_ =	strace $0x90000046  }
0xb4: {  	s29 =	simm.s32 $0x9;
	_ =	strace $0x80000048  }
0xb5: {  	_ =	swait.ge [sflag:s29], $0x1  }
0xb6: {  	[sflag:s29] =	ssyncadd.s32 $0xFFFFFFFF  }
0xb7: {  	_ =	strace $0x90000048  }
0xb8: {  	_ =	sfence  }
0xb9: {  	s30 =	sld [smem:$0x0];
	_ =	sdelay $0x2  }
0xba: {  	s31 =	sshll.u32 s1, $0xD;
	s1 =	sshrl.u32 s1, $0x2  }
0xbb: {  	s3 =	sand.u32 $0x4000, s31;
	s1 =	sadd.s32 s1, s30  }
0xbc: {  	s0 =	sor.u32 s3, s0;
	s1 =	sshll.u32 s1, $0x11  }
0xbd: {  	s0 =	sor.u32 s1, s0  }
0xbe: {  	s0 =	sadd.s32 $0x8F2B, s0  }
0xbf: {  	[sflag:s0] =	ssyncadd.remote.s32 $0x1  }
0xc0: {  	_ =	sfence.sel $0xFFFF  }
0xc1: {  	[dreg:$0x0] =	wrdreg $0xFFFFFFFF;
	(pc) =	sbr.abs _section_cstart, $3  }
0xc2: {  	[dreg:$0x1] =	wrdreg $0xFFFFFFFF  }
0xc3: {  	_ =	task.clear_ibuf [dreg:s7], $0x2FFFF;
	_ =	strace $0x9FFFFFFF  }
0xc4: {  	(tm) =	ssettm $0x7FFFFFFF  }
0xc5: {  	_ =	shalt  }
tec
execute0_lowered:
.L_overlay_start_1:
0x0: {  	(tag) =	ssettag $0x1  }
0x1: {  	s0 =	rddreg [dreg:$0x0]  }
0x2: {  	s2 =	rddreg [dreg:$0x1];
	s14 =	stileid.u32  }
0x3: {  	s1 =	rddreg [dreg:$0x2];
	s4 =	srdreg.scid  }
0x4: {  	s3 =	rddreg [dreg:$0x3];
	s5 =	smul.u32 $0x50, s14  }
0x5: {  	s31 =	simm.s32 $0x14CF8;
	s6 =	smul.u32 $0x48, s14;
	s8 =	sand.u32 $0x1, s4  }
0x6: {  	s9 =	smul.u32 $0x278, s14;
	s4 =	simm.s32 $0x0;
	p0 =	slt.u32 s14, $0xC  }
0x7: {  	s13 =	smul.u32 $0x4F000, s14;
	s20 =	sadd.s32 $0x8800, s0;
	p1 =	sne.s32 s14, $0xF  }
0x8: {  	p4 =	seq.s32 s14, $0xF;
	s22 =	sadd.s32 $0x138400, s1;
	s7 =	smul.u32 $0x2710, s8  }
0x9: {  	s23 =	sshll.u32 s14, $0x7;
	[smem:$0x7FF] =	sst s4;
	s26 =	smul.u32 $0x27400, s8  }
0xa: {  	s12 =	ssub.s32 $0x2, s8;
	s16 =	smul.u32 $0x4E8, s8;
	p3 =	seq.s32 s8, $0x0  }
0xb: {  	s25 =	sadd.s32 $0x14AF8, s23;
	_ =	strace $0x80000047;
	[dreg:$0x7] =	wrdreg s20  }
0xc: {  	s6 =	sadd.s32 $0x60, s6;
	s11 =	sshrl.u32 s9, $0x3;
	[dreg:$0x9] =	wrdreg s22  }
0xd: {  	s28 =	sshrl.u32 s12, $0x1;
	s13 =	sshrl.u32 s13, $0x2;
	[dreg:$0xc] =	wrdreg s25  }
0xe: {  	p5 =	por !p3, !p1;
	p6 =	por !p3, !p4;
	s25 =	sadd.s32 $0x12C400, s1  }
0xf: {  	s6 =	smov.u32 @p0 s5;
	s7 =	sadd.s32 s9, s7;
	s5 =	sadd.s32 $0x8A00, s0  }
0x10: {  	s18 =	sadd.s32 s11, s0;
	s19 =	ssub.s32 s12, s28;
	s11 =	sadd.s32 s9, s3  }
0x11: {  	s12 =	simm.s32 $0xA;
	s28 =	smul.u32 $0x4E80, s8;
	p2 =	por !p5, !p5  }
0x12: {  	s9 =	simm.s32 @!p4 $0x0;
	p3 =	por !p6, !p6;
	[dreg:$0x13] =	wrdreg s25  }
0x13: {  	s10 =	sshll.u32 s6, $0x4;
	s7 =	sshll.u32 s7, $0x4;
	s6 =	sadd.s32 s16, s6  }
0x14: {  	s12 =	simm.s32 @!p0 $0x9;
	s9 =	simm.s32 @p4 $0x1;
	s20 =	smax.u32 s19, $0x1  }
0x15: {  	p4 =	sne.s32 s8, $0x0;
	s8 =	simm.s32 $0x80;
	s15 =	sadd.s32 s10, s0  }
0x16: {  	s17 =	sadd.s32 s7, s0;
	s7 =	sshrl.u32 s26, $0x3;
	s6 =	sshll.u32 s6, $0x4  }
0x17: {  	s26 =	sadd.s32 $0x14BF8, s23;
	[smem:$0x7FD] =	sst s9;
	s0 =	sadd.s32 $0x570A1, s0  }
0x18: {  	p0 =	seq.s32 @!p4 s14, $0xF;
	s7 =	sadd.s32 s2, s7;
	s6 =	sadd.s32 s2, s6  }
0x19: {  	s24 =	sadd.s32 $0x3A00, s15;
	[dreg:$0xd] =	wrdreg s26;
	s2 =	sadd.s32 s28, s2  }
0x1a: {  	[dreg:$0xf] =	wrdreg s0;
	s30 =	sadd.s32 $0x3A80, s15;
	p5 =	por !p0, p4  }
0x1b: {  	p6 =	por p0, p4;
	p0 =	sgt.u32 s14, $0x1;
	[dreg:$0xa] =	wrdreg s6  }
0x1c: {  	s26 =	sadd.s32 $0x130400, s1;
	s28 =	sadd.s32 $0x134400, s1;
	[dreg:$0xb] =	wrdreg s24  }
0x1d: {  	s15 =	simm.s32 $0x18CF8;
	s7 =	sadd.s32 $0x4E00, s7;
	[dreg:$0x14] =	wrdreg s26  }
0x1e: {  	s6 =	simm.s32 @!p1 $0x0;
	s16 =	sadd.s32 s10, s2;
	[dreg:$0x15] =	wrdreg s28  }
0x1f: {  	s2 =	simm.s32 $0x4;
	[dreg:$0x6] =	wrdreg s7;
	s6 =	simm.s32 @p1 $0x1  }
0x20: {  	s7 =	sadd.s32 s13, s1;
	s13 =	sadd.s32 $0x56C00, s18;
	[smem:$0x7FC] =	sst s6  }
0x21: {  	s10 =	simm.s32 $0x0;
	s21 =	sadd.s32 $0x10000, s7;
	[dreg:$0xe] =	wrdreg s13  }
.Ltmp0:
0x22: {  	s22 =	sadd.s32 $0x4000, s7;
	[dreg:$0x8] =	wrdreg s21;
	(pc) =	sbr.rel .LBB2_1-.Ltmp0, $4  }
0x23: {  	s18 =	sadd.s32 $0x128400, s1;
	s23 =	sadd.s32 $0x8000, s7;
	[dreg:$0x10] =	wrdreg s22  }
0x24: {  	s29 =	sadd.s32 $0x80, s16;
	s24 =	sadd.s32 $0xC000, s7;
	[dreg:$0x11] =	wrdreg s23  }
0x25: {  	s6 =	simm.s32 $0x2;
	s21 =	sshll.u32 s12, $0xA;
	[dreg:$0x12] =	wrdreg s24  }
0x26: {  	v0 =	vimm.f32 $0.0e+00;
	v1 =	vimm.f32 $1.000000000e+00;
	s23 =	sadd.s32 $0x57200, s17;
	s17 =	simm.s32 $0x1;
	[dreg:$0x5] =	wrdreg s21  }
.LBB2_15:
0x27: {  	s0 =	stileid.u32  }
0x28: {  	s0 =	sshll.u32 s0, $0x6  }
0x29: {  	s9 =	sshrl.u32 s18, $0x3;
	s0 =	sor.u32 $0x1C04, s0  }
0x2a: {  	[hbm:s23], [sflag:s0] =	dma.local [spmem:s9], $0x2080  }
0x2b: {  	_ =	swait.ge [sflag:s2], $0x2080  }
0x2c: {  	[sflag:s2] =	ssyncset.done $0x0  }
0x2d: {  	s0 =	simm.s32 @p3 $0x1CD78;
	s9 =	simm.s32 @p3 $0x4;
	[sflag:s2] =	ssyncadd.s32 $0xFFFFDF80  }
0x2e: {  	[tilespmem:s0], [sflag:$0x4] =	stream.linear.gather @p3 [spmem:s11], $0x208, $0x38;
	[tilespmem:$0x1CFF8] =	vst v63  }
0x2f: {  	_ =	swait.ge @p3 [sflag:s9], $0x208  }
0x30: {  	[sflag:s9] =	ssyncset.done @p3 $0x0  }
0x31: {  	s13 =	simm.s32 @p3 $0x0;
	s14 =	rddreg [dreg:$0xf];
	[sflag:s9] =	ssyncadd.s32 @p3 $0xFFFFFDF8  }
0x32: {  	[hbm4b:s14+s13] =	stream.linear.scatter @p3 [tilespmem:s0], [sflag:$0x4], $0x208, $0x38;
	[tilespmem:$0x1CFF8] =	vst v63  }
0x33: {  	_ =	swait.ge @p3 [sflag:s9], $0x208  }
0x34: {  	[sflag:s9] =	ssyncset.done @p3 $0x0  }
0x35: {  	[sflag:s9] =	ssyncadd.s32 @p3 $0xFFFFFDF8  }
.LBB2_16:
0x36: {  	s10 =	sadd.s32 $0x1, s10  }
0x37: {  	p1 =	sne.s32 s10, s20  }
.Ltmp1:
0x38: {  	_ = 	snop;
	(pc) =	sbr.rel @!p1 .LBB2_17-.Ltmp1, $1  }
0x39: {  	_ =	sdelay $0x3  }
.LBB2_1:
0x3a: {  	s0 =	sand.u32 $0xFE00, s4  }
0x3b: {  	s9 =	sand.u32 $0x70, s4;
	s19 =	sshrl.u32 s0, $0x2  }
0x3c: {  	s0 =	simm.s32 $0x40;
	s19 =	sor.u32 s9, s19;
	s9 =	simm.s32 $0x0  }
.LBB2_2:
0x3d: {  	p1 =	sne.s32 s0, $0xFFC0  }
0x3e: {  	[tilespmem:s19+$0x14CF8] =	vst v0;
	s9 =	sadd.s32 $0x10, s9;
	s19 =	smov.u32 s0;
	s0 =	sadd.s32 $0x40, s0  }
.Ltmp2:
0x3f: {  	(pc) =	sbr.rel @p1 .LBB2_2-.Ltmp2, $4  }
0x40: {  	_ = 	snop  }
0x41: {  	s19 =	sand.u32 $0xFE00, s19  }
0x42: {  	s21 =	sand.u32 $0x70, s9;
	s19 =	sshrl.u32 s19, $0x2  }
0x43: {  	s19 =	sor.u32 s21, s19  }
0x44: {  	[tilespmem:s19+$0x14CF8] =	vst v0  }
0x45: {  	[tilespmem:$0x1CD78] =	vst v0  }
0x46: {  	[tilespmem:$0x1CD88] =	vst v0  }
0x47: {  	[tilespmem:$0x1CD98] =	vst v0  }
0x48: {  	[tilespmem:$0x1CDA8] =	vst v0  }
0x49: {  	[tilespmem:$0x1CDB8] =	vst v0  }
0x4a: {  	[tilespmem:$0x1CDC8] =	vst v0  }
0x4b: {  	[tilespmem:$0x1CDD8] =	vst v0  }
0x4c: {  	[tilespmem:$0x1CDE8] =	vst v0  }
0x4d: {  	[tilespmem:$0x1CDF8] =	vst v0  }
0x4e: {  	[tilespmem:$0x1CE08] =	vst v0  }
0x4f: {  	[tilespmem:$0x1CE18] =	vst v0  }
0x50: {  	[tilespmem:$0x1CE28] =	vst v0  }
0x51: {  	[tilespmem:$0x1CE38] =	vst v0  }
0x52: {  	[tilespmem:$0x1CE48] =	vst v0  }
0x53: {  	[tilespmem:$0x1CE58] =	vst v0  }
0x54: {  	[tilespmem:$0x1CE68] =	vst v0  }
0x55: {  	[tilespmem:$0x1CE78] =	vst v0  }
0x56: {  	[tilespmem:$0x1CE88] =	vst v0  }
0x57: {  	[tilespmem:$0x1CE98] =	vst v0  }
0x58: {  	[tilespmem:$0x1CEA8] =	vst v0  }
0x59: {  	[tilespmem:$0x1CEB8] =	vst v0  }
0x5a: {  	[tilespmem:$0x1CEC8] =	vst v0  }
0x5b: {  	[tilespmem:$0x1CED8] =	vst v0  }
0x5c: {  	[tilespmem:$0x1CEE8] =	vst v0  }
0x5d: {  	[tilespmem:$0x1CEF8] =	vst v0  }
0x5e: {  	[tilespmem:$0x1CF08] =	vst v0  }
0x5f: {  	[tilespmem:$0x1CF18] =	vst v0  }
0x60: {  	[tilespmem:$0x1CF28] =	vst v0  }
0x61: {  	[tilespmem:$0x1CF38] =	vst v0  }
0x62: {  	[tilespmem:$0x1CF48] =	vst v0  }
0x63: {  	[tilespmem:$0x1CF58] =	vst v0  }
0x64: {  	[tilespmem:$0x1CF68] =	vst v0  }
0x65: {  	[tilespmem:$0x1CF78] =	vst v0  }
0x66: {  	[tilespmem:$0x1CF88] =	vst v0  }
0x67: {  	[tilespmem:$0x1CF98] =	vst v0  }
0x68: {  	[tilespmem:$0x1CFA8] =	vst v0  }
0x69: {  	[tilespmem:$0x1CFB8] =	vst v0  }
0x6a: {  	[tilespmem:$0x1CFC8] =	vst v0  }
0x6b: {  	[tilespmem:$0x1CFD8] =	vst v0  }
0x6c: {  	[tilespmem:$0x1CFE8] =	vst v0  }
0x6d: {  	[tilespmem:$0x1CCF8] =	vst v1  }
0x6e: {  	[tilespmem:$0x1CD08] =	vst v1  }
0x6f: {  	[tilespmem:$0x1CD18] =	vst v1  }
.Ltmp3:
0x70: {  	[tilespmem:$0x1CD28] =	vst v1;
	(pc) =	sbr.rel @p0 .LBB2_5-.Ltmp3, $4  }
0x71: {  	[tilespmem:$0x1CD38] =	vst v1  }
0x72: {  	[tilespmem:$0x1CD48] =	vst v1  }
0x73: {  	[tilespmem:$0x1CD58] =	vst v1  }
0x74: {  	[tilespmem:$0x1CD68] =	vst v1  }
0x75: {  	s0 =	rddreg [dreg:$0x6];
	s9 =	simm.s32 $0x14AF8  }
0x76: {  	[tilespmem:s9], [sflag:$0x4] =	stream.linear.gather [hbm4b:s0+s4], $0x100, $0x38;
	[tilespmem:$0x1CFF8] =	vst v63  }
0x77: {  	_ =	swait.ge [sflag:s2], $0x100  }
0x78: {  	s28 =	simm.s32 $0x14BF8;
	[sflag:s2] =	ssyncset.done $0x0  }
.Ltmp4:
0x79: {  	s26 =	rddreg [dreg:$0x7];
	[sflag:s2] =	ssyncadd.s32 $0xFFFFFF00;
	(pc) =	sbr.rel .LBB2_6-.Ltmp4, $4  }
0x7a: {  	[tilespmem:s28], [sflag:$0x4] =	stream.linear.gather [hbm4b:s26+s4], $0x100, $0x38;
	[tilespmem:$0x1CFF8] =	vst v63  }
0x7b: {  	_ =	swait.ge [sflag:s2], $0x100  }
0x7c: {  	[sflag:s2] =	ssyncset.done $0x0  }
0x7d: {  	[sflag:s2] =	ssyncadd.s32 $0xFFFFFF00  }
.LBB2_5:
0x7e: {  	s0 =	sld [smem:$0x7FD];
	_ =	sdelay $0x2  }
0x7f: {  	p1 =	seq.s32 s0, $0x1  }
.Ltmp5:
0x80: {  	_ = 	snop;
	(pc) =	sbr.rel @p1 .LBB2_7-.Ltmp5, $1  }
0x81: {  	_ =	sdelay $0x3  }
.LBB2_6:
0x82: {  	[spmem:s7] =	stream.linear.scatter [tilespmem:s31], [sflag:$0x4], $0x4000, $0x38;
	[tilespmem:$0x1CFF8] =	vst v63  }
0x83: {  	_ =	swait.ge [sflag:s2], $0x4000  }
0x84: {  	[sflag:s2] =	ssyncset.done $0x0  }
0x85: {  	s0 =	rddreg [dreg:$0x10];
	[sflag:s2] =	ssyncadd.s32 $0xFFFFC000  }
0x86: {  	[spmem:s0] =	stream.linear.scatter [tilespmem:s31], [sflag:$0x4], $0x4000, $0x38;
	[tilespmem:$0x1CFF8] =	vst v63  }
0x87: {  	_ =	swait.ge [sflag:s2], $0x4000  }
0x88: {  	[sflag:s2] =	ssyncset.done $0x0  }
0x89: {  	s24 =	rddreg [dreg:$0x11];
	[sflag:s2] =	ssyncadd.s32 $0xFFFFC000  }
0x8a: {  	[spmem:s24] =	stream.linear.scatter [tilespmem:s31], [sflag:$0x4], $0x4000, $0x38;
	[tilespmem:$0x1CFF8] =	vst v63  }
0x8b: {  	_ =	swait.ge [sflag:s2], $0x4000  }
0x8c: {  	[sflag:s2] =	ssyncset.done $0x0  }
0x8d: {  	s25 =	rddreg [dreg:$0x12];
	[sflag:s2] =	ssyncadd.s32 $0xFFFFC000  }
0x8e: {  	[spmem:s25] =	stream.linear.scatter [tilespmem:s31], [sflag:$0x4], $0x4000, $0x38;
	[tilespmem:$0x1CFF8] =	vst v63  }
0x8f: {  	_ =	swait.ge [sflag:s2], $0x4000  }
0x90: {  	[sflag:s2] =	ssyncset.done $0x0  }
0x91: {  	s26 =	rddreg [dreg:$0x8];
	[sflag:s2] =	ssyncadd.s32 $0xFFFFC000  }
0x92: {  	[spmem:s26] =	stream.linear.scatter [tilespmem:s31], [sflag:$0x4], $0x3C00, $0x38;
	[tilespmem:$0x1CFF8] =	vst v63  }
0x93: {  	_ =	swait.ge [sflag:s2], $0x3C00  }
0x94: {  	s28 =	sld [smem:$0x7FC];
	_ =	sdelay $0x2  }
0x95: {  	p1 =	seq.s32 s28, $0x1  }
.Ltmp6:
0x96: {  	_ = 	snop;
	(pc) =	sbr.rel @p1 .LBB2_8-.Ltmp6, $3  }
0x97: {  	_ =	sdelay $0x1  }
0x98: {  	[sflag:s2] =	ssyncset.done $0x0  }
0x99: {  	[sflag:s2] =	ssyncadd.s32 $0xFFFFC400  }
.LBB2_7:
0x9a: {  	[spmem:s18] =	stream.linear.scatter [tilespmem:s31], [sflag:$0x4], $0x4000, $0x38;
	[tilespmem:$0x1CFF8] =	vst v63  }
0x9b: {  	_ =	swait.ge [sflag:s2], $0x4000  }
0x9c: {  	[sflag:s2] =	ssyncset.done $0x0  }
0x9d: {  	s0 =	rddreg [dreg:$0x13];
	[sflag:s2] =	ssyncadd.s32 $0xFFFFC000  }
0x9e: {  	[spmem:s0] =	stream.linear.scatter [tilespmem:s31], [sflag:$0x4], $0x4000, $0x38;
	[tilespmem:$0x1CFF8] =	vst v63  }
0x9f: {  	_ =	swait.ge [sflag:s2], $0x4000  }
0xa0: {  	[sflag:s2] =	ssyncset.done $0x0  }
0xa1: {  	s25 =	rddreg [dreg:$0x14];
	[sflag:s2] =	ssyncadd.s32 $0xFFFFC000  }
0xa2: {  	[spmem:s25] =	stream.linear.scatter [tilespmem:s31], [sflag:$0x4], $0x4000, $0x38;
	[tilespmem:$0x1CFF8] =	vst v63  }
0xa3: {  	_ =	swait.ge [sflag:s2], $0x4000  }
0xa4: {  	[sflag:s2] =	ssyncset.done $0x0  }
0xa5: {  	s26 =	rddreg [dreg:$0x15];
	[sflag:s2] =	ssyncadd.s32 $0xFFFFC000  }
0xa6: {  	[spmem:s26] =	stream.linear.scatter [tilespmem:s31], [sflag:$0x4], $0x4000, $0x38;
	[tilespmem:$0x1CFF8] =	vst v63  }
0xa7: {  	_ =	swait.ge [sflag:s2], $0x4000  }
0xa8: {  	[sflag:s2] =	ssyncset.done $0x0  }
0xa9: {  	s28 =	rddreg [dreg:$0x9];
	[sflag:s2] =	ssyncadd.s32 $0xFFFFC000  }
0xaa: {  	[spmem:s28] =	stream.linear.scatter [tilespmem:s31], [sflag:$0x4], $0x400, $0x38;
	[tilespmem:$0x1CFF8] =	vst v63  }
0xab: {  	_ =	swait.ge [sflag:s2], $0x400  }
0xac: {  	[sflag:s2] =	ssyncset.done $0x0  }
0xad: {  	[sflag:s2] =	ssyncadd.s32 $0xFFFFFC00  }
.LBB2_8:
0xae: {  	s0 =	simm.s32 @!p5 $0x1CD78  }
0xaf: {  	[spmem:s11] =	stream.linear.scatter @!p5 [tilespmem:s0], [sflag:$0x4], $0x208, $0x38;
	[tilespmem:$0x1CFF8] =	vst v63  }
0xb0: {  	s0 =	simm.s32 @!p5 $0x4  }
0xb1: {  	_ =	swait.ge @!p5 [sflag:s0], $0x208  }
0xb2: {  	[sflag:s0] =	ssyncset.done @!p5 $0x0  }
0xb3: {  	[sflag:s0] =	ssyncadd.s32 @!p5 $0xFFFFFDF8;
	s0 =	simm.s32 @!p6 $0x1CD78  }
0xb4: {  	[spmem:s11] =	stream.linear.scatter @!p6 [tilespmem:s0], [sflag:$0x4], $0x278, $0x38;
	[tilespmem:$0x1CFF8] =	vst v63  }
0xb5: {  	s0 =	simm.s32 @!p6 $0x4  }
0xb6: {  	_ =	swait.ge @!p6 [sflag:s0], $0x278  }
0xb7: {  	[sflag:s0] =	ssyncset.done @!p6 $0x0  }
0xb8: {  	[sflag:s0] =	ssyncadd.s32 @!p6 $0xFFFFFD88  }
0xb9: {  	[bflag:$0x0] =	sbarrier.arrive $0xFFFF  }
0xba: {  	s19 =	simm.s32 $0x0;
	s9 =	simm.s32 $0x13AF8;
	s24 =	rddreg [dreg:$0xa]  }
0xbb: {  	[tilespmem:s9], [sflag:$0x4] =	stream.linear.gather [hbm4b:s24+s19], $0x400, $0x38;
	[tilespmem:$0x1CFF8] =	vst v63  }
0xbc: {  	_ =	swait.ge [sflag:s2], $0x400  }
0xbd: {  	[sflag:s2] =	ssyncset.done $0x0  }
0xbe: {  	s26 =	simm.s32 $0x142F8;
	s25 =	rddreg [dreg:$0xb];
	[sflag:s2] =	ssyncadd.s32 $0xFFFFFC00  }
0xbf: {  	[tilespmem:s26], [sflag:$0x4] =	stream.linear.gather [hbm4b:s25+s19], $0x400, $0x38;
	[tilespmem:$0x1CFF8] =	vst v63  }
0xc0: {  	_ =	swait.ge [sflag:s2], $0x400  }
0xc1: {  	s28 =	simm.s32 $0x1;
	[sflag:s2] =	ssyncset.done $0x0  }
0xc2: {  	s24 =	smov.u32 s30;
	s25 =	smov.u32 s29;
	[sflag:s2] =	ssyncadd.s32 $0xFFFFFC00  }
.LBB2_9:
0xc3: {  	s9 =	sand.u32 $0x400, s19  }
0xc4: {  	p1 =	sge.u32 s28, s12;
	s0 =	sor.u32 $0x13AF8, s9  }
0xc5: {  	[tilespmem:s31], [sflag:$0x1] =	stream.indirect.gather [hbm4b:s5+s8], $0x80, s0, s8, $0xb8;
	[tilespmem:$0x1CFF8] =	vst v63  }
0xc6: {  	s0 =	sxor.u32 @!p1 $0xFFFFFFFF, s19  }
0xc7: {  	s0 =	sand.u32 @!p1 $0x400, s0  }
0xc8: {  	s22 =	simm.s32 @!p1 $0x0;
	s21 =	sor.u32 @!p1 $0x13AF8, s0  }
0xc9: {  	[tilespmem:s21], [sflag:$0x4] =	stream.linear.gather @!p1 [hbm4b:s25+s22], $0x400, $0x38;
	[tilespmem:$0x1CFF8] =	vst v63  }
0xca: {  	s21 =	simm.s32 @!p1 $0x4  }
0xcb: {  	_ =	swait.ge @!p1 [sflag:s21], $0x400  }
0xcc: {  	[sflag:s21] =	ssyncset.done @!p1 $0x0  }
0xcd: {  	s0 =	sor.u32 @!p1 $0x142F8, s0;
	[sflag:s21] =	ssyncadd.s32 @!p1 $0xFFFFFC00  }
0xce: {  	[tilespmem:s0], [sflag:$0x4] =	stream.linear.gather @!p1 [hbm4b:s24+s22], $0x400, $0x38;
	[tilespmem:$0x1CFF8] =	vst v63  }
0xcf: {  	_ =	swait.ge @!p1 [sflag:s21], $0x400  }
0xd0: {  	[sflag:s21] =	ssyncset.done @!p1 $0x0  }
0xd1: {  	s26 =	sadd.s32 $0x13B78, s9;
	[sflag:s21] =	ssyncadd.s32 @!p1 $0xFFFFFC00  }
0xd2: {  	[tilespmem:s15], [sflag:$0x2] =	stream.indirect.gather [hbm4b:s5+s8], $0x80, s26, s8, $0xb8;
	[tilespmem:$0x1CFF8] =	vst v63  }
0xd3: {  	_ =	swait.ge [sflag:s17], $0x4000  }
0xd4: {  	[sflag:s17] =	ssyncset.done $0x0  }
0xd5: {  	s22 =	sadd.s32 $0x142F8, s9;
	[sflag:s17] =	ssyncadd.s32 $0xFFFFC000  }
0xd6: {  	[spmem:s1] =	stream.indirect.scatter.add.f32 [tilespmem:s31], [sflag:$0x4], $0x80, s22, s8, $0xb8;
	[tilespmem:$0x1CFF8] =	vst v63  }
0xd7: {  	_ =	swait.ge [sflag:s2], $0x4000  }
0xd8: {  	[sflag:s2] =	ssyncset.done $0x0  }
0xd9: {  	s0 =	simm.s32 @!p4 $0x80;
	s21 =	simm.s32 @!p4 $0x1CCF8;
	[sflag:s2] =	ssyncadd.s32 $0xFFFFC000  }
0xda: {  	[spmem:s3] =	stream.indirect.scatter.add.f32 @!p4 [tilespmem:s21], [sflag:$0x3], $0x1, s22, s0, $0xb8;
	[tilespmem:$0x1CFF8] =	vst v63  }
0xdb: {  	s13 =	sadd.s32 $0x13BF8, s9  }
0xdc: {  	[tilespmem:s31], [sflag:$0x1] =	stream.indirect.gather [hbm4b:s5+s8], $0x80, s13, s8, $0xb8;
	[tilespmem:$0x1CFF8] =	vst v63  }
0xdd: {  	_ =	swait.ge [sflag:s6], $0x4000  }
0xde: {  	s14 =	sor.u32 $0x80, s9;
	[sflag:s6] =	ssyncset.done $0x0  }
0xdf: {  	s26 =	sadd.s32 $0x142F8, s14;
	[sflag:s6] =	ssyncadd.s32 $0xFFFFC000  }
0xe0: {  	[spmem:s1] =	stream.indirect.scatter.add.f32 [tilespmem:s15], [sflag:$0x4], $0x80, s26, s8, $0xb8;
	[tilespmem:$0x1CFF8] =	vst v63  }
0xe1: {  	_ =	swait.ge [sflag:s2], $0x4000  }
0xe2: {  	[sflag:s2] =	ssyncset.done $0x0  }
0xe3: {  	s22 =	simm.s32 @!p4 $0x3;
	[sflag:s2] =	ssyncadd.s32 $0xFFFFC000  }
0xe4: {  	_ =	swait.ge @!p4 [sflag:s22], $0x80  }
0xe5: {  	[sflag:s22] =	ssyncset.done @!p4 $0x0  }
0xe6: {  	[sflag:s22] =	ssyncadd.s32 @!p4 $0xFFFFFF80  }
0xe7: {  	[spmem:s3] =	stream.indirect.scatter.add.f32 @!p4 [tilespmem:s21], [sflag:$0x3], $0x1, s26, s0, $0xb8;
	[tilespmem:$0x1CFF8] =	vst v63  }
0xe8: {  	s16 =	sadd.s32 $0x13C78, s9  }
0xe9: {  	[tilespmem:s15], [sflag:$0x2] =	stream.indirect.gather [hbm4b:s5+s8], $0x80, s16, s8, $0xb8;
	[tilespmem:$0x1CFF8] =	vst v63  }
0xea: {  	_ =	swait.ge [sflag:s17], $0x4000  }
0xeb: {  	s13 =	sor.u32 $0x100, s9;
	[sflag:s17] =	ssyncset.done $0x0  }
0xec: {  	s26 =	sadd.s32 $0x142F8, s13;
	[sflag:s17] =	ssyncadd.s32 $0xFFFFC000  }
0xed: {  	[spmem:s1] =	stream.indirect.scatter.add.f32 [tilespmem:s31], [sflag:$0x4], $0x80, s26, s8, $0xb8;
	[tilespmem:$0x1CFF8] =	vst v63  }
0xee: {  	_ =	swait.ge [sflag:s2], $0x4000  }
0xef: {  	[sflag:s2] =	ssyncset.done $0x0  }
0xf0: {  	[sflag:s2] =	ssyncadd.s32 $0xFFFFC000  }
0xf1: {  	_ =	swait.ge @!p4 [sflag:s22], $0x80  }
0xf2: {  	[sflag:s22] =	ssyncset.done @!p4 $0x0  }
0xf3: {  	[sflag:s22] =	ssyncadd.s32 @!p4 $0xFFFFFF80  }
0xf4: {  	[spmem:s3] =	stream.indirect.scatter.add.f32 @!p4 [tilespmem:s21], [sflag:$0x3], $0x1, s26, s0, $0xb8;
	[tilespmem:$0x1CFF8] =	vst v63  }
0xf5: {  	s14 =	sadd.s32 $0x13CF8, s9  }
0xf6: {  	[tilespmem:s31], [sflag:$0x1] =	stream.indirect.gather [hbm4b:s5+s8], $0x80, s14, s8, $0xb8;
	[tilespmem:$0x1CFF8] =	vst v63  }
0xf7: {  	_ =	swait.ge [sflag:s6], $0x4000  }
0xf8: {  	s16 =	sor.u32 $0x180, s9;
	[sflag:s6] =	ssyncset.done $0x0  }
0xf9: {  	s26 =	sadd.s32 $0x142F8, s16;
	[sflag:s6] =	ssyncadd.s32 $0xFFFFC000  }
0xfa: {  	[spmem:s1] =	stream.indirect.scatter.add.f32 [tilespmem:s15], [sflag:$0x4], $0x80, s26, s8, $0xb8;
	[tilespmem:$0x1CFF8] =	vst v63  }
0xfb: {  	_ =	swait.ge [sflag:s2], $0x4000  }
0xfc: {  	[sflag:s2] =	ssyncset.done $0x0  }
0xfd: {  	[sflag:s2] =	ssyncadd.s32 $0xFFFFC000  }
0xfe: {  	_ =	swait.ge @!p4 [sflag:s22], $0x80  }
0xff: {  	[sflag:s22] =	ssyncset.done @!p4 $0x0  }
0x100: {  	[sflag:s22] =	ssyncadd.s32 @!p4 $0xFFFFFF80  }
0x101: {  	[spmem:s3] =	stream.indirect.scatter.add.f32 @!p4 [tilespmem:s21], [sflag:$0x3], $0x1, s26, s0, $0xb8;
	[tilespmem:$0x1CFF8] =	vst v63  }
0x102: {  	s13 =	sadd.s32 $0x13D78, s9  }
0x103: {  	[tilespmem:s15], [sflag:$0x2] =	stream.indirect.gather [hbm4b:s5+s8], $0x80, s13, s8, $0xb8;
	[tilespmem:$0x1CFF8] =	vst v63  }
0x104: {  	_ =	swait.ge [sflag:s17], $0x4000  }
0x105: {  	s14 =	sor.u32 $0x200, s9;
	[sflag:s17] =	ssyncset.done $0x0  }
0x106: {  	s26 =	sadd.s32 $0x142F8, s14;
	[sflag:s17] =	ssyncadd.s32 $0xFFFFC000  }
0x107: {  	[spmem:s1] =	stream.indirect.scatter.add.f32 [tilespmem:s31], [sflag:$0x4], $0x80, s26, s8, $0xb8;
	[tilespmem:$0x1CFF8] =	vst v63  }
0x108: {  	_ =	swait.ge [sflag:s2], $0x4000  }
0x109: {  	[sflag:s2] =	ssyncset.done $0x0  }
0x10a: {  	[sflag:s2] =	ssyncadd.s32 $0xFFFFC000  }
0x10b: {  	_ =	swait.ge @!p4 [sflag:s22], $0x80  }
0x10c: {  	[sflag:s22] =	ssyncset.done @!p4 $0x0  }
0x10d: {  	[sflag:s22] =	ssyncadd.s32 @!p4 $0xFFFFFF80  }
0x10e: {  	[spmem:s3] =	stream.indirect.scatter.add.f32 @!p4 [tilespmem:s21], [sflag:$0x3], $0x1, s26, s0, $0xb8;
	[tilespmem:$0x1CFF8] =	vst v63  }
0x10f: {  	s16 =	sadd.s32 $0x13DF8, s9  }
0x110: {  	[tilespmem:s31], [sflag:$0x1] =	stream.indirect.gather [hbm4b:s5+s8], $0x80, s16, s8, $0xb8;
	[tilespmem:$0x1CFF8] =	vst v63  }
0x111: {  	_ =	swait.ge [sflag:s6], $0x4000  }
0x112: {  	s13 =	sor.u32 $0x280, s9;
	[sflag:s6] =	ssyncset.done $0x0  }
0x113: {  	s26 =	sadd.s32 $0x142F8, s13;
	[sflag:s6] =	ssyncadd.s32 $0xFFFFC000  }
0x114: {  	[spmem:s1] =	stream.indirect.scatter.add.f32 [tilespmem:s15], [sflag:$0x4], $0x80, s26, s8, $0xb8;
	[tilespmem:$0x1CFF8] =	vst v63  }
0x115: {  	_ =	swait.ge [sflag:s2], $0x4000  }
0x116: {  	[sflag:s2] =	ssyncset.done $0x0  }
0x117: {  	[sflag:s2] =	ssyncadd.s32 $0xFFFFC000  }
0x118: {  	_ =	swait.ge @!p4 [sflag:s22], $0x80  }
0x119: {  	[sflag:s22] =	ssyncset.done @!p4 $0x0  }
0x11a: {  	[sflag:s22] =	ssyncadd.s32 @!p4 $0xFFFFFF80  }
0x11b: {  	[spmem:s3] =	stream.indirect.scatter.add.f32 @!p4 [tilespmem:s21], [sflag:$0x3], $0x1, s26, s0, $0xb8;
	[tilespmem:$0x1CFF8] =	vst v63  }
0x11c: {  	s14 =	sadd.s32 $0x13E78, s9  }
0x11d: {  	[tilespmem:s15], [sflag:$0x2] =	stream.indirect.gather [hbm4b:s5+s8], $0x80, s14, s8, $0xb8;
	[tilespmem:$0x1CFF8] =	vst v63  }
0x11e: {  	_ =	swait.ge [sflag:s17], $0x4000  }
0x11f: {  	s16 =	sor.u32 $0x300, s9;
	[sflag:s17] =	ssyncset.done $0x0  }
0x120: {  	s26 =	sadd.s32 $0x142F8, s16;
	[sflag:s17] =	ssyncadd.s32 $0xFFFFC000  }
0x121: {  	[spmem:s1] =	stream.indirect.scatter.add.f32 [tilespmem:s31], [sflag:$0x4], $0x80, s26, s8, $0xb8;
	[tilespmem:$0x1CFF8] =	vst v63  }
0x122: {  	_ =	swait.ge [sflag:s2], $0x4000  }
0x123: {  	[sflag:s2] =	ssyncset.done $0x0  }
0x124: {  	s13 =	simm.s32 @p4 $0x2;
	[sflag:s2] =	ssyncadd.s32 $0xFFFFC000  }
0x125: {  	_ =	swait.ge @p4 [sflag:s13], $0x4000  }
0x126: {  	s9 =	sor.u32 $0x380, s9;
	s16 =	simm.s32 @p4 $0x18CF8;
	[sflag:s13] =	ssyncset.done @p4 $0x0  }
0x127: {  	s14 =	simm.s32 @p4 $0x80;
	[sflag:s13] =	ssyncadd.s32 @p4 $0xFFFFC000;
	s13 =	sadd.s32 @p4 $0x142F8, s9  }
0x128: {  	[spmem:s1] =	stream.indirect.scatter.add.f32 @p4 [tilespmem:s16], [sflag:$0x4], $0x80, s13, s14, $0xb8;
	[tilespmem:$0x1CFF8] =	vst v63  }
0x129: {  	s13 =	simm.s32 @p4 $0x4  }
0x12a: {  	_ =	swait.ge @p4 [sflag:s13], $0x4000  }
0x12b: {  	[sflag:s13] =	ssyncset.done @p4 $0x0  }
0x12c: {  	[sflag:s13] =	ssyncadd.s32 @p4 $0xFFFFC000  }
0x12d: {  	_ =	swait.ge @!p4 [sflag:s22], $0x80  }
0x12e: {  	[sflag:s22] =	ssyncset.done @!p4 $0x0  }
0x12f: {  	s13 =	simm.s32 @!p4 $0x2;
	[sflag:s22] =	ssyncadd.s32 @!p4 $0xFFFFFF80  }
0x130: {  	[spmem:s3] =	stream.indirect.scatter.add.f32 @!p4 [tilespmem:s21], [sflag:$0x3], $0x1, s26, s0, $0xb8;
	[tilespmem:$0x1CFF8] =	vst v63  }
0x131: {  	_ =	swait.ge @!p4 [sflag:s13], $0x4000  }
0x132: {  	[sflag:s13] =	ssyncset.done @!p4 $0x0  }
0x133: {  	s9 =	sadd.s32 @!p4 $0x142F8, s9;
	[sflag:s13] =	ssyncadd.s32 @!p4 $0xFFFFC000;
	s13 =	simm.s32 @!p4 $0x18CF8  }
0x134: {  	[spmem:s1] =	stream.indirect.scatter.add.f32 @!p4 [tilespmem:s13], [sflag:$0x4], $0x80, s9, s0, $0xb8;
	[tilespmem:$0x1CFF8] =	vst v63  }
0x135: {  	s13 =	simm.s32 @!p4 $0x4  }
0x136: {  	_ =	swait.ge @!p4 [sflag:s13], $0x4000  }
0x137: {  	[sflag:s13] =	ssyncset.done @!p4 $0x0  }
0x138: {  	[sflag:s13] =	ssyncadd.s32 @!p4 $0xFFFFC000  }
0x139: {  	_ =	swait.ge @!p4 [sflag:s22], $0x80  }
0x13a: {  	[sflag:s22] =	ssyncset.done @!p4 $0x0  }
0x13b: {  	[sflag:s22] =	ssyncadd.s32 @!p4 $0xFFFFFF80  }
0x13c: {  	[spmem:s3] =	stream.indirect.scatter.add.f32 @!p4 [tilespmem:s21], [sflag:$0x3], $0x1, s9, s0, $0xb8;
	[tilespmem:$0x1CFF8] =	vst v63  }
0x13d: {  	_ =	swait.ge @!p4 [sflag:s22], $0x80  }
0x13e: {  	s19 =	sadd.s32 $0x400, s19;
	s26 =	rddreg [dreg:$0x5]  }
0x13f: {  	p1 =	sne.s32 s26, s19  }
.Ltmp7:
0x140: {  	_ = 	snop;
	(pc) =	sbr.rel @p1 .LBB2_9-.Ltmp7, $3  }
0x141: {  	_ =	sdelay $0x1  }
0x142: {  	s28 =	sadd.s32 $0x1, s28;
	[sflag:s22] =	ssyncset.done @!p4 $0x0  }
0x143: {  	s25 =	sadd.s32 $0x80, s25;
	s24 =	sadd.s32 $0x80, s24;
	[sflag:s22] =	ssyncadd.s32 @!p4 $0xFFFFFF80  }
.Ltmp8:
0x144: {  	(pc) =	sbr.rel @p0 .LBB2_12-.Ltmp8, $1  }
0x145: {  	_ =	sdelay $0x3  }
0x146: {  	s0 =	rddreg [dreg:$0xc]  }
0x147: {  	[tilespmem:s31], [sflag:$0x1] =	stream.indirect.gather [hbm4b:s5+s8], $0x80, s0, s8, $0xb8;
	[tilespmem:$0x1CFF8] =	vst v63  }
0x148: {  	_ =	swait.ge [sflag:s17], $0x4000  }
0x149: {  	[sflag:s17] =	ssyncset.done $0x0  }
0x14a: {  	s13 =	rddreg [dreg:$0xd];
	[sflag:s17] =	ssyncadd.s32 $0xFFFFC000  }
0x14b: {  	[spmem:s1] =	stream.indirect.scatter.add.f32 [tilespmem:s31], [sflag:$0x4], $0x80, s13, s8, $0xb8;
	[tilespmem:$0x1CFF8] =	vst v63  }
0x14c: {  	_ =	swait.ge [sflag:s2], $0x4000  }
0x14d: {  	[sflag:s2] =	ssyncset.done $0x0  }
0x14e: {  	s9 =	simm.s32 @!p4 $0x1CCF8;
	s0 =	simm.s32 @!p4 $0x80;
	[sflag:s2] =	ssyncadd.s32 $0xFFFFC000  }
0x14f: {  	[spmem:s3] =	stream.indirect.scatter.add.f32 @!p4 [tilespmem:s9], [sflag:$0x4], $0x1, s13, s0, $0xb8;
	[tilespmem:$0x1CFF8] =	vst v63  }
0x150: {  	s0 =	simm.s32 @!p4 $0x4  }
.Ltmp9:
0x151: {  	_ =	swait.ge @!p4 [sflag:s0], $0x80;
	(pc) =	sbr.rel .LBB2_13-.Ltmp9, $3  }
0x152: {  	[sflag:s0] =	ssyncset.done @!p4 $0x0  }
0x153: {  	[sflag:s0] =	ssyncadd.s32 @!p4 $0xFFFFFF80  }
0x154: {  	[bflag:$0x0] =	sbarrier.arrive $0xFFFF;
	_ =	sdelay $0x1  }
.LBB2_12:
0x155: {  	[bflag:$0x0] =	sbarrier.arrive $0xFFFF  }
0x156: {  	s0 =	sld [smem:$0x7FD];
	_ =	sdelay $0x2  }
0x157: {  	p1 =	seq.s32 s0, $0x1  }
.Ltmp10:
0x158: {  	_ = 	snop;
	(pc) =	sbr.rel @p1 .LBB2_15-.Ltmp10, $1  }
0x159: {  	_ =	sdelay $0x3  }
.LBB2_13:
0x15a: {  	s0 =	stileid.u32  }
0x15b: {  	s0 =	sshll.u32 s0, $0x6  }
0x15c: {  	s9 =	sshrl.u32 s7, $0x3;
	s0 =	sor.u32 $0x1C04, s0  }
0x15d: {  	[hbm:s23], [sflag:s0] =	dma.local [spmem:s9], $0x2780  }
0x15e: {  	_ =	swait.ge [sflag:s2], $0x2780  }
0x15f: {  	s28 =	sld [smem:$0x7FD];
	_ =	sdelay $0x2  }
0x160: {  	p1 =	seq.s32 s28, $0x1  }
.Ltmp11:
0x161: {  	_ = 	snop;
	(pc) =	sbr.rel @p1 .LBB2_15-.Ltmp11, $3  }
0x162: {  	_ =	sdelay $0x1  }
0x163: {  	[sflag:s2] =	ssyncset.done $0x0  }
0x164: {  	[sflag:s2] =	ssyncadd.s32 $0xFFFFD880  }
0x165: {  	s0 =	simm.s32 @p2 $0x1CD78;
	s9 =	simm.s32 @p2 $0x4  }
0x166: {  	[tilespmem:s0], [sflag:$0x4] =	stream.linear.gather @p2 [spmem:s11], $0x278, $0x38;
	[tilespmem:$0x1CFF8] =	vst v63  }
0x167: {  	_ =	swait.ge @p2 [sflag:s9], $0x278  }
0x168: {  	s13 =	simm.s32 @p2 $0x0;
	[sflag:s9] =	ssyncset.done @p2 $0x0  }
.Ltmp12:
0x169: {  	s14 =	rddreg [dreg:$0xe];
	[sflag:s9] =	ssyncadd.s32 @p2 $0xFFFFFD88;
	(pc) =	sbr.rel .LBB2_16-.Ltmp12, $4  }
0x16a: {  	[hbm4b:s14+s13] =	stream.linear.scatter @p2 [tilespmem:s0], [sflag:$0x4], $0x278, $0x38;
	[tilespmem:$0x1CFF8] =	vst v63  }
0x16b: {  	_ =	swait.ge @p2 [sflag:s9], $0x278  }
0x16c: {  	[sflag:s9] =	ssyncset.done @p2 $0x0  }
0x16d: {  	[sflag:s9] =	ssyncadd.s32 @p2 $0xFFFFFD88  }
.LBB2_17:
0x16e: {  	_ =	sfence.sel $0x180000  }
0x16f: {  	[bflag:$0x0] =	sbarrier.arrive $0xFFFF  }
0x170: {  	_ =	strace $0x90000047  }
0x171: {  	s0 =	stileid.u32;
	[bflag:$0x2] =	sbarrier.arrive $0xFFFF  }
0x172: {  	p0 =	sne.s32 s0, $0x0;
	s0 =	rddreg [dreg:$0x4]  }
0x173: {  	s0 =	sadd.s32 @!p0 $0x100000, s0  }
0x174: {  	[sflag:s0] =	ssyncadd.tile.s32 @!p0 $0x1;
	_ =	shalt  }
.Lfunc_end2:
_tile_overlayer_lowered:
.L_overlay_start_2:
0x175: {  	(tag) =	ssettag $0x2  }
0x176: {  	s0 =	rddreg [dreg:$0x0];
	s2 =	stileid.u32  }
0x177: {  	s1 =	rddreg [dreg:$0x1];
	p0 =	sne.s32 s2, $0x0  }
0x178: {  	s3 =	rddreg [dreg:$0x2];
	[bflag:$0x3] =	sbarrier.arrive $0xFFFF;
	s2 =	simm.s32 @!p0 $0x1C04  }
0x179: {  	[timem:s3], [sflag:s2] =	dma.local @!p0 [hbm:s0], s1  }
0x17a: {  	s0 =	simm.s32 @!p0 $0x4  }
0x17b: {  	_ =	swait.ge @!p0 [sflag:s0], s1  }
0x17c: {  	s1 =	ssub.s32 @!p0 $0x0, s1;
	[sflag:s0] =	ssyncset.done @!p0 $0x0  }
0x17d: {  	[sflag:s0] =	ssyncadd.s32 @!p0 s1  }
0x17e: {  	[bflag:$0x3] =	sbarrier.arrive $0xFFFF  }
0x17f: {  	_ =	shalt  }

</sc_bundles>
